<compile_context>
chip_gen: v7x
topology: tpu7x:2x2x1
jax: 0.10.2.dev20260603
libtpu: 0.0.44.dev20260713+nightly
codegen_flags: <defaults>
</compile_context>

<pallas_src>
import functools

import jax
import jax.numpy as jnp
from jax import lax
from jax.experimental import pallas as pl
from jax.experimental.pallas import tpu as pltpu
from jax.experimental.pallas import tpu_sc as plsc

f32 = jnp.float32

NC = 2
NS = 16
CH = 40


def _edge_proj_body(x_ref, wp_ref, bp_ref, wq_ref, bq_ref, pe_ref, qe_ref):
    x = x_ref[...]
    p = jnp.dot(x, wp_ref[...], preferred_element_type=f32) + bp_ref[...]
    q = jnp.dot(x, wq_ref[...], preferred_element_type=f32) + bq_ref[...]
    pe_ref[0] = p[:, :128]
    pe_ref[1] = p[:, 128:]
    qe_ref[0] = q[:, :128]
    qe_ref[1] = q[:, 128:]


def _edge_proj(e_feat, wp, bp, wq, bq, block_e=4000):
    E = e_feat.shape[0]
    grid = (E // block_e,)
    return pl.pallas_call(
        _edge_proj_body,
        grid=grid,
        in_specs=[
            pl.BlockSpec((block_e, 128), lambda i: (i, 0)),
            pl.BlockSpec((128, 256), lambda i: (0, 0)),
            pl.BlockSpec((1, 256), lambda i: (0, 0)),
            pl.BlockSpec((128, 256), lambda i: (0, 0)),
            pl.BlockSpec((1, 256), lambda i: (0, 0)),
        ],
        out_specs=[
            pl.BlockSpec((2, block_e, 128), lambda i: (0, i, 0)),
            pl.BlockSpec((2, block_e, 128), lambda i: (0, i, 0)),
        ],
        out_shape=[
            jax.ShapeDtypeStruct((2, E, 128), f32),
            jax.ShapeDtypeStruct((2, E, 128), f32),
        ],
    )(e_feat, wp, bp, wq, bq)


def _node_proj_body(hv_ref, hu_ref, wpv_ref, wpu_ref, wqv_ref,
                    pv_ref, pu_ref, qv_ref):
    hv = hv_ref[...]
    hu = hu_ref[...]
    p = jnp.dot(hv, wpv_ref[...], preferred_element_type=f32)
    pv_ref[0] = p[:, :128]
    pv_ref[1] = p[:, 128:]
    p = jnp.dot(hu, wpu_ref[...], preferred_element_type=f32)
    pu_ref[0] = p[:, :128]
    pu_ref[1] = p[:, 128:]
    p = jnp.dot(hv, wqv_ref[...], preferred_element_type=f32)
    qv_ref[0] = p[:, :128]
    qv_ref[1] = p[:, 128:]


def _node_proj(h_v, h_u, wpv, wpu, wqv, block_n=2000):
    NV = h_v.shape[0]
    grid = (NV // block_n,)
    return pl.pallas_call(
        _node_proj_body,
        grid=grid,
        in_specs=[
            pl.BlockSpec((block_n, 128), lambda i: (i, 0)),
            pl.BlockSpec((block_n, 128), lambda i: (i, 0)),
            pl.BlockSpec((128, 256), lambda i: (0, 0)),
            pl.BlockSpec((128, 256), lambda i: (0, 0)),
            pl.BlockSpec((128, 256), lambda i: (0, 0)),
        ],
        out_specs=[
            pl.BlockSpec((2, block_n, 128), lambda i: (0, i, 0)),
            pl.BlockSpec((2, block_n, 128), lambda i: (0, i, 0)),
            pl.BlockSpec((2, block_n, 128), lambda i: (0, i, 0)),
        ],
        out_shape=[
            jax.ShapeDtypeStruct((2, NV, 128), f32),
            jax.ShapeDtypeStruct((2, NV, 128), f32),
            jax.ShapeDtypeStruct((2, NV, 128), f32),
        ],
    )(h_v, h_u, wpv, wpu, wqv)


def _make_edge_pass(Na, Nb, Nout, E):
    EPT = E // NS
    NCHUNK = EPT // CH
    Npad = -(-Nout // (NS * 8)) * (NS * 8)
    RO = Npad // NS

    out_type = [jax.ShapeDtypeStruct((2, Npad, 128), f32)]

    scratch = (
        [pltpu.VMEM((CH,), jnp.int32)] * 8
        + [pltpu.VMEM((CH, 128), f32)] * 6
        + [pltpu.VMEM_SHARED((Npad, 128), f32)]
        + [pltpu.SemaphoreType.DMA] * 6
    )

    mesh = plsc.VectorSubcoreMesh(core_axis_name="c", subcore_axis_name="s",
                                  num_cores=NC, num_subcores=NS)

    def body(taba, idxa_h, tabb, idxb_h, etab, zeros_h, acc_out,
             ia0, ib0, aa0, ab0, ia1, ib1, aa1, ab1,
             ba0, bb0, be0, ba1, bb1, be1,
             acc, sa0, sb0, se0, sa1, sb1, se1):
        c = lax.axis_index("c")
        s = lax.axis_index("s")
        sets = [
            (ia0, ib0, aa0, ab0, ba0, bb0, be0, sa0, sb0, se0),
            (ia1, ib1, aa1, ab1, ba1, bb1, be1, sa1, sb1, se1),
        ]

        pltpu.sync_copy(zeros_h.at[pl.ds(s * RO, RO)],
                        acc.at[pl.ds(s * RO, RO)])
        plsc.subcore_barrier()

        base0 = s * EPT

        def load_and_fire(i, bset):
            ia, ib, aa, ab, ba, bb, be, sa, sb, se = bset
            base = base0 + i * CH
            pltpu.sync_copy(idxa_h.at[pl.ds(base, CH)], ia)
            pltpu.sync_copy(idxb_h.at[pl.ds(base, CH)], ib)
            offs = list(range(0, CH - 15, 16))
            if CH % 16:
                offs.append(CH - 16)
            for off in offs:
                sl = pl.ds(off, 16)
                aa[sl] = ia[sl] + c * Na
                ab[sl] = ib[sl] + c * Nb
            pltpu.async_copy(taba.at[aa], ba, sa)
            pltpu.async_copy(tabb.at[ab], bb, sb)
            pltpu.async_copy(etab.at[pl.ds(c * E + base, CH)], be, se)

        def drain_compute_scatter(bset):
            ia, ib, aa, ab, ba, bb, be, sa, sb, se = bset
            pltpu.make_async_copy(taba.at[aa], ba, sa).wait()
            pltpu.make_async_copy(tabb.at[ab], bb, sb).wait()
            pltpu.make_async_copy(etab.at[pl.ds(0, CH)], be, se).wait()

            def row(r, rcarry):
                for k in range(8):
                    sl = pl.ds(k * 16, 16)
                    v = ba[r, sl] + bb[r, sl] + be[r, sl]
                    ba[r, sl] = jnp.maximum(v, 0.0)
                return rcarry
            lax.fori_loop(0, CH, row, 0)
            pltpu.sync_copy(ba, acc.at[ib], add=True)

        load_and_fire(0, sets[0])

        def pair(i2, carry):
            for b in (0, 1):
                i = i2 * 2 + b

                @pl.when(i + 1 < NCHUNK)
                def _prefetch():
                    load_and_fire(i + 1, sets[1 - b])
                drain_compute_scatter(sets[b])
            return carry

        lax.fori_loop(0, NCHUNK // 2, pair, 0)
        plsc.subcore_barrier()

        pltpu.sync_copy(acc.at[pl.ds(s * RO, RO)],
                        acc_out.at[c, pl.ds(s * RO, RO)])

    return functools.partial(
        pl.kernel, body, out_type=out_type, mesh=mesh,
        scratch_types=scratch)()


def _make_count_kernel(Ncnt, E):
    CC = 80
    EPT = E // NS
    NCHUNK = EPT // CC
    Npad = -(-Ncnt // (NS * 8)) * (NS * 8)
    RO = Npad // NS

    out_type = [
        jax.ShapeDtypeStruct((Npad, 16), f32),
        jax.ShapeDtypeStruct((Npad, 16), f32),
    ]
    scratch = [
        pltpu.VMEM((CC,), jnp.int32),
        pltpu.VMEM((CC,), jnp.int32),
        pltpu.VMEM((CC, 16), f32),
        pltpu.VMEM((CC, 16), f32),
        pltpu.VMEM_SHARED((Npad, 16), f32),
        pltpu.VMEM_SHARED((Npad, 16), f32),
    ]
    mesh = plsc.VectorSubcoreMesh(core_axis_name="c", subcore_axis_name="s",
                                  num_cores=NC, num_subcores=NS)

    def body(idxa_h, idxb_h, cnta_out, cntb_out,
             idxa, idxb, ones_buf, zbuf, accda, accdb):
        c = lax.axis_index("c")
        s = lax.axis_index("s")

        def fill(i, carry):
            ones_buf[i] = jnp.ones((16,), f32)
            zbuf[i] = jnp.zeros((16,), f32)
            return carry
        lax.fori_loop(0, CC, fill, 0)
        for j in range(RO // CC):
            sl = pl.ds(s * RO + j * CC, CC)
            pltpu.sync_copy(zbuf, accda.at[sl])
            pltpu.sync_copy(zbuf, accdb.at[sl])
        plsc.subcore_barrier()

        base0 = s * EPT

        def chunk(i, carry):
            base = base0 + i * CC
            pltpu.sync_copy(idxa_h.at[pl.ds(base, CC)], idxa)
            pltpu.sync_copy(idxb_h.at[pl.ds(base, CC)], idxb)
            pltpu.sync_copy(ones_buf, accda.at[idxa], add=True)
            pltpu.sync_copy(ones_buf, accdb.at[idxb], add=True)
            return carry
        lax.fori_loop(0, NCHUNK, chunk, 0)
        plsc.subcore_barrier()

        @pl.when(c == 0)
        def _write_counts():
            sl2 = pl.ds(s * RO, RO)
            pltpu.sync_copy(accda.at[sl2], cnta_out.at[sl2])
            pltpu.sync_copy(accdb.at[sl2], cntb_out.at[sl2])

    return functools.partial(
        pl.kernel, body, out_type=out_type, mesh=mesh,
        scratch_types=scratch)()


def _mid_body(a0_ref, a1_ref, cntu_ref, hu_ref, s_ref,
              w2a0_ref, w2a1_ref, b2a_ref, w1uh_ref, w1um_ref, b1u_ref,
              w2u_ref, b2u_ref, wqu_ref, huo_ref, qu_ref):
    degu = jnp.sum(cntu_ref[...], axis=1)[:, None] * (1.0 / 16.0)
    m = jnp.dot(a0_ref[...], w2a0_ref[...], preferred_element_type=f32)
    m = m + jnp.dot(a1_ref[...], w2a1_ref[...], preferred_element_type=f32)
    m = (m + degu * b2a_ref[...]) / s_ref[0, 0]
    h1 = jnp.dot(hu_ref[...], w1uh_ref[...], preferred_element_type=f32)
    h1 = h1 + jnp.dot(m, w1um_ref[...], preferred_element_type=f32)
    h1 = jnp.maximum(h1 + b1u_ref[...], 0.0)
    huo = jnp.dot(h1, w2u_ref[...], preferred_element_type=f32) + b2u_ref[...]
    huo_ref[...] = huo
    q = jnp.dot(huo, wqu_ref[...], preferred_element_type=f32)
    qu_ref[0] = q[:, :128]
    qu_ref[1] = q[:, 128:]


def _mid(a0, a1, cntu, h_u, S, w2a0, w2a1, b2a, w1uh, w1um, b1u,
         w2u, b2u, wqu, block_n=2000):
    NU = h_u.shape[0]
    grid = (NU // block_n,)
    wspec = lambda r, c: pl.BlockSpec((r, c), lambda i: (0, 0))
    return pl.pallas_call(
        _mid_body,
        grid=grid,
        in_specs=[
            pl.BlockSpec((block_n, 128), lambda i: (i, 0)),
            pl.BlockSpec((block_n, 128), lambda i: (i, 0)),
            pl.BlockSpec((block_n, NS), lambda i: (i, 0)),
            pl.BlockSpec((block_n, 128), lambda i: (i, 0)),
            wspec(1, 1),
            wspec(128, 128), wspec(128, 128), wspec(1, 128),
            wspec(128, 128), wspec(128, 128), wspec(1, 128),
            wspec(128, 128), wspec(1, 128),
            wspec(128, 256),
        ],
        out_specs=[
            pl.BlockSpec((block_n, 128), lambda i: (i, 0)),
            pl.BlockSpec((2, block_n, 128), lambda i: (0, i, 0)),
        ],
        out_shape=[
            jax.ShapeDtypeStruct((NU, 128), f32),
            jax.ShapeDtypeStruct((2, NU, 128), f32),
        ],
    )(a0, a1, cntu, h_u, S, w2a0, w2a1, b2a, w1uh, w1um, b1u, w2u, b2u, wqu)


def _final_body(a0_ref, a1_ref, cntv_ref, hv_ref,
                w2b0_ref, w2b1_ref, b2b_ref, w1ah_ref, w1am_ref, b1a_ref,
                w2a_ref, b2a_ref, hvo_ref):
    degv = jnp.sum(cntv_ref[...], axis=1)[:, None] * (1.0 / 16.0)
    m = jnp.dot(a0_ref[...], w2b0_ref[...], preferred_element_type=f32)
    m = m + jnp.dot(a1_ref[...], w2b1_ref[...], preferred_element_type=f32)
    m = (m + degv * b2b_ref[...]) / jnp.maximum(degv, 1.0)
    h1 = jnp.dot(hv_ref[...], w1ah_ref[...], preferred_element_type=f32)
    h1 = h1 + jnp.dot(m, w1am_ref[...], preferred_element_type=f32)
    h1 = jnp.maximum(h1 + b1a_ref[...], 0.0)
    hvo_ref[...] = (jnp.dot(h1, w2a_ref[...], preferred_element_type=f32)
                    + b2a_ref[...])


def _final(a0, a1, cntv, h_v, w2b0, w2b1, b2b, w1ah, w1am, b1a,
           w2a, b2a, block_n=2000):
    NV = h_v.shape[0]
    grid = (NV // block_n,)
    wspec = lambda r, c: pl.BlockSpec((r, c), lambda i: (0, 0))
    return pl.pallas_call(
        _final_body,
        grid=grid,
        in_specs=[
            pl.BlockSpec((block_n, 128), lambda i: (i, 0)),
            pl.BlockSpec((block_n, 128), lambda i: (i, 0)),
            pl.BlockSpec((block_n, NS), lambda i: (i, 0)),
            pl.BlockSpec((block_n, 128), lambda i: (i, 0)),
            wspec(128, 128), wspec(128, 128), wspec(1, 128),
            wspec(128, 128), wspec(128, 128), wspec(1, 128),
            wspec(128, 128), wspec(1, 128),
        ],
        out_specs=pl.BlockSpec((block_n, 128), lambda i: (i, 0)),
        out_shape=jax.ShapeDtypeStruct((NV, 128), f32),
    )(a0, a1, cntv, h_v, w2b0, w2b1, b2b, w1ah, w1am, b1a, w2a, b2a)


@jax.jit
def kernel(h_v, h_u, e_feat, edge_index, S,
           W1_a2u, b1_a2u, W2_a2u, b2_a2u,
           W1_u, b1_u, W2_u, b2_u,
           W1_u2a, b1_u2a, W2_u2a, b2_u2a,
           W1_a, b1_a, W2_a, b2_a):
    NV, D = h_v.shape
    NU = h_u.shape[0]
    E = e_feat.shape[0]

    idx_v = edge_index[0]
    idx_u = edge_index[1]

    pe_cat, qe_cat = _edge_proj(
        e_feat,
        W1_a2u[2 * D:], b1_a2u[None, :],
        W1_u2a[2 * D:], b1_u2a[None, :])
    pe_cat = pe_cat.reshape(2 * E, 128)
    qe_cat = qe_cat.reshape(2 * E, 128)

    pv_cat, pu_cat, qv_cat = _node_proj(
        h_v, h_u, W1_a2u[:D], W1_a2u[D:2 * D], W1_u2a[D:2 * D])
    pv_cat = pv_cat.reshape(2 * NV, 128)
    pu_cat = pu_cat.reshape(2 * NU, 128)
    qv_cat = qv_cat.reshape(2 * NV, 128)

    npad = -(-max(NU, NV) // (NS * 8)) * (NS * 8)
    zeros_rows = jnp.zeros((npad, 128), f32)

    cnt_a, cnt_b = _make_count_kernel(max(NU, NV), E)(idx_v, idx_u)
    cnt_u = cnt_b[:NU]
    cnt_v = cnt_a[:NV]

    (au_cat,) = _make_edge_pass(NV, NU, NU, E)(
        pv_cat, idx_v, pu_cat, idx_u, pe_cat, zeros_rows)

    h_u_out, qu_cat = _mid(
        au_cat[0, :NU], au_cat[1, :NU], cnt_u, h_u, S.reshape(1, 1),
        W2_a2u[:D], W2_a2u[D:], b2_a2u[None, :],
        W1_u[:D], W1_u[D:], b1_u[None, :],
        W2_u, b2_u[None, :],
        W1_u2a[:D])
    qu_cat = qu_cat.reshape(2 * NU, 128)

    (av_cat,) = _make_edge_pass(NU, NV, NV, E)(
        qu_cat, idx_u, qv_cat, idx_v, qe_cat, zeros_rows)

    h_v_out = _final(
        av_cat[0, :NV], av_cat[1, :NV], cnt_v, h_v,
        W2_u2a[:D], W2_u2a[D:], b2_u2a[None, :],
        W1_a[:D], W1_a[D:], b1_a[None, :],
        W2_a, b2_a[None, :])

    return (h_v_out, h_u_out)

# --- scband reference (transcript-rebuilt; emitter-appended) ---
"""Pipeline reference for scband-sparse-mpnnlayer-31808527794619 (READ-ONLY COPY).

The authoritative reference and input builder live on the scoring server;
editing this copy changes nothing except your own understanding.
"""

import jax, jax.numpy as jnp
import numpy as np

D = 128
NV = 10000
NU = 10000
E = 320000


def _mlp(x, W1, b1, W2, b2):
    h = jnp.maximum(x @ W1 + b1, 0.0)
    return h @ W2 + b2


def setup_inputs(seed: int = 0) -> dict:
    key = jax.random.key(seed)
    ks = jax.random.split(key, 32)

    def lin_w(k, fi, fo):
        return (jax.random.normal(k, (fi, fo), dtype=jnp.float32) / np.sqrt(fi)).astype(jnp.float32)

    def lin_b(k, fo):
        return (jax.random.normal(k, (fo,), dtype=jnp.float32) * 0.01).astype(jnp.float32)

    inp = {}
    inp["h_v"] = jax.random.normal(ks[0], (NV, D), dtype=jnp.float32)
    inp["h_u"] = jax.random.normal(ks[1], (NU, D), dtype=jnp.float32)
    inp["e_feat"] = jax.random.normal(ks[2], (E, D), dtype=jnp.float32)
    inp["edge_index"] = jax.random.randint(ks[3], (2, E), 0, NV, dtype=jnp.int64) if jax.config.jax_enable_x64 else jax.random.randint(ks[3], (2, E), 0, NV, dtype=jnp.int32)
    inp["S"] = jnp.ones((1,), dtype=jnp.float32)
    # mlp_a2u: Linear(3D -> 2D), ReLU, Linear(2D -> D)
    inp["W1_a2u"] = lin_w(ks[4], 3 * D, 2 * D); inp["b1_a2u"] = lin_b(ks[5], 2 * D)
    inp["W2_a2u"] = lin_w(ks[6], 2 * D, D);     inp["b2_a2u"] = lin_b(ks[7], D)
    # mlp_u: Linear(2D -> D), ReLU, Linear(D -> D)
    inp["W1_u"] = lin_w(ks[8], 2 * D, D);       inp["b1_u"] = lin_b(ks[9], D)
    inp["W2_u"] = lin_w(ks[10], D, D);          inp["b2_u"] = lin_b(ks[11], D)
    # mlp_u2a: Linear(3D -> 2D), ReLU, Linear(2D -> D)
    inp["W1_u2a"] = lin_w(ks[12], 3 * D, 2 * D); inp["b1_u2a"] = lin_b(ks[13], 2 * D)
    inp["W2_u2a"] = lin_w(ks[14], 2 * D, D);     inp["b2_u2a"] = lin_b(ks[15], D)
    # mlp_a: Linear(2D -> D), ReLU, Linear(D -> D)
    inp["W1_a"] = lin_w(ks[16], 2 * D, D);      inp["b1_a"] = lin_b(ks[17], D)
    inp["W2_a"] = lin_w(ks[18], D, D);          inp["b2_a"] = lin_b(ks[19], D)
    return inp


def reference(h_v, h_u, e_feat, edge_index, S,
              W1_a2u, b1_a2u, W2_a2u, b2_a2u,
              W1_u, b1_u, W2_u, b2_u,
              W1_u2a, b1_u2a, W2_u2a, b2_u2a,
              W1_a, b1_a, W2_a, b2_a):
    idx_v = edge_index[0]
    idx_u = edge_index[1]
    # a -> u messages
    src_v = jnp.take(h_v, idx_v, axis=0)
    dst_u = jnp.take(h_u, idx_u, axis=0)
    msg_a2u_in = jnp.concatenate([src_v, dst_u, e_feat], axis=-1)
    msg_a2u_out = _mlp(msg_a2u_in, W1_a2u, b1_a2u, W2_a2u, b2_a2u)
    m_u = jax.ops.segment_sum(msg_a2u_out, idx_u, num_segments=h_u.shape[0])
    m_u = m_u / S
    h_u_new = jnp.concatenate([h_u, m_u], axis=-1)
    h_u_out = _mlp(h_u_new, W1_u, b1_u, W2_u, b2_u)
    # u -> a messages
    src_u = jnp.take(h_u_out, idx_u, axis=0)
    dst_v = jnp.take(h_v, idx_v, axis=0)
    msg_u2a_in = jnp.concatenate([src_u, dst_v, e_feat], axis=-1)
    msg_u2a_out = _mlp(msg_u2a_in, W1_u2a, b1_u2a, W2_u2a, b2_u2a)
    m_v = jax.ops.segment_sum(msg_u2a_out, idx_v, num_segments=h_v.shape[0])
    ones = jnp.ones((idx_v.shape[0],), dtype=h_v.dtype)
    degree_v = jax.ops.segment_sum(ones, idx_v, num_segments=h_v.shape[0])
    degree_v = jnp.clip(degree_v, 1.0, None)
    m_v = m_v / degree_v[:, None]
    h_v_new = jnp.concatenate([h_v, m_v], axis=-1)
    h_v_out = _mlp(h_v_new, W1_a, b1_a, W2_a, b2_a)
    return (h_v_out, h_u_out)

if __name__ == "__main__":
    import jax
    _d = setup_inputs()
    print(jax.jit(kernel)(*tuple(_d.values())))

</pallas_src>

<mosaic_0001>
#map = affine_map<(d0, d1) -> (0)>
#map1 = affine_map<(d0, d1) -> (0, 0)>
module attributes {stable_mosaic.version = 14 : i64} {
  func.func @body(%arg0: i32, %arg1: i32, %arg2: memref<320000xi32, #tpu.memory_space<hbm>>, %arg3: memref<320000xi32, #tpu.memory_space<hbm>>, %arg4: memref<10112x16xf32, #tpu.memory_space<hbm>>, %arg5: memref<10112x16xf32, #tpu.memory_space<hbm>>, %arg6: memref<80xi32, #tpu.memory_space<vmem>>, %arg7: memref<80xi32, #tpu.memory_space<vmem>>, %arg8: memref<80x16xf32, #tpu.memory_space<vmem>>, %arg9: memref<80x16xf32, #tpu.memory_space<vmem>>, %arg10: memref<10112x16xf32, #tpu.memory_space<vmem_shared>>, %arg11: memref<10112x16xf32, #tpu.memory_space<vmem_shared>>) attributes {dimension_semantics = [#tpu.dimension_semantics<core_parallel>, #tpu.dimension_semantics<subcore_parallel>], iteration_bounds = array<i64: 2, 16>, scalar_prefetch = 0 : i64, scratch_operands = 6 : i64, tpu.core_type = #tpu.core_type<sc_vector_subcore>, window_params = [{transform_indices = #map}, {transform_indices = #map}, {transform_indices = #map1}, {transform_indices = #map1}]} {
    %scan3A = arith.constant 0 : i32
    %scan3A_0 = arith.constant 0 : i32
    %scan3A_1 = arith.constant 80 : i32
    %scan3A_2 = arith.addi %scan3A_0, %scan3A_1 : i32
    %scan3A_3 = arith.constant 1 : i32
    scf.for %scan3A_42 = %scan3A_0 to %scan3A_2 step %scan3A_3  : i32 {
      %broadcast_in_dim3A = arith.constant 1.000000e+00 : f32
      %broadcast_in_dim3A_43 = vector.broadcast %broadcast_in_dim3A : f32 to vector<16xf32>
      %swap3A = arith.index_cast %scan3A_42 : i32 to index
      %swap3A_44 = arith.constant 0 : index
      %swap3A_45 = tpu.vector_load %arg8[%swap3A, %swap3A_44] {strides = array<i32>} : memref<80x16xf32, #tpu.memory_space<vmem>>, vector<1x16xf32>,
      %swap3A_46 = vector.shape_cast %swap3A_45 : vector<1x16xf32> to vector<16xf32>
      %swap3A_47 = vector.shape_cast %broadcast_in_dim3A_43 : vector<16xf32> to vector<1x16xf32>
      tpu.vector_store %arg8[%swap3A, %swap3A_44], %swap3A_47 {strides = array<i32>} : memref<80x16xf32, #tpu.memory_space<vmem>>, vector<1x16xf32>,
      %broadcast_in_dim3A_48 = arith.constant 0.000000e+00 : f32
      %broadcast_in_dim3A_49 = vector.broadcast %broadcast_in_dim3A_48 : f32 to vector<16xf32>
      %swap3A_50 = arith.index_cast %scan3A_42 : i32 to index
      %swap3A_51 = arith.constant 0 : index
      %swap3A_52 = tpu.vector_load %arg9[%swap3A_50, %swap3A_51] {strides = array<i32>} : memref<80x16xf32, #tpu.memory_space<vmem>>, vector<1x16xf32>,
      %swap3A_53 = vector.shape_cast %swap3A_52 : vector<1x16xf32> to vector<16xf32>
      %swap3A_54 = vector.shape_cast %broadcast_in_dim3A_49 : vector<16xf32> to vector<1x16xf32>
      tpu.vector_store %arg9[%swap3A_50, %swap3A_51], %swap3A_54 {strides = array<i32>} : memref<80x16xf32, #tpu.memory_space<vmem>>, vector<1x16xf32>,
    }
    %scan3A_4 = arith.constant 80 : i32
    %mul3A = arith.constant 632 : i32
    %mul3A_5 = arith.muli %arg1, %mul3A : i32
    %add3A = arith.constant 0 : i32
    %add3A_6 = arith.addi %mul3A_5, %add3A : i32
    "tpu.region"() ({
      %run_scoped3A = tpu.sem_alloc : memref<!tpu.dma_semaphore, #tpu.memory_space<semaphore_mem>>
      %dma_start3A = arith.constant 0 : i32
      %dma_start3A_42 = tpu.memref_slice %arg10[%add3A_6, %dma_start3A] : memref<10112x16xf32, #tpu.memory_space<vmem_shared>> -> memref<80x16xf32, #tpu.memory_space<vmem_shared>>
      %dma_start3A_43 = arith.constant 0 : i32
      %dma_start3A_44 = tpu.memref_slice %arg10[%add3A_6, %dma_start3A_43] : memref<10112x16xf32, #tpu.memory_space<vmem_shared>> -> memref<80x16xf32, #tpu.memory_space<vmem_shared>>
      tpu.enqueue_dma source(%arg9 : memref<80x16xf32, #tpu.memory_space<vmem>>) target(%dma_start3A_44 : memref<80x16xf32, #tpu.memory_space<vmem_shared>>) target_semaphore(%run_scoped3A : memref<!tpu.dma_semaphore, #tpu.memory_space<semaphore_mem>>)
      %dma_wait3A = arith.constant 0 : i32
      %dma_wait3A_45 = tpu.memref_slice %arg10[%add3A_6, %dma_wait3A] : memref<10112x16xf32, #tpu.memory_space<vmem_shared>> -> memref<80x16xf32, #tpu.memory_space<vmem_shared>>
      %dma_wait3A_46 = arith.constant 0 : i32
      %dma_wait3A_47 = tpu.memref_slice %arg10[%add3A_6, %dma_wait3A_46] : memref<10112x16xf32, #tpu.memory_space<vmem_shared>> -> memref<80x16xf32, #tpu.memory_space<vmem_shared>>
      tpu.wait_dma2 semaphore(%run_scoped3A : memref<!tpu.dma_semaphore, #tpu.memory_space<semaphore_mem>>) src(%arg9 : memref<80x16xf32, #tpu.memory_space<vmem>>) dst(%dma_wait3A_47 : memref<80x16xf32, #tpu.memory_space<vmem_shared>>)
      tpu.yield
    }) : () -> ()
    "tpu.region"() ({
      %run_scoped3A = tpu.sem_alloc : memref<!tpu.dma_semaphore, #tpu.memory_space<semaphore_mem>>
      %dma_start3A = arith.constant 0 : i32
      %dma_start3A_42 = tpu.memref_slice %arg11[%add3A_6, %dma_start3A] : memref<10112x16xf32, #tpu.memory_space<vmem_shared>> -> memref<80x16xf32, #tpu.memory_space<vmem_shared>>
      %dma_start3A_43 = arith.constant 0 : i32
      %dma_start3A_44 = tpu.memref_slice %arg11[%add3A_6, %dma_start3A_43] : memref<10112x16xf32, #tpu.memory_space<vmem_shared>> -> memref<80x16xf32, #tpu.memory_space<vmem_shared>>
      tpu.enqueue_dma source(%arg9 : memref<80x16xf32, #tpu.memory_space<vmem>>) target(%dma_start3A_44 : memref<80x16xf32, #tpu.memory_space<vmem_shared>>) target_semaphore(%run_scoped3A : memref<!tpu.dma_semaphore, #tpu.memory_space<semaphore_mem>>)
      %dma_wait3A = arith.constant 0 : i32
      %dma_wait3A_45 = tpu.memref_slice %arg11[%add3A_6, %dma_wait3A] : memref<10112x16xf32, #tpu.memory_space<vmem_shared>> -> memref<80x16xf32, #tpu.memory_space<vmem_shared>>
      %dma_wait3A_46 = arith.constant 0 : i32
      %dma_wait3A_47 = tpu.memref_slice %arg11[%add3A_6, %dma_wait3A_46] : memref<10112x16xf32, #tpu.memory_space<vmem_shared>> -> memref<80x16xf32, #tpu.memory_space<vmem_shared>>
      tpu.wait_dma2 semaphore(%run_scoped3A : memref<!tpu.dma_semaphore, #tpu.memory_space<semaphore_mem>>) src(%arg9 : memref<80x16xf32, #tpu.memory_space<vmem>>) dst(%dma_wait3A_47 : memref<80x16xf32, #tpu.memory_space<vmem_shared>>)
      tpu.yield
    }) : () -> ()
    %mul3A_7 = arith.constant 632 : i32
    %mul3A_8 = arith.muli %arg1, %mul3A_7 : i32
    %add3A_9 = arith.constant 80 : i32
    %add3A_10 = arith.addi %mul3A_8, %add3A_9 : i32
    "tpu.region"() ({
      %run_scoped3A = tpu.sem_alloc : memref<!tpu.dma_semaphore, #tpu.memory_space<semaphore_mem>>
      %dma_start3A = arith.constant 0 : i32
      %dma_start3A_42 = tpu.memref_slice %arg10[%add3A_10, %dma_start3A] : memref<10112x16xf32, #tpu.memory_space<vmem_shared>> -> memref<80x16xf32, #tpu.memory_space<vmem_shared>>
      %dma_start3A_43 = arith.constant 0 : i32
      %dma_start3A_44 = tpu.memref_slice %arg10[%add3A_10, %dma_start3A_43] : memref<10112x16xf32, #tpu.memory_space<vmem_shared>> -> memref<80x16xf32, #tpu.memory_space<vmem_shared>>
      tpu.enqueue_dma source(%arg9 : memref<80x16xf32, #tpu.memory_space<vmem>>) target(%dma_start3A_44 : memref<80x16xf32, #tpu.memory_space<vmem_shared>>) target_semaphore(%run_scoped3A : memref<!tpu.dma_semaphore, #tpu.memory_space<semaphore_mem>>)
      %dma_wait3A = arith.constant 0 : i32
      %dma_wait3A_45 = tpu.memref_slice %arg10[%add3A_10, %dma_wait3A] : memref<10112x16xf32, #tpu.memory_space<vmem_shared>> -> memref<80x16xf32, #tpu.memory_space<vmem_shared>>
      %dma_wait3A_46 = arith.constant 0 : i32
      %dma_wait3A_47 = tpu.memref_slice %arg10[%add3A_10, %dma_wait3A_46] : memref<10112x16xf32, #tpu.memory_space<vmem_shared>> -> memref<80x16xf32, #tpu.memory_space<vmem_shared>>
      tpu.wait_dma2 semaphore(%run_scoped3A : memref<!tpu.dma_semaphore, #tpu.memory_space<semaphore_mem>>) src(%arg9 : memref<80x16xf32, #tpu.memory_space<vmem>>) dst(%dma_wait3A_47 : memref<80x16xf32, #tpu.memory_space<vmem_shared>>)
      tpu.yield
    }) : () -> ()
    "tpu.region"() ({
      %run_scoped3A = tpu.sem_alloc : memref<!tpu.dma_semaphore, #tpu.memory_space<semaphore_mem>>
      %dma_start3A = arith.constant 0 : i32
      %dma_start3A_42 = tpu.memref_slice %arg11[%add3A_10, %dma_start3A] : memref<10112x16xf32, #tpu.memory_space<vmem_shared>> -> memref<80x16xf32, #tpu.memory_space<vmem_shared>>
      %dma_start3A_43 = arith.constant 0 : i32
      %dma_start3A_44 = tpu.memref_slice %arg11[%add3A_10, %dma_start3A_43] : memref<10112x16xf32, #tpu.memory_space<vmem_shared>> -> memref<80x16xf32, #tpu.memory_space<vmem_shared>>
      tpu.enqueue_dma source(%arg9 : memref<80x16xf32, #tpu.memory_space<vmem>>) target(%dma_start3A_44 : memref<80x16xf32, #tpu.memory_space<vmem_shared>>) target_semaphore(%run_scoped3A : memref<!tpu.dma_semaphore, #tpu.memory_space<semaphore_mem>>)
      %dma_wait3A = arith.constant 0 : i32
      %dma_wait3A_45 = tpu.memref_slice %arg11[%add3A_10, %dma_wait3A] : memref<10112x16xf32, #tpu.memory_space<vmem_shared>> -> memref<80x16xf32, #tpu.memory_space<vmem_shared>>
      %dma_wait3A_46 = arith.constant 0 : i32
      %dma_wait3A_47 = tpu.memref_slice %arg11[%add3A_10, %dma_wait3A_46] : memref<10112x16xf32, #tpu.memory_space<vmem_shared>> -> memref<80x16xf32, #tpu.memory_space<vmem_shared>>
      tpu.wait_dma2 semaphore(%run_scoped3A : memref<!tpu.dma_semaphore, #tpu.memory_space<semaphore_mem>>) src(%arg9 : memref<80x16xf32, #tpu.memory_space<vmem>>) dst(%dma_wait3A_47 : memref<80x16xf32, #tpu.memory_space<vmem_shared>>)
      tpu.yield
    }) : () -> ()
    %mul3A_11 = arith.constant 632 : i32
    %mul3A_12 = arith.muli %arg1, %mul3A_11 : i32
    %add3A_13 = arith.constant 160 : i32
    %add3A_14 = arith.addi %mul3A_12, %add3A_13 : i32
    "tpu.region"() ({
      %run_scoped3A = tpu.sem_alloc : memref<!tpu.dma_semaphore, #tpu.memory_space<semaphore_mem>>
      %dma_start3A = arith.constant 0 : i32
      %dma_start3A_42 = tpu.memref_slice %arg10[%add3A_14, %dma_start3A] : memref<10112x16xf32, #tpu.memory_space<vmem_shared>> -> memref<80x16xf32, #tpu.memory_space<vmem_shared>>
      %dma_start3A_43 = arith.constant 0 : i32
      %dma_start3A_44 = tpu.memref_slice %arg10[%add3A_14, %dma_start3A_43] : memref<10112x16xf32, #tpu.memory_space<vmem_shared>> -> memref<80x16xf32, #tpu.memory_space<vmem_shared>>
      tpu.enqueue_dma source(%arg9 : memref<80x16xf32, #tpu.memory_space<vmem>>) target(%dma_start3A_44 : memref<80x16xf32, #tpu.memory_space<vmem_shared>>) target_semaphore(%run_scoped3A : memref<!tpu.dma_semaphore, #tpu.memory_space<semaphore_mem>>)
      %dma_wait3A = arith.constant 0 : i32
      %dma_wait3A_45 = tpu.memref_slice %arg10[%add3A_14, %dma_wait3A] : memref<10112x16xf32, #tpu.memory_space<vmem_shared>> -> memref<80x16xf32, #tpu.memory_space<vmem_shared>>
      %dma_wait3A_46 = arith.constant 0 : i32
      %dma_wait3A_47 = tpu.memref_slice %arg10[%add3A_14, %dma_wait3A_46] : memref<10112x16xf32, #tpu.memory_space<vmem_shared>> -> memref<80x16xf32, #tpu.memory_space<vmem_shared>>
      tpu.wait_dma2 semaphore(%run_scoped3A : memref<!tpu.dma_semaphore, #tpu.memory_space<semaphore_mem>>) src(%arg9 : memref<80x16xf32, #tpu.memory_space<vmem>>) dst(%dma_wait3A_47 : memref<80x16xf32, #tpu.memory_space<vmem_shared>>)
      tpu.yield
    }) : () -> ()
    "tpu.region"() ({
      %run_scoped3A = tpu.sem_alloc : memref<!tpu.dma_semaphore, #tpu.memory_space<semaphore_mem>>
      %dma_start3A = arith.constant 0 : i32
      %dma_start3A_42 = tpu.memref_slice %arg11[%add3A_14, %dma_start3A] : memref<10112x16xf32, #tpu.memory_space<vmem_shared>> -> memref<80x16xf32, #tpu.memory_space<vmem_shared>>
      %dma_start3A_43 = arith.constant 0 : i32
      %dma_start3A_44 = tpu.memref_slice %arg11[%add3A_14, %dma_start3A_43] : memref<10112x16xf32, #tpu.memory_space<vmem_shared>> -> memref<80x16xf32, #tpu.memory_space<vmem_shared>>
      tpu.enqueue_dma source(%arg9 : memref<80x16xf32, #tpu.memory_space<vmem>>) target(%dma_start3A_44 : memref<80x16xf32, #tpu.memory_space<vmem_shared>>) target_semaphore(%run_scoped3A : memref<!tpu.dma_semaphore, #tpu.memory_space<semaphore_mem>>)
      %dma_wait3A = arith.constant 0 : i32
      %dma_wait3A_45 = tpu.memref_slice %arg11[%add3A_14, %dma_wait3A] : memref<10112x16xf32, #tpu.memory_space<vmem_shared>> -> memref<80x16xf32, #tpu.memory_space<vmem_shared>>
      %dma_wait3A_46 = arith.constant 0 : i32
      %dma_wait3A_47 = tpu.memref_slice %arg11[%add3A_14, %dma_wait3A_46] : memref<10112x16xf32, #tpu.memory_space<vmem_shared>> -> memref<80x16xf32, #tpu.memory_space<vmem_shared>>
      tpu.wait_dma2 semaphore(%run_scoped3A : memref<!tpu.dma_semaphore, #tpu.memory_space<semaphore_mem>>) src(%arg9 : memref<80x16xf32, #tpu.memory_space<vmem>>) dst(%dma_wait3A_47 : memref<80x16xf32, #tpu.memory_space<vmem_shared>>)
      tpu.yield
    }) : () -> ()
    %mul3A_15 = arith.constant 632 : i32
    %mul3A_16 = arith.muli %arg1, %mul3A_15 : i32
    %add3A_17 = arith.constant 240 : i32
    %add3A_18 = arith.addi %mul3A_16, %add3A_17 : i32
    "tpu.region"() ({
      %run_scoped3A = tpu.sem_alloc : memref<!tpu.dma_semaphore, #tpu.memory_space<semaphore_mem>>
      %dma_start3A = arith.constant 0 : i32
      %dma_start3A_42 = tpu.memref_slice %arg10[%add3A_18, %dma_start3A] : memref<10112x16xf32, #tpu.memory_space<vmem_shared>> -> memref<80x16xf32, #tpu.memory_space<vmem_shared>>
      %dma_start3A_43 = arith.constant 0 : i32
      %dma_start3A_44 = tpu.memref_slice %arg10[%add3A_18, %dma_start3A_43] : memref<10112x16xf32, #tpu.memory_space<vmem_shared>> -> memref<80x16xf32, #tpu.memory_space<vmem_shared>>
      tpu.enqueue_dma source(%arg9 : memref<80x16xf32, #tpu.memory_space<vmem>>) target(%dma_start3A_44 : memref<80x16xf32, #tpu.memory_space<vmem_shared>>) target_semaphore(%run_scoped3A : memref<!tpu.dma_semaphore, #tpu.memory_space<semaphore_mem>>)
      %dma_wait3A = arith.constant 0 : i32
      %dma_wait3A_45 = tpu.memref_slice %arg10[%add3A_18, %dma_wait3A] : memref<10112x16xf32, #tpu.memory_space<vmem_shared>> -> memref<80x16xf32, #tpu.memory_space<vmem_shared>>
      %dma_wait3A_46 = arith.constant 0 : i32
      %dma_wait3A_47 = tpu.memref_slice %arg10[%add3A_18, %dma_wait3A_46] : memref<10112x16xf32, #tpu.memory_space<vmem_shared>> -> memref<80x16xf32, #tpu.memory_space<vmem_shared>>
      tpu.wait_dma2 semaphore(%run_scoped3A : memref<!tpu.dma_semaphore, #tpu.memory_space<semaphore_mem>>) src(%arg9 : memref<80x16xf32, #tpu.memory_space<vmem>>) dst(%dma_wait3A_47 : memref<80x16xf32, #tpu.memory_space<vmem_shared>>)
      tpu.yield
    }) : () -> ()
    "tpu.region"() ({
      %run_scoped3A = tpu.sem_alloc : memref<!tpu.dma_semaphore, #tpu.memory_space<semaphore_mem>>
      %dma_start3A = arith.constant 0 : i32
      %dma_start3A_42 = tpu.memref_slice %arg11[%add3A_18, %dma_start3A] : memref<10112x16xf32, #tpu.memory_space<vmem_shared>> -> memref<80x16xf32, #tpu.memory_space<vmem_shared>>
      %dma_start3A_43 = arith.constant 0 : i32
      %dma_start3A_44 = tpu.memref_slice %arg11[%add3A_18, %dma_start3A_43] : memref<10112x16xf32, #tpu.memory_space<vmem_shared>> -> memref<80x16xf32, #tpu.memory_space<vmem_shared>>
      tpu.enqueue_dma source(%arg9 : memref<80x16xf32, #tpu.memory_space<vmem>>) target(%dma_start3A_44 : memref<80x16xf32, #tpu.memory_space<vmem_shared>>) target_semaphore(%run_scoped3A : memref<!tpu.dma_semaphore, #tpu.memory_space<semaphore_mem>>)
      %dma_wait3A = arith.constant 0 : i32
      %dma_wait3A_45 = tpu.memref_slice %arg11[%add3A_18, %dma_wait3A] : memref<10112x16xf32, #tpu.memory_space<vmem_shared>> -> memref<80x16xf32, #tpu.memory_space<vmem_shared>>
      %dma_wait3A_46 = arith.constant 0 : i32
      %dma_wait3A_47 = tpu.memref_slice %arg11[%add3A_18, %dma_wait3A_46] : memref<10112x16xf32, #tpu.memory_space<vmem_shared>> -> memref<80x16xf32, #tpu.memory_space<vmem_shared>>
      tpu.wait_dma2 semaphore(%run_scoped3A : memref<!tpu.dma_semaphore, #tpu.memory_space<semaphore_mem>>) src(%arg9 : memref<80x16xf32, #tpu.memory_space<vmem>>) dst(%dma_wait3A_47 : memref<80x16xf32, #tpu.memory_space<vmem_shared>>)
      tpu.yield
    }) : () -> ()
    %mul3A_19 = arith.constant 632 : i32
    %mul3A_20 = arith.muli %arg1, %mul3A_19 : i32
    %add3A_21 = arith.constant 320 : i32
    %add3A_22 = arith.addi %mul3A_20, %add3A_21 : i32
    "tpu.region"() ({
      %run_scoped3A = tpu.sem_alloc : memref<!tpu.dma_semaphore, #tpu.memory_space<semaphore_mem>>
      %dma_start3A = arith.constant 0 : i32
      %dma_start3A_42 = tpu.memref_slice %arg10[%add3A_22, %dma_start3A] : memref<10112x16xf32, #tpu.memory_space<vmem_shared>> -> memref<80x16xf32, #tpu.memory_space<vmem_shared>>
      %dma_start3A_43 = arith.constant 0 : i32
      %dma_start3A_44 = tpu.memref_slice %arg10[%add3A_22, %dma_start3A_43] : memref<10112x16xf32, #tpu.memory_space<vmem_shared>> -> memref<80x16xf32, #tpu.memory_space<vmem_shared>>
      tpu.enqueue_dma source(%arg9 : memref<80x16xf32, #tpu.memory_space<vmem>>) target(%dma_start3A_44 : memref<80x16xf32, #tpu.memory_space<vmem_shared>>) target_semaphore(%run_scoped3A : memref<!tpu.dma_semaphore, #tpu.memory_space<semaphore_mem>>)
      %dma_wait3A = arith.constant 0 : i32
      %dma_wait3A_45 = tpu.memref_slice %arg10[%add3A_22, %dma_wait3A] : memref<10112x16xf32, #tpu.memory_space<vmem_shared>> -> memref<80x16xf32, #tpu.memory_space<vmem_shared>>
      %dma_wait3A_46 = arith.constant 0 : i32
      %dma_wait3A_47 = tpu.memref_slice %arg10[%add3A_22, %dma_wait3A_46] : memref<10112x16xf32, #tpu.memory_space<vmem_shared>> -> memref<80x16xf32, #tpu.memory_space<vmem_shared>>
      tpu.wait_dma2 semaphore(%run_scoped3A : memref<!tpu.dma_semaphore, #tpu.memory_space<semaphore_mem>>) src(%arg9 : memref<80x16xf32, #tpu.memory_space<vmem>>) dst(%dma_wait3A_47 : memref<80x16xf32, #tpu.memory_space<vmem_shared>>)
      tpu.yield
    }) : () -> ()
    "tpu.region"() ({
      %run_scoped3A = tpu.sem_alloc : memref<!tpu.dma_semaphore, #tpu.memory_space<semaphore_mem>>
      %dma_start3A = arith.constant 0 : i32
      %dma_start3A_42 = tpu.memref_slice %arg11[%add3A_22, %dma_start3A] : memref<10112x16xf32, #tpu.memory_space<vmem_shared>> -> memref<80x16xf32, #tpu.memory_space<vmem_shared>>
      %dma_start3A_43 = arith.constant 0 : i32
      %dma_start3A_44 = tpu.memref_slice %arg11[%add3A_22, %dma_start3A_43] : memref<10112x16xf32, #tpu.memory_space<vmem_shared>> -> memref<80x16xf32, #tpu.memory_space<vmem_shared>>
      tpu.enqueue_dma source(%arg9 : memref<80x16xf32, #tpu.memory_space<vmem>>) target(%dma_start3A_44 : memref<80x16xf32, #tpu.memory_space<vmem_shared>>) target_semaphore(%run_scoped3A : memref<!tpu.dma_semaphore, #tpu.memory_space<semaphore_mem>>)
      %dma_wait3A = arith.constant 0 : i32
      %dma_wait3A_45 = tpu.memref_slice %arg11[%add3A_22, %dma_wait3A] : memref<10112x16xf32, #tpu.memory_space<vmem_shared>> -> memref<80x16xf32, #tpu.memory_space<vmem_shared>>
      %dma_wait3A_46 = arith.constant 0 : i32
      %dma_wait3A_47 = tpu.memref_slice %arg11[%add3A_22, %dma_wait3A_46] : memref<10112x16xf32, #tpu.memory_space<vmem_shared>> -> memref<80x16xf32, #tpu.memory_space<vmem_shared>>
      tpu.wait_dma2 semaphore(%run_scoped3A : memref<!tpu.dma_semaphore, #tpu.memory_space<semaphore_mem>>) src(%arg9 : memref<80x16xf32, #tpu.memory_space<vmem>>) dst(%dma_wait3A_47 : memref<80x16xf32, #tpu.memory_space<vmem_shared>>)
      tpu.yield
    }) : () -> ()
    %mul3A_23 = arith.constant 632 : i32
    %mul3A_24 = arith.muli %arg1, %mul3A_23 : i32
    %add3A_25 = arith.constant 400 : i32
    %add3A_26 = arith.addi %mul3A_24, %add3A_25 : i32
    "tpu.region"() ({
      %run_scoped3A = tpu.sem_alloc : memref<!tpu.dma_semaphore, #tpu.memory_space<semaphore_mem>>
      %dma_start3A = arith.constant 0 : i32
      %dma_start3A_42 = tpu.memref_slice %arg10[%add3A_26, %dma_start3A] : memref<10112x16xf32, #tpu.memory_space<vmem_shared>> -> memref<80x16xf32, #tpu.memory_space<vmem_shared>>
      %dma_start3A_43 = arith.constant 0 : i32
      %dma_start3A_44 = tpu.memref_slice %arg10[%add3A_26, %dma_start3A_43] : memref<10112x16xf32, #tpu.memory_space<vmem_shared>> -> memref<80x16xf32, #tpu.memory_space<vmem_shared>>
      tpu.enqueue_dma source(%arg9 : memref<80x16xf32, #tpu.memory_space<vmem>>) target(%dma_start3A_44 : memref<80x16xf32, #tpu.memory_space<vmem_shared>>) target_semaphore(%run_scoped3A : memref<!tpu.dma_semaphore, #tpu.memory_space<semaphore_mem>>)
      %dma_wait3A = arith.constant 0 : i32
      %dma_wait3A_45 = tpu.memref_slice %arg10[%add3A_26, %dma_wait3A] : memref<10112x16xf32, #tpu.memory_space<vmem_shared>> -> memref<80x16xf32, #tpu.memory_space<vmem_shared>>
      %dma_wait3A_46 = arith.constant 0 : i32
      %dma_wait3A_47 = tpu.memref_slice %arg10[%add3A_26, %dma_wait3A_46] : memref<10112x16xf32, #tpu.memory_space<vmem_shared>> -> memref<80x16xf32, #tpu.memory_space<vmem_shared>>
      tpu.wait_dma2 semaphore(%run_scoped3A : memref<!tpu.dma_semaphore, #tpu.memory_space<semaphore_mem>>) src(%arg9 : memref<80x16xf32, #tpu.memory_space<vmem>>) dst(%dma_wait3A_47 : memref<80x16xf32, #tpu.memory_space<vmem_shared>>)
      tpu.yield
    }) : () -> ()
    "tpu.region"() ({
      %run_scoped3A = tpu.sem_alloc : memref<!tpu.dma_semaphore, #tpu.memory_space<semaphore_mem>>
      %dma_start3A = arith.constant 0 : i32
      %dma_start3A_42 = tpu.memref_slice %arg11[%add3A_26, %dma_start3A] : memref<10112x16xf32, #tpu.memory_space<vmem_shared>> -> memref<80x16xf32, #tpu.memory_space<vmem_shared>>
      %dma_start3A_43 = arith.constant 0 : i32
      %dma_start3A_44 = tpu.memref_slice %arg11[%add3A_26, %dma_start3A_43] : memref<10112x16xf32, #tpu.memory_space<vmem_shared>> -> memref<80x16xf32, #tpu.memory_space<vmem_shared>>
      tpu.enqueue_dma source(%arg9 : memref<80x16xf32, #tpu.memory_space<vmem>>) target(%dma_start3A_44 : memref<80x16xf32, #tpu.memory_space<vmem_shared>>) target_semaphore(%run_scoped3A : memref<!tpu.dma_semaphore, #tpu.memory_space<semaphore_mem>>)
      %dma_wait3A = arith.constant 0 : i32
      %dma_wait3A_45 = tpu.memref_slice %arg11[%add3A_26, %dma_wait3A] : memref<10112x16xf32, #tpu.memory_space<vmem_shared>> -> memref<80x16xf32, #tpu.memory_space<vmem_shared>>
      %dma_wait3A_46 = arith.constant 0 : i32
      %dma_wait3A_47 = tpu.memref_slice %arg11[%add3A_26, %dma_wait3A_46] : memref<10112x16xf32, #tpu.memory_space<vmem_shared>> -> memref<80x16xf32, #tpu.memory_space<vmem_shared>>
      tpu.wait_dma2 semaphore(%run_scoped3A : memref<!tpu.dma_semaphore, #tpu.memory_space<semaphore_mem>>) src(%arg9 : memref<80x16xf32, #tpu.memory_space<vmem>>) dst(%dma_wait3A_47 : memref<80x16xf32, #tpu.memory_space<vmem_shared>>)
      tpu.yield
    }) : () -> ()
    %mul3A_27 = arith.constant 632 : i32
    %mul3A_28 = arith.muli %arg1, %mul3A_27 : i32
    %add3A_29 = arith.constant 480 : i32
    %add3A_30 = arith.addi %mul3A_28, %add3A_29 : i32
    "tpu.region"() ({
      %run_scoped3A = tpu.sem_alloc : memref<!tpu.dma_semaphore, #tpu.memory_space<semaphore_mem>>
      %dma_start3A = arith.constant 0 : i32
      %dma_start3A_42 = tpu.memref_slice %arg10[%add3A_30, %dma_start3A] : memref<10112x16xf32, #tpu.memory_space<vmem_shared>> -> memref<80x16xf32, #tpu.memory_space<vmem_shared>>
      %dma_start3A_43 = arith.constant 0 : i32
      %dma_start3A_44 = tpu.memref_slice %arg10[%add3A_30, %dma_start3A_43] : memref<10112x16xf32, #tpu.memory_space<vmem_shared>> -> memref<80x16xf32, #tpu.memory_space<vmem_shared>>
      tpu.enqueue_dma source(%arg9 : memref<80x16xf32, #tpu.memory_space<vmem>>) target(%dma_start3A_44 : memref<80x16xf32, #tpu.memory_space<vmem_shared>>) target_semaphore(%run_scoped3A : memref<!tpu.dma_semaphore, #tpu.memory_space<semaphore_mem>>)
      %dma_wait3A = arith.constant 0 : i32
      %dma_wait3A_45 = tpu.memref_slice %arg10[%add3A_30, %dma_wait3A] : memref<10112x16xf32, #tpu.memory_space<vmem_shared>> -> memref<80x16xf32, #tpu.memory_space<vmem_shared>>
      %dma_wait3A_46 = arith.constant 0 : i32
      %dma_wait3A_47 = tpu.memref_slice %arg10[%add3A_30, %dma_wait3A_46] : memref<10112x16xf32, #tpu.memory_space<vmem_shared>> -> memref<80x16xf32, #tpu.memory_space<vmem_shared>>
      tpu.wait_dma2 semaphore(%run_scoped3A : memref<!tpu.dma_semaphore, #tpu.memory_space<semaphore_mem>>) src(%arg9 : memref<80x16xf32, #tpu.memory_space<vmem>>) dst(%dma_wait3A_47 : memref<80x16xf32, #tpu.memory_space<vmem_shared>>)
      tpu.yield
    }) : () -> ()
    "tpu.region"() ({
      %run_scoped3A = tpu.sem_alloc : memref<!tpu.dma_semaphore, #tpu.memory_space<semaphore_mem>>
      %dma_start3A = arith.constant 0 : i32
      %dma_start3A_42 = tpu.memref_slice %arg11[%add3A_30, %dma_start3A] : memref<10112x16xf32, #tpu.memory_space<vmem_shared>> -> memref<80x16xf32, #tpu.memory_space<vmem_shared>>
      %dma_start3A_43 = arith.constant 0 : i32
      %dma_start3A_44 = tpu.memref_slice %arg11[%add3A_30, %dma_start3A_43] : memref<10112x16xf32, #tpu.memory_space<vmem_shared>> -> memref<80x16xf32, #tpu.memory_space<vmem_shared>>
      tpu.enqueue_dma source(%arg9 : memref<80x16xf32, #tpu.memory_space<vmem>>) target(%dma_start3A_44 : memref<80x16xf32, #tpu.memory_space<vmem_shared>>) target_semaphore(%run_scoped3A : memref<!tpu.dma_semaphore, #tpu.memory_space<semaphore_mem>>)
      %dma_wait3A = arith.constant 0 : i32
      %dma_wait3A_45 = tpu.memref_slice %arg11[%add3A_30, %dma_wait3A] : memref<10112x16xf32, #tpu.memory_space<vmem_shared>> -> memref<80x16xf32, #tpu.memory_space<vmem_shared>>
      %dma_wait3A_46 = arith.constant 0 : i32
      %dma_wait3A_47 = tpu.memref_slice %arg11[%add3A_30, %dma_wait3A_46] : memref<10112x16xf32, #tpu.memory_space<vmem_shared>> -> memref<80x16xf32, #tpu.memory_space<vmem_shared>>
      tpu.wait_dma2 semaphore(%run_scoped3A : memref<!tpu.dma_semaphore, #tpu.memory_space<semaphore_mem>>) src(%arg9 : memref<80x16xf32, #tpu.memory_space<vmem>>) dst(%dma_wait3A_47 : memref<80x16xf32, #tpu.memory_space<vmem_shared>>)
      tpu.yield
    }) : () -> ()
    %barrier3A = arith.constant 0 : index
    tpu.barrier barrier_id(%barrier3A)
    %mul3A_31 = arith.constant 20000 : i32
    %mul3A_32 = arith.muli %arg1, %mul3A_31 : i32
    %scan3A_33 = arith.constant 0 : i32
    %scan3A_34 = arith.constant 0 : i32
    %scan3A_35 = arith.constant 250 : i32
    %scan3A_36 = arith.addi %scan3A_34, %scan3A_35 : i32
    %scan3A_37 = arith.constant 1 : i32
    scf.for %scan3A_42 = %scan3A_34 to %scan3A_36 step %scan3A_37  : i32 {
      %mul3A_43 = arith.constant 80 : i32
      %mul3A_44 = arith.muli %scan3A_42, %mul3A_43 : i32
      %add3A_45 = arith.addi %mul3A_32, %mul3A_44 : i32
      "tpu.region"() ({
        %run_scoped3A = tpu.sem_alloc : memref<!tpu.dma_semaphore, #tpu.memory_space<semaphore_mem>>
        %dma_start3A = tpu.memref_slice %arg2[%add3A_45] : memref<320000xi32, #tpu.memory_space<hbm>> -> memref<80xi32, #tpu.memory_space<hbm>>
        %dma_start3A_46 = tpu.memref_slice %arg2[%add3A_45] : memref<320000xi32, #tpu.memory_space<hbm>> -> memref<80xi32, #tpu.memory_space<hbm>>
        tpu.enqueue_dma source(%dma_start3A_46 : memref<80xi32, #tpu.memory_space<hbm>>) target(%arg6 : memref<80xi32, #tpu.memory_space<vmem>>) target_semaphore(%run_scoped3A : memref<!tpu.dma_semaphore, #tpu.memory_space<semaphore_mem>>)
        %dma_wait3A = tpu.memref_slice %arg2[%add3A_45] : memref<320000xi32, #tpu.memory_space<hbm>> -> memref<80xi32, #tpu.memory_space<hbm>>
        %dma_wait3A_47 = tpu.memref_slice %arg2[%add3A_45] : memref<320000xi32, #tpu.memory_space<hbm>> -> memref<80xi32, #tpu.memory_space<hbm>>
        tpu.wait_dma2 semaphore(%run_scoped3A : memref<!tpu.dma_semaphore, #tpu.memory_space<semaphore_mem>>) src(%dma_wait3A_47 : memref<80xi32, #tpu.memory_space<hbm>>) dst(%arg6 : memref<80xi32, #tpu.memory_space<vmem>>)
        tpu.yield
      }) : () -> ()
      "tpu.region"() ({
        %run_scoped3A = tpu.sem_alloc : memref<!tpu.dma_semaphore, #tpu.memory_space<semaphore_mem>>
        %dma_start3A = tpu.memref_slice %arg3[%add3A_45] : memref<320000xi32, #tpu.memory_space<hbm>> -> memref<80xi32, #tpu.memory_space<hbm>>
        %dma_start3A_46 = tpu.memref_slice %arg3[%add3A_45] : memref<320000xi32, #tpu.memory_space<hbm>> -> memref<80xi32, #tpu.memory_space<hbm>>
        tpu.enqueue_dma source(%dma_start3A_46 : memref<80xi32, #tpu.memory_space<hbm>>) target(%arg7 : memref<80xi32, #tpu.memory_space<vmem>>) target_semaphore(%run_scoped3A : memref<!tpu.dma_semaphore, #tpu.memory_space<semaphore_mem>>)
        %dma_wait3A = tpu.memref_slice %arg3[%add3A_45] : memref<320000xi32, #tpu.memory_space<hbm>> -> memref<80xi32, #tpu.memory_space<hbm>>
        %dma_wait3A_47 = tpu.memref_slice %arg3[%add3A_45] : memref<320000xi32, #tpu.memory_space<hbm>> -> memref<80xi32, #tpu.memory_space<hbm>>
        tpu.wait_dma2 semaphore(%run_scoped3A : memref<!tpu.dma_semaphore, #tpu.memory_space<semaphore_mem>>) src(%dma_wait3A_47 : memref<80xi32, #tpu.memory_space<hbm>>) dst(%arg7 : memref<80xi32, #tpu.memory_space<vmem>>)
        tpu.yield
      }) : () -> ()
      "tpu.region"() ({
        %run_scoped3A = tpu.sem_alloc : memref<!tpu.dma_semaphore, #tpu.memory_space<semaphore_mem>>
        %dma_start3A = arith.constant 0 : i32
        %dma_start3A_46 = arith.constant 0 : i32
        %dma_start3A_47 = tpu.memref_slice %arg10[%dma_start3A, %dma_start3A_46] : memref<10112x16xf32, #tpu.memory_space<vmem_shared>> -> memref<10112x16xf32, #tpu.memory_space<vmem_shared>>
        tpu.enqueue_indirect_dma source(%arg8 : memref<80x16xf32, #tpu.memory_space<vmem>>) target(%dma_start3A_47 : memref<10112x16xf32, #tpu.memory_space<vmem_shared>>) offsets(%arg6 : memref<80xi32, #tpu.memory_space<vmem>>) semaphore(%run_scoped3A : memref<!tpu.dma_semaphore, #tpu.memory_space<semaphore_mem>>) {add = true}
        %dma_wait3A = arith.constant 0 : i32
        %dma_wait3A_48 = arith.constant 0 : i32
        %dma_wait3A_49 = tpu.memref_slice %arg10[%dma_wait3A, %dma_wait3A_48] : memref<10112x16xf32, #tpu.memory_space<vmem_shared>> -> memref<10112x16xf32, #tpu.memory_space<vmem_shared>>
        tpu.wait_indirect_dma semaphore(%run_scoped3A : memref<!tpu.dma_semaphore, #tpu.memory_space<semaphore_mem>>) src(%arg8 : memref<80x16xf32, #tpu.memory_space<vmem>>) dst(%dma_wait3A_49 : memref<10112x16xf32, #tpu.memory_space<vmem_shared>>)
        tpu.yield
      }) : () -> ()
      "tpu.region"() ({
        %run_scoped3A = tpu.sem_alloc : memref<!tpu.dma_semaphore, #tpu.memory_space<semaphore_mem>>
        %dma_start3A = arith.constant 0 : i32
        %dma_start3A_46 = arith.constant 0 : i32
        %dma_start3A_47 = tpu.memref_slice %arg11[%dma_start3A, %dma_start3A_46] : memref<10112x16xf32, #tpu.memory_space<vmem_shared>> -> memref<10112x16xf32, #tpu.memory_space<vmem_shared>>
        tpu.enqueue_indirect_dma source(%arg8 : memref<80x16xf32, #tpu.memory_space<vmem>>) target(%dma_start3A_47 : memref<10112x16xf32, #tpu.memory_space<vmem_shared>>) offsets(%arg7 : memref<80xi32, #tpu.memory_space<vmem>>) semaphore(%run_scoped3A : memref<!tpu.dma_semaphore, #tpu.memory_space<semaphore_mem>>) {add = true}
        %dma_wait3A = arith.constant 0 : i32
        %dma_wait3A_48 = arith.constant 0 : i32
        %dma_wait3A_49 = tpu.memref_slice %arg11[%dma_wait3A, %dma_wait3A_48] : memref<10112x16xf32, #tpu.memory_space<vmem_shared>> -> memref<10112x16xf32, #tpu.memory_space<vmem_shared>>
        tpu.wait_indirect_dma semaphore(%run_scoped3A : memref<!tpu.dma_semaphore, #tpu.memory_space<semaphore_mem>>) src(%arg8 : memref<80x16xf32, #tpu.memory_space<vmem>>) dst(%dma_wait3A_49 : memref<10112x16xf32, #tpu.memory_space<vmem_shared>>)
        tpu.yield
      }) : () -> ()
    }
    %scan3A_38 = arith.constant 250 : i32
    %barrier3A_39 = arith.constant 0 : index
    tpu.barrier barrier_id(%barrier3A_39)
    %eq3A = arith.constant 0 : i32
    %eq3A_40 = arith.cmpi eq, %arg0, %eq3A : i32
    %convert_element_type3A = arith.extui %eq3A_40 : i1 to i32
    %cond3A = arith.constant 0 : i32
    %cond3A_41 = arith.cmpi ne, %convert_element_type3A, %cond3A : i32
    scf.if %cond3A_41 {
      %mul3A_42 = arith.constant 632 : i32
      %mul3A_43 = arith.muli %arg1, %mul3A_42 : i32
      "tpu.region"() ({
        %run_scoped3A = tpu.sem_alloc : memref<!tpu.dma_semaphore, #tpu.memory_space<semaphore_mem>>
        %dma_start3A = arith.constant 0 : i32
        %dma_start3A_44 = tpu.memref_slice %arg4[%mul3A_43, %dma_start3A] : memref<10112x16xf32, #tpu.memory_space<hbm>> -> memref<632x16xf32, #tpu.memory_space<hbm>>
        %dma_start3A_45 = arith.constant 0 : i32
        %dma_start3A_46 = tpu.memref_slice %arg10[%mul3A_43, %dma_start3A_45] : memref<10112x16xf32, #tpu.memory_space<vmem_shared>> -> memref<632x16xf32, #tpu.memory_space<vmem_shared>>
        tpu.enqueue_dma source(%dma_start3A_46 : memref<632x16xf32, #tpu.memory_space<vmem_shared>>) target(%dma_start3A_44 : memref<632x16xf32, #tpu.memory_space<hbm>>) target_semaphore(%run_scoped3A : memref<!tpu.dma_semaphore, #tpu.memory_space<semaphore_mem>>)
        %dma_wait3A = arith.constant 0 : i32
        %dma_wait3A_47 = tpu.memref_slice %arg4[%mul3A_43, %dma_wait3A] : memref<10112x16xf32, #tpu.memory_space<hbm>> -> memref<632x16xf32, #tpu.memory_space<hbm>>
        %dma_wait3A_48 = arith.constant 0 : i32
        %dma_wait3A_49 = tpu.memref_slice %arg10[%mul3A_43, %dma_wait3A_48] : memref<10112x16xf32, #tpu.memory_space<vmem_shared>> -> memref<632x16xf32, #tpu.memory_space<vmem_shared>>
        tpu.wait_dma2 semaphore(%run_scoped3A : memref<!tpu.dma_semaphore, #tpu.memory_space<semaphore_mem>>) src(%dma_wait3A_49 : memref<632x16xf32, #tpu.memory_space<vmem_shared>>) dst(%dma_wait3A_47 : memref<632x16xf32, #tpu.memory_space<hbm>>)
        tpu.yield
      }) : () -> ()
      "tpu.region"() ({
        %run_scoped3A = tpu.sem_alloc : memref<!tpu.dma_semaphore, #tpu.memory_space<semaphore_mem>>
        %dma_start3A = arith.constant 0 : i32
        %dma_start3A_44 = tpu.memref_slice %arg5[%mul3A_43, %dma_start3A] : memref<10112x16xf32, #tpu.memory_space<hbm>> -> memref<632x16xf32, #tpu.memory_space<hbm>>
        %dma_start3A_45 = arith.constant 0 : i32
        %dma_start3A_46 = tpu.memref_slice %arg11[%mul3A_43, %dma_start3A_45] : memref<10112x16xf32, #tpu.memory_space<vmem_shared>> -> memref<632x16xf32, #tpu.memory_space<vmem_shared>>
        tpu.enqueue_dma source(%dma_start3A_46 : memref<632x16xf32, #tpu.memory_space<vmem_shared>>) target(%dma_start3A_44 : memref<632x16xf32, #tpu.memory_space<hbm>>) target_semaphore(%run_scoped3A : memref<!tpu.dma_semaphore, #tpu.memory_space<semaphore_mem>>)
        %dma_wait3A = arith.constant 0 : i32
        %dma_wait3A_47 = tpu.memref_slice %arg5[%mul3A_43, %dma_wait3A] : memref<10112x16xf32, #tpu.memory_space<hbm>> -> memref<632x16xf32, #tpu.memory_space<hbm>>
        %dma_wait3A_48 = arith.constant 0 : i32
        %dma_wait3A_49 = tpu.memref_slice %arg11[%mul3A_43, %dma_wait3A_48] : memref<10112x16xf32, #tpu.memory_space<vmem_shared>> -> memref<632x16xf32, #tpu.memory_space<vmem_shared>>
        tpu.wait_dma2 semaphore(%run_scoped3A : memref<!tpu.dma_semaphore, #tpu.memory_space<semaphore_mem>>) src(%dma_wait3A_49 : memref<632x16xf32, #tpu.memory_space<vmem_shared>>) dst(%dma_wait3A_47 : memref<632x16xf32, #tpu.memory_space<hbm>>)
        tpu.yield
      }) : () -> ()
    } else {
    }
    return
  }
}

#map = affine_map<(d0, d1) -> (0, 0)>
#map1 = affine_map<(d0, d1) -> (0)>
#map2 = affine_map<(d0, d1) -> (0, 0, 0)>
module attributes {stable_mosaic.version = 14 : i64} {
  func.func @body(%arg0: i32, %arg1: i32, %arg2: memref<20000x128xf32, #tpu.memory_space<hbm>>, %arg3: memref<320000xi32, #tpu.memory_space<hbm>>, %arg4: memref<20000x128xf32, #tpu.memory_space<hbm>>, %arg5: memref<320000xi32, #tpu.memory_space<hbm>>, %arg6: memref<640000x128xf32, #tpu.memory_space<hbm>>, %arg7: memref<10112x128xf32, #tpu.memory_space<hbm>>, %arg8: memref<2x10112x128xf32, #tpu.memory_space<hbm>>, %arg9: memref<40xi32, #tpu.memory_space<vmem>>, %arg10: memref<40xi32, #tpu.memory_space<vmem>>, %arg11: memref<40xi32, #tpu.memory_space<vmem>>, %arg12: memref<40xi32, #tpu.memory_space<vmem>>, %arg13: memref<40xi32, #tpu.memory_space<vmem>>, %arg14: memref<40xi32, #tpu.memory_space<vmem>>, %arg15: memref<40xi32, #tpu.memory_space<vmem>>, %arg16: memref<40xi32, #tpu.memory_space<vmem>>, %arg17: memref<40x128xf32, #tpu.memory_space<vmem>>, %arg18: memref<40x128xf32, #tpu.memory_space<vmem>>, %arg19: memref<40x128xf32, #tpu.memory_space<vmem>>, %arg20: memref<40x128xf32, #tpu.memory_space<vmem>>, %arg21: memref<40x128xf32, #tpu.memory_space<vmem>>, %arg22: memref<40x128xf32, #tpu.memory_space<vmem>>, %arg23: memref<10112x128xf32, #tpu.memory_space<vmem_shared>>, %arg24: memref<!tpu.dma_semaphore, #tpu.memory_space<semaphore_mem>>, %arg25: memref<!tpu.dma_semaphore, #tpu.memory_space<semaphore_mem>>, %arg26: memref<!tpu.dma_semaphore, #tpu.memory_space<semaphore_mem>>, %arg27: memref<!tpu.dma_semaphore, #tpu.memory_space<semaphore_mem>>, %arg28: memref<!tpu.dma_semaphore, #tpu.memory_space<semaphore_mem>>, %arg29: memref<!tpu.dma_semaphore, #tpu.memory_space<semaphore_mem>>) attributes {dimension_semantics = [#tpu.dimension_semantics<core_parallel>, #tpu.dimension_semantics<subcore_parallel>], iteration_bounds = array<i64: 2, 16>, scalar_prefetch = 0 : i64, scratch_operands = 21 : i64, tpu.core_type = #tpu.core_type<sc_vector_subcore>, window_params = [{transform_indices = #map}, {transform_indices = #map1}, {transform_indices = #map}, {transform_indices = #map1}, {transform_indices = #map}, {transform_indices = #map}, {transform_indices = #map2}]} {
    %mul3A = arith.constant 632 : i32
    %mul3A_0 = arith.muli %arg1, %mul3A : i32
    %mul3A_1 = arith.constant 632 : i32
    %mul3A_2 = arith.muli %arg1, %mul3A_1 : i32
    "tpu.region"() ({
      %run_scoped3A = tpu.sem_alloc : memref<!tpu.dma_semaphore, #tpu.memory_space<semaphore_mem>>
      %dma_start3A_92 = arith.constant 0 : i32
      %dma_start3A_93 = tpu.memref_slice %arg23[%mul3A_2, %dma_start3A_92] : memref<10112x128xf32, #tpu.memory_space<vmem_shared>> -> memref<632x128xf32, #tpu.memory_space<vmem_shared>>
      %dma_start3A_94 = arith.constant 0 : i32
      %dma_start3A_95 = tpu.memref_slice %arg7[%mul3A_0, %dma_start3A_94] : memref<10112x128xf32, #tpu.memory_space<hbm>> -> memref<632x128xf32, #tpu.memory_space<hbm>>
      tpu.enqueue_dma source(%dma_start3A_95 : memref<632x128xf32, #tpu.memory_space<hbm>>) target(%dma_start3A_93 : memref<632x128xf32, #tpu.memory_space<vmem_shared>>) target_semaphore(%run_scoped3A : memref<!tpu.dma_semaphore, #tpu.memory_space<semaphore_mem>>)
      %dma_wait3A = arith.constant 0 : i32
      %dma_wait3A_96 = tpu.memref_slice %arg23[%mul3A_2, %dma_wait3A] : memref<10112x128xf32, #tpu.memory_space<vmem_shared>> -> memref<632x128xf32, #tpu.memory_space<vmem_shared>>
      %dma_wait3A_97 = arith.constant 0 : i32
      %dma_wait3A_98 = tpu.memref_slice %arg7[%mul3A_0, %dma_wait3A_97] : memref<10112x128xf32, #tpu.memory_space<hbm>> -> memref<632x128xf32, #tpu.memory_space<hbm>>
      tpu.wait_dma2 semaphore(%run_scoped3A : memref<!tpu.dma_semaphore, #tpu.memory_space<semaphore_mem>>) src(%dma_wait3A_98 : memref<632x128xf32, #tpu.memory_space<hbm>>) dst(%dma_wait3A_96 : memref<632x128xf32, #tpu.memory_space<vmem_shared>>)
      tpu.yield
    }) : () -> ()
    %barrier3A = arith.constant 0 : index
    tpu.barrier barrier_id(%barrier3A)
    %mul3A_3 = arith.constant 20000 : i32
    %mul3A_4 = arith.muli %arg1, %mul3A_3 : i32
    %add3A = arith.constant 0 : i32
    %add3A_5 = arith.addi %mul3A_4, %add3A : i32
    "tpu.region"() ({
      %run_scoped3A = tpu.sem_alloc : memref<!tpu.dma_semaphore, #tpu.memory_space<semaphore_mem>>
      %dma_start3A_92 = tpu.memref_slice %arg3[%add3A_5] : memref<320000xi32, #tpu.memory_space<hbm>> -> memref<40xi32, #tpu.memory_space<hbm>>
      %dma_start3A_93 = tpu.memref_slice %arg3[%add3A_5] : memref<320000xi32, #tpu.memory_space<hbm>> -> memref<40xi32, #tpu.memory_space<hbm>>
      tpu.enqueue_dma source(%dma_start3A_93 : memref<40xi32, #tpu.memory_space<hbm>>) target(%arg9 : memref<40xi32, #tpu.memory_space<vmem>>) target_semaphore(%run_scoped3A : memref<!tpu.dma_semaphore, #tpu.memory_space<semaphore_mem>>)
      %dma_wait3A = tpu.memref_slice %arg3[%add3A_5] : memref<320000xi32, #tpu.memory_space<hbm>> -> memref<40xi32, #tpu.memory_space<hbm>>
      %dma_wait3A_94 = tpu.memref_slice %arg3[%add3A_5] : memref<320000xi32, #tpu.memory_space<hbm>> -> memref<40xi32, #tpu.memory_space<hbm>>
      tpu.wait_dma2 semaphore(%run_scoped3A : memref<!tpu.dma_semaphore, #tpu.memory_space<semaphore_mem>>) src(%dma_wait3A_94 : memref<40xi32, #tpu.memory_space<hbm>>) dst(%arg9 : memref<40xi32, #tpu.memory_space<vmem>>)
      tpu.yield
    }) : () -> ()
    "tpu.region"() ({
      %run_scoped3A = tpu.sem_alloc : memref<!tpu.dma_semaphore, #tpu.memory_space<semaphore_mem>>
      %dma_start3A_92 = tpu.memref_slice %arg5[%add3A_5] : memref<320000xi32, #tpu.memory_space<hbm>> -> memref<40xi32, #tpu.memory_space<hbm>>
      %dma_start3A_93 = tpu.memref_slice %arg5[%add3A_5] : memref<320000xi32, #tpu.memory_space<hbm>> -> memref<40xi32, #tpu.memory_space<hbm>>
      tpu.enqueue_dma source(%dma_start3A_93 : memref<40xi32, #tpu.memory_space<hbm>>) target(%arg10 : memref<40xi32, #tpu.memory_space<vmem>>) target_semaphore(%run_scoped3A : memref<!tpu.dma_semaphore, #tpu.memory_space<semaphore_mem>>)
      %dma_wait3A = tpu.memref_slice %arg5[%add3A_5] : memref<320000xi32, #tpu.memory_space<hbm>> -> memref<40xi32, #tpu.memory_space<hbm>>
      %dma_wait3A_94 = tpu.memref_slice %arg5[%add3A_5] : memref<320000xi32, #tpu.memory_space<hbm>> -> memref<40xi32, #tpu.memory_space<hbm>>
      tpu.wait_dma2 semaphore(%run_scoped3A : memref<!tpu.dma_semaphore, #tpu.memory_space<semaphore_mem>>) src(%dma_wait3A_94 : memref<40xi32, #tpu.memory_space<hbm>>) dst(%arg10 : memref<40xi32, #tpu.memory_space<vmem>>)
      tpu.yield
    }) : () -> ()
    %get3A = arith.constant 0 : index
    %get3A_6 = tpu.vector_load %arg9[%get3A] {strides = array<i32>} : memref<40xi32, #tpu.memory_space<vmem>>, vector<16xi32>,
    %get3A_7 = vector.shape_cast %get3A_6 : vector<16xi32> to vector<16xi32>
    %mul3A_8 = arith.constant 10000 : i32
    %mul3A_9 = arith.muli %arg0, %mul3A_8 : i32
    %add3A_10 = vector.broadcast %mul3A_9 : i32 to vector<16xi32>
    %add3A_11 = arith.addi %get3A_7, %add3A_10 : vector<16xi32>
    %swap3A = arith.constant 0 : index
    %swap3A_12 = tpu.vector_load %arg11[%swap3A] {strides = array<i32>} : memref<40xi32, #tpu.memory_space<vmem>>, vector<16xi32>,
    %swap3A_13 = vector.shape_cast %swap3A_12 : vector<16xi32> to vector<16xi32>
    %swap3A_14 = vector.shape_cast %add3A_11 : vector<16xi32> to vector<16xi32>
    tpu.vector_store %arg11[%swap3A], %swap3A_14 {strides = array<i32>} : memref<40xi32, #tpu.memory_space<vmem>>, vector<16xi32>,
    %get3A_15 = arith.constant 0 : index
    %get3A_16 = tpu.vector_load %arg10[%get3A_15] {strides = array<i32>} : memref<40xi32, #tpu.memory_space<vmem>>, vector<16xi32>,
    %get3A_17 = vector.shape_cast %get3A_16 : vector<16xi32> to vector<16xi32>
    %mul3A_18 = arith.constant 10000 : i32
    %mul3A_19 = arith.muli %arg0, %mul3A_18 : i32
    %add3A_20 = vector.broadcast %mul3A_19 : i32 to vector<16xi32>
    %add3A_21 = arith.addi %get3A_17, %add3A_20 : vector<16xi32>
    %swap3A_22 = arith.constant 0 : index
    %swap3A_23 = tpu.vector_load %arg12[%swap3A_22] {strides = array<i32>} : memref<40xi32, #tpu.memory_space<vmem>>, vector<16xi32>,
    %swap3A_24 = vector.shape_cast %swap3A_23 : vector<16xi32> to vector<16xi32>
    %swap3A_25 = vector.shape_cast %add3A_21 : vector<16xi32> to vector<16xi32>
    tpu.vector_store %arg12[%swap3A_22], %swap3A_25 {strides = array<i32>} : memref<40xi32, #tpu.memory_space<vmem>>, vector<16xi32>,
    %get3A_26 = arith.constant 16 : index
    %get3A_27 = tpu.vector_load %arg9[%get3A_26] {strides = array<i32>} : memref<40xi32, #tpu.memory_space<vmem>>, vector<16xi32>,
    %get3A_28 = vector.shape_cast %get3A_27 : vector<16xi32> to vector<16xi32>
    %mul3A_29 = arith.constant 10000 : i32
    %mul3A_30 = arith.muli %arg0, %mul3A_29 : i32
    %add3A_31 = vector.broadcast %mul3A_30 : i32 to vector<16xi32>
    %add3A_32 = arith.addi %get3A_28, %add3A_31 : vector<16xi32>
    %swap3A_33 = arith.constant 16 : index
    %swap3A_34 = tpu.vector_load %arg11[%swap3A_33] {strides = array<i32>} : memref<40xi32, #tpu.memory_space<vmem>>, vector<16xi32>,
    %swap3A_35 = vector.shape_cast %swap3A_34 : vector<16xi32> to vector<16xi32>
    %swap3A_36 = vector.shape_cast %add3A_32 : vector<16xi32> to vector<16xi32>
    tpu.vector_store %arg11[%swap3A_33], %swap3A_36 {strides = array<i32>} : memref<40xi32, #tpu.memory_space<vmem>>, vector<16xi32>,
    %get3A_37 = arith.constant 16 : index
    %get3A_38 = tpu.vector_load %arg10[%get3A_37] {strides = array<i32>} : memref<40xi32, #tpu.memory_space<vmem>>, vector<16xi32>,
    %get3A_39 = vector.shape_cast %get3A_38 : vector<16xi32> to vector<16xi32>
    %mul3A_40 = arith.constant 10000 : i32
    %mul3A_41 = arith.muli %arg0, %mul3A_40 : i32
    %add3A_42 = vector.broadcast %mul3A_41 : i32 to vector<16xi32>
    %add3A_43 = arith.addi %get3A_39, %add3A_42 : vector<16xi32>
    %swap3A_44 = arith.constant 16 : index
    %swap3A_45 = tpu.vector_load %arg12[%swap3A_44] {strides = array<i32>} : memref<40xi32, #tpu.memory_space<vmem>>, vector<16xi32>,
    %swap3A_46 = vector.shape_cast %swap3A_45 : vector<16xi32> to vector<16xi32>
    %swap3A_47 = vector.shape_cast %add3A_43 : vector<16xi32> to vector<16xi32>
    tpu.vector_store %arg12[%swap3A_44], %swap3A_47 {strides = array<i32>} : memref<40xi32, #tpu.memory_space<vmem>>, vector<16xi32>,
    %get3A_48 = arith.constant 24 : index
    %get3A_49 = tpu.vector_load %arg9[%get3A_48] {strides = array<i32>} : memref<40xi32, #tpu.memory_space<vmem>>, vector<16xi32>,
    %get3A_50 = vector.shape_cast %get3A_49 : vector<16xi32> to vector<16xi32>
    %mul3A_51 = arith.constant 10000 : i32
    %mul3A_52 = arith.muli %arg0, %mul3A_51 : i32
    %add3A_53 = vector.broadcast %mul3A_52 : i32 to vector<16xi32>
    %add3A_54 = arith.addi %get3A_50, %add3A_53 : vector<16xi32>
    %swap3A_55 = arith.constant 24 : index
    %swap3A_56 = tpu.vector_load %arg11[%swap3A_55] {strides = array<i32>} : memref<40xi32, #tpu.memory_space<vmem>>, vector<16xi32>,
    %swap3A_57 = vector.shape_cast %swap3A_56 : vector<16xi32> to vector<16xi32>
    %swap3A_58 = vector.shape_cast %add3A_54 : vector<16xi32> to vector<16xi32>
    tpu.vector_store %arg11[%swap3A_55], %swap3A_58 {strides = array<i32>} : memref<40xi32, #tpu.memory_space<vmem>>, vector<16xi32>,
    %get3A_59 = arith.constant 24 : index
    %get3A_60 = tpu.vector_load %arg10[%get3A_59] {strides = array<i32>} : memref<40xi32, #tpu.memory_space<vmem>>, vector<16xi32>,
    %get3A_61 = vector.shape_cast %get3A_60 : vector<16xi32> to vector<16xi32>
    %mul3A_62 = arith.constant 10000 : i32
    %mul3A_63 = arith.muli %arg0, %mul3A_62 : i32
    %add3A_64 = vector.broadcast %mul3A_63 : i32 to vector<16xi32>
    %add3A_65 = arith.addi %get3A_61, %add3A_64 : vector<16xi32>
    %swap3A_66 = arith.constant 24 : index
    %swap3A_67 = tpu.vector_load %arg12[%swap3A_66] {strides = array<i32>} : memref<40xi32, #tpu.memory_space<vmem>>, vector<16xi32>,
    %swap3A_68 = vector.shape_cast %swap3A_67 : vector<16xi32> to vector<16xi32>
    %swap3A_69 = vector.shape_cast %add3A_65 : vector<16xi32> to vector<16xi32>
    tpu.vector_store %arg12[%swap3A_66], %swap3A_69 {strides = array<i32>} : memref<40xi32, #tpu.memory_space<vmem>>, vector<16xi32>,
    %dma_start3A = arith.constant 0 : i32
    %dma_start3A_70 = arith.constant 0 : i32
    %dma_start3A_71 = tpu.memref_slice %arg2[%dma_start3A, %dma_start3A_70] : memref<20000x128xf32, #tpu.memory_space<hbm>> -> memref<20000x128xf32, #tpu.memory_space<hbm>>
    tpu.enqueue_indirect_dma source(%dma_start3A_71 : memref<20000x128xf32, #tpu.memory_space<hbm>>) target(%arg17 : memref<40x128xf32, #tpu.memory_space<vmem>>) offsets(%arg11 : memref<40xi32, #tpu.memory_space<vmem>>) semaphore(%arg24 : memref<!tpu.dma_semaphore, #tpu.memory_space<semaphore_mem>>)
    %dma_start3A_72 = arith.constant 0 : i32
    %dma_start3A_73 = arith.constant 0 : i32
    %dma_start3A_74 = tpu.memref_slice %arg4[%dma_start3A_72, %dma_start3A_73] : memref<20000x128xf32, #tpu.memory_space<hbm>> -> memref<20000x128xf32, #tpu.memory_space<hbm>>
    tpu.enqueue_indirect_dma source(%dma_start3A_74 : memref<20000x128xf32, #tpu.memory_space<hbm>>) target(%arg18 : memref<40x128xf32, #tpu.memory_space<vmem>>) offsets(%arg12 : memref<40xi32, #tpu.memory_space<vmem>>) semaphore(%arg25 : memref<!tpu.dma_semaphore, #tpu.memory_space<semaphore_mem>>)
    %mul3A_75 = arith.constant 320000 : i32
    %mul3A_76 = arith.muli %arg0, %mul3A_75 : i32
    %add3A_77 = arith.addi %mul3A_76, %add3A_5 : i32
    %dma_start3A_78 = arith.constant 0 : i32
    %dma_start3A_79 = tpu.memref_slice %arg6[%add3A_77, %dma_start3A_78] : memref<640000x128xf32, #tpu.memory_space<hbm>> -> memref<40x128xf32, #tpu.memory_space<hbm>>
    %dma_start3A_80 = arith.constant 0 : i32
    %dma_start3A_81 = tpu.memref_slice %arg6[%add3A_77, %dma_start3A_80] : memref<640000x128xf32, #tpu.memory_space<hbm>> -> memref<40x128xf32, #tpu.memory_space<hbm>>
    tpu.enqueue_dma source(%dma_start3A_81 : memref<40x128xf32, #tpu.memory_space<hbm>>) target(%arg19 : memref<40x128xf32, #tpu.memory_space<vmem>>) target_semaphore(%arg26 : memref<!tpu.dma_semaphore, #tpu.memory_space<semaphore_mem>>)
    %scan3A = arith.constant 0 : i32
    %scan3A_82 = arith.constant 0 : i32
    %scan3A_83 = arith.constant 250 : i32
    %scan3A_84 = arith.addi %scan3A_82, %scan3A_83 : i32
    %scan3A_85 = arith.constant 1 : i32
    scf.for %scan3A_92 = %scan3A_82 to %scan3A_84 step %scan3A_85  : i32 {
      %mul3A_93 = arith.constant 2 : i32
      %mul3A_94 = arith.muli %scan3A_92, %mul3A_93 : i32
      %add3A_95 = arith.constant 0 : i32
      %add3A_96 = arith.addi %mul3A_94, %add3A_95 : i32
      %add3A_97 = arith.constant 1 : i32
      %add3A_98 = arith.addi %add3A_96, %add3A_97 : i32
      %lt3A = arith.constant 500 : i32
      %lt3A_99 = arith.cmpi slt, %add3A_98, %lt3A : i32
      %convert_element_type3A = arith.extui %lt3A_99 : i1 to i32
      %cond3A = arith.constant 0 : i32
      %cond3A_100 = arith.cmpi ne, %convert_element_type3A, %cond3A : i32
      scf.if %cond3A_100 {
        %add3A_147 = arith.constant 1 : i32
        %add3A_148 = arith.addi %add3A_96, %add3A_147 : i32
        %mul3A_149 = arith.constant 40 : i32
        %mul3A_150 = arith.muli %add3A_148, %mul3A_149 : i32
        %add3A_151 = arith.addi %mul3A_4, %mul3A_150 : i32
        "tpu.region"() ({
          %run_scoped3A = tpu.sem_alloc : memref<!tpu.dma_semaphore, #tpu.memory_space<semaphore_mem>>
          %dma_start3A_231 = tpu.memref_slice %arg3[%add3A_151] : memref<320000xi32, #tpu.memory_space<hbm>> -> memref<40xi32, #tpu.memory_space<hbm>>
          %dma_start3A_232 = tpu.memref_slice %arg3[%add3A_151] : memref<320000xi32, #tpu.memory_space<hbm>> -> memref<40xi32, #tpu.memory_space<hbm>>
          tpu.enqueue_dma source(%dma_start3A_232 : memref<40xi32, #tpu.memory_space<hbm>>) target(%arg13 : memref<40xi32, #tpu.memory_space<vmem>>) target_semaphore(%run_scoped3A : memref<!tpu.dma_semaphore, #tpu.memory_space<semaphore_mem>>)
          %dma_wait3A_233 = tpu.memref_slice %arg3[%add3A_151] : memref<320000xi32, #tpu.memory_space<hbm>> -> memref<40xi32, #tpu.memory_space<hbm>>
          %dma_wait3A_234 = tpu.memref_slice %arg3[%add3A_151] : memref<320000xi32, #tpu.memory_space<hbm>> -> memref<40xi32, #tpu.memory_space<hbm>>
          tpu.wait_dma2 semaphore(%run_scoped3A : memref<!tpu.dma_semaphore, #tpu.memory_space<semaphore_mem>>) src(%dma_wait3A_234 : memref<40xi32, #tpu.memory_space<hbm>>) dst(%arg13 : memref<40xi32, #tpu.memory_space<vmem>>)
          tpu.yield
        }) : () -> ()
        "tpu.region"() ({
          %run_scoped3A = tpu.sem_alloc : memref<!tpu.dma_semaphore, #tpu.memory_space<semaphore_mem>>
          %dma_start3A_231 = tpu.memref_slice %arg5[%add3A_151] : memref<320000xi32, #tpu.memory_space<hbm>> -> memref<40xi32, #tpu.memory_space<hbm>>
          %dma_start3A_232 = tpu.memref_slice %arg5[%add3A_151] : memref<320000xi32, #tpu.memory_space<hbm>> -> memref<40xi32, #tpu.memory_space<hbm>>
          tpu.enqueue_dma source(%dma_start3A_232 : memref<40xi32, #tpu.memory_space<hbm>>) target(%arg14 : memref<40xi32, #tpu.memory_space<vmem>>) target_semaphore(%run_scoped3A : memref<!tpu.dma_semaphore, #tpu.memory_space<semaphore_mem>>)
          %dma_wait3A_233 = tpu.memref_slice %arg5[%add3A_151] : memref<320000xi32, #tpu.memory_space<hbm>> -> memref<40xi32, #tpu.memory_space<hbm>>
          %dma_wait3A_234 = tpu.memref_slice %arg5[%add3A_151] : memref<320000xi32, #tpu.memory_space<hbm>> -> memref<40xi32, #tpu.memory_space<hbm>>
          tpu.wait_dma2 semaphore(%run_scoped3A : memref<!tpu.dma_semaphore, #tpu.memory_space<semaphore_mem>>) src(%dma_wait3A_234 : memref<40xi32, #tpu.memory_space<hbm>>) dst(%arg14 : memref<40xi32, #tpu.memory_space<vmem>>)
          tpu.yield
        }) : () -> ()
        %get3A_152 = arith.constant 0 : index
        %get3A_153 = tpu.vector_load %arg13[%get3A_152] {strides = array<i32>} : memref<40xi32, #tpu.memory_space<vmem>>, vector<16xi32>,
        %get3A_154 = vector.shape_cast %get3A_153 : vector<16xi32> to vector<16xi32>
        %mul3A_155 = arith.constant 10000 : i32
        %mul3A_156 = arith.muli %arg0, %mul3A_155 : i32
        %add3A_157 = vector.broadcast %mul3A_156 : i32 to vector<16xi32>
        %add3A_158 = arith.addi %get3A_154, %add3A_157 : vector<16xi32>
        %swap3A_159 = arith.constant 0 : index
        %swap3A_160 = tpu.vector_load %arg15[%swap3A_159] {strides = array<i32>} : memref<40xi32, #tpu.memory_space<vmem>>, vector<16xi32>,
        %swap3A_161 = vector.shape_cast %swap3A_160 : vector<16xi32> to vector<16xi32>
        %swap3A_162 = vector.shape_cast %add3A_158 : vector<16xi32> to vector<16xi32>
        tpu.vector_store %arg15[%swap3A_159], %swap3A_162 {strides = array<i32>} : memref<40xi32, #tpu.memory_space<vmem>>, vector<16xi32>,
        %get3A_163 = arith.constant 0 : index
        %get3A_164 = tpu.vector_load %arg14[%get3A_163] {strides = array<i32>} : memref<40xi32, #tpu.memory_space<vmem>>, vector<16xi32>,
        %get3A_165 = vector.shape_cast %get3A_164 : vector<16xi32> to vector<16xi32>
        %mul3A_166 = arith.constant 10000 : i32
        %mul3A_167 = arith.muli %arg0, %mul3A_166 : i32
        %add3A_168 = vector.broadcast %mul3A_167 : i32 to vector<16xi32>
        %add3A_169 = arith.addi %get3A_165, %add3A_168 : vector<16xi32>
        %swap3A_170 = arith.constant 0 : index
        %swap3A_171 = tpu.vector_load %arg16[%swap3A_170] {strides = array<i32>} : memref<40xi32, #tpu.memory_space<vmem>>, vector<16xi32>,
        %swap3A_172 = vector.shape_cast %swap3A_171 : vector<16xi32> to vector<16xi32>
        %swap3A_173 = vector.shape_cast %add3A_169 : vector<16xi32> to vector<16xi32>
        tpu.vector_store %arg16[%swap3A_170], %swap3A_173 {strides = array<i32>} : memref<40xi32, #tpu.memory_space<vmem>>, vector<16xi32>,
        %get3A_174 = arith.constant 16 : index
        %get3A_175 = tpu.vector_load %arg13[%get3A_174] {strides = array<i32>} : memref<40xi32, #tpu.memory_space<vmem>>, vector<16xi32>,
        %get3A_176 = vector.shape_cast %get3A_175 : vector<16xi32> to vector<16xi32>
        %mul3A_177 = arith.constant 10000 : i32
        %mul3A_178 = arith.muli %arg0, %mul3A_177 : i32
        %add3A_179 = vector.broadcast %mul3A_178 : i32 to vector<16xi32>
        %add3A_180 = arith.addi %get3A_176, %add3A_179 : vector<16xi32>
        %swap3A_181 = arith.constant 16 : index
        %swap3A_182 = tpu.vector_load %arg15[%swap3A_181] {strides = array<i32>} : memref<40xi32, #tpu.memory_space<vmem>>, vector<16xi32>,
        %swap3A_183 = vector.shape_cast %swap3A_182 : vector<16xi32> to vector<16xi32>
        %swap3A_184 = vector.shape_cast %add3A_180 : vector<16xi32> to vector<16xi32>
        tpu.vector_store %arg15[%swap3A_181], %swap3A_184 {strides = array<i32>} : memref<40xi32, #tpu.memory_space<vmem>>, vector<16xi32>,
        %get3A_185 = arith.constant 16 : index
        %get3A_186 = tpu.vector_load %arg14[%get3A_185] {strides = array<i32>} : memref<40xi32, #tpu.memory_space<vmem>>, vector<16xi32>,
        %get3A_187 = vector.shape_cast %get3A_186 : vector<16xi32> to vector<16xi32>
        %mul3A_188 = arith.constant 10000 : i32
        %mul3A_189 = arith.muli %arg0, %mul3A_188 : i32
        %add3A_190 = vector.broadcast %mul3A_189 : i32 to vector<16xi32>
        %add3A_191 = arith.addi %get3A_187, %add3A_190 : vector<16xi32>
        %swap3A_192 = arith.constant 16 : index
        %swap3A_193 = tpu.vector_load %arg16[%swap3A_192] {strides = array<i32>} : memref<40xi32, #tpu.memory_space<vmem>>, vector<16xi32>,
        %swap3A_194 = vector.shape_cast %swap3A_193 : vector<16xi32> to vector<16xi32>
        %swap3A_195 = vector.shape_cast %add3A_191 : vector<16xi32> to vector<16xi32>
        tpu.vector_store %arg16[%swap3A_192], %swap3A_195 {strides = array<i32>} : memref<40xi32, #tpu.memory_space<vmem>>, vector<16xi32>,
        %get3A_196 = arith.constant 24 : index
        %get3A_197 = tpu.vector_load %arg13[%get3A_196] {strides = array<i32>} : memref<40xi32, #tpu.memory_space<vmem>>, vector<16xi32>,
        %get3A_198 = vector.shape_cast %get3A_197 : vector<16xi32> to vector<16xi32>
        %mul3A_199 = arith.constant 10000 : i32
        %mul3A_200 = arith.muli %arg0, %mul3A_199 : i32
        %add3A_201 = vector.broadcast %mul3A_200 : i32 to vector<16xi32>
        %add3A_202 = arith.addi %get3A_198, %add3A_201 : vector<16xi32>
        %swap3A_203 = arith.constant 24 : index
        %swap3A_204 = tpu.vector_load %arg15[%swap3A_203] {strides = array<i32>} : memref<40xi32, #tpu.memory_space<vmem>>, vector<16xi32>,
        %swap3A_205 = vector.shape_cast %swap3A_204 : vector<16xi32> to vector<16xi32>
        %swap3A_206 = vector.shape_cast %add3A_202 : vector<16xi32> to vector<16xi32>
        tpu.vector_store %arg15[%swap3A_203], %swap3A_206 {strides = array<i32>} : memref<40xi32, #tpu.memory_space<vmem>>, vector<16xi32>,
        %get3A_207 = arith.constant 24 : index
        %get3A_208 = tpu.vector_load %arg14[%get3A_207] {strides = array<i32>} : memref<40xi32, #tpu.memory_space<vmem>>, vector<16xi32>,
        %get3A_209 = vector.shape_cast %get3A_208 : vector<16xi32> to vector<16xi32>
        %mul3A_210 = arith.constant 10000 : i32
        %mul3A_211 = arith.muli %arg0, %mul3A_210 : i32
        %add3A_212 = vector.broadcast %mul3A_211 : i32 to vector<16xi32>
        %add3A_213 = arith.addi %get3A_209, %add3A_212 : vector<16xi32>
        %swap3A_214 = arith.constant 24 : index
        %swap3A_215 = tpu.vector_load %arg16[%swap3A_214] {strides = array<i32>} : memref<40xi32, #tpu.memory_space<vmem>>, vector<16xi32>,
        %swap3A_216 = vector.shape_cast %swap3A_215 : vector<16xi32> to vector<16xi32>
        %swap3A_217 = vector.shape_cast %add3A_213 : vector<16xi32> to vector<16xi32>
        tpu.vector_store %arg16[%swap3A_214], %swap3A_217 {strides = array<i32>} : memref<40xi32, #tpu.memory_space<vmem>>, vector<16xi32>,
        %dma_start3A_218 = arith.constant 0 : i32
        %dma_start3A_219 = arith.constant 0 : i32
        %dma_start3A_220 = tpu.memref_slice %arg2[%dma_start3A_218, %dma_start3A_219] : memref<20000x128xf32, #tpu.memory_space<hbm>> -> memref<20000x128xf32, #tpu.memory_space<hbm>>
        tpu.enqueue_indirect_dma source(%dma_start3A_220 : memref<20000x128xf32, #tpu.memory_space<hbm>>) target(%arg20 : memref<40x128xf32, #tpu.memory_space<vmem>>) offsets(%arg15 : memref<40xi32, #tpu.memory_space<vmem>>) semaphore(%arg27 : memref<!tpu.dma_semaphore, #tpu.memory_space<semaphore_mem>>)
        %dma_start3A_221 = arith.constant 0 : i32
        %dma_start3A_222 = arith.constant 0 : i32
        %dma_start3A_223 = tpu.memref_slice %arg4[%dma_start3A_221, %dma_start3A_222] : memref<20000x128xf32, #tpu.memory_space<hbm>> -> memref<20000x128xf32, #tpu.memory_space<hbm>>
        tpu.enqueue_indirect_dma source(%dma_start3A_223 : memref<20000x128xf32, #tpu.memory_space<hbm>>) target(%arg21 : memref<40x128xf32, #tpu.memory_space<vmem>>) offsets(%arg16 : memref<40xi32, #tpu.memory_space<vmem>>) semaphore(%arg28 : memref<!tpu.dma_semaphore, #tpu.memory_space<semaphore_mem>>)
        %mul3A_224 = arith.constant 320000 : i32
        %mul3A_225 = arith.muli %arg0, %mul3A_224 : i32
        %add3A_226 = arith.addi %mul3A_225, %add3A_151 : i32
        %dma_start3A_227 = arith.constant 0 : i32
        %dma_start3A_228 = tpu.memref_slice %arg6[%add3A_226, %dma_start3A_227] : memref<640000x128xf32, #tpu.memory_space<hbm>> -> memref<40x128xf32, #tpu.memory_space<hbm>>
        %dma_start3A_229 = arith.constant 0 : i32
        %dma_start3A_230 = tpu.memref_slice %arg6[%add3A_226, %dma_start3A_229] : memref<640000x128xf32, #tpu.memory_space<hbm>> -> memref<40x128xf32, #tpu.memory_space<hbm>>
        tpu.enqueue_dma source(%dma_start3A_230 : memref<40x128xf32, #tpu.memory_space<hbm>>) target(%arg22 : memref<40x128xf32, #tpu.memory_space<vmem>>) target_semaphore(%arg29 : memref<!tpu.dma_semaphore, #tpu.memory_space<semaphore_mem>>)
      } else {
      }
      %dma_wait3A = arith.constant 0 : i32
      %dma_wait3A_101 = arith.constant 0 : i32
      %dma_wait3A_102 = tpu.memref_slice %arg2[%dma_wait3A, %dma_wait3A_101] : memref<20000x128xf32, #tpu.memory_space<hbm>> -> memref<20000x128xf32, #tpu.memory_space<hbm>>
      tpu.wait_indirect_dma semaphore(%arg24 : memref<!tpu.dma_semaphore, #tpu.memory_space<semaphore_mem>>) src(%dma_wait3A_102 : memref<20000x128xf32, #tpu.memory_space<hbm>>) dst(%arg17 : memref<40x128xf32, #tpu.memory_space<vmem>>)
      %dma_wait3A_103 = arith.constant 0 : i32
      %dma_wait3A_104 = arith.constant 0 : i32
      %dma_wait3A_105 = tpu.memref_slice %arg4[%dma_wait3A_103, %dma_wait3A_104] : memref<20000x128xf32, #tpu.memory_space<hbm>> -> memref<20000x128xf32, #tpu.memory_space<hbm>>
      tpu.wait_indirect_dma semaphore(%arg25 : memref<!tpu.dma_semaphore, #tpu.memory_space<semaphore_mem>>) src(%dma_wait3A_105 : memref<20000x128xf32, #tpu.memory_space<hbm>>) dst(%arg18 : memref<40x128xf32, #tpu.memory_space<vmem>>)
      %dma_wait3A_106 = arith.constant 0 : i32
      %dma_wait3A_107 = arith.constant 0 : i32
      %dma_wait3A_108 = tpu.memref_slice %arg6[%dma_wait3A_106, %dma_wait3A_107] : memref<640000x128xf32, #tpu.memory_space<hbm>> -> memref<40x128xf32, #tpu.memory_space<hbm>>
      %dma_wait3A_109 = arith.constant 0 : i32
      %dma_wait3A_110 = arith.constant 0 : i32
      %dma_wait3A_111 = tpu.memref_slice %arg6[%dma_wait3A_109, %dma_wait3A_110] : memref<640000x128xf32, #tpu.memory_space<hbm>> -> memref<40x128xf32, #tpu.memory_space<hbm>>
      tpu.wait_dma2 semaphore(%arg26 : memref<!tpu.dma_semaphore, #tpu.memory_space<semaphore_mem>>) src(%dma_wait3A_111 : memref<40x128xf32, #tpu.memory_space<hbm>>) dst(%arg19 : memref<40x128xf32, #tpu.memory_space<vmem>>)
      %scan3A_112 = arith.constant 0 : i32
      %scan3A_113 = arith.constant 0 : i32
      %scan3A_114 = arith.constant 40 : i32
      %scan3A_115 = arith.addi %scan3A_113, %scan3A_114 : i32
      %scan3A_116 = arith.constant 1 : i32
      scf.for %scan3A_147 = %scan3A_113 to %scan3A_115 step %scan3A_116  : i32 {
        %get3A_148 = arith.index_cast %scan3A_147 : i32 to index
        %get3A_149 = arith.constant 0 : index
        %get3A_150 = tpu.vector_load %arg17[%get3A_148, %get3A_149] {strides = array<i32>} : memref<40x128xf32, #tpu.memory_space<vmem>>, vector<1x16xf32>,
        %get3A_151 = vector.shape_cast %get3A_150 : vector<1x16xf32> to vector<16xf32>
        %get3A_152 = arith.index_cast %scan3A_147 : i32 to index
        %get3A_153 = arith.constant 0 : index
        %get3A_154 = tpu.vector_load %arg18[%get3A_152, %get3A_153] {strides = array<i32>} : memref<40x128xf32, #tpu.memory_space<vmem>>, vector<1x16xf32>,
        %get3A_155 = vector.shape_cast %get3A_154 : vector<1x16xf32> to vector<16xf32>
        %add3A_156 = arith.addf %get3A_151, %get3A_155 : vector<16xf32>
        %get3A_157 = arith.index_cast %scan3A_147 : i32 to index
        %get3A_158 = arith.constant 0 : index
        %get3A_159 = tpu.vector_load %arg19[%get3A_157, %get3A_158] {strides = array<i32>} : memref<40x128xf32, #tpu.memory_space<vmem>>, vector<1x16xf32>,
        %get3A_160 = vector.shape_cast %get3A_159 : vector<1x16xf32> to vector<16xf32>
        %add3A_161 = arith.addf %add3A_156, %get3A_160 : vector<16xf32>
        %max3A = arith.constant 0.000000e+00 : f32
        %max3A_162 = vector.broadcast %max3A : f32 to vector<16xf32>
        %max3A_163 = arith.maximumf %add3A_161, %max3A_162 : vector<16xf32>
        %swap3A_164 = arith.index_cast %scan3A_147 : i32 to index
        %swap3A_165 = arith.constant 0 : index
        %swap3A_166 = tpu.vector_load %arg17[%swap3A_164, %swap3A_165] {strides = array<i32>} : memref<40x128xf32, #tpu.memory_space<vmem>>, vector<1x16xf32>,
        %swap3A_167 = vector.shape_cast %swap3A_166 : vector<1x16xf32> to vector<16xf32>
        %swap3A_168 = vector.shape_cast %max3A_163 : vector<16xf32> to vector<1x16xf32>
        tpu.vector_store %arg17[%swap3A_164, %swap3A_165], %swap3A_168 {strides = array<i32>} : memref<40x128xf32, #tpu.memory_space<vmem>>, vector<1x16xf32>,
        %get3A_169 = arith.index_cast %scan3A_147 : i32 to index
        %get3A_170 = arith.constant 16 : index
        %get3A_171 = tpu.vector_load %arg17[%get3A_169, %get3A_170] {strides = array<i32>} : memref<40x128xf32, #tpu.memory_space<vmem>>, vector<1x16xf32>,
        %get3A_172 = vector.shape_cast %get3A_171 : vector<1x16xf32> to vector<16xf32>
        %get3A_173 = arith.index_cast %scan3A_147 : i32 to index
        %get3A_174 = arith.constant 16 : index
        %get3A_175 = tpu.vector_load %arg18[%get3A_173, %get3A_174] {strides = array<i32>} : memref<40x128xf32, #tpu.memory_space<vmem>>, vector<1x16xf32>,
        %get3A_176 = vector.shape_cast %get3A_175 : vector<1x16xf32> to vector<16xf32>
        %add3A_177 = arith.addf %get3A_172, %get3A_176 : vector<16xf32>
        %get3A_178 = arith.index_cast %scan3A_147 : i32 to index
        %get3A_179 = arith.constant 16 : index
        %get3A_180 = tpu.vector_load %arg19[%get3A_178, %get3A_179] {strides = array<i32>} : memref<40x128xf32, #tpu.memory_space<vmem>>, vector<1x16xf32>,
        %get3A_181 = vector.shape_cast %get3A_180 : vector<1x16xf32> to vector<16xf32>
        %add3A_182 = arith.addf %add3A_177, %get3A_181 : vector<16xf32>
        %max3A_183 = arith.constant 0.000000e+00 : f32
        %max3A_184 = vector.broadcast %max3A_183 : f32 to vector<16xf32>
        %max3A_185 = arith.maximumf %add3A_182, %max3A_184 : vector<16xf32>
        %swap3A_186 = arith.index_cast %scan3A_147 : i32 to index
        %swap3A_187 = arith.constant 16 : index
        %swap3A_188 = tpu.vector_load %arg17[%swap3A_186, %swap3A_187] {strides = array<i32>} : memref<40x128xf32, #tpu.memory_space<vmem>>, vector<1x16xf32>,
        %swap3A_189 = vector.shape_cast %swap3A_188 : vector<1x16xf32> to vector<16xf32>
        %swap3A_190 = vector.shape_cast %max3A_185 : vector<16xf32> to vector<1x16xf32>
        tpu.vector_store %arg17[%swap3A_186, %swap3A_187], %swap3A_190 {strides = array<i32>} : memref<40x128xf32, #tpu.memory_space<vmem>>, vector<1x16xf32>,
        %get3A_191 = arith.index_cast %scan3A_147 : i32 to index
        %get3A_192 = arith.constant 32 : index
        %get3A_193 = tpu.vector_load %arg17[%get3A_191, %get3A_192] {strides = array<i32>} : memref<40x128xf32, #tpu.memory_space<vmem>>, vector<1x16xf32>,
        %get3A_194 = vector.shape_cast %get3A_193 : vector<1x16xf32> to vector<16xf32>
        %get3A_195 = arith.index_cast %scan3A_147 : i32 to index
        %get3A_196 = arith.constant 32 : index
        %get3A_197 = tpu.vector_load %arg18[%get3A_195, %get3A_196] {strides = array<i32>} : memref<40x128xf32, #tpu.memory_space<vmem>>, vector<1x16xf32>,
        %get3A_198 = vector.shape_cast %get3A_197 : vector<1x16xf32> to vector<16xf32>
        %add3A_199 = arith.addf %get3A_194, %get3A_198 : vector<16xf32>
        %get3A_200 = arith.index_cast %scan3A_147 : i32 to index
        %get3A_201 = arith.constant 32 : index
        %get3A_202 = tpu.vector_load %arg19[%get3A_200, %get3A_201] {strides = array<i32>} : memref<40x128xf32, #tpu.memory_space<vmem>>, vector<1x16xf32>,
        %get3A_203 = vector.shape_cast %get3A_202 : vector<1x16xf32> to vector<16xf32>
        %add3A_204 = arith.addf %add3A_199, %get3A_203 : vector<16xf32>
        %max3A_205 = arith.constant 0.000000e+00 : f32
        %max3A_206 = vector.broadcast %max3A_205 : f32 to vector<16xf32>
        %max3A_207 = arith.maximumf %add3A_204, %max3A_206 : vector<16xf32>
        %swap3A_208 = arith.index_cast %scan3A_147 : i32 to index
        %swap3A_209 = arith.constant 32 : index
        %swap3A_210 = tpu.vector_load %arg17[%swap3A_208, %swap3A_209] {strides = array<i32>} : memref<40x128xf32, #tpu.memory_space<vmem>>, vector<1x16xf32>,
        %swap3A_211 = vector.shape_cast %swap3A_210 : vector<1x16xf32> to vector<16xf32>
        %swap3A_212 = vector.shape_cast %max3A_207 : vector<16xf32> to vector<1x16xf32>
        tpu.vector_store %arg17[%swap3A_208, %swap3A_209], %swap3A_212 {strides = array<i32>} : memref<40x128xf32, #tpu.memory_space<vmem>>, vector<1x16xf32>,
        %get3A_213 = arith.index_cast %scan3A_147 : i32 to index
        %get3A_214 = arith.constant 48 : index
        %get3A_215 = tpu.vector_load %arg17[%get3A_213, %get3A_214] {strides = array<i32>} : memref<40x128xf32, #tpu.memory_space<vmem>>, vector<1x16xf32>,
        %get3A_216 = vector.shape_cast %get3A_215 : vector<1x16xf32> to vector<16xf32>
        %get3A_217 = arith.index_cast %scan3A_147 : i32 to index
        %get3A_218 = arith.constant 48 : index
        %get3A_219 = tpu.vector_load %arg18[%get3A_217, %get3A_218] {strides = array<i32>} : memref<40x128xf32, #tpu.memory_space<vmem>>, vector<1x16xf32>,
        %get3A_220 = vector.shape_cast %get3A_219 : vector<1x16xf32> to vector<16xf32>
        %add3A_221 = arith.addf %get3A_216, %get3A_220 : vector<16xf32>
        %get3A_222 = arith.index_cast %scan3A_147 : i32 to index
        %get3A_223 = arith.constant 48 : index
        %get3A_224 = tpu.vector_load %arg19[%get3A_222, %get3A_223] {strides = array<i32>} : memref<40x128xf32, #tpu.memory_space<vmem>>, vector<1x16xf32>,
        %get3A_225 = vector.shape_cast %get3A_224 : vector<1x16xf32> to vector<16xf32>
        %add3A_226 = arith.addf %add3A_221, %get3A_225 : vector<16xf32>
        %max3A_227 = arith.constant 0.000000e+00 : f32
        %max3A_228 = vector.broadcast %max3A_227 : f32 to vector<16xf32>
        %max3A_229 = arith.maximumf %add3A_226, %max3A_228 : vector<16xf32>
        %swap3A_230 = arith.index_cast %scan3A_147 : i32 to index
        %swap3A_231 = arith.constant 48 : index
        %swap3A_232 = tpu.vector_load %arg17[%swap3A_230, %swap3A_231] {strides = array<i32>} : memref<40x128xf32, #tpu.memory_space<vmem>>, vector<1x16xf32>,
        %swap3A_233 = vector.shape_cast %swap3A_232 : vector<1x16xf32> to vector<16xf32>
        %swap3A_234 = vector.shape_cast %max3A_229 : vector<16xf32> to vector<1x16xf32>
        tpu.vector_store %arg17[%swap3A_230, %swap3A_231], %swap3A_234 {strides = array<i32>} : memref<40x128xf32, #tpu.memory_space<vmem>>, vector<1x16xf32>,
        %get3A_235 = arith.index_cast %scan3A_147 : i32 to index
        %get3A_236 = arith.constant 64 : index
        %get3A_237 = tpu.vector_load %arg17[%get3A_235, %get3A_236] {strides = array<i32>} : memref<40x128xf32, #tpu.memory_space<vmem>>, vector<1x16xf32>,
        %get3A_238 = vector.shape_cast %get3A_237 : vector<1x16xf32> to vector<16xf32>
        %get3A_239 = arith.index_cast %scan3A_147 : i32 to index
        %get3A_240 = arith.constant 64 : index
        %get3A_241 = tpu.vector_load %arg18[%get3A_239, %get3A_240] {strides = array<i32>} : memref<40x128xf32, #tpu.memory_space<vmem>>, vector<1x16xf32>,
        %get3A_242 = vector.shape_cast %get3A_241 : vector<1x16xf32> to vector<16xf32>
        %add3A_243 = arith.addf %get3A_238, %get3A_242 : vector<16xf32>
        %get3A_244 = arith.index_cast %scan3A_147 : i32 to index
        %get3A_245 = arith.constant 64 : index
        %get3A_246 = tpu.vector_load %arg19[%get3A_244, %get3A_245] {strides = array<i32>} : memref<40x128xf32, #tpu.memory_space<vmem>>, vector<1x16xf32>,
        %get3A_247 = vector.shape_cast %get3A_246 : vector<1x16xf32> to vector<16xf32>
        %add3A_248 = arith.addf %add3A_243, %get3A_247 : vector<16xf32>
        %max3A_249 = arith.constant 0.000000e+00 : f32
        %max3A_250 = vector.broadcast %max3A_249 : f32 to vector<16xf32>
        %max3A_251 = arith.maximumf %add3A_248, %max3A_250 : vector<16xf32>
        %swap3A_252 = arith.index_cast %scan3A_147 : i32 to index
        %swap3A_253 = arith.constant 64 : index
        %swap3A_254 = tpu.vector_load %arg17[%swap3A_252, %swap3A_253] {strides = array<i32>} : memref<40x128xf32, #tpu.memory_space<vmem>>, vector<1x16xf32>,
        %swap3A_255 = vector.shape_cast %swap3A_254 : vector<1x16xf32> to vector<16xf32>
        %swap3A_256 = vector.shape_cast %max3A_251 : vector<16xf32> to vector<1x16xf32>
        tpu.vector_store %arg17[%swap3A_252, %swap3A_253], %swap3A_256 {strides = array<i32>} : memref<40x128xf32, #tpu.memory_space<vmem>>, vector<1x16xf32>,
        %get3A_257 = arith.index_cast %scan3A_147 : i32 to index
        %get3A_258 = arith.constant 80 : index
        %get3A_259 = tpu.vector_load %arg17[%get3A_257, %get3A_258] {strides = array<i32>} : memref<40x128xf32, #tpu.memory_space<vmem>>, vector<1x16xf32>,
        %get3A_260 = vector.shape_cast %get3A_259 : vector<1x16xf32> to vector<16xf32>
        %get3A_261 = arith.index_cast %scan3A_147 : i32 to index
        %get3A_262 = arith.constant 80 : index
        %get3A_263 = tpu.vector_load %arg18[%get3A_261, %get3A_262] {strides = array<i32>} : memref<40x128xf32, #tpu.memory_space<vmem>>, vector<1x16xf32>,
        %get3A_264 = vector.shape_cast %get3A_263 : vector<1x16xf32> to vector<16xf32>
        %add3A_265 = arith.addf %get3A_260, %get3A_264 : vector<16xf32>
        %get3A_266 = arith.index_cast %scan3A_147 : i32 to index
        %get3A_267 = arith.constant 80 : index
        %get3A_268 = tpu.vector_load %arg19[%get3A_266, %get3A_267] {strides = array<i32>} : memref<40x128xf32, #tpu.memory_space<vmem>>, vector<1x16xf32>,
        %get3A_269 = vector.shape_cast %get3A_268 : vector<1x16xf32> to vector<16xf32>
        %add3A_270 = arith.addf %add3A_265, %get3A_269 : vector<16xf32>
        %max3A_271 = arith.constant 0.000000e+00 : f32
        %max3A_272 = vector.broadcast %max3A_271 : f32 to vector<16xf32>
        %max3A_273 = arith.maximumf %add3A_270, %max3A_272 : vector<16xf32>
        %swap3A_274 = arith.index_cast %scan3A_147 : i32 to index
        %swap3A_275 = arith.constant 80 : index
        %swap3A_276 = tpu.vector_load %arg17[%swap3A_274, %swap3A_275] {strides = array<i32>} : memref<40x128xf32, #tpu.memory_space<vmem>>, vector<1x16xf32>,
        %swap3A_277 = vector.shape_cast %swap3A_276 : vector<1x16xf32> to vector<16xf32>
        %swap3A_278 = vector.shape_cast %max3A_273 : vector<16xf32> to vector<1x16xf32>
        tpu.vector_store %arg17[%swap3A_274, %swap3A_275], %swap3A_278 {strides = array<i32>} : memref<40x128xf32, #tpu.memory_space<vmem>>, vector<1x16xf32>,
        %get3A_279 = arith.index_cast %scan3A_147 : i32 to index
        %get3A_280 = arith.constant 96 : index
        %get3A_281 = tpu.vector_load %arg17[%get3A_279, %get3A_280] {strides = array<i32>} : memref<40x128xf32, #tpu.memory_space<vmem>>, vector<1x16xf32>,
        %get3A_282 = vector.shape_cast %get3A_281 : vector<1x16xf32> to vector<16xf32>
        %get3A_283 = arith.index_cast %scan3A_147 : i32 to index
        %get3A_284 = arith.constant 96 : index
        %get3A_285 = tpu.vector_load %arg18[%get3A_283, %get3A_284] {strides = array<i32>} : memref<40x128xf32, #tpu.memory_space<vmem>>, vector<1x16xf32>,
        %get3A_286 = vector.shape_cast %get3A_285 : vector<1x16xf32> to vector<16xf32>
        %add3A_287 = arith.addf %get3A_282, %get3A_286 : vector<16xf32>
        %get3A_288 = arith.index_cast %scan3A_147 : i32 to index
        %get3A_289 = arith.constant 96 : index
        %get3A_290 = tpu.vector_load %arg19[%get3A_288, %get3A_289] {strides = array<i32>} : memref<40x128xf32, #tpu.memory_space<vmem>>, vector<1x16xf32>,
        %get3A_291 = vector.shape_cast %get3A_290 : vector<1x16xf32> to vector<16xf32>
        %add3A_292 = arith.addf %add3A_287, %get3A_291 : vector<16xf32>
        %max3A_293 = arith.constant 0.000000e+00 : f32
        %max3A_294 = vector.broadcast %max3A_293 : f32 to vector<16xf32>
        %max3A_295 = arith.maximumf %add3A_292, %max3A_294 : vector<16xf32>
        %swap3A_296 = arith.index_cast %scan3A_147 : i32 to index
        %swap3A_297 = arith.constant 96 : index
        %swap3A_298 = tpu.vector_load %arg17[%swap3A_296, %swap3A_297] {strides = array<i32>} : memref<40x128xf32, #tpu.memory_space<vmem>>, vector<1x16xf32>,
        %swap3A_299 = vector.shape_cast %swap3A_298 : vector<1x16xf32> to vector<16xf32>
        %swap3A_300 = vector.shape_cast %max3A_295 : vector<16xf32> to vector<1x16xf32>
        tpu.vector_store %arg17[%swap3A_296, %swap3A_297], %swap3A_300 {strides = array<i32>} : memref<40x128xf32, #tpu.memory_space<vmem>>, vector<1x16xf32>,
        %get3A_301 = arith.index_cast %scan3A_147 : i32 to index
        %get3A_302 = arith.constant 112 : index
        %get3A_303 = tpu.vector_load %arg17[%get3A_301, %get3A_302] {strides = array<i32>} : memref<40x128xf32, #tpu.memory_space<vmem>>, vector<1x16xf32>,
        %get3A_304 = vector.shape_cast %get3A_303 : vector<1x16xf32> to vector<16xf32>
        %get3A_305 = arith.index_cast %scan3A_147 : i32 to index
        %get3A_306 = arith.constant 112 : index
        %get3A_307 = tpu.vector_load %arg18[%get3A_305, %get3A_306] {strides = array<i32>} : memref<40x128xf32, #tpu.memory_space<vmem>>, vector<1x16xf32>,
        %get3A_308 = vector.shape_cast %get3A_307 : vector<1x16xf32> to vector<16xf32>
        %add3A_309 = arith.addf %get3A_304, %get3A_308 : vector<16xf32>
        %get3A_310 = arith.index_cast %scan3A_147 : i32 to index
        %get3A_311 = arith.constant 112 : index
        %get3A_312 = tpu.vector_load %arg19[%get3A_310, %get3A_311] {strides = array<i32>} : memref<40x128xf32, #tpu.memory_space<vmem>>, vector<1x16xf32>,
        %get3A_313 = vector.shape_cast %get3A_312 : vector<1x16xf32> to vector<16xf32>
        %add3A_314 = arith.addf %add3A_309, %get3A_313 : vector<16xf32>
        %max3A_315 = arith.constant 0.000000e+00 : f32
        %max3A_316 = vector.broadcast %max3A_315 : f32 to vector<16xf32>
        %max3A_317 = arith.maximumf %add3A_314, %max3A_316 : vector<16xf32>
        %swap3A_318 = arith.index_cast %scan3A_147 : i32 to index
        %swap3A_319 = arith.constant 112 : index
        %swap3A_320 = tpu.vector_load %arg17[%swap3A_318, %swap3A_319] {strides = array<i32>} : memref<40x128xf32, #tpu.memory_space<vmem>>, vector<1x16xf32>,
        %swap3A_321 = vector.shape_cast %swap3A_320 : vector<1x16xf32> to vector<16xf32>
        %swap3A_322 = vector.shape_cast %max3A_317 : vector<16xf32> to vector<1x16xf32>
        tpu.vector_store %arg17[%swap3A_318, %swap3A_319], %swap3A_322 {strides = array<i32>} : memref<40x128xf32, #tpu.memory_space<vmem>>, vector<1x16xf32>,
      }
      %scan3A_117 = arith.constant 40 : i32
      "tpu.region"() ({
        %run_scoped3A = tpu.sem_alloc : memref<!tpu.dma_semaphore, #tpu.memory_space<semaphore_mem>>
        %dma_start3A_147 = arith.constant 0 : i32
        %dma_start3A_148 = arith.constant 0 : i32
        %dma_start3A_149 = tpu.memref_slice %arg23[%dma_start3A_147, %dma_start3A_148] : memref<10112x128xf32, #tpu.memory_space<vmem_shared>> -> memref<10112x128xf32, #tpu.memory_space<vmem_shared>>
        tpu.enqueue_indirect_dma source(%arg17 : memref<40x128xf32, #tpu.memory_space<vmem>>) target(%dma_start3A_149 : memref<10112x128xf32, #tpu.memory_space<vmem_shared>>) offsets(%arg10 : memref<40xi32, #tpu.memory_space<vmem>>) semaphore(%run_scoped3A : memref<!tpu.dma_semaphore, #tpu.memory_space<semaphore_mem>>) {add = true}
        %dma_wait3A_150 = arith.constant 0 : i32
        %dma_wait3A_151 = arith.constant 0 : i32
        %dma_wait3A_152 = tpu.memref_slice %arg23[%dma_wait3A_150, %dma_wait3A_151] : memref<10112x128xf32, #tpu.memory_space<vmem_shared>> -> memref<10112x128xf32, #tpu.memory_space<vmem_shared>>
        tpu.wait_indirect_dma semaphore(%run_scoped3A : memref<!tpu.dma_semaphore, #tpu.memory_space<semaphore_mem>>) src(%arg17 : memref<40x128xf32, #tpu.memory_space<vmem>>) dst(%dma_wait3A_152 : memref<10112x128xf32, #tpu.memory_space<vmem_shared>>)
        tpu.yield
      }) : () -> ()
      %mul3A_118 = arith.constant 2 : i32
      %mul3A_119 = arith.muli %scan3A_92, %mul3A_118 : i32
      %add3A_120 = arith.constant 1 : i32
      %add3A_121 = arith.addi %mul3A_119, %add3A_120 : i32
      %add3A_122 = arith.constant 1 : i32
      %add3A_123 = arith.addi %add3A_121, %add3A_122 : i32
      %lt3A_124 = arith.constant 500 : i32
      %lt3A_125 = arith.cmpi slt, %add3A_123, %lt3A_124 : i32
      %convert_element_type3A_126 = arith.extui %lt3A_125 : i1 to i32
      %cond3A_127 = arith.constant 0 : i32
      %cond3A_128 = arith.cmpi ne, %convert_element_type3A_126, %cond3A_127 : i32
      scf.if %cond3A_128 {
        %add3A_147 = arith.constant 1 : i32
        %add3A_148 = arith.addi %add3A_121, %add3A_147 : i32
        %mul3A_149 = arith.constant 40 : i32
        %mul3A_150 = arith.muli %add3A_148, %mul3A_149 : i32
        %add3A_151 = arith.addi %mul3A_4, %mul3A_150 : i32
        "tpu.region"() ({
          %run_scoped3A = tpu.sem_alloc : memref<!tpu.dma_semaphore, #tpu.memory_space<semaphore_mem>>
          %dma_start3A_231 = tpu.memref_slice %arg3[%add3A_151] : memref<320000xi32, #tpu.memory_space<hbm>> -> memref<40xi32, #tpu.memory_space<hbm>>
          %dma_start3A_232 = tpu.memref_slice %arg3[%add3A_151] : memref<320000xi32, #tpu.memory_space<hbm>> -> memref<40xi32, #tpu.memory_space<hbm>>
          tpu.enqueue_dma source(%dma_start3A_232 : memref<40xi32, #tpu.memory_space<hbm>>) target(%arg9 : memref<40xi32, #tpu.memory_space<vmem>>) target_semaphore(%run_scoped3A : memref<!tpu.dma_semaphore, #tpu.memory_space<semaphore_mem>>)
          %dma_wait3A_233 = tpu.memref_slice %arg3[%add3A_151] : memref<320000xi32, #tpu.memory_space<hbm>> -> memref<40xi32, #tpu.memory_space<hbm>>
          %dma_wait3A_234 = tpu.memref_slice %arg3[%add3A_151] : memref<320000xi32, #tpu.memory_space<hbm>> -> memref<40xi32, #tpu.memory_space<hbm>>
          tpu.wait_dma2 semaphore(%run_scoped3A : memref<!tpu.dma_semaphore, #tpu.memory_space<semaphore_mem>>) src(%dma_wait3A_234 : memref<40xi32, #tpu.memory_space<hbm>>) dst(%arg9 : memref<40xi32, #tpu.memory_space<vmem>>)
          tpu.yield
        }) : () -> ()
        "tpu.region"() ({
          %run_scoped3A = tpu.sem_alloc : memref<!tpu.dma_semaphore, #tpu.memory_space<semaphore_mem>>
          %dma_start3A_231 = tpu.memref_slice %arg5[%add3A_151] : memref<320000xi32, #tpu.memory_space<hbm>> -> memref<40xi32, #tpu.memory_space<hbm>>
          %dma_start3A_232 = tpu.memref_slice %arg5[%add3A_151] : memref<320000xi32, #tpu.memory_space<hbm>> -> memref<40xi32, #tpu.memory_space<hbm>>
          tpu.enqueue_dma source(%dma_start3A_232 : memref<40xi32, #tpu.memory_space<hbm>>) target(%arg10 : memref<40xi32, #tpu.memory_space<vmem>>) target_semaphore(%run_scoped3A : memref<!tpu.dma_semaphore, #tpu.memory_space<semaphore_mem>>)
          %dma_wait3A_233 = tpu.memref_slice %arg5[%add3A_151] : memref<320000xi32, #tpu.memory_space<hbm>> -> memref<40xi32, #tpu.memory_space<hbm>>
          %dma_wait3A_234 = tpu.memref_slice %arg5[%add3A_151] : memref<320000xi32, #tpu.memory_space<hbm>> -> memref<40xi32, #tpu.memory_space<hbm>>
          tpu.wait_dma2 semaphore(%run_scoped3A : memref<!tpu.dma_semaphore, #tpu.memory_space<semaphore_mem>>) src(%dma_wait3A_234 : memref<40xi32, #tpu.memory_space<hbm>>) dst(%arg10 : memref<40xi32, #tpu.memory_space<vmem>>)
          tpu.yield
        }) : () -> ()
        %get3A_152 = arith.constant 0 : index
        %get3A_153 = tpu.vector_load %arg9[%get3A_152] {strides = array<i32>} : memref<40xi32, #tpu.memory_space<vmem>>, vector<16xi32>,
        %get3A_154 = vector.shape_cast %get3A_153 : vector<16xi32> to vector<16xi32>
        %mul3A_155 = arith.constant 10000 : i32
        %mul3A_156 = arith.muli %arg0, %mul3A_155 : i32
        %add3A_157 = vector.broadcast %mul3A_156 : i32 to vector<16xi32>
        %add3A_158 = arith.addi %get3A_154, %add3A_157 : vector<16xi32>
        %swap3A_159 = arith.constant 0 : index
        %swap3A_160 = tpu.vector_load %arg11[%swap3A_159] {strides = array<i32>} : memref<40xi32, #tpu.memory_space<vmem>>, vector<16xi32>,
        %swap3A_161 = vector.shape_cast %swap3A_160 : vector<16xi32> to vector<16xi32>
        %swap3A_162 = vector.shape_cast %add3A_158 : vector<16xi32> to vector<16xi32>
        tpu.vector_store %arg11[%swap3A_159], %swap3A_162 {strides = array<i32>} : memref<40xi32, #tpu.memory_space<vmem>>, vector<16xi32>,
        %get3A_163 = arith.constant 0 : index
        %get3A_164 = tpu.vector_load %arg10[%get3A_163] {strides = array<i32>} : memref<40xi32, #tpu.memory_space<vmem>>, vector<16xi32>,
        %get3A_165 = vector.shape_cast %get3A_164 : vector<16xi32> to vector<16xi32>
        %mul3A_166 = arith.constant 10000 : i32
        %mul3A_167 = arith.muli %arg0, %mul3A_166 : i32
        %add3A_168 = vector.broadcast %mul3A_167 : i32 to vector<16xi32>
        %add3A_169 = arith.addi %get3A_165, %add3A_168 : vector<16xi32>
        %swap3A_170 = arith.constant 0 : index
        %swap3A_171 = tpu.vector_load %arg12[%swap3A_170] {strides = array<i32>} : memref<40xi32, #tpu.memory_space<vmem>>, vector<16xi32>,
        %swap3A_172 = vector.shape_cast %swap3A_171 : vector<16xi32> to vector<16xi32>
        %swap3A_173 = vector.shape_cast %add3A_169 : vector<16xi32> to vector<16xi32>
        tpu.vector_store %arg12[%swap3A_170], %swap3A_173 {strides = array<i32>} : memref<40xi32, #tpu.memory_space<vmem>>, vector<16xi32>,
        %get3A_174 = arith.constant 16 : index
        %get3A_175 = tpu.vector_load %arg9[%get3A_174] {strides = array<i32>} : memref<40xi32, #tpu.memory_space<vmem>>, vector<16xi32>,
        %get3A_176 = vector.shape_cast %get3A_175 : vector<16xi32> to vector<16xi32>
        %mul3A_177 = arith.constant 10000 : i32
        %mul3A_178 = arith.muli %arg0, %mul3A_177 : i32
        %add3A_179 = vector.broadcast %mul3A_178 : i32 to vector<16xi32>
        %add3A_180 = arith.addi %get3A_176, %add3A_179 : vector<16xi32>
        %swap3A_181 = arith.constant 16 : index
        %swap3A_182 = tpu.vector_load %arg11[%swap3A_181] {strides = array<i32>} : memref<40xi32, #tpu.memory_space<vmem>>, vector<16xi32>,
        %swap3A_183 = vector.shape_cast %swap3A_182 : vector<16xi32> to vector<16xi32>
        %swap3A_184 = vector.shape_cast %add3A_180 : vector<16xi32> to vector<16xi32>
        tpu.vector_store %arg11[%swap3A_181], %swap3A_184 {strides = array<i32>} : memref<40xi32, #tpu.memory_space<vmem>>, vector<16xi32>,
        %get3A_185 = arith.constant 16 : index
        %get3A_186 = tpu.vector_load %arg10[%get3A_185] {strides = array<i32>} : memref<40xi32, #tpu.memory_space<vmem>>, vector<16xi32>,
        %get3A_187 = vector.shape_cast %get3A_186 : vector<16xi32> to vector<16xi32>
        %mul3A_188 = arith.constant 10000 : i32
        %mul3A_189 = arith.muli %arg0, %mul3A_188 : i32
        %add3A_190 = vector.broadcast %mul3A_189 : i32 to vector<16xi32>
        %add3A_191 = arith.addi %get3A_187, %add3A_190 : vector<16xi32>
        %swap3A_192 = arith.constant 16 : index
        %swap3A_193 = tpu.vector_load %arg12[%swap3A_192] {strides = array<i32>} : memref<40xi32, #tpu.memory_space<vmem>>, vector<16xi32>,
        %swap3A_194 = vector.shape_cast %swap3A_193 : vector<16xi32> to vector<16xi32>
        %swap3A_195 = vector.shape_cast %add3A_191 : vector<16xi32> to vector<16xi32>
        tpu.vector_store %arg12[%swap3A_192], %swap3A_195 {strides = array<i32>} : memref<40xi32, #tpu.memory_space<vmem>>, vector<16xi32>,
        %get3A_196 = arith.constant 24 : index
        %get3A_197 = tpu.vector_load %arg9[%get3A_196] {strides = array<i32>} : memref<40xi32, #tpu.memory_space<vmem>>, vector<16xi32>,
        %get3A_198 = vector.shape_cast %get3A_197 : vector<16xi32> to vector<16xi32>
        %mul3A_199 = arith.constant 10000 : i32
        %mul3A_200 = arith.muli %arg0, %mul3A_199 : i32
        %add3A_201 = vector.broadcast %mul3A_200 : i32 to vector<16xi32>
        %add3A_202 = arith.addi %get3A_198, %add3A_201 : vector<16xi32>
        %swap3A_203 = arith.constant 24 : index
        %swap3A_204 = tpu.vector_load %arg11[%swap3A_203] {strides = array<i32>} : memref<40xi32, #tpu.memory_space<vmem>>, vector<16xi32>,
        %swap3A_205 = vector.shape_cast %swap3A_204 : vector<16xi32> to vector<16xi32>
        %swap3A_206 = vector.shape_cast %add3A_202 : vector<16xi32> to vector<16xi32>
        tpu.vector_store %arg11[%swap3A_203], %swap3A_206 {strides = array<i32>} : memref<40xi32, #tpu.memory_space<vmem>>, vector<16xi32>,
        %get3A_207 = arith.constant 24 : index
        %get3A_208 = tpu.vector_load %arg10[%get3A_207] {strides = array<i32>} : memref<40xi32, #tpu.memory_space<vmem>>, vector<16xi32>,
        %get3A_209 = vector.shape_cast %get3A_208 : vector<16xi32> to vector<16xi32>
        %mul3A_210 = arith.constant 10000 : i32
        %mul3A_211 = arith.muli %arg0, %mul3A_210 : i32
        %add3A_212 = vector.broadcast %mul3A_211 : i32 to vector<16xi32>
        %add3A_213 = arith.addi %get3A_209, %add3A_212 : vector<16xi32>
        %swap3A_214 = arith.constant 24 : index
        %swap3A_215 = tpu.vector_load %arg12[%swap3A_214] {strides = array<i32>} : memref<40xi32, #tpu.memory_space<vmem>>, vector<16xi32>,
        %swap3A_216 = vector.shape_cast %swap3A_215 : vector<16xi32> to vector<16xi32>
        %swap3A_217 = vector.shape_cast %add3A_213 : vector<16xi32> to vector<16xi32>
        tpu.vector_store %arg12[%swap3A_214], %swap3A_217 {strides = array<i32>} : memref<40xi32, #tpu.memory_space<vmem>>, vector<16xi32>,
        %dma_start3A_218 = arith.constant 0 : i32
        %dma_start3A_219 = arith.constant 0 : i32
        %dma_start3A_220 = tpu.memref_slice %arg2[%dma_start3A_218, %dma_start3A_219] : memref<20000x128xf32, #tpu.memory_space<hbm>> -> memref<20000x128xf32, #tpu.memory_space<hbm>>
        tpu.enqueue_indirect_dma source(%dma_start3A_220 : memref<20000x128xf32, #tpu.memory_space<hbm>>) target(%arg17 : memref<40x128xf32, #tpu.memory_space<vmem>>) offsets(%arg11 : memref<40xi32, #tpu.memory_space<vmem>>) semaphore(%arg24 : memref<!tpu.dma_semaphore, #tpu.memory_space<semaphore_mem>>)
        %dma_start3A_221 = arith.constant 0 : i32
        %dma_start3A_222 = arith.constant 0 : i32
        %dma_start3A_223 = tpu.memref_slice %arg4[%dma_start3A_221, %dma_start3A_222] : memref<20000x128xf32, #tpu.memory_space<hbm>> -> memref<20000x128xf32, #tpu.memory_space<hbm>>
        tpu.enqueue_indirect_dma source(%dma_start3A_223 : memref<20000x128xf32, #tpu.memory_space<hbm>>) target(%arg18 : memref<40x128xf32, #tpu.memory_space<vmem>>) offsets(%arg12 : memref<40xi32, #tpu.memory_space<vmem>>) semaphore(%arg25 : memref<!tpu.dma_semaphore, #tpu.memory_space<semaphore_mem>>)
        %mul3A_224 = arith.constant 320000 : i32
        %mul3A_225 = arith.muli %arg0, %mul3A_224 : i32
        %add3A_226 = arith.addi %mul3A_225, %add3A_151 : i32
        %dma_start3A_227 = arith.constant 0 : i32
        %dma_start3A_228 = tpu.memref_slice %arg6[%add3A_226, %dma_start3A_227] : memref<640000x128xf32, #tpu.memory_space<hbm>> -> memref<40x128xf32, #tpu.memory_space<hbm>>
        %dma_start3A_229 = arith.constant 0 : i32
        %dma_start3A_230 = tpu.memref_slice %arg6[%add3A_226, %dma_start3A_229] : memref<640000x128xf32, #tpu.memory_space<hbm>> -> memref<40x128xf32, #tpu.memory_space<hbm>>
        tpu.enqueue_dma source(%dma_start3A_230 : memref<40x128xf32, #tpu.memory_space<hbm>>) target(%arg19 : memref<40x128xf32, #tpu.memory_space<vmem>>) target_semaphore(%arg26 : memref<!tpu.dma_semaphore, #tpu.memory_space<semaphore_mem>>)
      } else {
      }
      %dma_wait3A_129 = arith.constant 0 : i32
      %dma_wait3A_130 = arith.constant 0 : i32
      %dma_wait3A_131 = tpu.memref_slice %arg2[%dma_wait3A_129, %dma_wait3A_130] : memref<20000x128xf32, #tpu.memory_space<hbm>> -> memref<20000x128xf32, #tpu.memory_space<hbm>>
      tpu.wait_indirect_dma semaphore(%arg27 : memref<!tpu.dma_semaphore, #tpu.memory_space<semaphore_mem>>) src(%dma_wait3A_131 : memref<20000x128xf32, #tpu.memory_space<hbm>>) dst(%arg20 : memref<40x128xf32, #tpu.memory_space<vmem>>)
      %dma_wait3A_132 = arith.constant 0 : i32
      %dma_wait3A_133 = arith.constant 0 : i32
      %dma_wait3A_134 = tpu.memref_slice %arg4[%dma_wait3A_132, %dma_wait3A_133] : memref<20000x128xf32, #tpu.memory_space<hbm>> -> memref<20000x128xf32, #tpu.memory_space<hbm>>
      tpu.wait_indirect_dma semaphore(%arg28 : memref<!tpu.dma_semaphore, #tpu.memory_space<semaphore_mem>>) src(%dma_wait3A_134 : memref<20000x128xf32, #tpu.memory_space<hbm>>) dst(%arg21 : memref<40x128xf32, #tpu.memory_space<vmem>>)
      %dma_wait3A_135 = arith.constant 0 : i32
      %dma_wait3A_136 = arith.constant 0 : i32
      %dma_wait3A_137 = tpu.memref_slice %arg6[%dma_wait3A_135, %dma_wait3A_136] : memref<640000x128xf32, #tpu.memory_space<hbm>> -> memref<40x128xf32, #tpu.memory_space<hbm>>
      %dma_wait3A_138 = arith.constant 0 : i32
      %dma_wait3A_139 = arith.constant 0 : i32
      %dma_wait3A_140 = tpu.memref_slice %arg6[%dma_wait3A_138, %dma_wait3A_139] : memref<640000x128xf32, #tpu.memory_space<hbm>> -> memref<40x128xf32, #tpu.memory_space<hbm>>
      tpu.wait_dma2 semaphore(%arg29 : memref<!tpu.dma_semaphore, #tpu.memory_space<semaphore_mem>>) src(%dma_wait3A_140 : memref<40x128xf32, #tpu.memory_space<hbm>>) dst(%arg22 : memref<40x128xf32, #tpu.memory_space<vmem>>)
      %scan3A_141 = arith.constant 0 : i32
      %scan3A_142 = arith.constant 0 : i32
      %scan3A_143 = arith.constant 40 : i32
      %scan3A_144 = arith.addi %scan3A_142, %scan3A_143 : i32
      %scan3A_145 = arith.constant 1 : i32
      scf.for %scan3A_147 = %scan3A_142 to %scan3A_144 step %scan3A_145  : i32 {
        %get3A_148 = arith.index_cast %scan3A_147 : i32 to index
        %get3A_149 = arith.constant 0 : index
        %get3A_150 = tpu.vector_load %arg20[%get3A_148, %get3A_149] {strides = array<i32>} : memref<40x128xf32, #tpu.memory_space<vmem>>, vector<1x16xf32>,
        %get3A_151 = vector.shape_cast %get3A_150 : vector<1x16xf32> to vector<16xf32>
        %get3A_152 = arith.index_cast %scan3A_147 : i32 to index
        %get3A_153 = arith.constant 0 : index
        %get3A_154 = tpu.vector_load %arg21[%get3A_152, %get3A_153] {strides = array<i32>} : memref<40x128xf32, #tpu.memory_space<vmem>>, vector<1x16xf32>,
        %get3A_155 = vector.shape_cast %get3A_154 : vector<1x16xf32> to vector<16xf32>
        %add3A_156 = arith.addf %get3A_151, %get3A_155 : vector<16xf32>
        %get3A_157 = arith.index_cast %scan3A_147 : i32 to index
        %get3A_158 = arith.constant 0 : index
        %get3A_159 = tpu.vector_load %arg22[%get3A_157, %get3A_158] {strides = array<i32>} : memref<40x128xf32, #tpu.memory_space<vmem>>, vector<1x16xf32>,
        %get3A_160 = vector.shape_cast %get3A_159 : vector<1x16xf32> to vector<16xf32>
        %add3A_161 = arith.addf %add3A_156, %get3A_160 : vector<16xf32>
        %max3A = arith.constant 0.000000e+00 : f32
        %max3A_162 = vector.broadcast %max3A : f32 to vector<16xf32>
        %max3A_163 = arith.maximumf %add3A_161, %max3A_162 : vector<16xf32>
        %swap3A_164 = arith.index_cast %scan3A_147 : i32 to index
        %swap3A_165 = arith.constant 0 : index
        %swap3A_166 = tpu.vector_load %arg20[%swap3A_164, %swap3A_165] {strides = array<i32>} : memref<40x128xf32, #tpu.memory_space<vmem>>, vector<1x16xf32>,
        %swap3A_167 = vector.shape_cast %swap3A_166 : vector<1x16xf32> to vector<16xf32>
        %swap3A_168 = vector.shape_cast %max3A_163 : vector<16xf32> to vector<1x16xf32>
        tpu.vector_store %arg20[%swap3A_164, %swap3A_165], %swap3A_168 {strides = array<i32>} : memref<40x128xf32, #tpu.memory_space<vmem>>, vector<1x16xf32>,
        %get3A_169 = arith.index_cast %scan3A_147 : i32 to index
        %get3A_170 = arith.constant 16 : index
        %get3A_171 = tpu.vector_load %arg20[%get3A_169, %get3A_170] {strides = array<i32>} : memref<40x128xf32, #tpu.memory_space<vmem>>, vector<1x16xf32>,
        %get3A_172 = vector.shape_cast %get3A_171 : vector<1x16xf32> to vector<16xf32>
        %get3A_173 = arith.index_cast %scan3A_147 : i32 to index
        %get3A_174 = arith.constant 16 : index
        %get3A_175 = tpu.vector_load %arg21[%get3A_173, %get3A_174] {strides = array<i32>} : memref<40x128xf32, #tpu.memory_space<vmem>>, vector<1x16xf32>,
        %get3A_176 = vector.shape_cast %get3A_175 : vector<1x16xf32> to vector<16xf32>
        %add3A_177 = arith.addf %get3A_172, %get3A_176 : vector<16xf32>
        %get3A_178 = arith.index_cast %scan3A_147 : i32 to index
        %get3A_179 = arith.constant 16 : index
        %get3A_180 = tpu.vector_load %arg22[%get3A_178, %get3A_179] {strides = array<i32>} : memref<40x128xf32, #tpu.memory_space<vmem>>, vector<1x16xf32>,
        %get3A_181 = vector.shape_cast %get3A_180 : vector<1x16xf32> to vector<16xf32>
        %add3A_182 = arith.addf %add3A_177, %get3A_181 : vector<16xf32>
        %max3A_183 = arith.constant 0.000000e+00 : f32
        %max3A_184 = vector.broadcast %max3A_183 : f32 to vector<16xf32>
        %max3A_185 = arith.maximumf %add3A_182, %max3A_184 : vector<16xf32>
        %swap3A_186 = arith.index_cast %scan3A_147 : i32 to index
        %swap3A_187 = arith.constant 16 : index
        %swap3A_188 = tpu.vector_load %arg20[%swap3A_186, %swap3A_187] {strides = array<i32>} : memref<40x128xf32, #tpu.memory_space<vmem>>, vector<1x16xf32>,
        %swap3A_189 = vector.shape_cast %swap3A_188 : vector<1x16xf32> to vector<16xf32>
        %swap3A_190 = vector.shape_cast %max3A_185 : vector<16xf32> to vector<1x16xf32>
        tpu.vector_store %arg20[%swap3A_186, %swap3A_187], %swap3A_190 {strides = array<i32>} : memref<40x128xf32, #tpu.memory_space<vmem>>, vector<1x16xf32>,
        %get3A_191 = arith.index_cast %scan3A_147 : i32 to index
        %get3A_192 = arith.constant 32 : index
        %get3A_193 = tpu.vector_load %arg20[%get3A_191, %get3A_192] {strides = array<i32>} : memref<40x128xf32, #tpu.memory_space<vmem>>, vector<1x16xf32>,
        %get3A_194 = vector.shape_cast %get3A_193 : vector<1x16xf32> to vector<16xf32>
        %get3A_195 = arith.index_cast %scan3A_147 : i32 to index
        %get3A_196 = arith.constant 32 : index
        %get3A_197 = tpu.vector_load %arg21[%get3A_195, %get3A_196] {strides = array<i32>} : memref<40x128xf32, #tpu.memory_space<vmem>>, vector<1x16xf32>,
        %get3A_198 = vector.shape_cast %get3A_197 : vector<1x16xf32> to vector<16xf32>
        %add3A_199 = arith.addf %get3A_194, %get3A_198 : vector<16xf32>
        %get3A_200 = arith.index_cast %scan3A_147 : i32 to index
        %get3A_201 = arith.constant 32 : index
        %get3A_202 = tpu.vector_load %arg22[%get3A_200, %get3A_201] {strides = array<i32>} : memref<40x128xf32, #tpu.memory_space<vmem>>, vector<1x16xf32>,
        %get3A_203 = vector.shape_cast %get3A_202 : vector<1x16xf32> to vector<16xf32>
        %add3A_204 = arith.addf %add3A_199, %get3A_203 : vector<16xf32>
        %max3A_205 = arith.constant 0.000000e+00 : f32
        %max3A_206 = vector.broadcast %max3A_205 : f32 to vector<16xf32>
        %max3A_207 = arith.maximumf %add3A_204, %max3A_206 : vector<16xf32>
        %swap3A_208 = arith.index_cast %scan3A_147 : i32 to index
        %swap3A_209 = arith.constant 32 : index
        %swap3A_210 = tpu.vector_load %arg20[%swap3A_208, %swap3A_209] {strides = array<i32>} : memref<40x128xf32, #tpu.memory_space<vmem>>, vector<1x16xf32>,
        %swap3A_211 = vector.shape_cast %swap3A_210 : vector<1x16xf32> to vector<16xf32>
        %swap3A_212 = vector.shape_cast %max3A_207 : vector<16xf32> to vector<1x16xf32>
        tpu.vector_store %arg20[%swap3A_208, %swap3A_209], %swap3A_212 {strides = array<i32>} : memref<40x128xf32, #tpu.memory_space<vmem>>, vector<1x16xf32>,
        %get3A_213 = arith.index_cast %scan3A_147 : i32 to index
        %get3A_214 = arith.constant 48 : index
        %get3A_215 = tpu.vector_load %arg20[%get3A_213, %get3A_214] {strides = array<i32>} : memref<40x128xf32, #tpu.memory_space<vmem>>, vector<1x16xf32>,
        %get3A_216 = vector.shape_cast %get3A_215 : vector<1x16xf32> to vector<16xf32>
        %get3A_217 = arith.index_cast %scan3A_147 : i32 to index
        %get3A_218 = arith.constant 48 : index
        %get3A_219 = tpu.vector_load %arg21[%get3A_217, %get3A_218] {strides = array<i32>} : memref<40x128xf32, #tpu.memory_space<vmem>>, vector<1x16xf32>,
        %get3A_220 = vector.shape_cast %get3A_219 : vector<1x16xf32> to vector<16xf32>
        %add3A_221 = arith.addf %get3A_216, %get3A_220 : vector<16xf32>
        %get3A_222 = arith.index_cast %scan3A_147 : i32 to index
        %get3A_223 = arith.constant 48 : index
        %get3A_224 = tpu.vector_load %arg22[%get3A_222, %get3A_223] {strides = array<i32>} : memref<40x128xf32, #tpu.memory_space<vmem>>, vector<1x16xf32>,
        %get3A_225 = vector.shape_cast %get3A_224 : vector<1x16xf32> to vector<16xf32>
        %add3A_226 = arith.addf %add3A_221, %get3A_225 : vector<16xf32>
        %max3A_227 = arith.constant 0.000000e+00 : f32
        %max3A_228 = vector.broadcast %max3A_227 : f32 to vector<16xf32>
        %max3A_229 = arith.maximumf %add3A_226, %max3A_228 : vector<16xf32>
        %swap3A_230 = arith.index_cast %scan3A_147 : i32 to index
        %swap3A_231 = arith.constant 48 : index
        %swap3A_232 = tpu.vector_load %arg20[%swap3A_230, %swap3A_231] {strides = array<i32>} : memref<40x128xf32, #tpu.memory_space<vmem>>, vector<1x16xf32>,
        %swap3A_233 = vector.shape_cast %swap3A_232 : vector<1x16xf32> to vector<16xf32>
        %swap3A_234 = vector.shape_cast %max3A_229 : vector<16xf32> to vector<1x16xf32>
        tpu.vector_store %arg20[%swap3A_230, %swap3A_231], %swap3A_234 {strides = array<i32>} : memref<40x128xf32, #tpu.memory_space<vmem>>, vector<1x16xf32>,
        %get3A_235 = arith.index_cast %scan3A_147 : i32 to index
        %get3A_236 = arith.constant 64 : index
        %get3A_237 = tpu.vector_load %arg20[%get3A_235, %get3A_236] {strides = array<i32>} : memref<40x128xf32, #tpu.memory_space<vmem>>, vector<1x16xf32>,
        %get3A_238 = vector.shape_cast %get3A_237 : vector<1x16xf32> to vector<16xf32>
        %get3A_239 = arith.index_cast %scan3A_147 : i32 to index
        %get3A_240 = arith.constant 64 : index
        %get3A_241 = tpu.vector_load %arg21[%get3A_239, %get3A_240] {strides = array<i32>} : memref<40x128xf32, #tpu.memory_space<vmem>>, vector<1x16xf32>,
        %get3A_242 = vector.shape_cast %get3A_241 : vector<1x16xf32> to vector<16xf32>
        %add3A_243 = arith.addf %get3A_238, %get3A_242 : vector<16xf32>
        %get3A_244 = arith.index_cast %scan3A_147 : i32 to index
        %get3A_245 = arith.constant 64 : index
        %get3A_246 = tpu.vector_load %arg22[%get3A_244, %get3A_245] {strides = array<i32>} : memref<40x128xf32, #tpu.memory_space<vmem>>, vector<1x16xf32>,
        %get3A_247 = vector.shape_cast %get3A_246 : vector<1x16xf32> to vector<16xf32>
        %add3A_248 = arith.addf %add3A_243, %get3A_247 : vector<16xf32>
        %max3A_249 = arith.constant 0.000000e+00 : f32
        %max3A_250 = vector.broadcast %max3A_249 : f32 to vector<16xf32>
        %max3A_251 = arith.maximumf %add3A_248, %max3A_250 : vector<16xf32>
        %swap3A_252 = arith.index_cast %scan3A_147 : i32 to index
        %swap3A_253 = arith.constant 64 : index
        %swap3A_254 = tpu.vector_load %arg20[%swap3A_252, %swap3A_253] {strides = array<i32>} : memref<40x128xf32, #tpu.memory_space<vmem>>, vector<1x16xf32>,
        %swap3A_255 = vector.shape_cast %swap3A_254 : vector<1x16xf32> to vector<16xf32>
        %swap3A_256 = vector.shape_cast %max3A_251 : vector<16xf32> to vector<1x16xf32>
        tpu.vector_store %arg20[%swap3A_252, %swap3A_253], %swap3A_256 {strides = array<i32>} : memref<40x128xf32, #tpu.memory_space<vmem>>, vector<1x16xf32>,
        %get3A_257 = arith.index_cast %scan3A_147 : i32 to index
        %get3A_258 = arith.constant 80 : index
        %get3A_259 = tpu.vector_load %arg20[%get3A_257, %get3A_258] {strides = array<i32>} : memref<40x128xf32, #tpu.memory_space<vmem>>, vector<1x16xf32>,
        %get3A_260 = vector.shape_cast %get3A_259 : vector<1x16xf32> to vector<16xf32>
        %get3A_261 = arith.index_cast %scan3A_147 : i32 to index
        %get3A_262 = arith.constant 80 : index
        %get3A_263 = tpu.vector_load %arg21[%get3A_261, %get3A_262] {strides = array<i32>} : memref<40x128xf32, #tpu.memory_space<vmem>>, vector<1x16xf32>,
        %get3A_264 = vector.shape_cast %get3A_263 : vector<1x16xf32> to vector<16xf32>
        %add3A_265 = arith.addf %get3A_260, %get3A_264 : vector<16xf32>
        %get3A_266 = arith.index_cast %scan3A_147 : i32 to index
        %get3A_267 = arith.constant 80 : index
        %get3A_268 = tpu.vector_load %arg22[%get3A_266, %get3A_267] {strides = array<i32>} : memref<40x128xf32, #tpu.memory_space<vmem>>, vector<1x16xf32>,
        %get3A_269 = vector.shape_cast %get3A_268 : vector<1x16xf32> to vector<16xf32>
        %add3A_270 = arith.addf %add3A_265, %get3A_269 : vector<16xf32>
        %max3A_271 = arith.constant 0.000000e+00 : f32
        %max3A_272 = vector.broadcast %max3A_271 : f32 to vector<16xf32>
        %max3A_273 = arith.maximumf %add3A_270, %max3A_272 : vector<16xf32>
        %swap3A_274 = arith.index_cast %scan3A_147 : i32 to index
        %swap3A_275 = arith.constant 80 : index
        %swap3A_276 = tpu.vector_load %arg20[%swap3A_274, %swap3A_275] {strides = array<i32>} : memref<40x128xf32, #tpu.memory_space<vmem>>, vector<1x16xf32>,
        %swap3A_277 = vector.shape_cast %swap3A_276 : vector<1x16xf32> to vector<16xf32>
        %swap3A_278 = vector.shape_cast %max3A_273 : vector<16xf32> to vector<1x16xf32>
        tpu.vector_store %arg20[%swap3A_274, %swap3A_275], %swap3A_278 {strides = array<i32>} : memref<40x128xf32, #tpu.memory_space<vmem>>, vector<1x16xf32>,
        %get3A_279 = arith.index_cast %scan3A_147 : i32 to index
        %get3A_280 = arith.constant 96 : index
        %get3A_281 = tpu.vector_load %arg20[%get3A_279, %get3A_280] {strides = array<i32>} : memref<40x128xf32, #tpu.memory_space<vmem>>, vector<1x16xf32>,
        %get3A_282 = vector.shape_cast %get3A_281 : vector<1x16xf32> to vector<16xf32>
        %get3A_283 = arith.index_cast %scan3A_147 : i32 to index
        %get3A_284 = arith.constant 96 : index
        %get3A_285 = tpu.vector_load %arg21[%get3A_283, %get3A_284] {strides = array<i32>} : memref<40x128xf32, #tpu.memory_space<vmem>>, vector<1x16xf32>,
        %get3A_286 = vector.shape_cast %get3A_285 : vector<1x16xf32> to vector<16xf32>
        %add3A_287 = arith.addf %get3A_282, %get3A_286 : vector<16xf32>
        %get3A_288 = arith.index_cast %scan3A_147 : i32 to index
        %get3A_289 = arith.constant 96 : index
        %get3A_290 = tpu.vector_load %arg22[%get3A_288, %get3A_289] {strides = array<i32>} : memref<40x128xf32, #tpu.memory_space<vmem>>, vector<1x16xf32>,
        %get3A_291 = vector.shape_cast %get3A_290 : vector<1x16xf32> to vector<16xf32>
        %add3A_292 = arith.addf %add3A_287, %get3A_291 : vector<16xf32>
        %max3A_293 = arith.constant 0.000000e+00 : f32
        %max3A_294 = vector.broadcast %max3A_293 : f32 to vector<16xf32>
        %max3A_295 = arith.maximumf %add3A_292, %max3A_294 : vector<16xf32>
        %swap3A_296 = arith.index_cast %scan3A_147 : i32 to index
        %swap3A_297 = arith.constant 96 : index
        %swap3A_298 = tpu.vector_load %arg20[%swap3A_296, %swap3A_297] {strides = array<i32>} : memref<40x128xf32, #tpu.memory_space<vmem>>, vector<1x16xf32>,
        %swap3A_299 = vector.shape_cast %swap3A_298 : vector<1x16xf32> to vector<16xf32>
        %swap3A_300 = vector.shape_cast %max3A_295 : vector<16xf32> to vector<1x16xf32>
        tpu.vector_store %arg20[%swap3A_296, %swap3A_297], %swap3A_300 {strides = array<i32>} : memref<40x128xf32, #tpu.memory_space<vmem>>, vector<1x16xf32>,
        %get3A_301 = arith.index_cast %scan3A_147 : i32 to index
        %get3A_302 = arith.constant 112 : index
        %get3A_303 = tpu.vector_load %arg20[%get3A_301, %get3A_302] {strides = array<i32>} : memref<40x128xf32, #tpu.memory_space<vmem>>, vector<1x16xf32>,
        %get3A_304 = vector.shape_cast %get3A_303 : vector<1x16xf32> to vector<16xf32>
        %get3A_305 = arith.index_cast %scan3A_147 : i32 to index
        %get3A_306 = arith.constant 112 : index
        %get3A_307 = tpu.vector_load %arg21[%get3A_305, %get3A_306] {strides = array<i32>} : memref<40x128xf32, #tpu.memory_space<vmem>>, vector<1x16xf32>,
        %get3A_308 = vector.shape_cast %get3A_307 : vector<1x16xf32> to vector<16xf32>
        %add3A_309 = arith.addf %get3A_304, %get3A_308 : vector<16xf32>
        %get3A_310 = arith.index_cast %scan3A_147 : i32 to index
        %get3A_311 = arith.constant 112 : index
        %get3A_312 = tpu.vector_load %arg22[%get3A_310, %get3A_311] {strides = array<i32>} : memref<40x128xf32, #tpu.memory_space<vmem>>, vector<1x16xf32>,
        %get3A_313 = vector.shape_cast %get3A_312 : vector<1x16xf32> to vector<16xf32>
        %add3A_314 = arith.addf %add3A_309, %get3A_313 : vector<16xf32>
        %max3A_315 = arith.constant 0.000000e+00 : f32
        %max3A_316 = vector.broadcast %max3A_315 : f32 to vector<16xf32>
        %max3A_317 = arith.maximumf %add3A_314, %max3A_316 : vector<16xf32>
        %swap3A_318 = arith.index_cast %scan3A_147 : i32 to index
        %swap3A_319 = arith.constant 112 : index
        %swap3A_320 = tpu.vector_load %arg20[%swap3A_318, %swap3A_319] {strides = array<i32>} : memref<40x128xf32, #tpu.memory_space<vmem>>, vector<1x16xf32>,
        %swap3A_321 = vector.shape_cast %swap3A_320 : vector<1x16xf32> to vector<16xf32>
        %swap3A_322 = vector.shape_cast %max3A_317 : vector<16xf32> to vector<1x16xf32>
        tpu.vector_store %arg20[%swap3A_318, %swap3A_319], %swap3A_322 {strides = array<i32>} : memref<40x128xf32, #tpu.memory_space<vmem>>, vector<1x16xf32>,
      }
      %scan3A_146 = arith.constant 40 : i32
      "tpu.region"() ({
        %run_scoped3A = tpu.sem_alloc : memref<!tpu.dma_semaphore, #tpu.memory_space<semaphore_mem>>
        %dma_start3A_147 = arith.constant 0 : i32
        %dma_start3A_148 = arith.constant 0 : i32
        %dma_start3A_149 = tpu.memref_slice %arg23[%dma_start3A_147, %dma_start3A_148] : memref<10112x128xf32, #tpu.memory_space<vmem_shared>> -> memref<10112x128xf32, #tpu.memory_space<vmem_shared>>
        tpu.enqueue_indirect_dma source(%arg20 : memref<40x128xf32, #tpu.memory_space<vmem>>) target(%dma_start3A_149 : memref<10112x128xf32, #tpu.memory_space<vmem_shared>>) offsets(%arg14 : memref<40xi32, #tpu.memory_space<vmem>>) semaphore(%run_scoped3A : memref<!tpu.dma_semaphore, #tpu.memory_space<semaphore_mem>>) {add = true}
        %dma_wait3A_150 = arith.constant 0 : i32
        %dma_wait3A_151 = arith.constant 0 : i32
        %dma_wait3A_152 = tpu.memref_slice %arg23[%dma_wait3A_150, %dma_wait3A_151] : memref<10112x128xf32, #tpu.memory_space<vmem_shared>> -> memref<10112x128xf32, #tpu.memory_space<vmem_shared>>
        tpu.wait_indirect_dma semaphore(%run_scoped3A : memref<!tpu.dma_semaphore, #tpu.memory_space<semaphore_mem>>) src(%arg20 : memref<40x128xf32, #tpu.memory_space<vmem>>) dst(%dma_wait3A_152 : memref<10112x128xf32, #tpu.memory_space<vmem_shared>>)
        tpu.yield
      }) : () -> ()
    }
    %scan3A_86 = arith.constant 250 : i32
    %barrier3A_87 = arith.constant 0 : index
    tpu.barrier barrier_id(%barrier3A_87)
    %mul3A_88 = arith.constant 632 : i32
    %mul3A_89 = arith.muli %arg1, %mul3A_88 : i32
    %mul3A_90 = arith.constant 632 : i32
    %mul3A_91 = arith.muli %arg1, %mul3A_90 : i32
    "tpu.region"() ({
      %run_scoped3A = tpu.sem_alloc : memref<!tpu.dma_semaphore, #tpu.memory_space<semaphore_mem>>
      %dma_start3A_92 = arith.constant 0 : i32
      %dma_start3A_93 = tpu.memref_slice %arg8[%arg0, %mul3A_91, %dma_start3A_92] : memref<2x10112x128xf32, #tpu.memory_space<hbm>> -> memref<1x632x128xf32, #tpu.memory_space<hbm>>
      %dma_start3A_94 = tpu.memref_squeeze %dma_start3A_93 : memref<1x632x128xf32, #tpu.memory_space<hbm>> -> memref<632x128xf32, #tpu.memory_space<hbm>>
      %dma_start3A_95 = arith.constant 0 : i32
      %dma_start3A_96 = tpu.memref_slice %arg23[%mul3A_89, %dma_start3A_95] : memref<10112x128xf32, #tpu.memory_space<vmem_shared>> -> memref<632x128xf32, #tpu.memory_space<vmem_shared>>
      tpu.enqueue_dma source(%dma_start3A_96 : memref<632x128xf32, #tpu.memory_space<vmem_shared>>) target(%dma_start3A_94 : memref<632x128xf32, #tpu.memory_space<hbm>>) target_semaphore(%run_scoped3A : memref<!tpu.dma_semaphore, #tpu.memory_space<semaphore_mem>>)
      %dma_wait3A = arith.constant 0 : i32
      %dma_wait3A_97 = tpu.memref_slice %arg8[%arg0, %mul3A_91, %dma_wait3A] : memref<2x10112x128xf32, #tpu.memory_space<hbm>> -> memref<1x632x128xf32, #tpu.memory_space<hbm>>
      %dma_wait3A_98 = tpu.memref_squeeze %dma_wait3A_97 : memref<1x632x128xf32, #tpu.memory_space<hbm>> -> memref<632x128xf32, #tpu.memory_space<hbm>>
      %dma_wait3A_99 = arith.constant 0 : i32
      %dma_wait3A_100 = tpu.memref_slice %arg23[%mul3A_89, %dma_wait3A_99] : memref<10112x128xf32, #tpu.memory_space<vmem_shared>> -> memref<632x128xf32, #tpu.memory_space<vmem_shared>>
      tpu.wait_dma2 semaphore(%run_scoped3A : memref<!tpu.dma_semaphore, #tpu.memory_space<semaphore_mem>>) src(%dma_wait3A_100 : memref<632x128xf32, #tpu.memory_space<vmem_shared>>) dst(%dma_wait3A_98 : memref<632x128xf32, #tpu.memory_space<hbm>>)
      tpu.yield
    }) : () -> ()
    return
  }
}

#map = affine_map<(d0, d1) -> (0, 0)>
#map1 = affine_map<(d0, d1) -> (0)>
#map2 = affine_map<(d0, d1) -> (0, 0, 0)>
module attributes {stable_mosaic.version = 14 : i64} {
  func.func @body(%arg0: i32, %arg1: i32, %arg2: memref<20000x128xf32, #tpu.memory_space<hbm>>, %arg3: memref<320000xi32, #tpu.memory_space<hbm>>, %arg4: memref<20000x128xf32, #tpu.memory_space<hbm>>, %arg5: memref<320000xi32, #tpu.memory_space<hbm>>, %arg6: memref<640000x128xf32, #tpu.memory_space<hbm>>, %arg7: memref<10112x128xf32, #tpu.memory_space<hbm>>, %arg8: memref<2x10112x128xf32, #tpu.memory_space<hbm>>, %arg9: memref<40xi32, #tpu.memory_space<vmem>>, %arg10: memref<40xi32, #tpu.memory_space<vmem>>, %arg11: memref<40xi32, #tpu.memory_space<vmem>>, %arg12: memref<40xi32, #tpu.memory_space<vmem>>, %arg13: memref<40xi32, #tpu.memory_space<vmem>>, %arg14: memref<40xi32, #tpu.memory_space<vmem>>, %arg15: memref<40xi32, #tpu.memory_space<vmem>>, %arg16: memref<40xi32, #tpu.memory_space<vmem>>, %arg17: memref<40x128xf32, #tpu.memory_space<vmem>>, %arg18: memref<40x128xf32, #tpu.memory_space<vmem>>, %arg19: memref<40x128xf32, #tpu.memory_space<vmem>>, %arg20: memref<40x128xf32, #tpu.memory_space<vmem>>, %arg21: memref<40x128xf32, #tpu.memory_space<vmem>>, %arg22: memref<40x128xf32, #tpu.memory_space<vmem>>, %arg23: memref<10112x128xf32, #tpu.memory_space<vmem_shared>>, %arg24: memref<!tpu.dma_semaphore, #tpu.memory_space<semaphore_mem>>, %arg25: memref<!tpu.dma_semaphore, #tpu.memory_space<semaphore_mem>>, %arg26: memref<!tpu.dma_semaphore, #tpu.memory_space<semaphore_mem>>, %arg27: memref<!tpu.dma_semaphore, #tpu.memory_space<semaphore_mem>>, %arg28: memref<!tpu.dma_semaphore, #tpu.memory_space<semaphore_mem>>, %arg29: memref<!tpu.dma_semaphore, #tpu.memory_space<semaphore_mem>>) attributes {dimension_semantics = [#tpu.dimension_semantics<core_parallel>, #tpu.dimension_semantics<subcore_parallel>], iteration_bounds = array<i64: 2, 16>, scalar_prefetch = 0 : i64, scratch_operands = 21 : i64, tpu.core_type = #tpu.core_type<sc_vector_subcore>, window_params = [{transform_indices = #map}, {transform_indices = #map1}, {transform_indices = #map}, {transform_indices = #map1}, {transform_indices = #map}, {transform_indices = #map}, {transform_indices = #map2}]} {
    %mul3A = arith.constant 632 : i32
    %mul3A_0 = arith.muli %arg1, %mul3A : i32
    %mul3A_1 = arith.constant 632 : i32
    %mul3A_2 = arith.muli %arg1, %mul3A_1 : i32
    "tpu.region"() ({
      %run_scoped3A = tpu.sem_alloc : memref<!tpu.dma_semaphore, #tpu.memory_space<semaphore_mem>>
      %dma_start3A_92 = arith.constant 0 : i32
      %dma_start3A_93 = tpu.memref_slice %arg23[%mul3A_2, %dma_start3A_92] : memref<10112x128xf32, #tpu.memory_space<vmem_shared>> -> memref<632x128xf32, #tpu.memory_space<vmem_shared>>
      %dma_start3A_94 = arith.constant 0 : i32
      %dma_start3A_95 = tpu.memref_slice %arg7[%mul3A_0, %dma_start3A_94] : memref<10112x128xf32, #tpu.memory_space<hbm>> -> memref<632x128xf32, #tpu.memory_space<hbm>>
      tpu.enqueue_dma source(%dma_start3A_95 : memref<632x128xf32, #tpu.memory_space<hbm>>) target(%dma_start3A_93 : memref<632x128xf32, #tpu.memory_space<vmem_shared>>) target_semaphore(%run_scoped3A : memref<!tpu.dma_semaphore, #tpu.memory_space<semaphore_mem>>)
      %dma_wait3A = arith.constant 0 : i32
      %dma_wait3A_96 = tpu.memref_slice %arg23[%mul3A_2, %dma_wait3A] : memref<10112x128xf32, #tpu.memory_space<vmem_shared>> -> memref<632x128xf32, #tpu.memory_space<vmem_shared>>
      %dma_wait3A_97 = arith.constant 0 : i32
      %dma_wait3A_98 = tpu.memref_slice %arg7[%mul3A_0, %dma_wait3A_97] : memref<10112x128xf32, #tpu.memory_space<hbm>> -> memref<632x128xf32, #tpu.memory_space<hbm>>
      tpu.wait_dma2 semaphore(%run_scoped3A : memref<!tpu.dma_semaphore, #tpu.memory_space<semaphore_mem>>) src(%dma_wait3A_98 : memref<632x128xf32, #tpu.memory_space<hbm>>) dst(%dma_wait3A_96 : memref<632x128xf32, #tpu.memory_space<vmem_shared>>)
      tpu.yield
    }) : () -> ()
    %barrier3A = arith.constant 0 : index
    tpu.barrier barrier_id(%barrier3A)
    %mul3A_3 = arith.constant 20000 : i32
    %mul3A_4 = arith.muli %arg1, %mul3A_3 : i32
    %add3A = arith.constant 0 : i32
    %add3A_5 = arith.addi %mul3A_4, %add3A : i32
    "tpu.region"() ({
      %run_scoped3A = tpu.sem_alloc : memref<!tpu.dma_semaphore, #tpu.memory_space<semaphore_mem>>
      %dma_start3A_92 = tpu.memref_slice %arg3[%add3A_5] : memref<320000xi32, #tpu.memory_space<hbm>> -> memref<40xi32, #tpu.memory_space<hbm>>
      %dma_start3A_93 = tpu.memref_slice %arg3[%add3A_5] : memref<320000xi32, #tpu.memory_space<hbm>> -> memref<40xi32, #tpu.memory_space<hbm>>
      tpu.enqueue_dma source(%dma_start3A_93 : memref<40xi32, #tpu.memory_space<hbm>>) target(%arg9 : memref<40xi32, #tpu.memory_space<vmem>>) target_semaphore(%run_scoped3A : memref<!tpu.dma_semaphore, #tpu.memory_space<semaphore_mem>>)
      %dma_wait3A = tpu.memref_slice %arg3[%add3A_5] : memref<320000xi32, #tpu.memory_space<hbm>> -> memref<40xi32, #tpu.memory_space<hbm>>
      %dma_wait3A_94 = tpu.memref_slice %arg3[%add3A_5] : memref<320000xi32, #tpu.memory_space<hbm>> -> memref<40xi32, #tpu.memory_space<hbm>>
      tpu.wait_dma2 semaphore(%run_scoped3A : memref<!tpu.dma_semaphore, #tpu.memory_space<semaphore_mem>>) src(%dma_wait3A_94 : memref<40xi32, #tpu.memory_space<hbm>>) dst(%arg9 : memref<40xi32, #tpu.memory_space<vmem>>)
      tpu.yield
    }) : () -> ()
    "tpu.region"() ({
      %run_scoped3A = tpu.sem_alloc : memref<!tpu.dma_semaphore, #tpu.memory_space<semaphore_mem>>
      %dma_start3A_92 = tpu.memref_slice %arg5[%add3A_5] : memref<320000xi32, #tpu.memory_space<hbm>> -> memref<40xi32, #tpu.memory_space<hbm>>
      %dma_start3A_93 = tpu.memref_slice %arg5[%add3A_5] : memref<320000xi32, #tpu.memory_space<hbm>> -> memref<40xi32, #tpu.memory_space<hbm>>
      tpu.enqueue_dma source(%dma_start3A_93 : memref<40xi32, #tpu.memory_space<hbm>>) target(%arg10 : memref<40xi32, #tpu.memory_space<vmem>>) target_semaphore(%run_scoped3A : memref<!tpu.dma_semaphore, #tpu.memory_space<semaphore_mem>>)
      %dma_wait3A = tpu.memref_slice %arg5[%add3A_5] : memref<320000xi32, #tpu.memory_space<hbm>> -> memref<40xi32, #tpu.memory_space<hbm>>
      %dma_wait3A_94 = tpu.memref_slice %arg5[%add3A_5] : memref<320000xi32, #tpu.memory_space<hbm>> -> memref<40xi32, #tpu.memory_space<hbm>>
      tpu.wait_dma2 semaphore(%run_scoped3A : memref<!tpu.dma_semaphore, #tpu.memory_space<semaphore_mem>>) src(%dma_wait3A_94 : memref<40xi32, #tpu.memory_space<hbm>>) dst(%arg10 : memref<40xi32, #tpu.memory_space<vmem>>)
      tpu.yield
    }) : () -> ()
    %get3A = arith.constant 0 : index
    %get3A_6 = tpu.vector_load %arg9[%get3A] {strides = array<i32>} : memref<40xi32, #tpu.memory_space<vmem>>, vector<16xi32>,
    %get3A_7 = vector.shape_cast %get3A_6 : vector<16xi32> to vector<16xi32>
    %mul3A_8 = arith.constant 10000 : i32
    %mul3A_9 = arith.muli %arg0, %mul3A_8 : i32
    %add3A_10 = vector.broadcast %mul3A_9 : i32 to vector<16xi32>
    %add3A_11 = arith.addi %get3A_7, %add3A_10 : vector<16xi32>
    %swap3A = arith.constant 0 : index
    %swap3A_12 = tpu.vector_load %arg11[%swap3A] {strides = array<i32>} : memref<40xi32, #tpu.memory_space<vmem>>, vector<16xi32>,
    %swap3A_13 = vector.shape_cast %swap3A_12 : vector<16xi32> to vector<16xi32>
    %swap3A_14 = vector.shape_cast %add3A_11 : vector<16xi32> to vector<16xi32>
    tpu.vector_store %arg11[%swap3A], %swap3A_14 {strides = array<i32>} : memref<40xi32, #tpu.memory_space<vmem>>, vector<16xi32>,
    %get3A_15 = arith.constant 0 : index
    %get3A_16 = tpu.vector_load %arg10[%get3A_15] {strides = array<i32>} : memref<40xi32, #tpu.memory_space<vmem>>, vector<16xi32>,
    %get3A_17 = vector.shape_cast %get3A_16 : vector<16xi32> to vector<16xi32>
    %mul3A_18 = arith.constant 10000 : i32
    %mul3A_19 = arith.muli %arg0, %mul3A_18 : i32
    %add3A_20 = vector.broadcast %mul3A_19 : i32 to vector<16xi32>
    %add3A_21 = arith.addi %get3A_17, %add3A_20 : vector<16xi32>
    %swap3A_22 = arith.constant 0 : index
    %swap3A_23 = tpu.vector_load %arg12[%swap3A_22] {strides = array<i32>} : memref<40xi32, #tpu.memory_space<vmem>>, vector<16xi32>,
    %swap3A_24 = vector.shape_cast %swap3A_23 : vector<16xi32> to vector<16xi32>
    %swap3A_25 = vector.shape_cast %add3A_21 : vector<16xi32> to vector<16xi32>
    tpu.vector_store %arg12[%swap3A_22], %swap3A_25 {strides = array<i32>} : memref<40xi32, #tpu.memory_space<vmem>>, vector<16xi32>,
    %get3A_26 = arith.constant 16 : index
    %get3A_27 = tpu.vector_load %arg9[%get3A_26] {strides = array<i32>} : memref<40xi32, #tpu.memory_space<vmem>>, vector<16xi32>,
    %get3A_28 = vector.shape_cast %get3A_27 : vector<16xi32> to vector<16xi32>
    %mul3A_29 = arith.constant 10000 : i32
    %mul3A_30 = arith.muli %arg0, %mul3A_29 : i32
    %add3A_31 = vector.broadcast %mul3A_30 : i32 to vector<16xi32>
    %add3A_32 = arith.addi %get3A_28, %add3A_31 : vector<16xi32>
    %swap3A_33 = arith.constant 16 : index
    %swap3A_34 = tpu.vector_load %arg11[%swap3A_33] {strides = array<i32>} : memref<40xi32, #tpu.memory_space<vmem>>, vector<16xi32>,
    %swap3A_35 = vector.shape_cast %swap3A_34 : vector<16xi32> to vector<16xi32>
    %swap3A_36 = vector.shape_cast %add3A_32 : vector<16xi32> to vector<16xi32>
    tpu.vector_store %arg11[%swap3A_33], %swap3A_36 {strides = array<i32>} : memref<40xi32, #tpu.memory_space<vmem>>, vector<16xi32>,
    %get3A_37 = arith.constant 16 : index
    %get3A_38 = tpu.vector_load %arg10[%get3A_37] {strides = array<i32>} : memref<40xi32, #tpu.memory_space<vmem>>, vector<16xi32>,
    %get3A_39 = vector.shape_cast %get3A_38 : vector<16xi32> to vector<16xi32>
    %mul3A_40 = arith.constant 10000 : i32
    %mul3A_41 = arith.muli %arg0, %mul3A_40 : i32
    %add3A_42 = vector.broadcast %mul3A_41 : i32 to vector<16xi32>
    %add3A_43 = arith.addi %get3A_39, %add3A_42 : vector<16xi32>
    %swap3A_44 = arith.constant 16 : index
    %swap3A_45 = tpu.vector_load %arg12[%swap3A_44] {strides = array<i32>} : memref<40xi32, #tpu.memory_space<vmem>>, vector<16xi32>,
    %swap3A_46 = vector.shape_cast %swap3A_45 : vector<16xi32> to vector<16xi32>
    %swap3A_47 = vector.shape_cast %add3A_43 : vector<16xi32> to vector<16xi32>
    tpu.vector_store %arg12[%swap3A_44], %swap3A_47 {strides = array<i32>} : memref<40xi32, #tpu.memory_space<vmem>>, vector<16xi32>,
    %get3A_48 = arith.constant 24 : index
    %get3A_49 = tpu.vector_load %arg9[%get3A_48] {strides = array<i32>} : memref<40xi32, #tpu.memory_space<vmem>>, vector<16xi32>,
    %get3A_50 = vector.shape_cast %get3A_49 : vector<16xi32> to vector<16xi32>
    %mul3A_51 = arith.constant 10000 : i32
    %mul3A_52 = arith.muli %arg0, %mul3A_51 : i32
    %add3A_53 = vector.broadcast %mul3A_52 : i32 to vector<16xi32>
    %add3A_54 = arith.addi %get3A_50, %add3A_53 : vector<16xi32>
    %swap3A_55 = arith.constant 24 : index
    %swap3A_56 = tpu.vector_load %arg11[%swap3A_55] {strides = array<i32>} : memref<40xi32, #tpu.memory_space<vmem>>, vector<16xi32>,
    %swap3A_57 = vector.shape_cast %swap3A_56 : vector<16xi32> to vector<16xi32>
    %swap3A_58 = vector.shape_cast %add3A_54 : vector<16xi32> to vector<16xi32>
    tpu.vector_store %arg11[%swap3A_55], %swap3A_58 {strides = array<i32>} : memref<40xi32, #tpu.memory_space<vmem>>, vector<16xi32>,
    %get3A_59 = arith.constant 24 : index
    %get3A_60 = tpu.vector_load %arg10[%get3A_59] {strides = array<i32>} : memref<40xi32, #tpu.memory_space<vmem>>, vector<16xi32>,
    %get3A_61 = vector.shape_cast %get3A_60 : vector<16xi32> to vector<16xi32>
    %mul3A_62 = arith.constant 10000 : i32
    %mul3A_63 = arith.muli %arg0, %mul3A_62 : i32
    %add3A_64 = vector.broadcast %mul3A_63 : i32 to vector<16xi32>
    %add3A_65 = arith.addi %get3A_61, %add3A_64 : vector<16xi32>
    %swap3A_66 = arith.constant 24 : index
    %swap3A_67 = tpu.vector_load %arg12[%swap3A_66] {strides = array<i32>} : memref<40xi32, #tpu.memory_space<vmem>>, vector<16xi32>,
    %swap3A_68 = vector.shape_cast %swap3A_67 : vector<16xi32> to vector<16xi32>
    %swap3A_69 = vector.shape_cast %add3A_65 : vector<16xi32> to vector<16xi32>
    tpu.vector_store %arg12[%swap3A_66], %swap3A_69 {strides = array<i32>} : memref<40xi32, #tpu.memory_space<vmem>>, vector<16xi32>,
    %dma_start3A = arith.constant 0 : i32
    %dma_start3A_70 = arith.constant 0 : i32
    %dma_start3A_71 = tpu.memref_slice %arg2[%dma_start3A, %dma_start3A_70] : memref<20000x128xf32, #tpu.memory_space<hbm>> -> memref<20000x128xf32, #tpu.memory_space<hbm>>
    tpu.enqueue_indirect_dma source(%dma_start3A_71 : memref<20000x128xf32, #tpu.memory_space<hbm>>) target(%arg17 : memref<40x128xf32, #tpu.memory_space<vmem>>) offsets(%arg11 : memref<40xi32, #tpu.memory_space<vmem>>) semaphore(%arg24 : memref<!tpu.dma_semaphore, #tpu.memory_space<semaphore_mem>>)
    %dma_start3A_72 = arith.constant 0 : i32
    %dma_start3A_73 = arith.constant 0 : i32
    %dma_start3A_74 = tpu.memref_slice %arg4[%dma_start3A_72, %dma_start3A_73] : memref<20000x128xf32, #tpu.memory_space<hbm>> -> memref<20000x128xf32, #tpu.memory_space<hbm>>
    tpu.enqueue_indirect_dma source(%dma_start3A_74 : memref<20000x128xf32, #tpu.memory_space<hbm>>) target(%arg18 : memref<40x128xf32, #tpu.memory_space<vmem>>) offsets(%arg12 : memref<40xi32, #tpu.memory_space<vmem>>) semaphore(%arg25 : memref<!tpu.dma_semaphore, #tpu.memory_space<semaphore_mem>>)
    %mul3A_75 = arith.constant 320000 : i32
    %mul3A_76 = arith.muli %arg0, %mul3A_75 : i32
    %add3A_77 = arith.addi %mul3A_76, %add3A_5 : i32
    %dma_start3A_78 = arith.constant 0 : i32
    %dma_start3A_79 = tpu.memref_slice %arg6[%add3A_77, %dma_start3A_78] : memref<640000x128xf32, #tpu.memory_space<hbm>> -> memref<40x128xf32, #tpu.memory_space<hbm>>
    %dma_start3A_80 = arith.constant 0 : i32
    %dma_start3A_81 = tpu.memref_slice %arg6[%add3A_77, %dma_start3A_80] : memref<640000x128xf32, #tpu.memory_space<hbm>> -> memref<40x128xf32, #tpu.memory_space<hbm>>
    tpu.enqueue_dma source(%dma_start3A_81 : memref<40x128xf32, #tpu.memory_space<hbm>>) target(%arg19 : memref<40x128xf32, #tpu.memory_space<vmem>>) target_semaphore(%arg26 : memref<!tpu.dma_semaphore, #tpu.memory_space<semaphore_mem>>)
    %scan3A = arith.constant 0 : i32
    %scan3A_82 = arith.constant 0 : i32
    %scan3A_83 = arith.constant 250 : i32
    %scan3A_84 = arith.addi %scan3A_82, %scan3A_83 : i32
    %scan3A_85 = arith.constant 1 : i32
    scf.for %scan3A_92 = %scan3A_82 to %scan3A_84 step %scan3A_85  : i32 {
      %mul3A_93 = arith.constant 2 : i32
      %mul3A_94 = arith.muli %scan3A_92, %mul3A_93 : i32
      %add3A_95 = arith.constant 0 : i32
      %add3A_96 = arith.addi %mul3A_94, %add3A_95 : i32
      %add3A_97 = arith.constant 1 : i32
      %add3A_98 = arith.addi %add3A_96, %add3A_97 : i32
      %lt3A = arith.constant 500 : i32
      %lt3A_99 = arith.cmpi slt, %add3A_98, %lt3A : i32
      %convert_element_type3A = arith.extui %lt3A_99 : i1 to i32
      %cond3A = arith.constant 0 : i32
      %cond3A_100 = arith.cmpi ne, %convert_element_type3A, %cond3A : i32
      scf.if %cond3A_100 {
        %add3A_147 = arith.constant 1 : i32
        %add3A_148 = arith.addi %add3A_96, %add3A_147 : i32
        %mul3A_149 = arith.constant 40 : i32
        %mul3A_150 = arith.muli %add3A_148, %mul3A_149 : i32
        %add3A_151 = arith.addi %mul3A_4, %mul3A_150 : i32
        "tpu.region"() ({
          %run_scoped3A = tpu.sem_alloc : memref<!tpu.dma_semaphore, #tpu.memory_space<semaphore_mem>>
          %dma_start3A_231 = tpu.memref_slice %arg3[%add3A_151] : memref<320000xi32, #tpu.memory_space<hbm>> -> memref<40xi32, #tpu.memory_space<hbm>>
          %dma_start3A_232 = tpu.memref_slice %arg3[%add3A_151] : memref<320000xi32, #tpu.memory_space<hbm>> -> memref<40xi32, #tpu.memory_space<hbm>>
          tpu.enqueue_dma source(%dma_start3A_232 : memref<40xi32, #tpu.memory_space<hbm>>) target(%arg13 : memref<40xi32, #tpu.memory_space<vmem>>) target_semaphore(%run_scoped3A : memref<!tpu.dma_semaphore, #tpu.memory_space<semaphore_mem>>)
          %dma_wait3A_233 = tpu.memref_slice %arg3[%add3A_151] : memref<320000xi32, #tpu.memory_space<hbm>> -> memref<40xi32, #tpu.memory_space<hbm>>
          %dma_wait3A_234 = tpu.memref_slice %arg3[%add3A_151] : memref<320000xi32, #tpu.memory_space<hbm>> -> memref<40xi32, #tpu.memory_space<hbm>>
          tpu.wait_dma2 semaphore(%run_scoped3A : memref<!tpu.dma_semaphore, #tpu.memory_space<semaphore_mem>>) src(%dma_wait3A_234 : memref<40xi32, #tpu.memory_space<hbm>>) dst(%arg13 : memref<40xi32, #tpu.memory_space<vmem>>)
          tpu.yield
        }) : () -> ()
        "tpu.region"() ({
          %run_scoped3A = tpu.sem_alloc : memref<!tpu.dma_semaphore, #tpu.memory_space<semaphore_mem>>
          %dma_start3A_231 = tpu.memref_slice %arg5[%add3A_151] : memref<320000xi32, #tpu.memory_space<hbm>> -> memref<40xi32, #tpu.memory_space<hbm>>
          %dma_start3A_232 = tpu.memref_slice %arg5[%add3A_151] : memref<320000xi32, #tpu.memory_space<hbm>> -> memref<40xi32, #tpu.memory_space<hbm>>
          tpu.enqueue_dma source(%dma_start3A_232 : memref<40xi32, #tpu.memory_space<hbm>>) target(%arg14 : memref<40xi32, #tpu.memory_space<vmem>>) target_semaphore(%run_scoped3A : memref<!tpu.dma_semaphore, #tpu.memory_space<semaphore_mem>>)
          %dma_wait3A_233 = tpu.memref_slice %arg5[%add3A_151] : memref<320000xi32, #tpu.memory_space<hbm>> -> memref<40xi32, #tpu.memory_space<hbm>>
          %dma_wait3A_234 = tpu.memref_slice %arg5[%add3A_151] : memref<320000xi32, #tpu.memory_space<hbm>> -> memref<40xi32, #tpu.memory_space<hbm>>
          tpu.wait_dma2 semaphore(%run_scoped3A : memref<!tpu.dma_semaphore, #tpu.memory_space<semaphore_mem>>) src(%dma_wait3A_234 : memref<40xi32, #tpu.memory_space<hbm>>) dst(%arg14 : memref<40xi32, #tpu.memory_space<vmem>>)
          tpu.yield
        }) : () -> ()
        %get3A_152 = arith.constant 0 : index
        %get3A_153 = tpu.vector_load %arg13[%get3A_152] {strides = array<i32>} : memref<40xi32, #tpu.memory_space<vmem>>, vector<16xi32>,
        %get3A_154 = vector.shape_cast %get3A_153 : vector<16xi32> to vector<16xi32>
        %mul3A_155 = arith.constant 10000 : i32
        %mul3A_156 = arith.muli %arg0, %mul3A_155 : i32
        %add3A_157 = vector.broadcast %mul3A_156 : i32 to vector<16xi32>
        %add3A_158 = arith.addi %get3A_154, %add3A_157 : vector<16xi32>
        %swap3A_159 = arith.constant 0 : index
        %swap3A_160 = tpu.vector_load %arg15[%swap3A_159] {strides = array<i32>} : memref<40xi32, #tpu.memory_space<vmem>>, vector<16xi32>,
        %swap3A_161 = vector.shape_cast %swap3A_160 : vector<16xi32> to vector<16xi32>
        %swap3A_162 = vector.shape_cast %add3A_158 : vector<16xi32> to vector<16xi32>
        tpu.vector_store %arg15[%swap3A_159], %swap3A_162 {strides = array<i32>} : memref<40xi32, #tpu.memory_space<vmem>>, vector<16xi32>,
        %get3A_163 = arith.constant 0 : index
        %get3A_164 = tpu.vector_load %arg14[%get3A_163] {strides = array<i32>} : memref<40xi32, #tpu.memory_space<vmem>>, vector<16xi32>,
        %get3A_165 = vector.shape_cast %get3A_164 : vector<16xi32> to vector<16xi32>
        %mul3A_166 = arith.constant 10000 : i32
        %mul3A_167 = arith.muli %arg0, %mul3A_166 : i32
        %add3A_168 = vector.broadcast %mul3A_167 : i32 to vector<16xi32>
        %add3A_169 = arith.addi %get3A_165, %add3A_168 : vector<16xi32>
        %swap3A_170 = arith.constant 0 : index
        %swap3A_171 = tpu.vector_load %arg16[%swap3A_170] {strides = array<i32>} : memref<40xi32, #tpu.memory_space<vmem>>, vector<16xi32>,
        %swap3A_172 = vector.shape_cast %swap3A_171 : vector<16xi32> to vector<16xi32>
        %swap3A_173 = vector.shape_cast %add3A_169 : vector<16xi32> to vector<16xi32>
        tpu.vector_store %arg16[%swap3A_170], %swap3A_173 {strides = array<i32>} : memref<40xi32, #tpu.memory_space<vmem>>, vector<16xi32>,
        %get3A_174 = arith.constant 16 : index
        %get3A_175 = tpu.vector_load %arg13[%get3A_174] {strides = array<i32>} : memref<40xi32, #tpu.memory_space<vmem>>, vector<16xi32>,
        %get3A_176 = vector.shape_cast %get3A_175 : vector<16xi32> to vector<16xi32>
        %mul3A_177 = arith.constant 10000 : i32
        %mul3A_178 = arith.muli %arg0, %mul3A_177 : i32
        %add3A_179 = vector.broadcast %mul3A_178 : i32 to vector<16xi32>
        %add3A_180 = arith.addi %get3A_176, %add3A_179 : vector<16xi32>
        %swap3A_181 = arith.constant 16 : index
        %swap3A_182 = tpu.vector_load %arg15[%swap3A_181] {strides = array<i32>} : memref<40xi32, #tpu.memory_space<vmem>>, vector<16xi32>,
        %swap3A_183 = vector.shape_cast %swap3A_182 : vector<16xi32> to vector<16xi32>
        %swap3A_184 = vector.shape_cast %add3A_180 : vector<16xi32> to vector<16xi32>
        tpu.vector_store %arg15[%swap3A_181], %swap3A_184 {strides = array<i32>} : memref<40xi32, #tpu.memory_space<vmem>>, vector<16xi32>,
        %get3A_185 = arith.constant 16 : index
        %get3A_186 = tpu.vector_load %arg14[%get3A_185] {strides = array<i32>} : memref<40xi32, #tpu.memory_space<vmem>>, vector<16xi32>,
        %get3A_187 = vector.shape_cast %get3A_186 : vector<16xi32> to vector<16xi32>
        %mul3A_188 = arith.constant 10000 : i32
        %mul3A_189 = arith.muli %arg0, %mul3A_188 : i32
        %add3A_190 = vector.broadcast %mul3A_189 : i32 to vector<16xi32>
        %add3A_191 = arith.addi %get3A_187, %add3A_190 : vector<16xi32>
        %swap3A_192 = arith.constant 16 : index
        %swap3A_193 = tpu.vector_load %arg16[%swap3A_192] {strides = array<i32>} : memref<40xi32, #tpu.memory_space<vmem>>, vector<16xi32>,
        %swap3A_194 = vector.shape_cast %swap3A_193 : vector<16xi32> to vector<16xi32>
        %swap3A_195 = vector.shape_cast %add3A_191 : vector<16xi32> to vector<16xi32>
        tpu.vector_store %arg16[%swap3A_192], %swap3A_195 {strides = array<i32>} : memref<40xi32, #tpu.memory_space<vmem>>, vector<16xi32>,
        %get3A_196 = arith.constant 24 : index
        %get3A_197 = tpu.vector_load %arg13[%get3A_196] {strides = array<i32>} : memref<40xi32, #tpu.memory_space<vmem>>, vector<16xi32>,
        %get3A_198 = vector.shape_cast %get3A_197 : vector<16xi32> to vector<16xi32>
        %mul3A_199 = arith.constant 10000 : i32
        %mul3A_200 = arith.muli %arg0, %mul3A_199 : i32
        %add3A_201 = vector.broadcast %mul3A_200 : i32 to vector<16xi32>
        %add3A_202 = arith.addi %get3A_198, %add3A_201 : vector<16xi32>
        %swap3A_203 = arith.constant 24 : index
        %swap3A_204 = tpu.vector_load %arg15[%swap3A_203] {strides = array<i32>} : memref<40xi32, #tpu.memory_space<vmem>>, vector<16xi32>,
        %swap3A_205 = vector.shape_cast %swap3A_204 : vector<16xi32> to vector<16xi32>
        %swap3A_206 = vector.shape_cast %add3A_202 : vector<16xi32> to vector<16xi32>
        tpu.vector_store %arg15[%swap3A_203], %swap3A_206 {strides = array<i32>} : memref<40xi32, #tpu.memory_space<vmem>>, vector<16xi32>,
        %get3A_207 = arith.constant 24 : index
        %get3A_208 = tpu.vector_load %arg14[%get3A_207] {strides = array<i32>} : memref<40xi32, #tpu.memory_space<vmem>>, vector<16xi32>,
        %get3A_209 = vector.shape_cast %get3A_208 : vector<16xi32> to vector<16xi32>
        %mul3A_210 = arith.constant 10000 : i32
        %mul3A_211 = arith.muli %arg0, %mul3A_210 : i32
        %add3A_212 = vector.broadcast %mul3A_211 : i32 to vector<16xi32>
        %add3A_213 = arith.addi %get3A_209, %add3A_212 : vector<16xi32>
        %swap3A_214 = arith.constant 24 : index
        %swap3A_215 = tpu.vector_load %arg16[%swap3A_214] {strides = array<i32>} : memref<40xi32, #tpu.memory_space<vmem>>, vector<16xi32>,
        %swap3A_216 = vector.shape_cast %swap3A_215 : vector<16xi32> to vector<16xi32>
        %swap3A_217 = vector.shape_cast %add3A_213 : vector<16xi32> to vector<16xi32>
        tpu.vector_store %arg16[%swap3A_214], %swap3A_217 {strides = array<i32>} : memref<40xi32, #tpu.memory_space<vmem>>, vector<16xi32>,
        %dma_start3A_218 = arith.constant 0 : i32
        %dma_start3A_219 = arith.constant 0 : i32
        %dma_start3A_220 = tpu.memref_slice %arg2[%dma_start3A_218, %dma_start3A_219] : memref<20000x128xf32, #tpu.memory_space<hbm>> -> memref<20000x128xf32, #tpu.memory_space<hbm>>
        tpu.enqueue_indirect_dma source(%dma_start3A_220 : memref<20000x128xf32, #tpu.memory_space<hbm>>) target(%arg20 : memref<40x128xf32, #tpu.memory_space<vmem>>) offsets(%arg15 : memref<40xi32, #tpu.memory_space<vmem>>) semaphore(%arg27 : memref<!tpu.dma_semaphore, #tpu.memory_space<semaphore_mem>>)
        %dma_start3A_221 = arith.constant 0 : i32
        %dma_start3A_222 = arith.constant 0 : i32
        %dma_start3A_223 = tpu.memref_slice %arg4[%dma_start3A_221, %dma_start3A_222] : memref<20000x128xf32, #tpu.memory_space<hbm>> -> memref<20000x128xf32, #tpu.memory_space<hbm>>
        tpu.enqueue_indirect_dma source(%dma_start3A_223 : memref<20000x128xf32, #tpu.memory_space<hbm>>) target(%arg21 : memref<40x128xf32, #tpu.memory_space<vmem>>) offsets(%arg16 : memref<40xi32, #tpu.memory_space<vmem>>) semaphore(%arg28 : memref<!tpu.dma_semaphore, #tpu.memory_space<semaphore_mem>>)
        %mul3A_224 = arith.constant 320000 : i32
        %mul3A_225 = arith.muli %arg0, %mul3A_224 : i32
        %add3A_226 = arith.addi %mul3A_225, %add3A_151 : i32
        %dma_start3A_227 = arith.constant 0 : i32
        %dma_start3A_228 = tpu.memref_slice %arg6[%add3A_226, %dma_start3A_227] : memref<640000x128xf32, #tpu.memory_space<hbm>> -> memref<40x128xf32, #tpu.memory_space<hbm>>
        %dma_start3A_229 = arith.constant 0 : i32
        %dma_start3A_230 = tpu.memref_slice %arg6[%add3A_226, %dma_start3A_229] : memref<640000x128xf32, #tpu.memory_space<hbm>> -> memref<40x128xf32, #tpu.memory_space<hbm>>
        tpu.enqueue_dma source(%dma_start3A_230 : memref<40x128xf32, #tpu.memory_space<hbm>>) target(%arg22 : memref<40x128xf32, #tpu.memory_space<vmem>>) target_semaphore(%arg29 : memref<!tpu.dma_semaphore, #tpu.memory_space<semaphore_mem>>)
      } else {
      }
      %dma_wait3A = arith.constant 0 : i32
      %dma_wait3A_101 = arith.constant 0 : i32
      %dma_wait3A_102 = tpu.memref_slice %arg2[%dma_wait3A, %dma_wait3A_101] : memref<20000x128xf32, #tpu.memory_space<hbm>> -> memref<20000x128xf32, #tpu.memory_space<hbm>>
      tpu.wait_indirect_dma semaphore(%arg24 : memref<!tpu.dma_semaphore, #tpu.memory_space<semaphore_mem>>) src(%dma_wait3A_102 : memref<20000x128xf32, #tpu.memory_space<hbm>>) dst(%arg17 : memref<40x128xf32, #tpu.memory_space<vmem>>)
      %dma_wait3A_103 = arith.constant 0 : i32
      %dma_wait3A_104 = arith.constant 0 : i32
      %dma_wait3A_105 = tpu.memref_slice %arg4[%dma_wait3A_103, %dma_wait3A_104] : memref<20000x128xf32, #tpu.memory_space<hbm>> -> memref<20000x128xf32, #tpu.memory_space<hbm>>
      tpu.wait_indirect_dma semaphore(%arg25 : memref<!tpu.dma_semaphore, #tpu.memory_space<semaphore_mem>>) src(%dma_wait3A_105 : memref<20000x128xf32, #tpu.memory_space<hbm>>) dst(%arg18 : memref<40x128xf32, #tpu.memory_space<vmem>>)
      %dma_wait3A_106 = arith.constant 0 : i32
      %dma_wait3A_107 = arith.constant 0 : i32
      %dma_wait3A_108 = tpu.memref_slice %arg6[%dma_wait3A_106, %dma_wait3A_107] : memref<640000x128xf32, #tpu.memory_space<hbm>> -> memref<40x128xf32, #tpu.memory_space<hbm>>
      %dma_wait3A_109 = arith.constant 0 : i32
      %dma_wait3A_110 = arith.constant 0 : i32
      %dma_wait3A_111 = tpu.memref_slice %arg6[%dma_wait3A_109, %dma_wait3A_110] : memref<640000x128xf32, #tpu.memory_space<hbm>> -> memref<40x128xf32, #tpu.memory_space<hbm>>
      tpu.wait_dma2 semaphore(%arg26 : memref<!tpu.dma_semaphore, #tpu.memory_space<semaphore_mem>>) src(%dma_wait3A_111 : memref<40x128xf32, #tpu.memory_space<hbm>>) dst(%arg19 : memref<40x128xf32, #tpu.memory_space<vmem>>)
      %scan3A_112 = arith.constant 0 : i32
      %scan3A_113 = arith.constant 0 : i32
      %scan3A_114 = arith.constant 40 : i32
      %scan3A_115 = arith.addi %scan3A_113, %scan3A_114 : i32
      %scan3A_116 = arith.constant 1 : i32
      scf.for %scan3A_147 = %scan3A_113 to %scan3A_115 step %scan3A_116  : i32 {
        %get3A_148 = arith.index_cast %scan3A_147 : i32 to index
        %get3A_149 = arith.constant 0 : index
        %get3A_150 = tpu.vector_load %arg17[%get3A_148, %get3A_149] {strides = array<i32>} : memref<40x128xf32, #tpu.memory_space<vmem>>, vector<1x16xf32>,
        %get3A_151 = vector.shape_cast %get3A_150 : vector<1x16xf32> to vector<16xf32>
        %get3A_152 = arith.index_cast %scan3A_147 : i32 to index
        %get3A_153 = arith.constant 0 : index
        %get3A_154 = tpu.vector_load %arg18[%get3A_152, %get3A_153] {strides = array<i32>} : memref<40x128xf32, #tpu.memory_space<vmem>>, vector<1x16xf32>,
        %get3A_155 = vector.shape_cast %get3A_154 : vector<1x16xf32> to vector<16xf32>
        %add3A_156 = arith.addf %get3A_151, %get3A_155 : vector<16xf32>
        %get3A_157 = arith.index_cast %scan3A_147 : i32 to index
        %get3A_158 = arith.constant 0 : index
        %get3A_159 = tpu.vector_load %arg19[%get3A_157, %get3A_158] {strides = array<i32>} : memref<40x128xf32, #tpu.memory_space<vmem>>, vector<1x16xf32>,
        %get3A_160 = vector.shape_cast %get3A_159 : vector<1x16xf32> to vector<16xf32>
        %add3A_161 = arith.addf %add3A_156, %get3A_160 : vector<16xf32>
        %max3A = arith.constant 0.000000e+00 : f32
        %max3A_162 = vector.broadcast %max3A : f32 to vector<16xf32>
        %max3A_163 = arith.maximumf %add3A_161, %max3A_162 : vector<16xf32>
        %swap3A_164 = arith.index_cast %scan3A_147 : i32 to index
        %swap3A_165 = arith.constant 0 : index
        %swap3A_166 = tpu.vector_load %arg17[%swap3A_164, %swap3A_165] {strides = array<i32>} : memref<40x128xf32, #tpu.memory_space<vmem>>, vector<1x16xf32>,
        %swap3A_167 = vector.shape_cast %swap3A_166 : vector<1x16xf32> to vector<16xf32>
        %swap3A_168 = vector.shape_cast %max3A_163 : vector<16xf32> to vector<1x16xf32>
        tpu.vector_store %arg17[%swap3A_164, %swap3A_165], %swap3A_168 {strides = array<i32>} : memref<40x128xf32, #tpu.memory_space<vmem>>, vector<1x16xf32>,
        %get3A_169 = arith.index_cast %scan3A_147 : i32 to index
        %get3A_170 = arith.constant 16 : index
        %get3A_171 = tpu.vector_load %arg17[%get3A_169, %get3A_170] {strides = array<i32>} : memref<40x128xf32, #tpu.memory_space<vmem>>, vector<1x16xf32>,
        %get3A_172 = vector.shape_cast %get3A_171 : vector<1x16xf32> to vector<16xf32>
        %get3A_173 = arith.index_cast %scan3A_147 : i32 to index
        %get3A_174 = arith.constant 16 : index
        %get3A_175 = tpu.vector_load %arg18[%get3A_173, %get3A_174] {strides = array<i32>} : memref<40x128xf32, #tpu.memory_space<vmem>>, vector<1x16xf32>,
        %get3A_176 = vector.shape_cast %get3A_175 : vector<1x16xf32> to vector<16xf32>
        %add3A_177 = arith.addf %get3A_172, %get3A_176 : vector<16xf32>
        %get3A_178 = arith.index_cast %scan3A_147 : i32 to index
        %get3A_179 = arith.constant 16 : index
        %get3A_180 = tpu.vector_load %arg19[%get3A_178, %get3A_179] {strides = array<i32>} : memref<40x128xf32, #tpu.memory_space<vmem>>, vector<1x16xf32>,
        %get3A_181 = vector.shape_cast %get3A_180 : vector<1x16xf32> to vector<16xf32>
        %add3A_182 = arith.addf %add3A_177, %get3A_181 : vector<16xf32>
        %max3A_183 = arith.constant 0.000000e+00 : f32
        %max3A_184 = vector.broadcast %max3A_183 : f32 to vector<16xf32>
        %max3A_185 = arith.maximumf %add3A_182, %max3A_184 : vector<16xf32>
        %swap3A_186 = arith.index_cast %scan3A_147 : i32 to index
        %swap3A_187 = arith.constant 16 : index
        %swap3A_188 = tpu.vector_load %arg17[%swap3A_186, %swap3A_187] {strides = array<i32>} : memref<40x128xf32, #tpu.memory_space<vmem>>, vector<1x16xf32>,
        %swap3A_189 = vector.shape_cast %swap3A_188 : vector<1x16xf32> to vector<16xf32>
        %swap3A_190 = vector.shape_cast %max3A_185 : vector<16xf32> to vector<1x16xf32>
        tpu.vector_store %arg17[%swap3A_186, %swap3A_187], %swap3A_190 {strides = array<i32>} : memref<40x128xf32, #tpu.memory_space<vmem>>, vector<1x16xf32>,
        %get3A_191 = arith.index_cast %scan3A_147 : i32 to index
        %get3A_192 = arith.constant 32 : index
        %get3A_193 = tpu.vector_load %arg17[%get3A_191, %get3A_192] {strides = array<i32>} : memref<40x128xf32, #tpu.memory_space<vmem>>, vector<1x16xf32>,
        %get3A_194 = vector.shape_cast %get3A_193 : vector<1x16xf32> to vector<16xf32>
        %get3A_195 = arith.index_cast %scan3A_147 : i32 to index
        %get3A_196 = arith.constant 32 : index
        %get3A_197 = tpu.vector_load %arg18[%get3A_195, %get3A_196] {strides = array<i32>} : memref<40x128xf32, #tpu.memory_space<vmem>>, vector<1x16xf32>,
        %get3A_198 = vector.shape_cast %get3A_197 : vector<1x16xf32> to vector<16xf32>
        %add3A_199 = arith.addf %get3A_194, %get3A_198 : vector<16xf32>
        %get3A_200 = arith.index_cast %scan3A_147 : i32 to index
        %get3A_201 = arith.constant 32 : index
        %get3A_202 = tpu.vector_load %arg19[%get3A_200, %get3A_201] {strides = array<i32>} : memref<40x128xf32, #tpu.memory_space<vmem>>, vector<1x16xf32>,
        %get3A_203 = vector.shape_cast %get3A_202 : vector<1x16xf32> to vector<16xf32>
        %add3A_204 = arith.addf %add3A_199, %get3A_203 : vector<16xf32>
        %max3A_205 = arith.constant 0.000000e+00 : f32
        %max3A_206 = vector.broadcast %max3A_205 : f32 to vector<16xf32>
        %max3A_207 = arith.maximumf %add3A_204, %max3A_206 : vector<16xf32>
        %swap3A_208 = arith.index_cast %scan3A_147 : i32 to index
        %swap3A_209 = arith.constant 32 : index
        %swap3A_210 = tpu.vector_load %arg17[%swap3A_208, %swap3A_209] {strides = array<i32>} : memref<40x128xf32, #tpu.memory_space<vmem>>, vector<1x16xf32>,
        %swap3A_211 = vector.shape_cast %swap3A_210 : vector<1x16xf32> to vector<16xf32>
        %swap3A_212 = vector.shape_cast %max3A_207 : vector<16xf32> to vector<1x16xf32>
        tpu.vector_store %arg17[%swap3A_208, %swap3A_209], %swap3A_212 {strides = array<i32>} : memref<40x128xf32, #tpu.memory_space<vmem>>, vector<1x16xf32>,
        %get3A_213 = arith.index_cast %scan3A_147 : i32 to index
        %get3A_214 = arith.constant 48 : index
        %get3A_215 = tpu.vector_load %arg17[%get3A_213, %get3A_214] {strides = array<i32>} : memref<40x128xf32, #tpu.memory_space<vmem>>, vector<1x16xf32>,
        %get3A_216 = vector.shape_cast %get3A_215 : vector<1x16xf32> to vector<16xf32>
        %get3A_217 = arith.index_cast %scan3A_147 : i32 to index
        %get3A_218 = arith.constant 48 : index
        %get3A_219 = tpu.vector_load %arg18[%get3A_217, %get3A_218] {strides = array<i32>} : memref<40x128xf32, #tpu.memory_space<vmem>>, vector<1x16xf32>,
        %get3A_220 = vector.shape_cast %get3A_219 : vector<1x16xf32> to vector<16xf32>
        %add3A_221 = arith.addf %get3A_216, %get3A_220 : vector<16xf32>
        %get3A_222 = arith.index_cast %scan3A_147 : i32 to index
        %get3A_223 = arith.constant 48 : index
        %get3A_224 = tpu.vector_load %arg19[%get3A_222, %get3A_223] {strides = array<i32>} : memref<40x128xf32, #tpu.memory_space<vmem>>, vector<1x16xf32>,
        %get3A_225 = vector.shape_cast %get3A_224 : vector<1x16xf32> to vector<16xf32>
        %add3A_226 = arith.addf %add3A_221, %get3A_225 : vector<16xf32>
        %max3A_227 = arith.constant 0.000000e+00 : f32
        %max3A_228 = vector.broadcast %max3A_227 : f32 to vector<16xf32>
        %max3A_229 = arith.maximumf %add3A_226, %max3A_228 : vector<16xf32>
        %swap3A_230 = arith.index_cast %scan3A_147 : i32 to index
        %swap3A_231 = arith.constant 48 : index
        %swap3A_232 = tpu.vector_load %arg17[%swap3A_230, %swap3A_231] {strides = array<i32>} : memref<40x128xf32, #tpu.memory_space<vmem>>, vector<1x16xf32>,
        %swap3A_233 = vector.shape_cast %swap3A_232 : vector<1x16xf32> to vector<16xf32>
        %swap3A_234 = vector.shape_cast %max3A_229 : vector<16xf32> to vector<1x16xf32>
        tpu.vector_store %arg17[%swap3A_230, %swap3A_231], %swap3A_234 {strides = array<i32>} : memref<40x128xf32, #tpu.memory_space<vmem>>, vector<1x16xf32>,
        %get3A_235 = arith.index_cast %scan3A_147 : i32 to index
        %get3A_236 = arith.constant 64 : index
        %get3A_237 = tpu.vector_load %arg17[%get3A_235, %get3A_236] {strides = array<i32>} : memref<40x128xf32, #tpu.memory_space<vmem>>, vector<1x16xf32>,
        %get3A_238 = vector.shape_cast %get3A_237 : vector<1x16xf32> to vector<16xf32>
        %get3A_239 = arith.index_cast %scan3A_147 : i32 to index
        %get3A_240 = arith.constant 64 : index
        %get3A_241 = tpu.vector_load %arg18[%get3A_239, %get3A_240] {strides = array<i32>} : memref<40x128xf32, #tpu.memory_space<vmem>>, vector<1x16xf32>,
        %get3A_242 = vector.shape_cast %get3A_241 : vector<1x16xf32> to vector<16xf32>
        %add3A_243 = arith.addf %get3A_238, %get3A_242 : vector<16xf32>
        %get3A_244 = arith.index_cast %scan3A_147 : i32 to index
        %get3A_245 = arith.constant 64 : index
        %get3A_246 = tpu.vector_load %arg19[%get3A_244, %get3A_245] {strides = array<i32>} : memref<40x128xf32, #tpu.memory_space<vmem>>, vector<1x16xf32>,
        %get3A_247 = vector.shape_cast %get3A_246 : vector<1x16xf32> to vector<16xf32>
        %add3A_248 = arith.addf %add3A_243, %get3A_247 : vector<16xf32>
        %max3A_249 = arith.constant 0.000000e+00 : f32
        %max3A_250 = vector.broadcast %max3A_249 : f32 to vector<16xf32>
        %max3A_251 = arith.maximumf %add3A_248, %max3A_250 : vector<16xf32>
        %swap3A_252 = arith.index_cast %scan3A_147 : i32 to index
        %swap3A_253 = arith.constant 64 : index
        %swap3A_254 = tpu.vector_load %arg17[%swap3A_252, %swap3A_253] {strides = array<i32>} : memref<40x128xf32, #tpu.memory_space<vmem>>, vector<1x16xf32>,
        %swap3A_255 = vector.shape_cast %swap3A_254 : vector<1x16xf32> to vector<16xf32>
        %swap3A_256 = vector.shape_cast %max3A_251 : vector<16xf32> to vector<1x16xf32>
        tpu.vector_store %arg17[%swap3A_252, %swap3A_253], %swap3A_256 {strides = array<i32>} : memref<40x128xf32, #tpu.memory_space<vmem>>, vector<1x16xf32>,
        %get3A_257 = arith.index_cast %scan3A_147 : i32 to index
        %get3A_258 = arith.constant 80 : index
        %get3A_259 = tpu.vector_load %arg17[%get3A_257, %get3A_258] {strides = array<i32>} : memref<40x128xf32, #tpu.memory_space<vmem>>, vector<1x16xf32>,
        %get3A_260 = vector.shape_cast %get3A_259 : vector<1x16xf32> to vector<16xf32>
        %get3A_261 = arith.index_cast %scan3A_147 : i32 to index
        %get3A_262 = arith.constant 80 : index
        %get3A_263 = tpu.vector_load %arg18[%get3A_261, %get3A_262] {strides = array<i32>} : memref<40x128xf32, #tpu.memory_space<vmem>>, vector<1x16xf32>,
        %get3A_264 = vector.shape_cast %get3A_263 : vector<1x16xf32> to vector<16xf32>
        %add3A_265 = arith.addf %get3A_260, %get3A_264 : vector<16xf32>
        %get3A_266 = arith.index_cast %scan3A_147 : i32 to index
        %get3A_267 = arith.constant 80 : index
        %get3A_268 = tpu.vector_load %arg19[%get3A_266, %get3A_267] {strides = array<i32>} : memref<40x128xf32, #tpu.memory_space<vmem>>, vector<1x16xf32>,
        %get3A_269 = vector.shape_cast %get3A_268 : vector<1x16xf32> to vector<16xf32>
        %add3A_270 = arith.addf %add3A_265, %get3A_269 : vector<16xf32>
        %max3A_271 = arith.constant 0.000000e+00 : f32
        %max3A_272 = vector.broadcast %max3A_271 : f32 to vector<16xf32>
        %max3A_273 = arith.maximumf %add3A_270, %max3A_272 : vector<16xf32>
        %swap3A_274 = arith.index_cast %scan3A_147 : i32 to index
        %swap3A_275 = arith.constant 80 : index
        %swap3A_276 = tpu.vector_load %arg17[%swap3A_274, %swap3A_275] {strides = array<i32>} : memref<40x128xf32, #tpu.memory_space<vmem>>, vector<1x16xf32>,
        %swap3A_277 = vector.shape_cast %swap3A_276 : vector<1x16xf32> to vector<16xf32>
        %swap3A_278 = vector.shape_cast %max3A_273 : vector<16xf32> to vector<1x16xf32>
        tpu.vector_store %arg17[%swap3A_274, %swap3A_275], %swap3A_278 {strides = array<i32>} : memref<40x128xf32, #tpu.memory_space<vmem>>, vector<1x16xf32>,
        %get3A_279 = arith.index_cast %scan3A_147 : i32 to index
        %get3A_280 = arith.constant 96 : index
        %get3A_281 = tpu.vector_load %arg17[%get3A_279, %get3A_280] {strides = array<i32>} : memref<40x128xf32, #tpu.memory_space<vmem>>, vector<1x16xf32>,
        %get3A_282 = vector.shape_cast %get3A_281 : vector<1x16xf32> to vector<16xf32>
        %get3A_283 = arith.index_cast %scan3A_147 : i32 to index
        %get3A_284 = arith.constant 96 : index
        %get3A_285 = tpu.vector_load %arg18[%get3A_283, %get3A_284] {strides = array<i32>} : memref<40x128xf32, #tpu.memory_space<vmem>>, vector<1x16xf32>,
        %get3A_286 = vector.shape_cast %get3A_285 : vector<1x16xf32> to vector<16xf32>
        %add3A_287 = arith.addf %get3A_282, %get3A_286 : vector<16xf32>
        %get3A_288 = arith.index_cast %scan3A_147 : i32 to index
        %get3A_289 = arith.constant 96 : index
        %get3A_290 = tpu.vector_load %arg19[%get3A_288, %get3A_289] {strides = array<i32>} : memref<40x128xf32, #tpu.memory_space<vmem>>, vector<1x16xf32>,
        %get3A_291 = vector.shape_cast %get3A_290 : vector<1x16xf32> to vector<16xf32>
        %add3A_292 = arith.addf %add3A_287, %get3A_291 : vector<16xf32>
        %max3A_293 = arith.constant 0.000000e+00 : f32
        %max3A_294 = vector.broadcast %max3A_293 : f32 to vector<16xf32>
        %max3A_295 = arith.maximumf %add3A_292, %max3A_294 : vector<16xf32>
        %swap3A_296 = arith.index_cast %scan3A_147 : i32 to index
        %swap3A_297 = arith.constant 96 : index
        %swap3A_298 = tpu.vector_load %arg17[%swap3A_296, %swap3A_297] {strides = array<i32>} : memref<40x128xf32, #tpu.memory_space<vmem>>, vector<1x16xf32>,
        %swap3A_299 = vector.shape_cast %swap3A_298 : vector<1x16xf32> to vector<16xf32>
        %swap3A_300 = vector.shape_cast %max3A_295 : vector<16xf32> to vector<1x16xf32>
        tpu.vector_store %arg17[%swap3A_296, %swap3A_297], %swap3A_300 {strides = array<i32>} : memref<40x128xf32, #tpu.memory_space<vmem>>, vector<1x16xf32>,
        %get3A_301 = arith.index_cast %scan3A_147 : i32 to index
        %get3A_302 = arith.constant 112 : index
        %get3A_303 = tpu.vector_load %arg17[%get3A_301, %get3A_302] {strides = array<i32>} : memref<40x128xf32, #tpu.memory_space<vmem>>, vector<1x16xf32>,
        %get3A_304 = vector.shape_cast %get3A_303 : vector<1x16xf32> to vector<16xf32>
        %get3A_305 = arith.index_cast %scan3A_147 : i32 to index
        %get3A_306 = arith.constant 112 : index
        %get3A_307 = tpu.vector_load %arg18[%get3A_305, %get3A_306] {strides = array<i32>} : memref<40x128xf32, #tpu.memory_space<vmem>>, vector<1x16xf32>,
        %get3A_308 = vector.shape_cast %get3A_307 : vector<1x16xf32> to vector<16xf32>
        %add3A_309 = arith.addf %get3A_304, %get3A_308 : vector<16xf32>
        %get3A_310 = arith.index_cast %scan3A_147 : i32 to index
        %get3A_311 = arith.constant 112 : index
        %get3A_312 = tpu.vector_load %arg19[%get3A_310, %get3A_311] {strides = array<i32>} : memref<40x128xf32, #tpu.memory_space<vmem>>, vector<1x16xf32>,
        %get3A_313 = vector.shape_cast %get3A_312 : vector<1x16xf32> to vector<16xf32>
        %add3A_314 = arith.addf %add3A_309, %get3A_313 : vector<16xf32>
        %max3A_315 = arith.constant 0.000000e+00 : f32
        %max3A_316 = vector.broadcast %max3A_315 : f32 to vector<16xf32>
        %max3A_317 = arith.maximumf %add3A_314, %max3A_316 : vector<16xf32>
        %swap3A_318 = arith.index_cast %scan3A_147 : i32 to index
        %swap3A_319 = arith.constant 112 : index
        %swap3A_320 = tpu.vector_load %arg17[%swap3A_318, %swap3A_319] {strides = array<i32>} : memref<40x128xf32, #tpu.memory_space<vmem>>, vector<1x16xf32>,
        %swap3A_321 = vector.shape_cast %swap3A_320 : vector<1x16xf32> to vector<16xf32>
        %swap3A_322 = vector.shape_cast %max3A_317 : vector<16xf32> to vector<1x16xf32>
        tpu.vector_store %arg17[%swap3A_318, %swap3A_319], %swap3A_322 {strides = array<i32>} : memref<40x128xf32, #tpu.memory_space<vmem>>, vector<1x16xf32>,
      }
      %scan3A_117 = arith.constant 40 : i32
      "tpu.region"() ({
        %run_scoped3A = tpu.sem_alloc : memref<!tpu.dma_semaphore, #tpu.memory_space<semaphore_mem>>
        %dma_start3A_147 = arith.constant 0 : i32
        %dma_start3A_148 = arith.constant 0 : i32
        %dma_start3A_149 = tpu.memref_slice %arg23[%dma_start3A_147, %dma_start3A_148] : memref<10112x128xf32, #tpu.memory_space<vmem_shared>> -> memref<10112x128xf32, #tpu.memory_space<vmem_shared>>
        tpu.enqueue_indirect_dma source(%arg17 : memref<40x128xf32, #tpu.memory_space<vmem>>) target(%dma_start3A_149 : memref<10112x128xf32, #tpu.memory_space<vmem_shared>>) offsets(%arg10 : memref<40xi32, #tpu.memory_space<vmem>>) semaphore(%run_scoped3A : memref<!tpu.dma_semaphore, #tpu.memory_space<semaphore_mem>>) {add = true}
        %dma_wait3A_150 = arith.constant 0 : i32
        %dma_wait3A_151 = arith.constant 0 : i32
        %dma_wait3A_152 = tpu.memref_slice %arg23[%dma_wait3A_150, %dma_wait3A_151] : memref<10112x128xf32, #tpu.memory_space<vmem_shared>> -> memref<10112x128xf32, #tpu.memory_space<vmem_shared>>
        tpu.wait_indirect_dma semaphore(%run_scoped3A : memref<!tpu.dma_semaphore, #tpu.memory_space<semaphore_mem>>) src(%arg17 : memref<40x128xf32, #tpu.memory_space<vmem>>) dst(%dma_wait3A_152 : memref<10112x128xf32, #tpu.memory_space<vmem_shared>>)
        tpu.yield
      }) : () -> ()
      %mul3A_118 = arith.constant 2 : i32
      %mul3A_119 = arith.muli %scan3A_92, %mul3A_118 : i32
      %add3A_120 = arith.constant 1 : i32
      %add3A_121 = arith.addi %mul3A_119, %add3A_120 : i32
      %add3A_122 = arith.constant 1 : i32
      %add3A_123 = arith.addi %add3A_121, %add3A_122 : i32
      %lt3A_124 = arith.constant 500 : i32
      %lt3A_125 = arith.cmpi slt, %add3A_123, %lt3A_124 : i32
      %convert_element_type3A_126 = arith.extui %lt3A_125 : i1 to i32
      %cond3A_127 = arith.constant 0 : i32
      %cond3A_128 = arith.cmpi ne, %convert_element_type3A_126, %cond3A_127 : i32
      scf.if %cond3A_128 {
        %add3A_147 = arith.constant 1 : i32
        %add3A_148 = arith.addi %add3A_121, %add3A_147 : i32
        %mul3A_149 = arith.constant 40 : i32
        %mul3A_150 = arith.muli %add3A_148, %mul3A_149 : i32
        %add3A_151 = arith.addi %mul3A_4, %mul3A_150 : i32
        "tpu.region"() ({
          %run_scoped3A = tpu.sem_alloc : memref<!tpu.dma_semaphore, #tpu.memory_space<semaphore_mem>>
          %dma_start3A_231 = tpu.memref_slice %arg3[%add3A_151] : memref<320000xi32, #tpu.memory_space<hbm>> -> memref<40xi32, #tpu.memory_space<hbm>>
          %dma_start3A_232 = tpu.memref_slice %arg3[%add3A_151] : memref<320000xi32, #tpu.memory_space<hbm>> -> memref<40xi32, #tpu.memory_space<hbm>>
          tpu.enqueue_dma source(%dma_start3A_232 : memref<40xi32, #tpu.memory_space<hbm>>) target(%arg9 : memref<40xi32, #tpu.memory_space<vmem>>) target_semaphore(%run_scoped3A : memref<!tpu.dma_semaphore, #tpu.memory_space<semaphore_mem>>)
          %dma_wait3A_233 = tpu.memref_slice %arg3[%add3A_151] : memref<320000xi32, #tpu.memory_space<hbm>> -> memref<40xi32, #tpu.memory_space<hbm>>
          %dma_wait3A_234 = tpu.memref_slice %arg3[%add3A_151] : memref<320000xi32, #tpu.memory_space<hbm>> -> memref<40xi32, #tpu.memory_space<hbm>>
          tpu.wait_dma2 semaphore(%run_scoped3A : memref<!tpu.dma_semaphore, #tpu.memory_space<semaphore_mem>>) src(%dma_wait3A_234 : memref<40xi32, #tpu.memory_space<hbm>>) dst(%arg9 : memref<40xi32, #tpu.memory_space<vmem>>)
          tpu.yield
        }) : () -> ()
        "tpu.region"() ({
          %run_scoped3A = tpu.sem_alloc : memref<!tpu.dma_semaphore, #tpu.memory_space<semaphore_mem>>
          %dma_start3A_231 = tpu.memref_slice %arg5[%add3A_151] : memref<320000xi32, #tpu.memory_space<hbm>> -> memref<40xi32, #tpu.memory_space<hbm>>
          %dma_start3A_232 = tpu.memref_slice %arg5[%add3A_151] : memref<320000xi32, #tpu.memory_space<hbm>> -> memref<40xi32, #tpu.memory_space<hbm>>
          tpu.enqueue_dma source(%dma_start3A_232 : memref<40xi32, #tpu.memory_space<hbm>>) target(%arg10 : memref<40xi32, #tpu.memory_space<vmem>>) target_semaphore(%run_scoped3A : memref<!tpu.dma_semaphore, #tpu.memory_space<semaphore_mem>>)
          %dma_wait3A_233 = tpu.memref_slice %arg5[%add3A_151] : memref<320000xi32, #tpu.memory_space<hbm>> -> memref<40xi32, #tpu.memory_space<hbm>>
          %dma_wait3A_234 = tpu.memref_slice %arg5[%add3A_151] : memref<320000xi32, #tpu.memory_space<hbm>> -> memref<40xi32, #tpu.memory_space<hbm>>
          tpu.wait_dma2 semaphore(%run_scoped3A : memref<!tpu.dma_semaphore, #tpu.memory_space<semaphore_mem>>) src(%dma_wait3A_234 : memref<40xi32, #tpu.memory_space<hbm>>) dst(%arg10 : memref<40xi32, #tpu.memory_space<vmem>>)
          tpu.yield
        }) : () -> ()
        %get3A_152 = arith.constant 0 : index
        %get3A_153 = tpu.vector_load %arg9[%get3A_152] {strides = array<i32>} : memref<40xi32, #tpu.memory_space<vmem>>, vector<16xi32>,
        %get3A_154 = vector.shape_cast %get3A_153 : vector<16xi32> to vector<16xi32>
        %mul3A_155 = arith.constant 10000 : i32
        %mul3A_156 = arith.muli %arg0, %mul3A_155 : i32
        %add3A_157 = vector.broadcast %mul3A_156 : i32 to vector<16xi32>
        %add3A_158 = arith.addi %get3A_154, %add3A_157 : vector<16xi32>
        %swap3A_159 = arith.constant 0 : index
        %swap3A_160 = tpu.vector_load %arg11[%swap3A_159] {strides = array<i32>} : memref<40xi32, #tpu.memory_space<vmem>>, vector<16xi32>,
        %swap3A_161 = vector.shape_cast %swap3A_160 : vector<16xi32> to vector<16xi32>
        %swap3A_162 = vector.shape_cast %add3A_158 : vector<16xi32> to vector<16xi32>
        tpu.vector_store %arg11[%swap3A_159], %swap3A_162 {strides = array<i32>} : memref<40xi32, #tpu.memory_space<vmem>>, vector<16xi32>,
        %get3A_163 = arith.constant 0 : index
        %get3A_164 = tpu.vector_load %arg10[%get3A_163] {strides = array<i32>} : memref<40xi32, #tpu.memory_space<vmem>>, vector<16xi32>,
        %get3A_165 = vector.shape_cast %get3A_164 : vector<16xi32> to vector<16xi32>
        %mul3A_166 = arith.constant 10000 : i32
        %mul3A_167 = arith.muli %arg0, %mul3A_166 : i32
        %add3A_168 = vector.broadcast %mul3A_167 : i32 to vector<16xi32>
        %add3A_169 = arith.addi %get3A_165, %add3A_168 : vector<16xi32>
        %swap3A_170 = arith.constant 0 : index
        %swap3A_171 = tpu.vector_load %arg12[%swap3A_170] {strides = array<i32>} : memref<40xi32, #tpu.memory_space<vmem>>, vector<16xi32>,
        %swap3A_172 = vector.shape_cast %swap3A_171 : vector<16xi32> to vector<16xi32>
        %swap3A_173 = vector.shape_cast %add3A_169 : vector<16xi32> to vector<16xi32>
        tpu.vector_store %arg12[%swap3A_170], %swap3A_173 {strides = array<i32>} : memref<40xi32, #tpu.memory_space<vmem>>, vector<16xi32>,
        %get3A_174 = arith.constant 16 : index
        %get3A_175 = tpu.vector_load %arg9[%get3A_174] {strides = array<i32>} : memref<40xi32, #tpu.memory_space<vmem>>, vector<16xi32>,
        %get3A_176 = vector.shape_cast %get3A_175 : vector<16xi32> to vector<16xi32>
        %mul3A_177 = arith.constant 10000 : i32
        %mul3A_178 = arith.muli %arg0, %mul3A_177 : i32
        %add3A_179 = vector.broadcast %mul3A_178 : i32 to vector<16xi32>
        %add3A_180 = arith.addi %get3A_176, %add3A_179 : vector<16xi32>
        %swap3A_181 = arith.constant 16 : index
        %swap3A_182 = tpu.vector_load %arg11[%swap3A_181] {strides = array<i32>} : memref<40xi32, #tpu.memory_space<vmem>>, vector<16xi32>,
        %swap3A_183 = vector.shape_cast %swap3A_182 : vector<16xi32> to vector<16xi32>
        %swap3A_184 = vector.shape_cast %add3A_180 : vector<16xi32> to vector<16xi32>
        tpu.vector_store %arg11[%swap3A_181], %swap3A_184 {strides = array<i32>} : memref<40xi32, #tpu.memory_space<vmem>>, vector<16xi32>,
        %get3A_185 = arith.constant 16 : index
        %get3A_186 = tpu.vector_load %arg10[%get3A_185] {strides = array<i32>} : memref<40xi32, #tpu.memory_space<vmem>>, vector<16xi32>,
        %get3A_187 = vector.shape_cast %get3A_186 : vector<16xi32> to vector<16xi32>
        %mul3A_188 = arith.constant 10000 : i32
        %mul3A_189 = arith.muli %arg0, %mul3A_188 : i32
        %add3A_190 = vector.broadcast %mul3A_189 : i32 to vector<16xi32>
        %add3A_191 = arith.addi %get3A_187, %add3A_190 : vector<16xi32>
        %swap3A_192 = arith.constant 16 : index
        %swap3A_193 = tpu.vector_load %arg12[%swap3A_192] {strides = array<i32>} : memref<40xi32, #tpu.memory_space<vmem>>, vector<16xi32>,
        %swap3A_194 = vector.shape_cast %swap3A_193 : vector<16xi32> to vector<16xi32>
        %swap3A_195 = vector.shape_cast %add3A_191 : vector<16xi32> to vector<16xi32>
        tpu.vector_store %arg12[%swap3A_192], %swap3A_195 {strides = array<i32>} : memref<40xi32, #tpu.memory_space<vmem>>, vector<16xi32>,
        %get3A_196 = arith.constant 24 : index
        %get3A_197 = tpu.vector_load %arg9[%get3A_196] {strides = array<i32>} : memref<40xi32, #tpu.memory_space<vmem>>, vector<16xi32>,
        %get3A_198 = vector.shape_cast %get3A_197 : vector<16xi32> to vector<16xi32>
        %mul3A_199 = arith.constant 10000 : i32
        %mul3A_200 = arith.muli %arg0, %mul3A_199 : i32
        %add3A_201 = vector.broadcast %mul3A_200 : i32 to vector<16xi32>
        %add3A_202 = arith.addi %get3A_198, %add3A_201 : vector<16xi32>
        %swap3A_203 = arith.constant 24 : index
        %swap3A_204 = tpu.vector_load %arg11[%swap3A_203] {strides = array<i32>} : memref<40xi32, #tpu.memory_space<vmem>>, vector<16xi32>,
        %swap3A_205 = vector.shape_cast %swap3A_204 : vector<16xi32> to vector<16xi32>
        %swap3A_206 = vector.shape_cast %add3A_202 : vector<16xi32> to vector<16xi32>
        tpu.vector_store %arg11[%swap3A_203], %swap3A_206 {strides = array<i32>} : memref<40xi32, #tpu.memory_space<vmem>>, vector<16xi32>,
        %get3A_207 = arith.constant 24 : index
        %get3A_208 = tpu.vector_load %arg10[%get3A_207] {strides = array<i32>} : memref<40xi32, #tpu.memory_space<vmem>>, vector<16xi32>,
        %get3A_209 = vector.shape_cast %get3A_208 : vector<16xi32> to vector<16xi32>
        %mul3A_210 = arith.constant 10000 : i32
        %mul3A_211 = arith.muli %arg0, %mul3A_210 : i32
        %add3A_212 = vector.broadcast %mul3A_211 : i32 to vector<16xi32>
        %add3A_213 = arith.addi %get3A_209, %add3A_212 : vector<16xi32>
        %swap3A_214 = arith.constant 24 : index
        %swap3A_215 = tpu.vector_load %arg12[%swap3A_214] {strides = array<i32>} : memref<40xi32, #tpu.memory_space<vmem>>, vector<16xi32>,
        %swap3A_216 = vector.shape_cast %swap3A_215 : vector<16xi32> to vector<16xi32>
        %swap3A_217 = vector.shape_cast %add3A_213 : vector<16xi32> to vector<16xi32>
        tpu.vector_store %arg12[%swap3A_214], %swap3A_217 {strides = array<i32>} : memref<40xi32, #tpu.memory_space<vmem>>, vector<16xi32>,
        %dma_start3A_218 = arith.constant 0 : i32
        %dma_start3A_219 = arith.constant 0 : i32
        %dma_start3A_220 = tpu.memref_slice %arg2[%dma_start3A_218, %dma_start3A_219] : memref<20000x128xf32, #tpu.memory_space<hbm>> -> memref<20000x128xf32, #tpu.memory_space<hbm>>
        tpu.enqueue_indirect_dma source(%dma_start3A_220 : memref<20000x128xf32, #tpu.memory_space<hbm>>) target(%arg17 : memref<40x128xf32, #tpu.memory_space<vmem>>) offsets(%arg11 : memref<40xi32, #tpu.memory_space<vmem>>) semaphore(%arg24 : memref<!tpu.dma_semaphore, #tpu.memory_space<semaphore_mem>>)
        %dma_start3A_221 = arith.constant 0 : i32
        %dma_start3A_222 = arith.constant 0 : i32
        %dma_start3A_223 = tpu.memref_slice %arg4[%dma_start3A_221, %dma_start3A_222] : memref<20000x128xf32, #tpu.memory_space<hbm>> -> memref<20000x128xf32, #tpu.memory_space<hbm>>
        tpu.enqueue_indirect_dma source(%dma_start3A_223 : memref<20000x128xf32, #tpu.memory_space<hbm>>) target(%arg18 : memref<40x128xf32, #tpu.memory_space<vmem>>) offsets(%arg12 : memref<40xi32, #tpu.memory_space<vmem>>) semaphore(%arg25 : memref<!tpu.dma_semaphore, #tpu.memory_space<semaphore_mem>>)
        %mul3A_224 = arith.constant 320000 : i32
        %mul3A_225 = arith.muli %arg0, %mul3A_224 : i32
        %add3A_226 = arith.addi %mul3A_225, %add3A_151 : i32
        %dma_start3A_227 = arith.constant 0 : i32
        %dma_start3A_228 = tpu.memref_slice %arg6[%add3A_226, %dma_start3A_227] : memref<640000x128xf32, #tpu.memory_space<hbm>> -> memref<40x128xf32, #tpu.memory_space<hbm>>
        %dma_start3A_229 = arith.constant 0 : i32
        %dma_start3A_230 = tpu.memref_slice %arg6[%add3A_226, %dma_start3A_229] : memref<640000x128xf32, #tpu.memory_space<hbm>> -> memref<40x128xf32, #tpu.memory_space<hbm>>
        tpu.enqueue_dma source(%dma_start3A_230 : memref<40x128xf32, #tpu.memory_space<hbm>>) target(%arg19 : memref<40x128xf32, #tpu.memory_space<vmem>>) target_semaphore(%arg26 : memref<!tpu.dma_semaphore, #tpu.memory_space<semaphore_mem>>)
      } else {
      }
      %dma_wait3A_129 = arith.constant 0 : i32
      %dma_wait3A_130 = arith.constant 0 : i32
      %dma_wait3A_131 = tpu.memref_slice %arg2[%dma_wait3A_129, %dma_wait3A_130] : memref<20000x128xf32, #tpu.memory_space<hbm>> -> memref<20000x128xf32, #tpu.memory_space<hbm>>
      tpu.wait_indirect_dma semaphore(%arg27 : memref<!tpu.dma_semaphore, #tpu.memory_space<semaphore_mem>>) src(%dma_wait3A_131 : memref<20000x128xf32, #tpu.memory_space<hbm>>) dst(%arg20 : memref<40x128xf32, #tpu.memory_space<vmem>>)
      %dma_wait3A_132 = arith.constant 0 : i32
      %dma_wait3A_133 = arith.constant 0 : i32
      %dma_wait3A_134 = tpu.memref_slice %arg4[%dma_wait3A_132, %dma_wait3A_133] : memref<20000x128xf32, #tpu.memory_space<hbm>> -> memref<20000x128xf32, #tpu.memory_space<hbm>>
      tpu.wait_indirect_dma semaphore(%arg28 : memref<!tpu.dma_semaphore, #tpu.memory_space<semaphore_mem>>) src(%dma_wait3A_134 : memref<20000x128xf32, #tpu.memory_space<hbm>>) dst(%arg21 : memref<40x128xf32, #tpu.memory_space<vmem>>)
      %dma_wait3A_135 = arith.constant 0 : i32
      %dma_wait3A_136 = arith.constant 0 : i32
      %dma_wait3A_137 = tpu.memref_slice %arg6[%dma_wait3A_135, %dma_wait3A_136] : memref<640000x128xf32, #tpu.memory_space<hbm>> -> memref<40x128xf32, #tpu.memory_space<hbm>>
      %dma_wait3A_138 = arith.constant 0 : i32
      %dma_wait3A_139 = arith.constant 0 : i32
      %dma_wait3A_140 = tpu.memref_slice %arg6[%dma_wait3A_138, %dma_wait3A_139] : memref<640000x128xf32, #tpu.memory_space<hbm>> -> memref<40x128xf32, #tpu.memory_space<hbm>>
      tpu.wait_dma2 semaphore(%arg29 : memref<!tpu.dma_semaphore, #tpu.memory_space<semaphore_mem>>) src(%dma_wait3A_140 : memref<40x128xf32, #tpu.memory_space<hbm>>) dst(%arg22 : memref<40x128xf32, #tpu.memory_space<vmem>>)
      %scan3A_141 = arith.constant 0 : i32
      %scan3A_142 = arith.constant 0 : i32
      %scan3A_143 = arith.constant 40 : i32
      %scan3A_144 = arith.addi %scan3A_142, %scan3A_143 : i32
      %scan3A_145 = arith.constant 1 : i32
      scf.for %scan3A_147 = %scan3A_142 to %scan3A_144 step %scan3A_145  : i32 {
        %get3A_148 = arith.index_cast %scan3A_147 : i32 to index
        %get3A_149 = arith.constant 0 : index
        %get3A_150 = tpu.vector_load %arg20[%get3A_148, %get3A_149] {strides = array<i32>} : memref<40x128xf32, #tpu.memory_space<vmem>>, vector<1x16xf32>,
        %get3A_151 = vector.shape_cast %get3A_150 : vector<1x16xf32> to vector<16xf32>
        %get3A_152 = arith.index_cast %scan3A_147 : i32 to index
        %get3A_153 = arith.constant 0 : index
        %get3A_154 = tpu.vector_load %arg21[%get3A_152, %get3A_153] {strides = array<i32>} : memref<40x128xf32, #tpu.memory_space<vmem>>, vector<1x16xf32>,
        %get3A_155 = vector.shape_cast %get3A_154 : vector<1x16xf32> to vector<16xf32>
        %add3A_156 = arith.addf %get3A_151, %get3A_155 : vector<16xf32>
        %get3A_157 = arith.index_cast %scan3A_147 : i32 to index
        %get3A_158 = arith.constant 0 : index
        %get3A_159 = tpu.vector_load %arg22[%get3A_157, %get3A_158] {strides = array<i32>} : memref<40x128xf32, #tpu.memory_space<vmem>>, vector<1x16xf32>,
        %get3A_160 = vector.shape_cast %get3A_159 : vector<1x16xf32> to vector<16xf32>
        %add3A_161 = arith.addf %add3A_156, %get3A_160 : vector<16xf32>
        %max3A = arith.constant 0.000000e+00 : f32
        %max3A_162 = vector.broadcast %max3A : f32 to vector<16xf32>
        %max3A_163 = arith.maximumf %add3A_161, %max3A_162 : vector<16xf32>
        %swap3A_164 = arith.index_cast %scan3A_147 : i32 to index
        %swap3A_165 = arith.constant 0 : index
        %swap3A_166 = tpu.vector_load %arg20[%swap3A_164, %swap3A_165] {strides = array<i32>} : memref<40x128xf32, #tpu.memory_space<vmem>>, vector<1x16xf32>,
        %swap3A_167 = vector.shape_cast %swap3A_166 : vector<1x16xf32> to vector<16xf32>
        %swap3A_168 = vector.shape_cast %max3A_163 : vector<16xf32> to vector<1x16xf32>
        tpu.vector_store %arg20[%swap3A_164, %swap3A_165], %swap3A_168 {strides = array<i32>} : memref<40x128xf32, #tpu.memory_space<vmem>>, vector<1x16xf32>,
        %get3A_169 = arith.index_cast %scan3A_147 : i32 to index
        %get3A_170 = arith.constant 16 : index
        %get3A_171 = tpu.vector_load %arg20[%get3A_169, %get3A_170] {strides = array<i32>} : memref<40x128xf32, #tpu.memory_space<vmem>>, vector<1x16xf32>,
        %get3A_172 = vector.shape_cast %get3A_171 : vector<1x16xf32> to vector<16xf32>
        %get3A_173 = arith.index_cast %scan3A_147 : i32 to index
        %get3A_174 = arith.constant 16 : index
        %get3A_175 = tpu.vector_load %arg21[%get3A_173, %get3A_174] {strides = array<i32>} : memref<40x128xf32, #tpu.memory_space<vmem>>, vector<1x16xf32>,
        %get3A_176 = vector.shape_cast %get3A_175 : vector<1x16xf32> to vector<16xf32>
        %add3A_177 = arith.addf %get3A_172, %get3A_176 : vector<16xf32>
        %get3A_178 = arith.index_cast %scan3A_147 : i32 to index
        %get3A_179 = arith.constant 16 : index
        %get3A_180 = tpu.vector_load %arg22[%get3A_178, %get3A_179] {strides = array<i32>} : memref<40x128xf32, #tpu.memory_space<vmem>>, vector<1x16xf32>,
        %get3A_181 = vector.shape_cast %get3A_180 : vector<1x16xf32> to vector<16xf32>
        %add3A_182 = arith.addf %add3A_177, %get3A_181 : vector<16xf32>
        %max3A_183 = arith.constant 0.000000e+00 : f32
        %max3A_184 = vector.broadcast %max3A_183 : f32 to vector<16xf32>
        %max3A_185 = arith.maximumf %add3A_182, %max3A_184 : vector<16xf32>
        %swap3A_186 = arith.index_cast %scan3A_147 : i32 to index
        %swap3A_187 = arith.constant 16 : index
        %swap3A_188 = tpu.vector_load %arg20[%swap3A_186, %swap3A_187] {strides = array<i32>} : memref<40x128xf32, #tpu.memory_space<vmem>>, vector<1x16xf32>,
        %swap3A_189 = vector.shape_cast %swap3A_188 : vector<1x16xf32> to vector<16xf32>
        %swap3A_190 = vector.shape_cast %max3A_185 : vector<16xf32> to vector<1x16xf32>
        tpu.vector_store %arg20[%swap3A_186, %swap3A_187], %swap3A_190 {strides = array<i32>} : memref<40x128xf32, #tpu.memory_space<vmem>>, vector<1x16xf32>,
        %get3A_191 = arith.index_cast %scan3A_147 : i32 to index
        %get3A_192 = arith.constant 32 : index
        %get3A_193 = tpu.vector_load %arg20[%get3A_191, %get3A_192] {strides = array<i32>} : memref<40x128xf32, #tpu.memory_space<vmem>>, vector<1x16xf32>,
        %get3A_194 = vector.shape_cast %get3A_193 : vector<1x16xf32> to vector<16xf32>
        %get3A_195 = arith.index_cast %scan3A_147 : i32 to index
        %get3A_196 = arith.constant 32 : index
        %get3A_197 = tpu.vector_load %arg21[%get3A_195, %get3A_196] {strides = array<i32>} : memref<40x128xf32, #tpu.memory_space<vmem>>, vector<1x16xf32>,
        %get3A_198 = vector.shape_cast %get3A_197 : vector<1x16xf32> to vector<16xf32>
        %add3A_199 = arith.addf %get3A_194, %get3A_198 : vector<16xf32>
        %get3A_200 = arith.index_cast %scan3A_147 : i32 to index
        %get3A_201 = arith.constant 32 : index
        %get3A_202 = tpu.vector_load %arg22[%get3A_200, %get3A_201] {strides = array<i32>} : memref<40x128xf32, #tpu.memory_space<vmem>>, vector<1x16xf32>,
        %get3A_203 = vector.shape_cast %get3A_202 : vector<1x16xf32> to vector<16xf32>
        %add3A_204 = arith.addf %add3A_199, %get3A_203 : vector<16xf32>
        %max3A_205 = arith.constant 0.000000e+00 : f32
        %max3A_206 = vector.broadcast %max3A_205 : f32 to vector<16xf32>
        %max3A_207 = arith.maximumf %add3A_204, %max3A_206 : vector<16xf32>
        %swap3A_208 = arith.index_cast %scan3A_147 : i32 to index
        %swap3A_209 = arith.constant 32 : index
        %swap3A_210 = tpu.vector_load %arg20[%swap3A_208, %swap3A_209] {strides = array<i32>} : memref<40x128xf32, #tpu.memory_space<vmem>>, vector<1x16xf32>,
        %swap3A_211 = vector.shape_cast %swap3A_210 : vector<1x16xf32> to vector<16xf32>
        %swap3A_212 = vector.shape_cast %max3A_207 : vector<16xf32> to vector<1x16xf32>
        tpu.vector_store %arg20[%swap3A_208, %swap3A_209], %swap3A_212 {strides = array<i32>} : memref<40x128xf32, #tpu.memory_space<vmem>>, vector<1x16xf32>,
        %get3A_213 = arith.index_cast %scan3A_147 : i32 to index
        %get3A_214 = arith.constant 48 : index
        %get3A_215 = tpu.vector_load %arg20[%get3A_213, %get3A_214] {strides = array<i32>} : memref<40x128xf32, #tpu.memory_space<vmem>>, vector<1x16xf32>,
        %get3A_216 = vector.shape_cast %get3A_215 : vector<1x16xf32> to vector<16xf32>
        %get3A_217 = arith.index_cast %scan3A_147 : i32 to index
        %get3A_218 = arith.constant 48 : index
        %get3A_219 = tpu.vector_load %arg21[%get3A_217, %get3A_218] {strides = array<i32>} : memref<40x128xf32, #tpu.memory_space<vmem>>, vector<1x16xf32>,
        %get3A_220 = vector.shape_cast %get3A_219 : vector<1x16xf32> to vector<16xf32>
        %add3A_221 = arith.addf %get3A_216, %get3A_220 : vector<16xf32>
        %get3A_222 = arith.index_cast %scan3A_147 : i32 to index
        %get3A_223 = arith.constant 48 : index
        %get3A_224 = tpu.vector_load %arg22[%get3A_222, %get3A_223] {strides = array<i32>} : memref<40x128xf32, #tpu.memory_space<vmem>>, vector<1x16xf32>,
        %get3A_225 = vector.shape_cast %get3A_224 : vector<1x16xf32> to vector<16xf32>
        %add3A_226 = arith.addf %add3A_221, %get3A_225 : vector<16xf32>
        %max3A_227 = arith.constant 0.000000e+00 : f32
        %max3A_228 = vector.broadcast %max3A_227 : f32 to vector<16xf32>
        %max3A_229 = arith.maximumf %add3A_226, %max3A_228 : vector<16xf32>
        %swap3A_230 = arith.index_cast %scan3A_147 : i32 to index
        %swap3A_231 = arith.constant 48 : index
        %swap3A_232 = tpu.vector_load %arg20[%swap3A_230, %swap3A_231] {strides = array<i32>} : memref<40x128xf32, #tpu.memory_space<vmem>>, vector<1x16xf32>,
        %swap3A_233 = vector.shape_cast %swap3A_232 : vector<1x16xf32> to vector<16xf32>
        %swap3A_234 = vector.shape_cast %max3A_229 : vector<16xf32> to vector<1x16xf32>
        tpu.vector_store %arg20[%swap3A_230, %swap3A_231], %swap3A_234 {strides = array<i32>} : memref<40x128xf32, #tpu.memory_space<vmem>>, vector<1x16xf32>,
        %get3A_235 = arith.index_cast %scan3A_147 : i32 to index
        %get3A_236 = arith.constant 64 : index
        %get3A_237 = tpu.vector_load %arg20[%get3A_235, %get3A_236] {strides = array<i32>} : memref<40x128xf32, #tpu.memory_space<vmem>>, vector<1x16xf32>,
        %get3A_238 = vector.shape_cast %get3A_237 : vector<1x16xf32> to vector<16xf32>
        %get3A_239 = arith.index_cast %scan3A_147 : i32 to index
        %get3A_240 = arith.constant 64 : index
        %get3A_241 = tpu.vector_load %arg21[%get3A_239, %get3A_240] {strides = array<i32>} : memref<40x128xf32, #tpu.memory_space<vmem>>, vector<1x16xf32>,
        %get3A_242 = vector.shape_cast %get3A_241 : vector<1x16xf32> to vector<16xf32>
        %add3A_243 = arith.addf %get3A_238, %get3A_242 : vector<16xf32>
        %get3A_244 = arith.index_cast %scan3A_147 : i32 to index
        %get3A_245 = arith.constant 64 : index
        %get3A_246 = tpu.vector_load %arg22[%get3A_244, %get3A_245] {strides = array<i32>} : memref<40x128xf32, #tpu.memory_space<vmem>>, vector<1x16xf32>,
        %get3A_247 = vector.shape_cast %get3A_246 : vector<1x16xf32> to vector<16xf32>
        %add3A_248 = arith.addf %add3A_243, %get3A_247 : vector<16xf32>
        %max3A_249 = arith.constant 0.000000e+00 : f32
        %max3A_250 = vector.broadcast %max3A_249 : f32 to vector<16xf32>
        %max3A_251 = arith.maximumf %add3A_248, %max3A_250 : vector<16xf32>
        %swap3A_252 = arith.index_cast %scan3A_147 : i32 to index
        %swap3A_253 = arith.constant 64 : index
        %swap3A_254 = tpu.vector_load %arg20[%swap3A_252, %swap3A_253] {strides = array<i32>} : memref<40x128xf32, #tpu.memory_space<vmem>>, vector<1x16xf32>,
        %swap3A_255 = vector.shape_cast %swap3A_254 : vector<1x16xf32> to vector<16xf32>
        %swap3A_256 = vector.shape_cast %max3A_251 : vector<16xf32> to vector<1x16xf32>
        tpu.vector_store %arg20[%swap3A_252, %swap3A_253], %swap3A_256 {strides = array<i32>} : memref<40x128xf32, #tpu.memory_space<vmem>>, vector<1x16xf32>,
        %get3A_257 = arith.index_cast %scan3A_147 : i32 to index
        %get3A_258 = arith.constant 80 : index
        %get3A_259 = tpu.vector_load %arg20[%get3A_257, %get3A_258] {strides = array<i32>} : memref<40x128xf32, #tpu.memory_space<vmem>>, vector<1x16xf32>,
        %get3A_260 = vector.shape_cast %get3A_259 : vector<1x16xf32> to vector<16xf32>
        %get3A_261 = arith.index_cast %scan3A_147 : i32 to index
        %get3A_262 = arith.constant 80 : index
        %get3A_263 = tpu.vector_load %arg21[%get3A_261, %get3A_262] {strides = array<i32>} : memref<40x128xf32, #tpu.memory_space<vmem>>, vector<1x16xf32>,
        %get3A_264 = vector.shape_cast %get3A_263 : vector<1x16xf32> to vector<16xf32>
        %add3A_265 = arith.addf %get3A_260, %get3A_264 : vector<16xf32>
        %get3A_266 = arith.index_cast %scan3A_147 : i32 to index
        %get3A_267 = arith.constant 80 : index
        %get3A_268 = tpu.vector_load %arg22[%get3A_266, %get3A_267] {strides = array<i32>} : memref<40x128xf32, #tpu.memory_space<vmem>>, vector<1x16xf32>,
        %get3A_269 = vector.shape_cast %get3A_268 : vector<1x16xf32> to vector<16xf32>
        %add3A_270 = arith.addf %add3A_265, %get3A_269 : vector<16xf32>
        %max3A_271 = arith.constant 0.000000e+00 : f32
        %max3A_272 = vector.broadcast %max3A_271 : f32 to vector<16xf32>
        %max3A_273 = arith.maximumf %add3A_270, %max3A_272 : vector<16xf32>
        %swap3A_274 = arith.index_cast %scan3A_147 : i32 to index
        %swap3A_275 = arith.constant 80 : index
        %swap3A_276 = tpu.vector_load %arg20[%swap3A_274, %swap3A_275] {strides = array<i32>} : memref<40x128xf32, #tpu.memory_space<vmem>>, vector<1x16xf32>,
        %swap3A_277 = vector.shape_cast %swap3A_276 : vector<1x16xf32> to vector<16xf32>
        %swap3A_278 = vector.shape_cast %max3A_273 : vector<16xf32> to vector<1x16xf32>
        tpu.vector_store %arg20[%swap3A_274, %swap3A_275], %swap3A_278 {strides = array<i32>} : memref<40x128xf32, #tpu.memory_space<vmem>>, vector<1x16xf32>,
        %get3A_279 = arith.index_cast %scan3A_147 : i32 to index
        %get3A_280 = arith.constant 96 : index
        %get3A_281 = tpu.vector_load %arg20[%get3A_279, %get3A_280] {strides = array<i32>} : memref<40x128xf32, #tpu.memory_space<vmem>>, vector<1x16xf32>,
        %get3A_282 = vector.shape_cast %get3A_281 : vector<1x16xf32> to vector<16xf32>
        %get3A_283 = arith.index_cast %scan3A_147 : i32 to index
        %get3A_284 = arith.constant 96 : index
        %get3A_285 = tpu.vector_load %arg21[%get3A_283, %get3A_284] {strides = array<i32>} : memref<40x128xf32, #tpu.memory_space<vmem>>, vector<1x16xf32>,
        %get3A_286 = vector.shape_cast %get3A_285 : vector<1x16xf32> to vector<16xf32>
        %add3A_287 = arith.addf %get3A_282, %get3A_286 : vector<16xf32>
        %get3A_288 = arith.index_cast %scan3A_147 : i32 to index
        %get3A_289 = arith.constant 96 : index
        %get3A_290 = tpu.vector_load %arg22[%get3A_288, %get3A_289] {strides = array<i32>} : memref<40x128xf32, #tpu.memory_space<vmem>>, vector<1x16xf32>,
        %get3A_291 = vector.shape_cast %get3A_290 : vector<1x16xf32> to vector<16xf32>
        %add3A_292 = arith.addf %add3A_287, %get3A_291 : vector<16xf32>
        %max3A_293 = arith.constant 0.000000e+00 : f32
        %max3A_294 = vector.broadcast %max3A_293 : f32 to vector<16xf32>
        %max3A_295 = arith.maximumf %add3A_292, %max3A_294 : vector<16xf32>
        %swap3A_296 = arith.index_cast %scan3A_147 : i32 to index
        %swap3A_297 = arith.constant 96 : index
        %swap3A_298 = tpu.vector_load %arg20[%swap3A_296, %swap3A_297] {strides = array<i32>} : memref<40x128xf32, #tpu.memory_space<vmem>>, vector<1x16xf32>,
        %swap3A_299 = vector.shape_cast %swap3A_298 : vector<1x16xf32> to vector<16xf32>
        %swap3A_300 = vector.shape_cast %max3A_295 : vector<16xf32> to vector<1x16xf32>
        tpu.vector_store %arg20[%swap3A_296, %swap3A_297], %swap3A_300 {strides = array<i32>} : memref<40x128xf32, #tpu.memory_space<vmem>>, vector<1x16xf32>,
        %get3A_301 = arith.index_cast %scan3A_147 : i32 to index
        %get3A_302 = arith.constant 112 : index
        %get3A_303 = tpu.vector_load %arg20[%get3A_301, %get3A_302] {strides = array<i32>} : memref<40x128xf32, #tpu.memory_space<vmem>>, vector<1x16xf32>,
        %get3A_304 = vector.shape_cast %get3A_303 : vector<1x16xf32> to vector<16xf32>
        %get3A_305 = arith.index_cast %scan3A_147 : i32 to index
        %get3A_306 = arith.constant 112 : index
        %get3A_307 = tpu.vector_load %arg21[%get3A_305, %get3A_306] {strides = array<i32>} : memref<40x128xf32, #tpu.memory_space<vmem>>, vector<1x16xf32>,
        %get3A_308 = vector.shape_cast %get3A_307 : vector<1x16xf32> to vector<16xf32>
        %add3A_309 = arith.addf %get3A_304, %get3A_308 : vector<16xf32>
        %get3A_310 = arith.index_cast %scan3A_147 : i32 to index
        %get3A_311 = arith.constant 112 : index
        %get3A_312 = tpu.vector_load %arg22[%get3A_310, %get3A_311] {strides = array<i32>} : memref<40x128xf32, #tpu.memory_space<vmem>>, vector<1x16xf32>,
        %get3A_313 = vector.shape_cast %get3A_312 : vector<1x16xf32> to vector<16xf32>
        %add3A_314 = arith.addf %add3A_309, %get3A_313 : vector<16xf32>
        %max3A_315 = arith.constant 0.000000e+00 : f32
        %max3A_316 = vector.broadcast %max3A_315 : f32 to vector<16xf32>
        %max3A_317 = arith.maximumf %add3A_314, %max3A_316 : vector<16xf32>
        %swap3A_318 = arith.index_cast %scan3A_147 : i32 to index
        %swap3A_319 = arith.constant 112 : index
        %swap3A_320 = tpu.vector_load %arg20[%swap3A_318, %swap3A_319] {strides = array<i32>} : memref<40x128xf32, #tpu.memory_space<vmem>>, vector<1x16xf32>,
        %swap3A_321 = vector.shape_cast %swap3A_320 : vector<1x16xf32> to vector<16xf32>
        %swap3A_322 = vector.shape_cast %max3A_317 : vector<16xf32> to vector<1x16xf32>
        tpu.vector_store %arg20[%swap3A_318, %swap3A_319], %swap3A_322 {strides = array<i32>} : memref<40x128xf32, #tpu.memory_space<vmem>>, vector<1x16xf32>,
      }
      %scan3A_146 = arith.constant 40 : i32
      "tpu.region"() ({
        %run_scoped3A = tpu.sem_alloc : memref<!tpu.dma_semaphore, #tpu.memory_space<semaphore_mem>>
        %dma_start3A_147 = arith.constant 0 : i32
        %dma_start3A_148 = arith.constant 0 : i32
        %dma_start3A_149 = tpu.memref_slice %arg23[%dma_start3A_147, %dma_start3A_148] : memref<10112x128xf32, #tpu.memory_space<vmem_shared>> -> memref<10112x128xf32, #tpu.memory_space<vmem_shared>>
        tpu.enqueue_indirect_dma source(%arg20 : memref<40x128xf32, #tpu.memory_space<vmem>>) target(%dma_start3A_149 : memref<10112x128xf32, #tpu.memory_space<vmem_shared>>) offsets(%arg14 : memref<40xi32, #tpu.memory_space<vmem>>) semaphore(%run_scoped3A : memref<!tpu.dma_semaphore, #tpu.memory_space<semaphore_mem>>) {add = true}
        %dma_wait3A_150 = arith.constant 0 : i32
        %dma_wait3A_151 = arith.constant 0 : i32
        %dma_wait3A_152 = tpu.memref_slice %arg23[%dma_wait3A_150, %dma_wait3A_151] : memref<10112x128xf32, #tpu.memory_space<vmem_shared>> -> memref<10112x128xf32, #tpu.memory_space<vmem_shared>>
        tpu.wait_indirect_dma semaphore(%run_scoped3A : memref<!tpu.dma_semaphore, #tpu.memory_space<semaphore_mem>>) src(%arg20 : memref<40x128xf32, #tpu.memory_space<vmem>>) dst(%dma_wait3A_152 : memref<10112x128xf32, #tpu.memory_space<vmem_shared>>)
        tpu.yield
      }) : () -> ()
    }
    %scan3A_86 = arith.constant 250 : i32
    %barrier3A_87 = arith.constant 0 : index
    tpu.barrier barrier_id(%barrier3A_87)
    %mul3A_88 = arith.constant 632 : i32
    %mul3A_89 = arith.muli %arg1, %mul3A_88 : i32
    %mul3A_90 = arith.constant 632 : i32
    %mul3A_91 = arith.muli %arg1, %mul3A_90 : i32
    "tpu.region"() ({
      %run_scoped3A = tpu.sem_alloc : memref<!tpu.dma_semaphore, #tpu.memory_space<semaphore_mem>>
      %dma_start3A_92 = arith.constant 0 : i32
      %dma_start3A_93 = tpu.memref_slice %arg8[%arg0, %mul3A_91, %dma_start3A_92] : memref<2x10112x128xf32, #tpu.memory_space<hbm>> -> memref<1x632x128xf32, #tpu.memory_space<hbm>>
      %dma_start3A_94 = tpu.memref_squeeze %dma_start3A_93 : memref<1x632x128xf32, #tpu.memory_space<hbm>> -> memref<632x128xf32, #tpu.memory_space<hbm>>
      %dma_start3A_95 = arith.constant 0 : i32
      %dma_start3A_96 = tpu.memref_slice %arg23[%mul3A_89, %dma_start3A_95] : memref<10112x128xf32, #tpu.memory_space<vmem_shared>> -> memref<632x128xf32, #tpu.memory_space<vmem_shared>>
      tpu.enqueue_dma source(%dma_start3A_96 : memref<632x128xf32, #tpu.memory_space<vmem_shared>>) target(%dma_start3A_94 : memref<632x128xf32, #tpu.memory_space<hbm>>) target_semaphore(%run_scoped3A : memref<!tpu.dma_semaphore, #tpu.memory_space<semaphore_mem>>)
      %dma_wait3A = arith.constant 0 : i32
      %dma_wait3A_97 = tpu.memref_slice %arg8[%arg0, %mul3A_91, %dma_wait3A] : memref<2x10112x128xf32, #tpu.memory_space<hbm>> -> memref<1x632x128xf32, #tpu.memory_space<hbm>>
      %dma_wait3A_98 = tpu.memref_squeeze %dma_wait3A_97 : memref<1x632x128xf32, #tpu.memory_space<hbm>> -> memref<632x128xf32, #tpu.memory_space<hbm>>
      %dma_wait3A_99 = arith.constant 0 : i32
      %dma_wait3A_100 = tpu.memref_slice %arg23[%mul3A_89, %dma_wait3A_99] : memref<10112x128xf32, #tpu.memory_space<vmem_shared>> -> memref<632x128xf32, #tpu.memory_space<vmem_shared>>
      tpu.wait_dma2 semaphore(%run_scoped3A : memref<!tpu.dma_semaphore, #tpu.memory_space<semaphore_mem>>) src(%dma_wait3A_100 : memref<632x128xf32, #tpu.memory_space<vmem_shared>>) dst(%dma_wait3A_98 : memref<632x128xf32, #tpu.memory_space<hbm>>)
      tpu.yield
    }) : () -> ()
    return
  }
}

module attributes {stable_mosaic.version = 14 : i64} {
  func.func @_edge_proj_body(%arg0: i32, %arg1: memref<4000x128xf32, #tpu.memory_space<vmem>>, %arg2: memref<128x256xf32, #tpu.memory_space<vmem>>, %arg3: memref<1x256xf32, #tpu.memory_space<vmem>>, %arg4: memref<128x256xf32, #tpu.memory_space<vmem>>, %arg5: memref<1x256xf32, #tpu.memory_space<vmem>>, %arg6: memref<2x4000x128xf32, #tpu.memory_space<vmem>>, %arg7: memref<2x4000x128xf32, #tpu.memory_space<vmem>>) attributes {dimension_semantics = [#tpu.dimension_semantics<arbitrary>], iteration_bounds = array<i64: 80>, scalar_prefetch = 0 : i64, scratch_operands = 0 : i64, tpu.core_type = #tpu.core_type<tc>, window_params = [{transform_indices = @transform_0, window_bounds = array<i64: 4000, 128>}, {pipeline_mode = #tpu.pipeline_mode<synchronous>, transform_indices = @transform_1, window_bounds = array<i64: 128, 256>}, {pipeline_mode = #tpu.pipeline_mode<synchronous>, transform_indices = @transform_2, window_bounds = array<i64: 1, 256>}, {pipeline_mode = #tpu.pipeline_mode<synchronous>, transform_indices = @transform_3, window_bounds = array<i64: 128, 256>}, {pipeline_mode = #tpu.pipeline_mode<synchronous>, transform_indices = @transform_4, window_bounds = array<i64: 1, 256>}, {transform_indices = @transform_5, window_bounds = array<i64: 2, 4000, 128>}, {transform_indices = @transform_6, window_bounds = array<i64: 2, 4000, 128>}]} {
    %get3A = arith.constant 0 : index
    %get3A_0 = arith.constant 0 : index
    %get3A_1 = vector.load %arg1[%get3A, %get3A_0] : memref<4000x128xf32, #tpu.memory_space<vmem>>, vector<4000x128xf32>
    %get3A_2 = arith.constant 0 : index
    %get3A_3 = arith.constant 0 : index
    %get3A_4 = vector.load %arg2[%get3A_2, %get3A_3] : memref<128x256xf32, #tpu.memory_space<vmem>>, vector<128x256xf32>
    %dot_general3A = arith.constant dense<0.000000e+00> : vector<4000x256xf32>
    %dot_general3A_5 = tpu.matmul %get3A_1, %get3A_4, %dot_general3A {dimension_numbers = #tpu.dot_dimension_numbers<[1], [0], [0], [1], [0, 0, 1, 1], [], []>, transpose_lhs_hint = false} : vector<4000x128xf32>, vector<128x256xf32>, vector<4000x256xf32> -> vector<4000x256xf32>
    %get3A_6 = arith.constant 0 : index
    %get3A_7 = arith.constant 0 : index
    %get3A_8 = vector.load %arg3[%get3A_6, %get3A_7] : memref<1x256xf32, #tpu.memory_space<vmem>>, vector<1x256xf32>
    %add3A = vector.broadcast %get3A_8 : vector<1x256xf32> to vector<4000x256xf32>
    %add3A_9 = arith.addf %dot_general3A_5, %add3A : vector<4000x256xf32>
    %get3A_10 = arith.constant 0 : index
    %get3A_11 = arith.constant 0 : index
    %get3A_12 = vector.load %arg4[%get3A_10, %get3A_11] : memref<128x256xf32, #tpu.memory_space<vmem>>, vector<128x256xf32>
    %dot_general3A_13 = arith.constant dense<0.000000e+00> : vector<4000x256xf32>
    %dot_general3A_14 = tpu.matmul %get3A_1, %get3A_12, %dot_general3A_13 {dimension_numbers = #tpu.dot_dimension_numbers<[1], [0], [0], [1], [0, 0, 1, 1], [], []>, transpose_lhs_hint = false} : vector<4000x128xf32>, vector<128x256xf32>, vector<4000x256xf32> -> vector<4000x256xf32>
    %get3A_15 = arith.constant 0 : index
    %get3A_16 = arith.constant 0 : index
    %get3A_17 = vector.load %arg5[%get3A_15, %get3A_16] : memref<1x256xf32, #tpu.memory_space<vmem>>, vector<1x256xf32>
    %add3A_18 = vector.broadcast %get3A_17 : vector<1x256xf32> to vector<4000x256xf32>
    %add3A_19 = arith.addf %dot_general3A_14, %add3A_18 : vector<4000x256xf32>
    %slice3A = vector.extract_strided_slice %add3A_9 {offsets = [0, 0], sizes = [4000, 128], strides = [1, 1]} : vector<4000x256xf32> to vector<4000x128xf32>
    %swap3A = arith.constant 0 : index
    %swap3A_20 = arith.constant 0 : index
    %swap3A_21 = arith.constant 0 : index
    %swap3A_22 = vector.load %arg6[%swap3A, %swap3A_20, %swap3A_21] : memref<2x4000x128xf32, #tpu.memory_space<vmem>>, vector<1x4000x128xf32>
    %swap3A_23 = vector.shape_cast %swap3A_22 : vector<1x4000x128xf32> to vector<4000x128xf32>
    %swap3A_24 = vector.shape_cast %slice3A : vector<4000x128xf32> to vector<1x4000x128xf32>
    tpu.vector_store %arg6[%swap3A, %swap3A_20, %swap3A_21], %swap3A_24 {strides = array<i32>} : memref<2x4000x128xf32, #tpu.memory_space<vmem>>, vector<1x4000x128xf32>,
    %slice3A_25 = vector.extract_strided_slice %add3A_9 {offsets = [0, 128], sizes = [4000, 128], strides = [1, 1]} : vector<4000x256xf32> to vector<4000x128xf32>
    %swap3A_26 = arith.constant 1 : index
    %swap3A_27 = arith.constant 0 : index
    %swap3A_28 = arith.constant 0 : index
    %swap3A_29 = vector.load %arg6[%swap3A_26, %swap3A_27, %swap3A_28] : memref<2x4000x128xf32, #tpu.memory_space<vmem>>, vector<1x4000x128xf32>
    %swap3A_30 = vector.shape_cast %swap3A_29 : vector<1x4000x128xf32> to vector<4000x128xf32>
    %swap3A_31 = vector.shape_cast %slice3A_25 : vector<4000x128xf32> to vector<1x4000x128xf32>
    tpu.vector_store %arg6[%swap3A_26, %swap3A_27, %swap3A_28], %swap3A_31 {strides = array<i32>} : memref<2x4000x128xf32, #tpu.memory_space<vmem>>, vector<1x4000x128xf32>,
    %slice3A_32 = vector.extract_strided_slice %add3A_19 {offsets = [0, 0], sizes = [4000, 128], strides = [1, 1]} : vector<4000x256xf32> to vector<4000x128xf32>
    %swap3A_33 = arith.constant 0 : index
    %swap3A_34 = arith.constant 0 : index
    %swap3A_35 = arith.constant 0 : index
    %swap3A_36 = vector.load %arg7[%swap3A_33, %swap3A_34, %swap3A_35] : memref<2x4000x128xf32, #tpu.memory_space<vmem>>, vector<1x4000x128xf32>
    %swap3A_37 = vector.shape_cast %swap3A_36 : vector<1x4000x128xf32> to vector<4000x128xf32>
    %swap3A_38 = vector.shape_cast %slice3A_32 : vector<4000x128xf32> to vector<1x4000x128xf32>
    tpu.vector_store %arg7[%swap3A_33, %swap3A_34, %swap3A_35], %swap3A_38 {strides = array<i32>} : memref<2x4000x128xf32, #tpu.memory_space<vmem>>, vector<1x4000x128xf32>,
    %slice3A_39 = vector.extract_strided_slice %add3A_19 {offsets = [0, 128], sizes = [4000, 128], strides = [1, 1]} : vector<4000x256xf32> to vector<4000x128xf32>
    %swap3A_40 = arith.constant 1 : index
    %swap3A_41 = arith.constant 0 : index
    %swap3A_42 = arith.constant 0 : index
    %swap3A_43 = vector.load %arg7[%swap3A_40, %swap3A_41, %swap3A_42] : memref<2x4000x128xf32, #tpu.memory_space<vmem>>, vector<1x4000x128xf32>
    %swap3A_44 = vector.shape_cast %swap3A_43 : vector<1x4000x128xf32> to vector<4000x128xf32>
    %swap3A_45 = vector.shape_cast %slice3A_39 : vector<4000x128xf32> to vector<1x4000x128xf32>
    tpu.vector_store %arg7[%swap3A_40, %swap3A_41, %swap3A_42], %swap3A_45 {strides = array<i32>} : memref<2x4000x128xf32, #tpu.memory_space<vmem>>, vector<1x4000x128xf32>,
    return
  }
  func.func @transform_0(%arg0: i32) -> (i32, i32) {
    %c0_i32 = arith.constant 0 : i32
    %c0_i32_0 = arith.constant 0 : i32
    return %arg0, %c0_i32 : i32, i32
  }
  func.func @transform_1(%arg0: i32) -> (i32, i32) {
    %c0_i32 = arith.constant 0 : i32
    %c0_i32_0 = arith.constant 0 : i32
    %c0_i32_1 = arith.constant 0 : i32
    return %c0_i32, %c0_i32_0 : i32, i32
  }
  func.func @transform_2(%arg0: i32) -> (i32, i32) {
    %c0_i32 = arith.constant 0 : i32
    %c0_i32_0 = arith.constant 0 : i32
    %c0_i32_1 = arith.constant 0 : i32
    return %c0_i32, %c0_i32_0 : i32, i32
  }
  func.func @transform_3(%arg0: i32) -> (i32, i32) {
    %c0_i32 = arith.constant 0 : i32
    %c0_i32_0 = arith.constant 0 : i32
    %c0_i32_1 = arith.constant 0 : i32
    return %c0_i32, %c0_i32_0 : i32, i32
  }
  func.func @transform_4(%arg0: i32) -> (i32, i32) {
    %c0_i32 = arith.constant 0 : i32
    %c0_i32_0 = arith.constant 0 : i32
    %c0_i32_1 = arith.constant 0 : i32
    return %c0_i32, %c0_i32_0 : i32, i32
  }
  func.func @transform_5(%arg0: i32) -> (i32, i32, i32) {
    %c0_i32 = arith.constant 0 : i32
    %c0_i32_0 = arith.constant 0 : i32
    %c0_i32_1 = arith.constant 0 : i32
    return %c0_i32, %arg0, %c0_i32_0 : i32, i32, i32
  }
  func.func @transform_6(%arg0: i32) -> (i32, i32, i32) {
    %c0_i32 = arith.constant 0 : i32
    %c0_i32_0 = arith.constant 0 : i32
    %c0_i32_1 = arith.constant 0 : i32
    return %c0_i32, %arg0, %c0_i32_0 : i32, i32, i32
  }
}

module attributes {stable_mosaic.version = 14 : i64} {
  func.func @_node_proj_body(%arg0: i32, %arg1: memref<2000x128xf32, #tpu.memory_space<vmem>>, %arg2: memref<2000x128xf32, #tpu.memory_space<vmem>>, %arg3: memref<128x256xf32, #tpu.memory_space<vmem>>, %arg4: memref<128x256xf32, #tpu.memory_space<vmem>>, %arg5: memref<128x256xf32, #tpu.memory_space<vmem>>, %arg6: memref<2x2000x128xf32, #tpu.memory_space<vmem>>, %arg7: memref<2x2000x128xf32, #tpu.memory_space<vmem>>, %arg8: memref<2x2000x128xf32, #tpu.memory_space<vmem>>) attributes {dimension_semantics = [#tpu.dimension_semantics<arbitrary>], iteration_bounds = array<i64: 5>, scalar_prefetch = 0 : i64, scratch_operands = 0 : i64, tpu.core_type = #tpu.core_type<tc>, window_params = [{transform_indices = @transform_0, window_bounds = array<i64: 2000, 128>}, {transform_indices = @transform_1, window_bounds = array<i64: 2000, 128>}, {pipeline_mode = #tpu.pipeline_mode<synchronous>, transform_indices = @transform_2, window_bounds = array<i64: 128, 256>}, {pipeline_mode = #tpu.pipeline_mode<synchronous>, transform_indices = @transform_3, window_bounds = array<i64: 128, 256>}, {pipeline_mode = #tpu.pipeline_mode<synchronous>, transform_indices = @transform_4, window_bounds = array<i64: 128, 256>}, {transform_indices = @transform_5, window_bounds = array<i64: 2, 2000, 128>}, {transform_indices = @transform_6, window_bounds = array<i64: 2, 2000, 128>}, {transform_indices = @transform_7, window_bounds = array<i64: 2, 2000, 128>}]} {
    %get3A = arith.constant 0 : index
    %get3A_0 = arith.constant 0 : index
    %get3A_1 = vector.load %arg1[%get3A, %get3A_0] : memref<2000x128xf32, #tpu.memory_space<vmem>>, vector<2000x128xf32>
    %get3A_2 = arith.constant 0 : index
    %get3A_3 = arith.constant 0 : index
    %get3A_4 = vector.load %arg2[%get3A_2, %get3A_3] : memref<2000x128xf32, #tpu.memory_space<vmem>>, vector<2000x128xf32>
    %get3A_5 = arith.constant 0 : index
    %get3A_6 = arith.constant 0 : index
    %get3A_7 = vector.load %arg3[%get3A_5, %get3A_6] : memref<128x256xf32, #tpu.memory_space<vmem>>, vector<128x256xf32>
    %dot_general3A = arith.constant dense<0.000000e+00> : vector<2000x256xf32>
    %dot_general3A_8 = tpu.matmul %get3A_1, %get3A_7, %dot_general3A {dimension_numbers = #tpu.dot_dimension_numbers<[1], [0], [0], [1], [0, 0, 1, 1], [], []>, transpose_lhs_hint = false} : vector<2000x128xf32>, vector<128x256xf32>, vector<2000x256xf32> -> vector<2000x256xf32>
    %slice3A = vector.extract_strided_slice %dot_general3A_8 {offsets = [0, 0], sizes = [2000, 128], strides = [1, 1]} : vector<2000x256xf32> to vector<2000x128xf32>
    %swap3A = arith.constant 0 : index
    %swap3A_9 = arith.constant 0 : index
    %swap3A_10 = arith.constant 0 : index
    %swap3A_11 = vector.load %arg6[%swap3A, %swap3A_9, %swap3A_10] : memref<2x2000x128xf32, #tpu.memory_space<vmem>>, vector<1x2000x128xf32>
    %swap3A_12 = vector.shape_cast %swap3A_11 : vector<1x2000x128xf32> to vector<2000x128xf32>
    %swap3A_13 = vector.shape_cast %slice3A : vector<2000x128xf32> to vector<1x2000x128xf32>
    tpu.vector_store %arg6[%swap3A, %swap3A_9, %swap3A_10], %swap3A_13 {strides = array<i32>} : memref<2x2000x128xf32, #tpu.memory_space<vmem>>, vector<1x2000x128xf32>,
    %slice3A_14 = vector.extract_strided_slice %dot_general3A_8 {offsets = [0, 128], sizes = [2000, 128], strides = [1, 1]} : vector<2000x256xf32> to vector<2000x128xf32>
    %swap3A_15 = arith.constant 1 : index
    %swap3A_16 = arith.constant 0 : index
    %swap3A_17 = arith.constant 0 : index
    %swap3A_18 = vector.load %arg6[%swap3A_15, %swap3A_16, %swap3A_17] : memref<2x2000x128xf32, #tpu.memory_space<vmem>>, vector<1x2000x128xf32>
    %swap3A_19 = vector.shape_cast %swap3A_18 : vector<1x2000x128xf32> to vector<2000x128xf32>
    %swap3A_20 = vector.shape_cast %slice3A_14 : vector<2000x128xf32> to vector<1x2000x128xf32>
    tpu.vector_store %arg6[%swap3A_15, %swap3A_16, %swap3A_17], %swap3A_20 {strides = array<i32>} : memref<2x2000x128xf32, #tpu.memory_space<vmem>>, vector<1x2000x128xf32>,
    %get3A_21 = arith.constant 0 : index
    %get3A_22 = arith.constant 0 : index
    %get3A_23 = vector.load %arg4[%get3A_21, %get3A_22] : memref<128x256xf32, #tpu.memory_space<vmem>>, vector<128x256xf32>
    %dot_general3A_24 = arith.constant dense<0.000000e+00> : vector<2000x256xf32>
    %dot_general3A_25 = tpu.matmul %get3A_4, %get3A_23, %dot_general3A_24 {dimension_numbers = #tpu.dot_dimension_numbers<[1], [0], [0], [1], [0, 0, 1, 1], [], []>, transpose_lhs_hint = false} : vector<2000x128xf32>, vector<128x256xf32>, vector<2000x256xf32> -> vector<2000x256xf32>
    %slice3A_26 = vector.extract_strided_slice %dot_general3A_25 {offsets = [0, 0], sizes = [2000, 128], strides = [1, 1]} : vector<2000x256xf32> to vector<2000x128xf32>
    %swap3A_27 = arith.constant 0 : index
    %swap3A_28 = arith.constant 0 : index
    %swap3A_29 = arith.constant 0 : index
    %swap3A_30 = vector.load %arg7[%swap3A_27, %swap3A_28, %swap3A_29] : memref<2x2000x128xf32, #tpu.memory_space<vmem>>, vector<1x2000x128xf32>
    %swap3A_31 = vector.shape_cast %swap3A_30 : vector<1x2000x128xf32> to vector<2000x128xf32>
    %swap3A_32 = vector.shape_cast %slice3A_26 : vector<2000x128xf32> to vector<1x2000x128xf32>
    tpu.vector_store %arg7[%swap3A_27, %swap3A_28, %swap3A_29], %swap3A_32 {strides = array<i32>} : memref<2x2000x128xf32, #tpu.memory_space<vmem>>, vector<1x2000x128xf32>,
    %slice3A_33 = vector.extract_strided_slice %dot_general3A_25 {offsets = [0, 128], sizes = [2000, 128], strides = [1, 1]} : vector<2000x256xf32> to vector<2000x128xf32>
    %swap3A_34 = arith.constant 1 : index
    %swap3A_35 = arith.constant 0 : index
    %swap3A_36 = arith.constant 0 : index
    %swap3A_37 = vector.load %arg7[%swap3A_34, %swap3A_35, %swap3A_36] : memref<2x2000x128xf32, #tpu.memory_space<vmem>>, vector<1x2000x128xf32>
    %swap3A_38 = vector.shape_cast %swap3A_37 : vector<1x2000x128xf32> to vector<2000x128xf32>
    %swap3A_39 = vector.shape_cast %slice3A_33 : vector<2000x128xf32> to vector<1x2000x128xf32>
    tpu.vector_store %arg7[%swap3A_34, %swap3A_35, %swap3A_36], %swap3A_39 {strides = array<i32>} : memref<2x2000x128xf32, #tpu.memory_space<vmem>>, vector<1x2000x128xf32>,
    %get3A_40 = arith.constant 0 : index
    %get3A_41 = arith.constant 0 : index
    %get3A_42 = vector.load %arg5[%get3A_40, %get3A_41] : memref<128x256xf32, #tpu.memory_space<vmem>>, vector<128x256xf32>
    %dot_general3A_43 = arith.constant dense<0.000000e+00> : vector<2000x256xf32>
    %dot_general3A_44 = tpu.matmul %get3A_1, %get3A_42, %dot_general3A_43 {dimension_numbers = #tpu.dot_dimension_numbers<[1], [0], [0], [1], [0, 0, 1, 1], [], []>, transpose_lhs_hint = false} : vector<2000x128xf32>, vector<128x256xf32>, vector<2000x256xf32> -> vector<2000x256xf32>
    %slice3A_45 = vector.extract_strided_slice %dot_general3A_44 {offsets = [0, 0], sizes = [2000, 128], strides = [1, 1]} : vector<2000x256xf32> to vector<2000x128xf32>
    %swap3A_46 = arith.constant 0 : index
    %swap3A_47 = arith.constant 0 : index
    %swap3A_48 = arith.constant 0 : index
    %swap3A_49 = vector.load %arg8[%swap3A_46, %swap3A_47, %swap3A_48] : memref<2x2000x128xf32, #tpu.memory_space<vmem>>, vector<1x2000x128xf32>
    %swap3A_50 = vector.shape_cast %swap3A_49 : vector<1x2000x128xf32> to vector<2000x128xf32>
    %swap3A_51 = vector.shape_cast %slice3A_45 : vector<2000x128xf32> to vector<1x2000x128xf32>
    tpu.vector_store %arg8[%swap3A_46, %swap3A_47, %swap3A_48], %swap3A_51 {strides = array<i32>} : memref<2x2000x128xf32, #tpu.memory_space<vmem>>, vector<1x2000x128xf32>,
    %slice3A_52 = vector.extract_strided_slice %dot_general3A_44 {offsets = [0, 128], sizes = [2000, 128], strides = [1, 1]} : vector<2000x256xf32> to vector<2000x128xf32>
    %swap3A_53 = arith.constant 1 : index
    %swap3A_54 = arith.constant 0 : index
    %swap3A_55 = arith.constant 0 : index
    %swap3A_56 = vector.load %arg8[%swap3A_53, %swap3A_54, %swap3A_55] : memref<2x2000x128xf32, #tpu.memory_space<vmem>>, vector<1x2000x128xf32>
    %swap3A_57 = vector.shape_cast %swap3A_56 : vector<1x2000x128xf32> to vector<2000x128xf32>
    %swap3A_58 = vector.shape_cast %slice3A_52 : vector<2000x128xf32> to vector<1x2000x128xf32>
    tpu.vector_store %arg8[%swap3A_53, %swap3A_54, %swap3A_55], %swap3A_58 {strides = array<i32>} : memref<2x2000x128xf32, #tpu.memory_space<vmem>>, vector<1x2000x128xf32>,
    return
  }
  func.func @transform_0(%arg0: i32) -> (i32, i32) {
    %c0_i32 = arith.constant 0 : i32
    %c0_i32_0 = arith.constant 0 : i32
    return %arg0, %c0_i32 : i32, i32
  }
  func.func @transform_1(%arg0: i32) -> (i32, i32) {
    %c0_i32 = arith.constant 0 : i32
    %c0_i32_0 = arith.constant 0 : i32
    return %arg0, %c0_i32 : i32, i32
  }
  func.func @transform_2(%arg0: i32) -> (i32, i32) {
    %c0_i32 = arith.constant 0 : i32
    %c0_i32_0 = arith.constant 0 : i32
    %c0_i32_1 = arith.constant 0 : i32
    return %c0_i32, %c0_i32_0 : i32, i32
  }
  func.func @transform_3(%arg0: i32) -> (i32, i32) {
    %c0_i32 = arith.constant 0 : i32
    %c0_i32_0 = arith.constant 0 : i32
    %c0_i32_1 = arith.constant 0 : i32
    return %c0_i32, %c0_i32_0 : i32, i32
  }
  func.func @transform_4(%arg0: i32) -> (i32, i32) {
    %c0_i32 = arith.constant 0 : i32
    %c0_i32_0 = arith.constant 0 : i32
    %c0_i32_1 = arith.constant 0 : i32
    return %c0_i32, %c0_i32_0 : i32, i32
  }
  func.func @transform_5(%arg0: i32) -> (i32, i32, i32) {
    %c0_i32 = arith.constant 0 : i32
    %c0_i32_0 = arith.constant 0 : i32
    %c0_i32_1 = arith.constant 0 : i32
    return %c0_i32, %arg0, %c0_i32_0 : i32, i32, i32
  }
  func.func @transform_6(%arg0: i32) -> (i32, i32, i32) {
    %c0_i32 = arith.constant 0 : i32
    %c0_i32_0 = arith.constant 0 : i32
    %c0_i32_1 = arith.constant 0 : i32
    return %c0_i32, %arg0, %c0_i32_0 : i32, i32, i32
  }
  func.func @transform_7(%arg0: i32) -> (i32, i32, i32) {
    %c0_i32 = arith.constant 0 : i32
    %c0_i32_0 = arith.constant 0 : i32
    %c0_i32_1 = arith.constant 0 : i32
    return %c0_i32, %arg0, %c0_i32_0 : i32, i32, i32
  }
}

module attributes {stable_mosaic.version = 14 : i64} {
  func.func @_mid_body(%arg0: i32, %arg1: memref<2000x128xf32, #tpu.memory_space<vmem>>, %arg2: memref<2000x128xf32, #tpu.memory_space<vmem>>, %arg3: memref<2000x16xf32, #tpu.memory_space<vmem>>, %arg4: memref<2000x128xf32, #tpu.memory_space<vmem>>, %arg5: memref<1x1xf32, #tpu.memory_space<vmem>>, %arg6: memref<128x128xf32, #tpu.memory_space<vmem>>, %arg7: memref<128x128xf32, #tpu.memory_space<vmem>>, %arg8: memref<1x128xf32, #tpu.memory_space<vmem>>, %arg9: memref<128x128xf32, #tpu.memory_space<vmem>>, %arg10: memref<128x128xf32, #tpu.memory_space<vmem>>, %arg11: memref<1x128xf32, #tpu.memory_space<vmem>>, %arg12: memref<128x128xf32, #tpu.memory_space<vmem>>, %arg13: memref<1x128xf32, #tpu.memory_space<vmem>>, %arg14: memref<128x256xf32, #tpu.memory_space<vmem>>, %arg15: memref<2000x128xf32, #tpu.memory_space<vmem>>, %arg16: memref<2x2000x128xf32, #tpu.memory_space<vmem>>) attributes {dimension_semantics = [#tpu.dimension_semantics<arbitrary>], iteration_bounds = array<i64: 5>, scalar_prefetch = 0 : i64, scratch_operands = 0 : i64, tpu.core_type = #tpu.core_type<tc>, window_params = [{transform_indices = @transform_0, window_bounds = array<i64: 2000, 128>}, {transform_indices = @transform_1, window_bounds = array<i64: 2000, 128>}, {transform_indices = @transform_2, window_bounds = array<i64: 2000, 16>}, {transform_indices = @transform_3, window_bounds = array<i64: 2000, 128>}, {pipeline_mode = #tpu.pipeline_mode<synchronous>, transform_indices = @transform_4, window_bounds = array<i64: 1, 1>}, {pipeline_mode = #tpu.pipeline_mode<synchronous>, transform_indices = @transform_5, window_bounds = array<i64: 128, 128>}, {pipeline_mode = #tpu.pipeline_mode<synchronous>, transform_indices = @transform_6, window_bounds = array<i64: 128, 128>}, {pipeline_mode = #tpu.pipeline_mode<synchronous>, transform_indices = @transform_7, window_bounds = array<i64: 1, 128>}, {pipeline_mode = #tpu.pipeline_mode<synchronous>, transform_indices = @transform_8, window_bounds = array<i64: 128, 128>}, {pipeline_mode = #tpu.pipeline_mode<synchronous>, transform_indices = @transform_9, window_bounds = array<i64: 128, 128>}, {pipeline_mode = #tpu.pipeline_mode<synchronous>, transform_indices = @transform_10, window_bounds = array<i64: 1, 128>}, {pipeline_mode = #tpu.pipeline_mode<synchronous>, transform_indices = @transform_11, window_bounds = array<i64: 128, 128>}, {pipeline_mode = #tpu.pipeline_mode<synchronous>, transform_indices = @transform_12, window_bounds = array<i64: 1, 128>}, {pipeline_mode = #tpu.pipeline_mode<synchronous>, transform_indices = @transform_13, window_bounds = array<i64: 128, 256>}, {transform_indices = @transform_14, window_bounds = array<i64: 2000, 128>}, {transform_indices = @transform_15, window_bounds = array<i64: 2, 2000, 128>}]} {
    %get3A = arith.constant 0 : index
    %get3A_0 = arith.constant 0 : index
    %get3A_1 = vector.load %arg3[%get3A, %get3A_0] : memref<2000x16xf32, #tpu.memory_space<vmem>>, vector<2000x16xf32>
    %reduce_sum3A = arith.constant dense<0.000000e+00> : vector<2000xf32>
    %reduce_sum3A_2 = vector.multi_reduction <add>, %get3A_1, %reduce_sum3A [1] : vector<2000x16xf32> to vector<2000xf32>
    %broadcast_in_dim3A = vector.shape_cast %reduce_sum3A_2 : vector<2000xf32> to vector<2000x1xf32>
    %mul3A = arith.constant 6.250000e-02 : f32
    %mul3A_3 = vector.broadcast %mul3A : f32 to vector<2000x1xf32>
    %mul3A_4 = arith.mulf %broadcast_in_dim3A, %mul3A_3 : vector<2000x1xf32>
    %get3A_5 = arith.constant 0 : index
    %get3A_6 = arith.constant 0 : index
    %get3A_7 = vector.load %arg1[%get3A_5, %get3A_6] : memref<2000x128xf32, #tpu.memory_space<vmem>>, vector<2000x128xf32>
    %get3A_8 = arith.constant 0 : index
    %get3A_9 = arith.constant 0 : index
    %get3A_10 = vector.load %arg6[%get3A_8, %get3A_9] : memref<128x128xf32, #tpu.memory_space<vmem>>, vector<128x128xf32>
    %dot_general3A = arith.constant dense<0.000000e+00> : vector<2000x128xf32>
    %dot_general3A_11 = tpu.matmul %get3A_7, %get3A_10, %dot_general3A {dimension_numbers = #tpu.dot_dimension_numbers<[1], [0], [0], [1], [0, 0, 1, 1], [], []>, transpose_lhs_hint = false} : vector<2000x128xf32>, vector<128x128xf32>, vector<2000x128xf32> -> vector<2000x128xf32>
    %get3A_12 = arith.constant 0 : index
    %get3A_13 = arith.constant 0 : index
    %get3A_14 = vector.load %arg2[%get3A_12, %get3A_13] : memref<2000x128xf32, #tpu.memory_space<vmem>>, vector<2000x128xf32>
    %get3A_15 = arith.constant 0 : index
    %get3A_16 = arith.constant 0 : index
    %get3A_17 = vector.load %arg7[%get3A_15, %get3A_16] : memref<128x128xf32, #tpu.memory_space<vmem>>, vector<128x128xf32>
    %dot_general3A_18 = arith.constant dense<0.000000e+00> : vector<2000x128xf32>
    %dot_general3A_19 = tpu.matmul %get3A_14, %get3A_17, %dot_general3A_18 {dimension_numbers = #tpu.dot_dimension_numbers<[1], [0], [0], [1], [0, 0, 1, 1], [], []>, transpose_lhs_hint = false} : vector<2000x128xf32>, vector<128x128xf32>, vector<2000x128xf32> -> vector<2000x128xf32>
    %add3A = arith.addf %dot_general3A_11, %dot_general3A_19 : vector<2000x128xf32>
    %get3A_20 = arith.constant 0 : index
    %get3A_21 = arith.constant 0 : index
    %get3A_22 = vector.load %arg8[%get3A_20, %get3A_21] : memref<1x128xf32, #tpu.memory_space<vmem>>, vector<1x128xf32>
    %mul3A_23 = vector.broadcast %mul3A_4 : vector<2000x1xf32> to vector<2000x128xf32>
    %mul3A_24 = vector.broadcast %get3A_22 : vector<1x128xf32> to vector<2000x128xf32>
    %mul3A_25 = arith.mulf %mul3A_23, %mul3A_24 : vector<2000x128xf32>
    %add3A_26 = arith.addf %add3A, %mul3A_25 : vector<2000x128xf32>
    %get3A_27 = arith.constant 0 : index
    %get3A_28 = arith.constant 0 : index
    %get3A_29 = vector.load %arg5[%get3A_27, %get3A_28] : memref<1x1xf32, #tpu.memory_space<vmem>>, vector<1x1xf32>
    %get3A_30 = vector.extract %get3A_29[0, 0] : f32 from vector<1x1xf32>
    %div3A = vector.broadcast %get3A_30 : f32 to vector<2000x128xf32>
    %div3A_31 = arith.divf %add3A_26, %div3A : vector<2000x128xf32>
    %get3A_32 = arith.constant 0 : index
    %get3A_33 = arith.constant 0 : index
    %get3A_34 = vector.load %arg4[%get3A_32, %get3A_33] : memref<2000x128xf32, #tpu.memory_space<vmem>>, vector<2000x128xf32>
    %get3A_35 = arith.constant 0 : index
    %get3A_36 = arith.constant 0 : index
    %get3A_37 = vector.load %arg9[%get3A_35, %get3A_36] : memref<128x128xf32, #tpu.memory_space<vmem>>, vector<128x128xf32>
    %dot_general3A_38 = arith.constant dense<0.000000e+00> : vector<2000x128xf32>
    %dot_general3A_39 = tpu.matmul %get3A_34, %get3A_37, %dot_general3A_38 {dimension_numbers = #tpu.dot_dimension_numbers<[1], [0], [0], [1], [0, 0, 1, 1], [], []>, transpose_lhs_hint = false} : vector<2000x128xf32>, vector<128x128xf32>, vector<2000x128xf32> -> vector<2000x128xf32>
    %get3A_40 = arith.constant 0 : index
    %get3A_41 = arith.constant 0 : index
    %get3A_42 = vector.load %arg10[%get3A_40, %get3A_41] : memref<128x128xf32, #tpu.memory_space<vmem>>, vector<128x128xf32>
    %dot_general3A_43 = arith.constant dense<0.000000e+00> : vector<2000x128xf32>
    %dot_general3A_44 = tpu.matmul %div3A_31, %get3A_42, %dot_general3A_43 {dimension_numbers = #tpu.dot_dimension_numbers<[1], [0], [0], [1], [0, 0, 1, 1], [], []>, transpose_lhs_hint = false} : vector<2000x128xf32>, vector<128x128xf32>, vector<2000x128xf32> -> vector<2000x128xf32>
    %add3A_45 = arith.addf %dot_general3A_39, %dot_general3A_44 : vector<2000x128xf32>
    %get3A_46 = arith.constant 0 : index
    %get3A_47 = arith.constant 0 : index
    %get3A_48 = vector.load %arg11[%get3A_46, %get3A_47] : memref<1x128xf32, #tpu.memory_space<vmem>>, vector<1x128xf32>
    %add3A_49 = vector.broadcast %get3A_48 : vector<1x128xf32> to vector<2000x128xf32>
    %add3A_50 = arith.addf %add3A_45, %add3A_49 : vector<2000x128xf32>
    %max3A = arith.constant 0.000000e+00 : f32
    %max3A_51 = vector.broadcast %max3A : f32 to vector<2000x128xf32>
    %max3A_52 = arith.maximumf %add3A_50, %max3A_51 : vector<2000x128xf32>
    %get3A_53 = arith.constant 0 : index
    %get3A_54 = arith.constant 0 : index
    %get3A_55 = vector.load %arg12[%get3A_53, %get3A_54] : memref<128x128xf32, #tpu.memory_space<vmem>>, vector<128x128xf32>
    %dot_general3A_56 = arith.constant dense<0.000000e+00> : vector<2000x128xf32>
    %dot_general3A_57 = tpu.matmul %max3A_52, %get3A_55, %dot_general3A_56 {dimension_numbers = #tpu.dot_dimension_numbers<[1], [0], [0], [1], [0, 0, 1, 1], [], []>, transpose_lhs_hint = false} : vector<2000x128xf32>, vector<128x128xf32>, vector<2000x128xf32> -> vector<2000x128xf32>
    %get3A_58 = arith.constant 0 : index
    %get3A_59 = arith.constant 0 : index
    %get3A_60 = vector.load %arg13[%get3A_58, %get3A_59] : memref<1x128xf32, #tpu.memory_space<vmem>>, vector<1x128xf32>
    %add3A_61 = vector.broadcast %get3A_60 : vector<1x128xf32> to vector<2000x128xf32>
    %add3A_62 = arith.addf %dot_general3A_57, %add3A_61 : vector<2000x128xf32>
    %swap3A = arith.constant 0 : index
    %swap3A_63 = arith.constant 0 : index
    %swap3A_64 = vector.load %arg15[%swap3A, %swap3A_63] : memref<2000x128xf32, #tpu.memory_space<vmem>>, vector<2000x128xf32>
    tpu.vector_store %arg15[%swap3A, %swap3A_63], %add3A_62 {strides = array<i32>} : memref<2000x128xf32, #tpu.memory_space<vmem>>, vector<2000x128xf32>,
    %get3A_65 = arith.constant 0 : index
    %get3A_66 = arith.constant 0 : index
    %get3A_67 = vector.load %arg14[%get3A_65, %get3A_66] : memref<128x256xf32, #tpu.memory_space<vmem>>, vector<128x256xf32>
    %dot_general3A_68 = arith.constant dense<0.000000e+00> : vector<2000x256xf32>
    %dot_general3A_69 = tpu.matmul %add3A_62, %get3A_67, %dot_general3A_68 {dimension_numbers = #tpu.dot_dimension_numbers<[1], [0], [0], [1], [0, 0, 1, 1], [], []>, transpose_lhs_hint = false} : vector<2000x128xf32>, vector<128x256xf32>, vector<2000x256xf32> -> vector<2000x256xf32>
    %slice3A = vector.extract_strided_slice %dot_general3A_69 {offsets = [0, 0], sizes = [2000, 128], strides = [1, 1]} : vector<2000x256xf32> to vector<2000x128xf32>
    %swap3A_70 = arith.constant 0 : index
    %swap3A_71 = arith.constant 0 : index
    %swap3A_72 = arith.constant 0 : index
    %swap3A_73 = vector.load %arg16[%swap3A_70, %swap3A_71, %swap3A_72] : memref<2x2000x128xf32, #tpu.memory_space<vmem>>, vector<1x2000x128xf32>
    %swap3A_74 = vector.shape_cast %swap3A_73 : vector<1x2000x128xf32> to vector<2000x128xf32>
    %swap3A_75 = vector.shape_cast %slice3A : vector<2000x128xf32> to vector<1x2000x128xf32>
    tpu.vector_store %arg16[%swap3A_70, %swap3A_71, %swap3A_72], %swap3A_75 {strides = array<i32>} : memref<2x2000x128xf32, #tpu.memory_space<vmem>>, vector<1x2000x128xf32>,
    %slice3A_76 = vector.extract_strided_slice %dot_general3A_69 {offsets = [0, 128], sizes = [2000, 128], strides = [1, 1]} : vector<2000x256xf32> to vector<2000x128xf32>
    %swap3A_77 = arith.constant 1 : index
    %swap3A_78 = arith.constant 0 : index
    %swap3A_79 = arith.constant 0 : index
    %swap3A_80 = vector.load %arg16[%swap3A_77, %swap3A_78, %swap3A_79] : memref<2x2000x128xf32, #tpu.memory_space<vmem>>, vector<1x2000x128xf32>
    %swap3A_81 = vector.shape_cast %swap3A_80 : vector<1x2000x128xf32> to vector<2000x128xf32>
    %swap3A_82 = vector.shape_cast %slice3A_76 : vector<2000x128xf32> to vector<1x2000x128xf32>
    tpu.vector_store %arg16[%swap3A_77, %swap3A_78, %swap3A_79], %swap3A_82 {strides = array<i32>} : memref<2x2000x128xf32, #tpu.memory_space<vmem>>, vector<1x2000x128xf32>,
    return
  }
  func.func @transform_0(%arg0: i32) -> (i32, i32) {
    %c0_i32 = arith.constant 0 : i32
    %c0_i32_0 = arith.constant 0 : i32
    return %arg0, %c0_i32 : i32, i32
  }
  func.func @transform_1(%arg0: i32) -> (i32, i32) {
    %c0_i32 = arith.constant 0 : i32
    %c0_i32_0 = arith.constant 0 : i32
    return %arg0, %c0_i32 : i32, i32
  }
  func.func @transform_2(%arg0: i32) -> (i32, i32) {
    %c0_i32 = arith.constant 0 : i32
    %c0_i32_0 = arith.constant 0 : i32
    return %arg0, %c0_i32 : i32, i32
  }
  func.func @transform_3(%arg0: i32) -> (i32, i32) {
    %c0_i32 = arith.constant 0 : i32
    %c0_i32_0 = arith.constant 0 : i32
    return %arg0, %c0_i32 : i32, i32
  }
  func.func @transform_4(%arg0: i32) -> (i32, i32) {
    %c0_i32 = arith.constant 0 : i32
    %c0_i32_0 = arith.constant 0 : i32
    %c0_i32_1 = arith.constant 0 : i32
    return %c0_i32, %c0_i32_0 : i32, i32
  }
  func.func @transform_5(%arg0: i32) -> (i32, i32) {
    %c0_i32 = arith.constant 0 : i32
    %c0_i32_0 = arith.constant 0 : i32
    %c0_i32_1 = arith.constant 0 : i32
    return %c0_i32, %c0_i32_0 : i32, i32
  }
  func.func @transform_6(%arg0: i32) -> (i32, i32) {
    %c0_i32 = arith.constant 0 : i32
    %c0_i32_0 = arith.constant 0 : i32
    %c0_i32_1 = arith.constant 0 : i32
    return %c0_i32, %c0_i32_0 : i32, i32
  }
  func.func @transform_7(%arg0: i32) -> (i32, i32) {
    %c0_i32 = arith.constant 0 : i32
    %c0_i32_0 = arith.constant 0 : i32
    %c0_i32_1 = arith.constant 0 : i32
    return %c0_i32, %c0_i32_0 : i32, i32
  }
  func.func @transform_8(%arg0: i32) -> (i32, i32) {
    %c0_i32 = arith.constant 0 : i32
    %c0_i32_0 = arith.constant 0 : i32
    %c0_i32_1 = arith.constant 0 : i32
    return %c0_i32, %c0_i32_0 : i32, i32
  }
  func.func @transform_9(%arg0: i32) -> (i32, i32) {
    %c0_i32 = arith.constant 0 : i32
    %c0_i32_0 = arith.constant 0 : i32
    %c0_i32_1 = arith.constant 0 : i32
    return %c0_i32, %c0_i32_0 : i32, i32
  }
  func.func @transform_10(%arg0: i32) -> (i32, i32) {
    %c0_i32 = arith.constant 0 : i32
    %c0_i32_0 = arith.constant 0 : i32
    %c0_i32_1 = arith.constant 0 : i32
    return %c0_i32, %c0_i32_0 : i32, i32
  }
  func.func @transform_11(%arg0: i32) -> (i32, i32) {
    %c0_i32 = arith.constant 0 : i32
    %c0_i32_0 = arith.constant 0 : i32
    %c0_i32_1 = arith.constant 0 : i32
    return %c0_i32, %c0_i32_0 : i32, i32
  }
  func.func @transform_12(%arg0: i32) -> (i32, i32) {
    %c0_i32 = arith.constant 0 : i32
    %c0_i32_0 = arith.constant 0 : i32
    %c0_i32_1 = arith.constant 0 : i32
    return %c0_i32, %c0_i32_0 : i32, i32
  }
  func.func @transform_13(%arg0: i32) -> (i32, i32) {
    %c0_i32 = arith.constant 0 : i32
    %c0_i32_0 = arith.constant 0 : i32
    %c0_i32_1 = arith.constant 0 : i32
    return %c0_i32, %c0_i32_0 : i32, i32
  }
  func.func @transform_14(%arg0: i32) -> (i32, i32) {
    %c0_i32 = arith.constant 0 : i32
    %c0_i32_0 = arith.constant 0 : i32
    return %arg0, %c0_i32 : i32, i32
  }
  func.func @transform_15(%arg0: i32) -> (i32, i32, i32) {
    %c0_i32 = arith.constant 0 : i32
    %c0_i32_0 = arith.constant 0 : i32
    %c0_i32_1 = arith.constant 0 : i32
    return %c0_i32, %arg0, %c0_i32_0 : i32, i32, i32
  }
}

module attributes {stable_mosaic.version = 14 : i64} {
  func.func @_final_body(%arg0: i32, %arg1: memref<2000x128xf32, #tpu.memory_space<vmem>>, %arg2: memref<2000x128xf32, #tpu.memory_space<vmem>>, %arg3: memref<2000x16xf32, #tpu.memory_space<vmem>>, %arg4: memref<2000x128xf32, #tpu.memory_space<vmem>>, %arg5: memref<128x128xf32, #tpu.memory_space<vmem>>, %arg6: memref<128x128xf32, #tpu.memory_space<vmem>>, %arg7: memref<1x128xf32, #tpu.memory_space<vmem>>, %arg8: memref<128x128xf32, #tpu.memory_space<vmem>>, %arg9: memref<128x128xf32, #tpu.memory_space<vmem>>, %arg10: memref<1x128xf32, #tpu.memory_space<vmem>>, %arg11: memref<128x128xf32, #tpu.memory_space<vmem>>, %arg12: memref<1x128xf32, #tpu.memory_space<vmem>>, %arg13: memref<2000x128xf32, #tpu.memory_space<vmem>>) attributes {dimension_semantics = [#tpu.dimension_semantics<arbitrary>], iteration_bounds = array<i64: 5>, scalar_prefetch = 0 : i64, scratch_operands = 0 : i64, tpu.core_type = #tpu.core_type<tc>, window_params = [{transform_indices = @transform_0, window_bounds = array<i64: 2000, 128>}, {transform_indices = @transform_1, window_bounds = array<i64: 2000, 128>}, {transform_indices = @transform_2, window_bounds = array<i64: 2000, 16>}, {transform_indices = @transform_3, window_bounds = array<i64: 2000, 128>}, {pipeline_mode = #tpu.pipeline_mode<synchronous>, transform_indices = @transform_4, window_bounds = array<i64: 128, 128>}, {pipeline_mode = #tpu.pipeline_mode<synchronous>, transform_indices = @transform_5, window_bounds = array<i64: 128, 128>}, {pipeline_mode = #tpu.pipeline_mode<synchronous>, transform_indices = @transform_6, window_bounds = array<i64: 1, 128>}, {pipeline_mode = #tpu.pipeline_mode<synchronous>, transform_indices = @transform_7, window_bounds = array<i64: 128, 128>}, {pipeline_mode = #tpu.pipeline_mode<synchronous>, transform_indices = @transform_8, window_bounds = array<i64: 128, 128>}, {pipeline_mode = #tpu.pipeline_mode<synchronous>, transform_indices = @transform_9, window_bounds = array<i64: 1, 128>}, {pipeline_mode = #tpu.pipeline_mode<synchronous>, transform_indices = @transform_10, window_bounds = array<i64: 128, 128>}, {pipeline_mode = #tpu.pipeline_mode<synchronous>, transform_indices = @transform_11, window_bounds = array<i64: 1, 128>}, {transform_indices = @transform_12, window_bounds = array<i64: 2000, 128>}]} {
    %get3A = arith.constant 0 : index
    %get3A_0 = arith.constant 0 : index
    %get3A_1 = vector.load %arg3[%get3A, %get3A_0] : memref<2000x16xf32, #tpu.memory_space<vmem>>, vector<2000x16xf32>
    %reduce_sum3A = arith.constant dense<0.000000e+00> : vector<2000xf32>
    %reduce_sum3A_2 = vector.multi_reduction <add>, %get3A_1, %reduce_sum3A [1] : vector<2000x16xf32> to vector<2000xf32>
    %broadcast_in_dim3A = vector.shape_cast %reduce_sum3A_2 : vector<2000xf32> to vector<2000x1xf32>
    %mul3A = arith.constant 6.250000e-02 : f32
    %mul3A_3 = vector.broadcast %mul3A : f32 to vector<2000x1xf32>
    %mul3A_4 = arith.mulf %broadcast_in_dim3A, %mul3A_3 : vector<2000x1xf32>
    %get3A_5 = arith.constant 0 : index
    %get3A_6 = arith.constant 0 : index
    %get3A_7 = vector.load %arg1[%get3A_5, %get3A_6] : memref<2000x128xf32, #tpu.memory_space<vmem>>, vector<2000x128xf32>
    %get3A_8 = arith.constant 0 : index
    %get3A_9 = arith.constant 0 : index
    %get3A_10 = vector.load %arg5[%get3A_8, %get3A_9] : memref<128x128xf32, #tpu.memory_space<vmem>>, vector<128x128xf32>
    %dot_general3A = arith.constant dense<0.000000e+00> : vector<2000x128xf32>
    %dot_general3A_11 = tpu.matmul %get3A_7, %get3A_10, %dot_general3A {dimension_numbers = #tpu.dot_dimension_numbers<[1], [0], [0], [1], [0, 0, 1, 1], [], []>, transpose_lhs_hint = false} : vector<2000x128xf32>, vector<128x128xf32>, vector<2000x128xf32> -> vector<2000x128xf32>
    %get3A_12 = arith.constant 0 : index
    %get3A_13 = arith.constant 0 : index
    %get3A_14 = vector.load %arg2[%get3A_12, %get3A_13] : memref<2000x128xf32, #tpu.memory_space<vmem>>, vector<2000x128xf32>
    %get3A_15 = arith.constant 0 : index
    %get3A_16 = arith.constant 0 : index
    %get3A_17 = vector.load %arg6[%get3A_15, %get3A_16] : memref<128x128xf32, #tpu.memory_space<vmem>>, vector<128x128xf32>
    %dot_general3A_18 = arith.constant dense<0.000000e+00> : vector<2000x128xf32>
    %dot_general3A_19 = tpu.matmul %get3A_14, %get3A_17, %dot_general3A_18 {dimension_numbers = #tpu.dot_dimension_numbers<[1], [0], [0], [1], [0, 0, 1, 1], [], []>, transpose_lhs_hint = false} : vector<2000x128xf32>, vector<128x128xf32>, vector<2000x128xf32> -> vector<2000x128xf32>
    %add3A = arith.addf %dot_general3A_11, %dot_general3A_19 : vector<2000x128xf32>
    %get3A_20 = arith.constant 0 : index
    %get3A_21 = arith.constant 0 : index
    %get3A_22 = vector.load %arg7[%get3A_20, %get3A_21] : memref<1x128xf32, #tpu.memory_space<vmem>>, vector<1x128xf32>
    %mul3A_23 = vector.broadcast %mul3A_4 : vector<2000x1xf32> to vector<2000x128xf32>
    %mul3A_24 = vector.broadcast %get3A_22 : vector<1x128xf32> to vector<2000x128xf32>
    %mul3A_25 = arith.mulf %mul3A_23, %mul3A_24 : vector<2000x128xf32>
    %add3A_26 = arith.addf %add3A, %mul3A_25 : vector<2000x128xf32>
    %max3A = arith.constant 1.000000e+00 : f32
    %max3A_27 = vector.broadcast %max3A : f32 to vector<2000x1xf32>
    %max3A_28 = arith.maximumf %mul3A_4, %max3A_27 : vector<2000x1xf32>
    %div3A = vector.broadcast %max3A_28 : vector<2000x1xf32> to vector<2000x128xf32>
    %div3A_29 = arith.divf %add3A_26, %div3A : vector<2000x128xf32>
    %get3A_30 = arith.constant 0 : index
    %get3A_31 = arith.constant 0 : index
    %get3A_32 = vector.load %arg4[%get3A_30, %get3A_31] : memref<2000x128xf32, #tpu.memory_space<vmem>>, vector<2000x128xf32>
    %get3A_33 = arith.constant 0 : index
    %get3A_34 = arith.constant 0 : index
    %get3A_35 = vector.load %arg8[%get3A_33, %get3A_34] : memref<128x128xf32, #tpu.memory_space<vmem>>, vector<128x128xf32>
    %dot_general3A_36 = arith.constant dense<0.000000e+00> : vector<2000x128xf32>
    %dot_general3A_37 = tpu.matmul %get3A_32, %get3A_35, %dot_general3A_36 {dimension_numbers = #tpu.dot_dimension_numbers<[1], [0], [0], [1], [0, 0, 1, 1], [], []>, transpose_lhs_hint = false} : vector<2000x128xf32>, vector<128x128xf32>, vector<2000x128xf32> -> vector<2000x128xf32>
    %get3A_38 = arith.constant 0 : index
    %get3A_39 = arith.constant 0 : index
    %get3A_40 = vector.load %arg9[%get3A_38, %get3A_39] : memref<128x128xf32, #tpu.memory_space<vmem>>, vector<128x128xf32>
    %dot_general3A_41 = arith.constant dense<0.000000e+00> : vector<2000x128xf32>
    %dot_general3A_42 = tpu.matmul %div3A_29, %get3A_40, %dot_general3A_41 {dimension_numbers = #tpu.dot_dimension_numbers<[1], [0], [0], [1], [0, 0, 1, 1], [], []>, transpose_lhs_hint = false} : vector<2000x128xf32>, vector<128x128xf32>, vector<2000x128xf32> -> vector<2000x128xf32>
    %add3A_43 = arith.addf %dot_general3A_37, %dot_general3A_42 : vector<2000x128xf32>
    %get3A_44 = arith.constant 0 : index
    %get3A_45 = arith.constant 0 : index
    %get3A_46 = vector.load %arg10[%get3A_44, %get3A_45] : memref<1x128xf32, #tpu.memory_space<vmem>>, vector<1x128xf32>
    %add3A_47 = vector.broadcast %get3A_46 : vector<1x128xf32> to vector<2000x128xf32>
    %add3A_48 = arith.addf %add3A_43, %add3A_47 : vector<2000x128xf32>
    %max3A_49 = arith.constant 0.000000e+00 : f32
    %max3A_50 = vector.broadcast %max3A_49 : f32 to vector<2000x128xf32>
    %max3A_51 = arith.maximumf %add3A_48, %max3A_50 : vector<2000x128xf32>
    %get3A_52 = arith.constant 0 : index
    %get3A_53 = arith.constant 0 : index
    %get3A_54 = vector.load %arg11[%get3A_52, %get3A_53] : memref<128x128xf32, #tpu.memory_space<vmem>>, vector<128x128xf32>
    %dot_general3A_55 = arith.constant dense<0.000000e+00> : vector<2000x128xf32>
    %dot_general3A_56 = tpu.matmul %max3A_51, %get3A_54, %dot_general3A_55 {dimension_numbers = #tpu.dot_dimension_numbers<[1], [0], [0], [1], [0, 0, 1, 1], [], []>, transpose_lhs_hint = false} : vector<2000x128xf32>, vector<128x128xf32>, vector<2000x128xf32> -> vector<2000x128xf32>
    %get3A_57 = arith.constant 0 : index
    %get3A_58 = arith.constant 0 : index
    %get3A_59 = vector.load %arg12[%get3A_57, %get3A_58] : memref<1x128xf32, #tpu.memory_space<vmem>>, vector<1x128xf32>
    %add3A_60 = vector.broadcast %get3A_59 : vector<1x128xf32> to vector<2000x128xf32>
    %add3A_61 = arith.addf %dot_general3A_56, %add3A_60 : vector<2000x128xf32>
    %swap3A = arith.constant 0 : index
    %swap3A_62 = arith.constant 0 : index
    %swap3A_63 = vector.load %arg13[%swap3A, %swap3A_62] : memref<2000x128xf32, #tpu.memory_space<vmem>>, vector<2000x128xf32>
    tpu.vector_store %arg13[%swap3A, %swap3A_62], %add3A_61 {strides = array<i32>} : memref<2000x128xf32, #tpu.memory_space<vmem>>, vector<2000x128xf32>,
    return
  }
  func.func @transform_0(%arg0: i32) -> (i32, i32) {
    %c0_i32 = arith.constant 0 : i32
    %c0_i32_0 = arith.constant 0 : i32
    return %arg0, %c0_i32 : i32, i32
  }
  func.func @transform_1(%arg0: i32) -> (i32, i32) {
    %c0_i32 = arith.constant 0 : i32
    %c0_i32_0 = arith.constant 0 : i32
    return %arg0, %c0_i32 : i32, i32
  }
  func.func @transform_2(%arg0: i32) -> (i32, i32) {
    %c0_i32 = arith.constant 0 : i32
    %c0_i32_0 = arith.constant 0 : i32
    return %arg0, %c0_i32 : i32, i32
  }
  func.func @transform_3(%arg0: i32) -> (i32, i32) {
    %c0_i32 = arith.constant 0 : i32
    %c0_i32_0 = arith.constant 0 : i32
    return %arg0, %c0_i32 : i32, i32
  }
  func.func @transform_4(%arg0: i32) -> (i32, i32) {
    %c0_i32 = arith.constant 0 : i32
    %c0_i32_0 = arith.constant 0 : i32
    %c0_i32_1 = arith.constant 0 : i32
    return %c0_i32, %c0_i32_0 : i32, i32
  }
  func.func @transform_5(%arg0: i32) -> (i32, i32) {
    %c0_i32 = arith.constant 0 : i32
    %c0_i32_0 = arith.constant 0 : i32
    %c0_i32_1 = arith.constant 0 : i32
    return %c0_i32, %c0_i32_0 : i32, i32
  }
  func.func @transform_6(%arg0: i32) -> (i32, i32) {
    %c0_i32 = arith.constant 0 : i32
    %c0_i32_0 = arith.constant 0 : i32
    %c0_i32_1 = arith.constant 0 : i32
    return %c0_i32, %c0_i32_0 : i32, i32
  }
  func.func @transform_7(%arg0: i32) -> (i32, i32) {
    %c0_i32 = arith.constant 0 : i32
    %c0_i32_0 = arith.constant 0 : i32
    %c0_i32_1 = arith.constant 0 : i32
    return %c0_i32, %c0_i32_0 : i32, i32
  }
  func.func @transform_8(%arg0: i32) -> (i32, i32) {
    %c0_i32 = arith.constant 0 : i32
    %c0_i32_0 = arith.constant 0 : i32
    %c0_i32_1 = arith.constant 0 : i32
    return %c0_i32, %c0_i32_0 : i32, i32
  }
  func.func @transform_9(%arg0: i32) -> (i32, i32) {
    %c0_i32 = arith.constant 0 : i32
    %c0_i32_0 = arith.constant 0 : i32
    %c0_i32_1 = arith.constant 0 : i32
    return %c0_i32, %c0_i32_0 : i32, i32
  }
  func.func @transform_10(%arg0: i32) -> (i32, i32) {
    %c0_i32 = arith.constant 0 : i32
    %c0_i32_0 = arith.constant 0 : i32
    %c0_i32_1 = arith.constant 0 : i32
    return %c0_i32, %c0_i32_0 : i32, i32
  }
  func.func @transform_11(%arg0: i32) -> (i32, i32) {
    %c0_i32 = arith.constant 0 : i32
    %c0_i32_0 = arith.constant 0 : i32
    %c0_i32_1 = arith.constant 0 : i32
    return %c0_i32, %c0_i32_0 : i32, i32
  }
  func.func @transform_12(%arg0: i32) -> (i32, i32) {
    %c0_i32 = arith.constant 0 : i32
    %c0_i32_0 = arith.constant 0 : i32
    return %arg0, %c0_i32 : i32, i32
  }
}

</mosaic_0001>

<sc_bundles>
// kernel: kernel.12.cloned.1.call-start
scs
__scs_entry_jumppad:
0x0: {  	(pc) =	sbr.rel $0x88, $3  }
0x1: {  	(tag) =	ssettag $0x0;
	lr =	simm.s32 $0x1  }
0x2: {  	[smem:$0x3F8C] =	sst lr;
	_ =	strace $0xD0000000  }
0x3: {  	_ = 	snop  }
0x4: {  	_ = 	snop  }
0x5: {  	_ = 	snop  }
0x6: {  	_ = 	snop  }
0x7: {  	_ = 	snop  }
__scs_overlays_trampoline_lowered:
0x8: {  	[smem:$0x3F9B] =	sst s0  }
0x9: {  	[smem:$0x3F9C] =	sst s1  }
0xa: {  	[smem:$0x3F9D] =	sst s2  }
0xb: {  	[smem:$0x3F9E] =	sst s3  }
0xc: {  	[smem:$0x3F9F] =	sst s4  }
0xd: {  	[smem:$0x3FA0] =	sst s5  }
0xe: {  	[smem:$0x3FA1] =	sst s6  }
0xf: {  	[smem:$0x3FA2] =	sst s7  }
0x10: {  	[smem:$0x3FA3] =	sst s8  }
0x11: {  	[smem:$0x3FA4] =	sst s9;
	s0 =	simm.s32 @!p0 $0x0  }
0x12: {  	s1 =	sld [smem:$0x3F8A];
	s0 =	simm.s32 @p0 $0x1  }
0x13: {  	[smem:$0x3FA5] =	sst s0;
	s0 =	simm.s32 @!p1 $0x0  }
0x14: {  	s2 =	sld [smem:$0x3F89];
	s0 =	simm.s32 @p1 $0x1  }
0x15: {  	[smem:$0x3FA6] =	sst s0;
	s0 =	simm.s32 @!p2 $0x0  }
0x16: {  	s3 =	sld [smem:$0x3FDB];
	s0 =	simm.s32 @p2 $0x1  }
0x17: {  	s4 =	simm.s32 $0x1BF5;
	[smem:$0x3FA8] =	sst s0  }
0x18: {  	s0 =	sld [smem:$0x3F8B];
	_ =	swait.ge [sflag:s4], $0x0  }
0x19: {  	s7 =	sld [smem:$0x3F8C]  }
0x1a: {  	s8 =	sadd.s32 $0xFFFFE003, lr  }
0x1b: {  	s9 =	sadd.s32 $0xFFFFFEF7, lr;
	s5 =	simm.s32 $0xFFFFFFFF;
	p2 =	slt.u32 s8, $0xFFFFF086  }
0x1c: {  	p1 =	slt.u32 s9, $0xF7A;
	s5 =	simm.s32 @!p2 $0x0  }
0x1d: {  	s5 =	simm.s32 @p1 $0x1;
	p0 =	seq.s32 s7, s2  }
0x1e: {  	s7 =	smul.u32 @!p0 $0xF7A, s2;
	p2 =	seq.s32 @!p0 s5, $0x0  }
0x1f: {  	s9 =	smul.u32 $0xF7A, s1;
	s8 =	simm.s32 @!p0 $0x1BF5;
	p2 =	por !p2, p0  }
0x20: {  	[sflag:s8] =	ssyncset.s32 @!p0 $0xFFFFF086;
	s6 =	sadd.s32 @!p0 s3, s7;
	s7 =	simm.s32 @!p0 $0x108  }
0x21: {  	s3 =	sadd.s32 s3, s9;
	s6 =	sadd.s32 @!p0 $0x88, s6;
	s7 =	simm.s32 @p2 $0x1082  }
0x22: {  	[simem:s7], [sflag:s8] =	dma.local @!p0 [hbm:s6], $0xF7A  }
0x23: {  	s9 =	sor.u32 $0xD0000000, s2;
	s6 =	simm.s32 $0x108;
	_ =	swait.ge @!p0 [sflag:s8], $0x0  }
0x24: {  	s3 =	sadd.s32 $0x88, s3;
	s6 =	simm.s32 @!p1 $0x1082;
	[sflag:s4] =	ssyncset.s32 $0xFFFFF086  }
0x25: {  	[simem:s6], [sflag:s4] =	dma.local [hbm:s3], $0xF7A  }
0x26: {  	[smem:$0x3F8C] =	sst s1;
	(tag) =	ssettag s2;
	_ =	strace s9  }
0x27: {  	s1 =	sld [smem:$0x3F9C]  }
0x28: {  	s2 =	sld [smem:$0x3F9D]  }
0x29: {  	s4 =	sld [smem:$0x3F9F]  }
0x2a: {  	p0 =	seq.s32 s5, $0x0;
	s5 =	sld [smem:$0x3FA0]  }
0x2b: {  	s6 =	sld [smem:$0x3FA1]  }
0x2c: {  	s7 =	sld [smem:$0x3FA2]  }
0x2d: {  	s3 =	simm.s32 $0x108;
	s8 =	sld [smem:$0x3FA3]  }
0x2e: {  	s3 =	simm.s32 @!p0 $0x1082;
	s9 =	sld [smem:$0x3FA4]  }
0x2f: {  	lr =	sadd.s32 s0, s3;
	s0 =	sld [smem:$0x3F9B]  }
0x30: {  	s3 =	sld [smem:$0x3F9E]  }
0x31: {  	[smem:$0x3FA7] =	sst s10  }
0x32: {  	s10 =	sld [smem:$0x3FA5];
	_ =	sdelay $0x3  }
0x33: {  	p0 =	seq.s32 s10, $0x1;
	s10 =	sld [smem:$0x3FA7];
	_ =	sdelay $0x3  }
0x34: {  	[smem:$0x3FA7] =	sst s10  }
0x35: {  	s10 =	sld [smem:$0x3FA6];
	_ =	sdelay $0x3  }
0x36: {  	p1 =	seq.s32 s10, $0x1;
	s10 =	sld [smem:$0x3FA7];
	_ =	sdelay $0x3  }
0x37: {  	[smem:$0x3FA7] =	sst s10  }
0x38: {  	s10 =	sld [smem:$0x3FA8]  }
0x39: {  	_ = 	snop;
	(pc) =	sbr.ind lr, $3  }
0x3a: {  	_ = 	snop  }
0x3b: {  	_ = 	snop  }
0x3c: {  	p2 =	seq.s32 s10, $0x1;
	s10 =	sld [smem:$0x3FA7]  }
0x3d: {  	_ =	shalt  }
0x3e: {  	_ =	shalt  }
0x3f: {  	_ =	shalt  }
0x40: {  	_ =	shalt  }
0x41: {  	_ =	shalt  }
0x42: {  	_ =	shalt  }
0x43: {  	_ =	shalt  }
0x44: {  	_ =	shalt  }
0x45: {  	_ =	shalt  }
0x46: {  	_ =	shalt  }
0x47: {  	_ =	shalt  }
0x48: {  	_ =	shalt  }
0x49: {  	_ =	shalt  }
0x4a: {  	_ =	shalt  }
0x4b: {  	_ =	shalt  }
0x4c: {  	_ =	shalt  }
0x4d: {  	_ =	shalt  }
0x4e: {  	_ =	shalt  }
0x4f: {  	_ =	shalt  }
0x50: {  	_ =	shalt  }
0x51: {  	_ =	shalt  }
0x52: {  	_ =	shalt  }
0x53: {  	_ =	shalt  }
0x54: {  	_ =	shalt  }
0x55: {  	_ =	shalt  }
0x56: {  	_ =	shalt  }
0x57: {  	_ =	shalt  }
0x58: {  	_ =	shalt  }
0x59: {  	_ =	shalt  }
0x5a: {  	_ =	shalt  }
0x5b: {  	_ =	shalt  }
0x5c: {  	_ =	shalt  }
0x5d: {  	_ =	shalt  }
0x5e: {  	_ =	shalt  }
0x5f: {  	_ =	shalt  }
0x60: {  	_ =	shalt  }
0x61: {  	_ =	shalt  }
0x62: {  	_ =	shalt  }
0x63: {  	_ =	shalt  }
0x64: {  	_ =	shalt  }
0x65: {  	_ =	shalt  }
0x66: {  	_ =	shalt  }
0x67: {  	_ =	shalt  }
0x68: {  	_ =	shalt  }
0x69: {  	_ =	shalt  }
0x6a: {  	_ =	shalt  }
0x6b: {  	_ =	shalt  }
0x6c: {  	_ =	shalt  }
0x6d: {  	_ =	shalt  }
0x6e: {  	_ =	shalt  }
0x6f: {  	_ =	shalt  }
0x70: {  	_ =	shalt  }
0x71: {  	_ =	shalt  }
0x72: {  	_ =	shalt  }
0x73: {  	_ =	shalt  }
0x74: {  	_ =	shalt  }
0x75: {  	_ =	shalt  }
0x76: {  	_ =	shalt  }
0x77: {  	_ =	shalt  }
0x78: {  	_ =	shalt  }
0x79: {  	_ =	shalt  }
0x7a: {  	_ =	shalt  }
0x7b: {  	_ =	shalt  }
0x7c: {  	_ =	shalt  }
0x7d: {  	_ =	shalt  }
0x7e: {  	_ =	shalt  }
0x7f: {  	_ =	shalt  }
0x80: {  	_ =	shalt  }
0x81: {  	_ =	shalt  }
0x82: {  	_ =	shalt  }
0x83: {  	_ =	shalt  }
0x84: {  	_ =	shalt  }
0x85: {  	_ =	shalt  }
0x86: {  	_ =	shalt  }
0x87: {  	_ =	shalt  }
.Lfunc_end0:
.L_simem_size_0:
called_computation.1_lowered:
.L_overlay_start_0:
0x88: {  	s2 =	sld [smem:$0x3FD9]  }
0x89: {  	s3 =	sld [smem:$0x3FFE];
	_ =	sdelay $0x1  }
0x8a: {  	s1 =	srdreg.scid  }
0x8b: {  	s0 =	sand.u32 $0x1, s1  }
0x8c: {  	s15 =	sshll.u32 s0, $0xA;
	s2 =	sadd.s32 s3, s2  }
0x8d: {  	s2 =	sadd.s32 s2, s15  }
0x8e: {  	[smem:$0x3FB3] =	sst s2  }
0x8f: {  	_ = 	snop  }
0x90: {  	s2 =	sld [smem:$0x3FD0];
	_ =	sdelay $0x2  }
0x91: {  	s16 =	simm.s32 $0xB;
	s4 =	simm.s32 $0x10  }
0x92: {  	[smem:s4], [sflag:s16] =	dma.local [hbm:s2], $0x1  }
0x93: {  	_ =	swait.eq [sflag:s16], $0x1  }
0x94: {  	[sflag:s16] =	ssyncset.done $0x0  }
0x95: {  	[sflag:s16] =	ssyncadd.s32 $0xFFFFFFFF  }
0x96: {  	s17 =	sld [smem:$0x10];
	(tm) =	ssettm $0x1  }
0x97: {  	s18 =	sld [smem:$0x3FFB];
	_ =	sdelay $0x3  }
0x98: {  	_ =	strace s18  }
0x99: {  	s2 =	sld [smem:$0x3FFC];
	_ =	sdelay $0x3  }
0x9a: {  	_ =	strace s2  }
0x9b: {  	s2 =	sld [smem:$0x3FFD];
	_ =	sdelay $0x3  }
0x9c: {  	_ =	strace s2  }
0x9d: {  	_ =	strace $0x8FFFFFFF  }
0x9e: {  	s19 =	sld [smem:$0x3FDB];
	_ =	sdelay $0x1  }
0x9f: {  	s20 =	simm.s32 $_scs_section_size  }
0xa0: {  	s5 =	simm.s32 $_size__tile_overlayer_lowered;
	s6 =	simm.s32 $_tile_overlayer_lowered  }
0xa1: {  	s7 =	simm.s32 $0x1BFF;
	s21 =	sshll.u32 s6, $0x1;
	s4 =	sadd.s32 s20, s19  }
0xa2: {  	s22 =	simm.s32 $0x0;
	s5 =	sshll.u32 s5, $0x1;
	s6 =	sadd.s32 s21, s4  }
0xa3: {  	[timem:s22], [sflag:s7] =	dma.local [hbm:s6], s5  }
0xa4: {  	_ =	swait.ge [sflag:s7], s5  }
0xa5: {  	s5 =	ssub.s32 $0x0, s5;
	[sflag:s7] =	ssyncset.done $0x0  }
0xa6: {  	[sflag:s7] =	ssyncadd.s32 s5;
	_ =	sdelay $0x1  }
0xa7: {  	s23 =	simm.s32 $0x1B8B  }
0xa8: {  	_ =	swait.ge [sflag:s23], $0x1  }
0xa9: {  	[sflag:s23] =	ssyncset.done $0x0  }
0xaa: {  	[sflag:s23] =	ssyncadd.s32 $0xFFFFFFFF  }
0xab: {  	s5 =	sld [smem:$0x0]  }
0xac: {  	s6 =	sand.u32 $0xFFFFFFFE, s1  }
0xad: {  	p0 =	sne.s32 s1, s6  }
0xae: {  	s6 =	sshll.u32 @p0 s6, $0xE  }
0xaf: {  	s6 =	sadd.s32 @p0 $0x11B8D, s6;
	s7 =	sshll.u32 @p0 s5, $0x11  }
0xb0: {  	s6 =	sor.u32 @p0 s7, s6  }
0xb1: {  	[sflag:s6] =	ssyncadd.remote.s32 @p0 $0x1;
	_ =	sdelay $0x1  }
0xb2: {  	s6 =	simm.s32 @p0 $0x1B8D  }
0xb3: {  	_ =	swait.eq @p0 [sflag:s6], $0x1  }
0xb4: {  	[sflag:s6] =	ssyncadd.s32 @p0 $0xFFFFFFFF  }
0xb5: {  	s7 =	sshll.u32 @!p0 s1, $0xE  }
0xb6: {  	s7 =	sor.u32 @!p0 $0x4000, s7;
	s6 =	simm.s32 @!p0 $0x1B8D  }
0xb7: {  	s5 =	sshll.u32 @!p0 s5, $0x11;
	s7 =	sadd.s32 @!p0 $0x11B8D, s7;
	_ =	swait.eq @!p0 [sflag:s6], $0x1  }
0xb8: {  	s5 =	sor.u32 @!p0 s5, s7;
	[sflag:s6] =	ssyncadd.s32 @!p0 $0xFFFFFFFF  }
0xb9: {  	s25 =	simm.s32 $0x1B8E;
	s24 =	sld [smem:$0x3FFE];
	[sflag:s5] =	ssyncadd.remote.s32 @!p0 $0x1  }
0xba: {  	s26 =	simm.s32 $execute0_lowered;
	[smem:$0x3FD2] =	sst s25  }
0xbb: {  	s6 =	sshll.u32 s26, $0x1;
	_ =	strace $0x80000049;
	[dreg:$0x1] =	wrdreg $0xFFFFFFFF  }
0xbc: {  	s28 =	simm.s32 $_size_execute0_lowered;
	s4 =	sadd.s32 s4, s6;
	[dreg:$0x0] =	wrdreg $0x0  }
0xbd: {  	s6 =	sshll.u32 s28, $0x1;
	[dreg:$0x2] =	wrdreg s4  }
0xbe: {  	[dreg:$0x3] =	wrdreg s6  }
0xbf: {  	[dreg:$0x4] =	wrdreg $0xC0  }
0xc0: {  	_ =	task [dreg:s22], $0x5FFFF  }
0xc1: {  	[dreg:$0x1] =	wrdreg $0xFFFFFFFF  }
0xc2: {  	[dreg:$0x0] =	wrdreg $0x60  }
0xc3: {  	[dreg:$0x2] =	wrdreg s24  }
0xc4: {  	[dreg:$0x3] =	wrdreg s17  }
0xc5: {  	[dreg:$0x4] =	wrdreg $0x7C000  }
0xc6: {  	[dreg:$0x5] =	wrdreg $0xA  }
0xc7: {  	_ =	task.clear_ibuf [dreg:s22], $0x6FFFF;
	_ =	strace $0x90000049  }
0xc8: {  	s29 =	simm.s32 $0xA;
	_ =	strace $0x8000004B  }
0xc9: {  	_ =	swait.ge [sflag:s29], $0x1  }
0xca: {  	[sflag:s29] =	ssyncadd.s32 $0xFFFFFFFF  }
0xcb: {  	_ =	strace $0x9000004B  }
0xcc: {  	_ =	sfence  }
0xcd: {  	s30 =	sld [smem:$0x0];
	_ =	sdelay $0x2  }
0xce: {  	s31 =	sshll.u32 s1, $0xD;
	s1 =	sshrl.u32 s1, $0x2  }
0xcf: {  	s4 =	sand.u32 $0x4000, s31;
	s1 =	sadd.s32 s1, s30  }
0xd0: {  	s0 =	sor.u32 s4, s0;
	s1 =	sshll.u32 s1, $0x11  }
0xd1: {  	s0 =	sor.u32 s1, s0  }
0xd2: {  	s0 =	sadd.s32 $0x8F2B, s0  }
0xd3: {  	[sflag:s0] =	ssyncadd.remote.s32 $0x1  }
0xd4: {  	_ =	sfence.sel $0xFFFF  }
0xd5: {  	[dreg:$0x0] =	wrdreg $0xFFFFFFFF;
	(pc) =	sbr.abs _section_cstart, $3  }
0xd6: {  	[dreg:$0x1] =	wrdreg $0xFFFFFFFF  }
0xd7: {  	_ =	task.clear_ibuf [dreg:s22], $0x2FFFF;
	_ =	strace $0x9FFFFFFF  }
0xd8: {  	(tm) =	ssettm $0x7FFFFFFF  }
0xd9: {  	_ =	shalt  }
tec
execute0_lowered:
.L_overlay_start_1:
0x0: {  	(tag) =	ssettag $0x1  }
0x1: {  	s0 =	rddreg [dreg:$0x0]  }
0x2: {  	s2 =	rddreg [dreg:$0x1]  }
0x3: {  	s3 =	rddreg [dreg:$0x2];
	s4 =	simm.s32 $0x0;
	s14 =	stileid.u32  }
0x4: {  	s1 =	srdreg.scid;
	s20 =	simm.s32 $0x7;
	s21 =	simm.s32 $0x80  }
0x5: {  	s30 =	simm.s32 $0x280;
	s28 =	simm.s32 $0x2;
	s31 =	simm.s32 $0x200  }
0x6: {  	[smem:$0x7FF] =	sst s4;
	s22 =	smul.u32 $0x13C00, s14;
	s1 =	sand.u32 $0x1, s1  }
0x7: {  	s5 =	sadd.s32 $0xFAA00, s0;
	s6 =	sadd.s32 $0x5800, s0;
	s23 =	smul.u32 $0x4F000, s14  }
0x8: {  	s7 =	sadd.s32 $0x5E600, s0;
	s8 =	sadd.s32 $0x148C00, s0;
	s11 =	smul.u32 $0x4E20, s14  }
0x9: {  	s26 =	sshll.u32 s14, $0x6;
	s14 =	simm.s32 $0x6;
	_ =	strace $0x8000004A  }
0xa: {  	s9 =	smul.u32 $0x13C000, s1;
	s24 =	ssub.s32 $0x2, s1;
	s17 =	sor.u32 $0x1C07, s26  }
0xb: {  	s19 =	smul.u32 $0x2710, s1;
	s10 =	sshrl.u32 s22, $0x3;
	s12 =	sshrl.u32 s24, $0x1  }
0xc: {  	s13 =	sshrl.u32 s23, $0x2;
	s29 =	sshrl.u32 s11, $0x3;
	s23 =	simm.s32 $0x5400  }
0xd: {  	[dreg:$0x5] =	wrdreg s17;
	s4 =	sadd.s32 s22, s9;
	s10 =	sadd.s32 s10, s0  }
0xe: {  	s9 =	smul.u32 $0x4E200, s1;
	s25 =	sadd.s32 s13, s3;
	s16 =	sadd.s32 s6, s29  }
0xf: {  	s13 =	sadd.s32 s2, s29;
	s22 =	simm.s32 $0x28;
	s1 =	simm.s32 $0x380  }
0x10: {  	s4 =	sshrl.u32 s4, $0x3;
	s10 =	sadd.s32 $0x14D0C00, s10;
	[dreg:$0x6] =	wrdreg s16  }
0x11: {  	[dreg:$0x7] =	wrdreg s13;
	s16 =	sadd.s32 $0x50, s11;
	s13 =	simm.s32 $0x5  }
0x12: {  	s0 =	sadd.s32 s4, s0;
	s4 =	ssub.s32 s24, s12;
	[dreg:$0x4] =	wrdreg s10  }
0x13: {  	s15 =	sadd.s32 s11, s9;
	s24 =	simm.s32 $0x400;
	s10 =	simm.s32 $0x3  }
0x14: {  	s12 =	simm.s32 $0x4;
	s18 =	sshll.u32 s15, $0x4;
	s0 =	sadd.s32 $0x14F8400, s0  }
0x15: {  	s15 =	sadd.s32 $0x28, s11;
	s29 =	smax.u32 s4, $0x1;
	[dreg:$0x9] =	wrdreg s0  }
0x16: {  	s11 =	sshrl.u32 s25, $0x3;
	s25 =	simm.s32 $0x6800;
	[dreg:$0xa] =	wrdreg s29  }
0x17: {  	s26 =	sadd.s32 s8, s18;
	s0 =	simm.s32 $0x4000;
	[dreg:$0xb] =	wrdreg s11  }
0x18: {  	v0 =	vmov s19;
	s18 =	simm.s32 $0x0;
	[dreg:$0x8] =	wrdreg s26;
	s26 =	simm.s32 $0x1  }
.LBB2_1:
0x19: {  	[dreg:$0xc] =	wrdreg s18  }
0x1a: {  	s4 =	rddreg [dreg:$0x4]  }
0x1b: {  	[spmem:s11], [sflag:s17] =	dma.local [hbm:s4], $0x2780  }
0x1c: {  	_ =	swait.ge [sflag:s20], $0x2780  }
0x1d: {  	[sflag:s20] =	ssyncset.done $0x0  }
0x1e: {  	[sflag:s20] =	ssyncadd.s32 $0xFFFFD880  }
0x1f: {  	[bflag:$0x0] =	sbarrier.arrive $0xFFFF  }
0x20: {  	s4 =	simm.s32 $0x0;
	s18 =	rddreg [dreg:$0x6]  }
0x21: {  	[tilespmem:s4], [sflag:$0x7] =	stream.linear.gather [hbm4b:s18+s4], $0x28, $0x38;
	[tilespmem:$0x1B800] =	vst v63  }
0x22: {  	_ =	swait.ge [sflag:s20], $0x28  }
0x23: {  	[sflag:s20] =	ssyncset.done $0x0  }
0x24: {  	s19 =	rddreg [dreg:$0x7];
	[sflag:s20] =	ssyncadd.s32 $0xFFFFFFD8  }
0x25: {  	[tilespmem:s21], [sflag:$0x7] =	stream.linear.gather [hbm4b:s19+s4], $0x28, $0x38;
	[tilespmem:$0x1B800] =	vst v63  }
0x26: {  	_ =	swait.ge [sflag:s20], $0x28  }
0x27: {  	[sflag:s20] =	ssyncset.done $0x0  }
0x28: {  	[sflag:s20] =	ssyncadd.s32 $0xFFFFFFD8  }
0x29: {  	v1 =	vld [tilespmem:$0x0]  }
0x2a: {  	v2 =	vld [tilespmem:$0x80]  }
0x2b: {  	v3 =	vld [tilespmem:$0x10]  }
0x2c: {  	v4 =	vld [tilespmem:$0x90]  }
0x2d: {  	v5 =	vld [tilespmem:$0x18]  }
0x2e: {  	v6 =	vld [tilespmem:$0x98];
	v1 =	vadd.s32 v0, v1  }
0x2f: {  	[tilespmem:$0x100] =	vst v1;
	v1 =	vadd.s32 v0, v2  }
0x30: {  	[tilespmem:$0x180] =	vst v1;
	v1 =	vadd.s32 v0, v3  }
0x31: {  	[tilespmem:$0x110] =	vst v1;
	v1 =	vadd.s32 v0, v4  }
0x32: {  	[tilespmem:$0x190] =	vst v1;
	v1 =	vadd.s32 v0, v5  }
0x33: {  	[tilespmem:$0x118] =	vst v1;
	v1 =	vadd.s32 v0, v6  }
0x34: {  	s29 =	simm.s32 $0x100;
	[tilespmem:$0x198] =	vst v1  }
0x35: {  	[tilespmem:s24], [sflag:$0x1] =	stream.indirect.gather [hbm4b:s5+s22], $0x80, s29, s22, $0xb8;
	[tilespmem:$0x1B800] =	vst v63  }
0x36: {  	s17 =	simm.s32 $0x180;
	s18 =	simm.s32 $0x1800  }
0x37: {  	[tilespmem:s18], [sflag:$0x2] =	stream.indirect.gather [hbm4b:s7+s22], $0x80, s17, s22, $0xb8;
	[tilespmem:$0x1B800] =	vst v63  }
0x38: {  	s19 =	rddreg [dreg:$0x8];
	s29 =	simm.s32 $0x2C00;
	s18 =	simm.s32 $0x0  }
0x39: {  	[tilespmem:s29], [sflag:$0x3] =	stream.linear.gather [hbm4b:s19+s4], $0x1400, $0x38;
	[tilespmem:$0x1B800] =	vst v63  }
.LBB2_2:
0x3a: {  	s4 =	smul.u32 $0x50, s18;
	_ =	sdelay $0x1  }
0x3b: {  	s11 =	sadd.s32 s4, s15  }
0x3c: {  	s19 =	sshrl.u32 s11, $0x3  }
0x3d: {  	s29 =	simm.s32 $0x0;
	s17 =	sadd.s32 s6, s19  }
0x3e: {  	[tilespmem:s31], [sflag:$0x7] =	stream.linear.gather [hbm4b:s17+s29], $0x28, $0x38;
	[tilespmem:$0x1B800] =	vst v63  }
0x3f: {  	_ =	swait.ge [sflag:s20], $0x28  }
0x40: {  	[sflag:s20] =	ssyncset.done $0x0  }
0x41: {  	s19 =	sadd.s32 s2, s19;
	[sflag:s20] =	ssyncadd.s32 $0xFFFFFFD8  }
0x42: {  	[tilespmem:s30], [sflag:$0x7] =	stream.linear.gather [hbm4b:s19+s29], $0x28, $0x38;
	[tilespmem:$0x1B800] =	vst v63  }
0x43: {  	_ =	swait.ge [sflag:s20], $0x28  }
0x44: {  	[sflag:s20] =	ssyncset.done $0x0  }
0x45: {  	[sflag:s20] =	ssyncadd.s32 $0xFFFFFFD8  }
0x46: {  	v1 =	vld [tilespmem:$0x200]  }
0x47: {  	v2 =	vld [tilespmem:$0x280]  }
0x48: {  	v3 =	vld [tilespmem:$0x210]  }
0x49: {  	v4 =	vld [tilespmem:$0x290]  }
0x4a: {  	v5 =	vld [tilespmem:$0x218]  }
0x4b: {  	v6 =	vld [tilespmem:$0x298];
	v1 =	vadd.s32 v0, v1  }
0x4c: {  	[tilespmem:$0x300] =	vst v1;
	v1 =	vadd.s32 v0, v2  }
0x4d: {  	[tilespmem:$0x380] =	vst v1;
	v1 =	vadd.s32 v0, v3  }
0x4e: {  	[tilespmem:$0x310] =	vst v1;
	v1 =	vadd.s32 v0, v4  }
0x4f: {  	[tilespmem:$0x390] =	vst v1;
	v1 =	vadd.s32 v0, v5  }
0x50: {  	[tilespmem:$0x318] =	vst v1;
	v1 =	vadd.s32 v0, v6  }
0x51: {  	s11 =	sadd.s32 s9, s11;
	s19 =	simm.s32 $0x300;
	[tilespmem:$0x398] =	vst v1  }
0x52: {  	[tilespmem:s0], [sflag:$0x4] =	stream.indirect.gather [hbm4b:s5+s22], $0x80, s19, s22, $0xb8;
	[tilespmem:$0x1B800] =	vst v63  }
0x53: {  	s11 =	sshll.u32 s11, $0x4  }
0x54: {  	[tilespmem:s23], [sflag:$0x5] =	stream.indirect.gather [hbm4b:s7+s22], $0x80, s1, s22, $0xb8;
	[tilespmem:$0x1B800] =	vst v63  }
0x55: {  	s11 =	sadd.s32 s8, s11  }
0x56: {  	[tilespmem:s25], [sflag:$0x6] =	stream.linear.gather [hbm4b:s11+s29], $0x1400, $0x38;
	[tilespmem:$0x1B800] =	vst v63  }
0x57: {  	_ =	swait.ge [sflag:s26], $0x1400  }
0x58: {  	[sflag:s26] =	ssyncset.done $0x0  }
0x59: {  	[sflag:s26] =	ssyncadd.s32 $0xFFFFEC00  }
0x5a: {  	_ =	swait.ge [sflag:s28], $0x1400  }
0x5b: {  	[sflag:s28] =	ssyncset.done $0x0  }
0x5c: {  	[sflag:s28] =	ssyncadd.s32 $0xFFFFEC00  }
0x5d: {  	_ =	swait.ge [sflag:s10], $0x1400  }
0x5e: {  	[sflag:s10] =	ssyncset.done $0x0  }
0x5f: {  	s11 =	simm.s32 $0x0;
	[sflag:s10] =	ssyncadd.s32 $0xFFFFEC00  }
0x60: {  	v5 =	vld [tilespmem:s11+$0x2C00]  }
0x61: {  	v6 =	vld [tilespmem:s11+$0x2C10]  }
0x62: {  	v4 =	vld [tilespmem:s11+$0x2C20]  }
0x63: {  	v3 =	vld [tilespmem:s11+$0x2C30]  }
0x64: {  	v2 =	vld [tilespmem:s11+$0x2C40]  }
0x65: {  	v1 =	vld [tilespmem:s11+$0x2C50]  }
0x66: {  	v13 =	vld [tilespmem:s11+$0x1800]  }
0x67: {  	v18 =	vld [tilespmem:s11+$0x1810]  }
0x68: {  	v12 =	vld [tilespmem:s11+$0x1820]  }
0x69: {  	v11 =	vld [tilespmem:s11+$0x1830]  }
0x6a: {  	v10 =	vld [tilespmem:s11+$0x1840]  }
0x6b: {  	v9 =	vld [tilespmem:s11+$0x1850]  }
0x6c: {  	v8 =	vld [tilespmem:s11+$0x1860]  }
0x6d: {  	v7 =	vld [tilespmem:s11+$0x1870]  }
0x6e: {  	v19 =	vld [tilespmem:s11+$0x400]  }
0x6f: {  	v20 =	vld [tilespmem:s11+$0x410]  }
0x70: {  	v17 =	vld [tilespmem:s11+$0x420]  }
0x71: {  	v16 =	vld [tilespmem:s11+$0x430]  }
0x72: {  	v15 =	vld [tilespmem:s11+$0x440]  }
0x73: {  	v14 =	vld [tilespmem:s11+$0x450];
	v19 =	vadd.f32 v13, v19  }
0x74: {  	s19 =	simm.s32 $0x200;
	v18 =	vadd.f32 v18, v20;
	v13 =	vld [tilespmem:s11+$0x460]  }
.LBB2_3:
0x75: {  	p0 =	sne.s32 s19, $0x4E00;
	v5 =	vadd.f32 v5, v19;
	v12 =	vadd.f32 v12, v17;
	v17 =	vld [tilespmem:s11+$0x470]  }
0x76: {  	v6 =	vadd.f32 v6, v18;
	v11 =	vadd.f32 v11, v16;
	v16 =	vld [tilespmem:s11+$0x2C60]  }
0x77: {  	s17 =	sshra.s32 s19, $0x2;
	v18 =	vmax.f32 v5, $0.0e+00;
	v4 =	vadd.f32 v4, v12;
	v10 =	vadd.f32 v10, v15;
	v12 =	vld [tilespmem:s11+$0x2C70]  }
0x78: {  	v5 =	vld [tilespmem:s17+$0x2C00];
	[tilespmem:s11+$0x400] =	vst v18;
	v15 =	vmax.f32 v6, $0.0e+00;
	v3 =	vadd.f32 v3, v11;
	v9 =	vadd.f32 v9, v14  }
0x79: {  	v6 =	vld [tilespmem:s17+$0x2C10];
	[tilespmem:s11+$0x410] =	vst v15;
	v11 =	vmax.f32 v4, $0.0e+00;
	v2 =	vadd.f32 v2, v10;
	v8 =	vadd.f32 v8, v13  }
0x7a: {  	v4 =	vld [tilespmem:s17+$0x2C20];
	[tilespmem:s11+$0x420] =	vst v11;
	v10 =	vmax.f32 v3, $0.0e+00;
	v1 =	vadd.f32 v1, v9;
	v7 =	vadd.f32 v7, v17  }
0x7b: {  	v3 =	vld [tilespmem:s17+$0x2C30];
	[tilespmem:s11+$0x430] =	vst v10;
	v9 =	vmax.f32 v2, $0.0e+00;
	v8 =	vadd.f32 v16, v8  }
0x7c: {  	v2 =	vld [tilespmem:s17+$0x2C40];
	[tilespmem:s11+$0x440] =	vst v9;
	v9 =	vmax.f32 v1, $0.0e+00;
	v7 =	vadd.f32 v12, v7  }
0x7d: {  	v1 =	vld [tilespmem:s17+$0x2C50];
	[tilespmem:s11+$0x450] =	vst v9;
	v8 =	vmax.f32 v8, $0.0e+00  }
0x7e: {  	v13 =	vld [tilespmem:s17+$0x1800];
	[tilespmem:s11+$0x460] =	vst v8;
	v7 =	vmax.f32 v7, $0.0e+00  }
0x7f: {  	v18 =	vld [tilespmem:s17+$0x1810];
	[tilespmem:s11+$0x470] =	vst v7;
	s11 =	smov.u32 s17  }
0x80: {  	v12 =	vld [tilespmem:s11+$0x1820]  }
0x81: {  	v11 =	vld [tilespmem:s11+$0x1830]  }
0x82: {  	v10 =	vld [tilespmem:s11+$0x1840]  }
0x83: {  	v9 =	vld [tilespmem:s11+$0x1850]  }
0x84: {  	v8 =	vld [tilespmem:s11+$0x1860]  }
0x85: {  	v7 =	vld [tilespmem:s11+$0x1870]  }
0x86: {  	v14 =	vld [tilespmem:s11+$0x400]  }
0x87: {  	v20 =	vld [tilespmem:s11+$0x410]  }
.Ltmp0:
0x88: {  	v17 =	vld [tilespmem:s11+$0x420];
	(pc) =	sbr.rel @p0 .LBB2_3-.Ltmp0, $4  }
0x89: {  	v16 =	vld [tilespmem:s11+$0x430]  }
0x8a: {  	v15 =	vld [tilespmem:s11+$0x440]  }
0x8b: {  	v19 =	vadd.f32 v13, v14;
	v14 =	vld [tilespmem:s11+$0x450]  }
0x8c: {  	s19 =	sadd.s32 $0x200, s19;
	v18 =	vadd.f32 v18, v20;
	v13 =	vld [tilespmem:s11+$0x460]  }
0x8d: {  	v5 =	vadd.f32 v5, v19;
	v12 =	vadd.f32 v12, v17;
	v17 =	vld [tilespmem:s11+$0x470]  }
0x8e: {  	v6 =	vadd.f32 v6, v18;
	v11 =	vadd.f32 v11, v16;
	v16 =	vld [tilespmem:s11+$0x2C60]  }
0x8f: {  	v5 =	vmax.f32 v5, $0.0e+00;
	v4 =	vadd.f32 v4, v12;
	v10 =	vadd.f32 v10, v15;
	v12 =	vld [tilespmem:s11+$0x2C70]  }
0x90: {  	[tilespmem:s11+$0x400] =	vst v5;
	v5 =	vmax.f32 v6, $0.0e+00;
	v3 =	vadd.f32 v3, v11;
	v6 =	vadd.f32 v9, v14  }
0x91: {  	[tilespmem:s11+$0x410] =	vst v5;
	v4 =	vmax.f32 v4, $0.0e+00;
	v2 =	vadd.f32 v2, v10;
	v5 =	vadd.f32 v8, v13  }
0x92: {  	[tilespmem:s11+$0x420] =	vst v4;
	v3 =	vmax.f32 v3, $0.0e+00;
	v1 =	vadd.f32 v1, v6;
	v4 =	vadd.f32 v7, v17  }
0x93: {  	[tilespmem:s11+$0x430] =	vst v3;
	v2 =	vmax.f32 v2, $0.0e+00;
	v3 =	vadd.f32 v16, v5  }
0x94: {  	[tilespmem:s11+$0x440] =	vst v2;
	v1 =	vmax.f32 v1, $0.0e+00;
	v2 =	vadd.f32 v12, v4  }
0x95: {  	[tilespmem:s11+$0x450] =	vst v1;
	v1 =	vmax.f32 v3, $0.0e+00  }
0x96: {  	[tilespmem:s11+$0x460] =	vst v1;
	v1 =	vmax.f32 v2, $0.0e+00  }
0x97: {  	p0 =	seq.s32 s18, $0xF9;
	[tilespmem:s11+$0x470] =	vst v1  }
0x98: {  	[spmem:s3] =	stream.indirect.scatter.add.f32 [tilespmem:s24], [sflag:$0x7], $0x80, s21, s22, $0xb8;
	[tilespmem:$0x1B800] =	vst v63  }
0x99: {  	s4 =	sadd.s32 @!p0 s4, s16;
	_ =	swait.ge [sflag:s20], $0x1400  }
0x9a: {  	s11 =	sshrl.u32 @!p0 s4, $0x3;
	[sflag:s20] =	ssyncset.done $0x0  }
0x9b: {  	s19 =	simm.s32 @!p0 $0x0;
	s17 =	sadd.s32 @!p0 s6, s11;
	[sflag:s20] =	ssyncadd.s32 $0xFFFFEC00  }
0x9c: {  	[tilespmem:s19], [sflag:$0x7] =	stream.linear.gather @!p0 [hbm4b:s17+s19], $0x28, $0x38;
	[tilespmem:$0x1B800] =	vst v63  }
0x9d: {  	s17 =	simm.s32 @!p0 $0x7  }
0x9e: {  	_ =	swait.ge @!p0 [sflag:s17], $0x28  }
0x9f: {  	[sflag:s17] =	ssyncset.done @!p0 $0x0  }
0xa0: {  	s29 =	simm.s32 @!p0 $0x80;
	s11 =	sadd.s32 @!p0 s2, s11;
	[sflag:s17] =	ssyncadd.s32 @!p0 $0xFFFFFFD8  }
0xa1: {  	[tilespmem:s29], [sflag:$0x7] =	stream.linear.gather @!p0 [hbm4b:s11+s19], $0x28, $0x38;
	[tilespmem:$0x1B800] =	vst v63  }
0xa2: {  	_ =	swait.ge @!p0 [sflag:s17], $0x28  }
0xa3: {  	[sflag:s17] =	ssyncset.done @!p0 $0x0  }
0xa4: {  	[sflag:s17] =	ssyncadd.s32 @!p0 $0xFFFFFFD8  }
0xa5: {  	v1 =	vld @!p0 [tilespmem:$0x0]  }
0xa6: {  	v2 =	vld @!p0 [tilespmem:$0x80]  }
0xa7: {  	v3 =	vld @!p0 [tilespmem:$0x10]  }
0xa8: {  	v4 =	vld @!p0 [tilespmem:$0x90]  }
0xa9: {  	v5 =	vld @!p0 [tilespmem:$0x18]  }
0xaa: {  	v6 =	vld @!p0 [tilespmem:$0x98];
	v1 =	vadd.s32 @!p0 v0, v1  }
0xab: {  	[tilespmem:$0x100] =	vst @!p0 v1;
	v1 =	vadd.s32 @!p0 v0, v2  }
0xac: {  	[tilespmem:$0x180] =	vst @!p0 v1;
	v1 =	vadd.s32 @!p0 v0, v3  }
0xad: {  	[tilespmem:$0x110] =	vst @!p0 v1;
	v1 =	vadd.s32 @!p0 v0, v4  }
0xae: {  	[tilespmem:$0x190] =	vst @!p0 v1;
	v1 =	vadd.s32 @!p0 v0, v5  }
0xaf: {  	s4 =	sadd.s32 @!p0 s9, s4;
	[tilespmem:$0x118] =	vst @!p0 v1;
	v1 =	vadd.s32 @!p0 v0, v6  }
0xb0: {  	s11 =	simm.s32 @!p0 $0x28;
	s29 =	simm.s32 @!p0 $0x400;
	s17 =	simm.s32 @!p0 $0x100;
	[tilespmem:$0x198] =	vst @!p0 v1  }
0xb1: {  	[tilespmem:s29], [sflag:$0x1] =	stream.indirect.gather @!p0 [hbm4b:s5+s11], $0x80, s17, s11, $0xb8;
	[tilespmem:$0x1B800] =	vst v63  }
0xb2: {  	s4 =	sshll.u32 @!p0 s4, $0x4;
	s17 =	simm.s32 @!p0 $0x180;
	s29 =	simm.s32 @!p0 $0x1800  }
0xb3: {  	[tilespmem:s29], [sflag:$0x2] =	stream.indirect.gather @!p0 [hbm4b:s7+s11], $0x80, s17, s11, $0xb8;
	[tilespmem:$0x1B800] =	vst v63  }
0xb4: {  	s4 =	sadd.s32 @!p0 s8, s4;
	s11 =	simm.s32 @!p0 $0x2C00  }
0xb5: {  	[tilespmem:s11], [sflag:$0x3] =	stream.linear.gather @!p0 [hbm4b:s4+s19], $0x1400, $0x38;
	[tilespmem:$0x1B800] =	vst v63  }
0xb6: {  	_ =	swait.ge [sflag:s12], $0x1400  }
0xb7: {  	[sflag:s12] =	ssyncset.done $0x0  }
0xb8: {  	[sflag:s12] =	ssyncadd.s32 $0xFFFFEC00  }
0xb9: {  	_ =	swait.ge [sflag:s13], $0x1400  }
0xba: {  	[sflag:s13] =	ssyncset.done $0x0  }
0xbb: {  	[sflag:s13] =	ssyncadd.s32 $0xFFFFEC00  }
0xbc: {  	_ =	swait.ge [sflag:s14], $0x1400  }
0xbd: {  	[sflag:s14] =	ssyncset.done $0x0  }
0xbe: {  	s4 =	simm.s32 $0x0;
	[sflag:s14] =	ssyncadd.s32 $0xFFFFEC00  }
0xbf: {  	v5 =	vld [tilespmem:s4+$0x6800]  }
0xc0: {  	v6 =	vld [tilespmem:s4+$0x6810]  }
0xc1: {  	v4 =	vld [tilespmem:s4+$0x6820]  }
0xc2: {  	v3 =	vld [tilespmem:s4+$0x6830]  }
0xc3: {  	v2 =	vld [tilespmem:s4+$0x6840]  }
0xc4: {  	v1 =	vld [tilespmem:s4+$0x6850]  }
0xc5: {  	v13 =	vld [tilespmem:s4+$0x5400]  }
0xc6: {  	v18 =	vld [tilespmem:s4+$0x5410]  }
0xc7: {  	v12 =	vld [tilespmem:s4+$0x5420]  }
0xc8: {  	v11 =	vld [tilespmem:s4+$0x5430]  }
0xc9: {  	v10 =	vld [tilespmem:s4+$0x5440]  }
0xca: {  	v9 =	vld [tilespmem:s4+$0x5450]  }
0xcb: {  	v8 =	vld [tilespmem:s4+$0x5460]  }
0xcc: {  	v7 =	vld [tilespmem:s4+$0x5470]  }
0xcd: {  	v19 =	vld [tilespmem:s4+$0x4000]  }
0xce: {  	v20 =	vld [tilespmem:s4+$0x4010]  }
0xcf: {  	v17 =	vld [tilespmem:s4+$0x4020]  }
0xd0: {  	v16 =	vld [tilespmem:s4+$0x4030]  }
0xd1: {  	v15 =	vld [tilespmem:s4+$0x4040]  }
0xd2: {  	v14 =	vld [tilespmem:s4+$0x4050];
	v19 =	vadd.f32 v13, v19  }
0xd3: {  	s11 =	simm.s32 $0x200;
	v18 =	vadd.f32 v18, v20;
	v13 =	vld [tilespmem:s4+$0x4060]  }
.LBB2_5:
0xd4: {  	p0 =	sne.s32 s11, $0x4E00;
	v5 =	vadd.f32 v5, v19;
	v12 =	vadd.f32 v12, v17;
	v17 =	vld [tilespmem:s4+$0x4070]  }
0xd5: {  	v6 =	vadd.f32 v6, v18;
	v11 =	vadd.f32 v11, v16;
	v16 =	vld [tilespmem:s4+$0x6860]  }
0xd6: {  	s17 =	sshra.s32 s11, $0x2;
	v18 =	vmax.f32 v5, $0.0e+00;
	v4 =	vadd.f32 v4, v12;
	v10 =	vadd.f32 v10, v15;
	v12 =	vld [tilespmem:s4+$0x6870]  }
0xd7: {  	v5 =	vld [tilespmem:s17+$0x6800];
	[tilespmem:s4+$0x4000] =	vst v18;
	v15 =	vmax.f32 v6, $0.0e+00;
	v3 =	vadd.f32 v3, v11;
	v9 =	vadd.f32 v9, v14  }
0xd8: {  	v6 =	vld [tilespmem:s17+$0x6810];
	[tilespmem:s4+$0x4010] =	vst v15;
	v11 =	vmax.f32 v4, $0.0e+00;
	v2 =	vadd.f32 v2, v10;
	v8 =	vadd.f32 v8, v13  }
0xd9: {  	v4 =	vld [tilespmem:s17+$0x6820];
	[tilespmem:s4+$0x4020] =	vst v11;
	v10 =	vmax.f32 v3, $0.0e+00;
	v1 =	vadd.f32 v1, v9;
	v7 =	vadd.f32 v7, v17  }
0xda: {  	v3 =	vld [tilespmem:s17+$0x6830];
	[tilespmem:s4+$0x4030] =	vst v10;
	v9 =	vmax.f32 v2, $0.0e+00;
	v8 =	vadd.f32 v16, v8  }
0xdb: {  	v2 =	vld [tilespmem:s17+$0x6840];
	[tilespmem:s4+$0x4040] =	vst v9;
	v9 =	vmax.f32 v1, $0.0e+00;
	v7 =	vadd.f32 v12, v7  }
0xdc: {  	v1 =	vld [tilespmem:s17+$0x6850];
	[tilespmem:s4+$0x4050] =	vst v9;
	v8 =	vmax.f32 v8, $0.0e+00  }
0xdd: {  	v13 =	vld [tilespmem:s17+$0x5400];
	[tilespmem:s4+$0x4060] =	vst v8;
	v7 =	vmax.f32 v7, $0.0e+00  }
0xde: {  	v18 =	vld [tilespmem:s17+$0x5410];
	[tilespmem:s4+$0x4070] =	vst v7;
	s4 =	smov.u32 s17  }
0xdf: {  	v12 =	vld [tilespmem:s4+$0x5420]  }
0xe0: {  	v11 =	vld [tilespmem:s4+$0x5430]  }
0xe1: {  	v10 =	vld [tilespmem:s4+$0x5440]  }
0xe2: {  	v9 =	vld [tilespmem:s4+$0x5450]  }
0xe3: {  	v8 =	vld [tilespmem:s4+$0x5460]  }
0xe4: {  	v7 =	vld [tilespmem:s4+$0x5470]  }
0xe5: {  	v14 =	vld [tilespmem:s4+$0x4000]  }
0xe6: {  	v20 =	vld [tilespmem:s4+$0x4010]  }
.Ltmp1:
0xe7: {  	v17 =	vld [tilespmem:s4+$0x4020];
	(pc) =	sbr.rel @p0 .LBB2_5-.Ltmp1, $4  }
0xe8: {  	v16 =	vld [tilespmem:s4+$0x4030]  }
0xe9: {  	v15 =	vld [tilespmem:s4+$0x4040]  }
0xea: {  	v19 =	vadd.f32 v13, v14;
	v14 =	vld [tilespmem:s4+$0x4050]  }
0xeb: {  	s11 =	sadd.s32 $0x200, s11;
	v18 =	vadd.f32 v18, v20;
	v13 =	vld [tilespmem:s4+$0x4060]  }
0xec: {  	v5 =	vadd.f32 v5, v19;
	v12 =	vadd.f32 v12, v17;
	v57 =	vld [tilespmem:s4+$0x4070]  }
0xed: {  	v58 =	vld [tilespmem:s4+$0x6860];
	v6 =	vadd.f32 v6, v18;
	v11 =	vadd.f32 v11, v16  }
0xee: {  	v59 =	vld [tilespmem:s4+$0x6870];
	v5 =	vmax.f32 v5, $0.0e+00;
	v4 =	vadd.f32 v4, v12;
	v10 =	vadd.f32 v10, v15  }
0xef: {  	[tilespmem:s4+$0x4000] =	vst v5;
	v60 =	vmax.f32 v6, $0.0e+00;
	v3 =	vadd.f32 v3, v11;
	v61 =	vadd.f32 v9, v14  }
0xf0: {  	[tilespmem:s4+$0x4010] =	vst v60;
	v4 =	vmax.f32 v4, $0.0e+00;
	v2 =	vadd.f32 v2, v10;
	v62 =	vadd.f32 v8, v13  }
0xf1: {  	[tilespmem:s4+$0x4020] =	vst v4;
	v3 =	vmax.f32 v3, $0.0e+00;
	v1 =	vadd.f32 v1, v61;
	v63 =	vadd.f32 v7, v57  }
0xf2: {  	[tilespmem:s4+$0x4030] =	vst v3;
	v2 =	vmax.f32 v2, $0.0e+00;
	v3 =	vadd.f32 v58, v62  }
0xf3: {  	[tilespmem:s4+$0x4040] =	vst v2;
	v1 =	vmax.f32 v1, $0.0e+00;
	v2 =	vadd.f32 v59, v63  }
0xf4: {  	s18 =	sadd.s32 $0x1, s18;
	[tilespmem:s4+$0x4050] =	vst v1;
	v1 =	vmax.f32 v3, $0.0e+00  }
0xf5: {  	p0 =	sne.s32 s18, $0xFA;
	[tilespmem:s4+$0x4060] =	vst v1;
	v1 =	vmax.f32 v2, $0.0e+00  }
.Ltmp2:
0xf6: {  	[tilespmem:s4+$0x4070] =	vst v1;
	(pc) =	sbr.rel @p0 .LBB2_2-.Ltmp2, $4  }
0xf7: {  	[spmem:s3] =	stream.indirect.scatter.add.f32 [tilespmem:s0], [sflag:$0x7], $0x80, s30, s22, $0xb8;
	[tilespmem:$0x1B800] =	vst v63  }
0xf8: {  	_ =	swait.ge [sflag:s20], $0x1400  }
0xf9: {  	[sflag:s20] =	ssyncset.done $0x0  }
0xfa: {  	[sflag:s20] =	ssyncadd.s32 $0xFFFFEC00  }
0xfb: {  	[bflag:$0x0] =	sbarrier.arrive $0xFFFF  }
0xfc: {  	s17 =	rddreg [dreg:$0x5]  }
0xfd: {  	s4 =	rddreg [dreg:$0x9]  }
0xfe: {  	s11 =	rddreg [dreg:$0xb]  }
0xff: {  	[hbm:s4], [sflag:s17] =	dma.local [spmem:s11], $0x2780  }
0x100: {  	_ =	swait.ge [sflag:s20], $0x2780  }
0x101: {  	s18 =	rddreg [dreg:$0xc]  }
0x102: {  	s29 =	rddreg [dreg:$0xa];
	s18 =	sadd.s32 $0x1, s18  }
0x103: {  	p0 =	sne.s32 s18, s29  }
.Ltmp3:
0x104: {  	_ = 	snop;
	(pc) =	sbr.rel @p0 .LBB2_1-.Ltmp3, $3  }
0x105: {  	_ =	sdelay $0x1  }
0x106: {  	[sflag:s20] =	ssyncset.done $0x0  }
0x107: {  	[sflag:s20] =	ssyncadd.s32 $0xFFFFD880  }
0x108: {  	_ =	sfence.sel $0x180000  }
0x109: {  	[bflag:$0x0] =	sbarrier.arrive $0xFFFF  }
0x10a: {  	_ =	strace $0x9000004A  }
0x10b: {  	s0 =	stileid.u32;
	[bflag:$0x2] =	sbarrier.arrive $0xFFFF  }
0x10c: {  	p0 =	sne.s32 s0, $0x0;
	s0 =	rddreg [dreg:$0x3]  }
0x10d: {  	s0 =	sadd.s32 @!p0 $0x100000, s0  }
0x10e: {  	[sflag:s0] =	ssyncadd.tile.s32 @!p0 $0x1;
	_ =	shalt  }
.Lfunc_end2:
_tile_overlayer_lowered:
.L_overlay_start_2:
0x10f: {  	(tag) =	ssettag $0x2  }
0x110: {  	s0 =	rddreg [dreg:$0x0];
	s2 =	stileid.u32  }
0x111: {  	s1 =	rddreg [dreg:$0x1];
	p0 =	sne.s32 s2, $0x0  }
0x112: {  	s3 =	rddreg [dreg:$0x2];
	[bflag:$0x3] =	sbarrier.arrive $0xFFFF;
	s2 =	simm.s32 @!p0 $0x1C07  }
0x113: {  	[timem:s3], [sflag:s2] =	dma.local @!p0 [hbm:s0], s1  }
0x114: {  	s0 =	simm.s32 @!p0 $0x7  }
0x115: {  	_ =	swait.ge @!p0 [sflag:s0], s1  }
0x116: {  	s1 =	ssub.s32 @!p0 $0x0, s1;
	[sflag:s0] =	ssyncset.done @!p0 $0x0  }
0x117: {  	[sflag:s0] =	ssyncadd.s32 @!p0 s1  }
0x118: {  	[bflag:$0x3] =	sbarrier.arrive $0xFFFF  }
0x119: {  	_ =	shalt  }

// kernel: kernel.15.cloned.1.call-start
scs
__scs_entry_jumppad:
0x0: {  	(pc) =	sbr.rel $0x88, $3  }
0x1: {  	(tag) =	ssettag $0x0;
	lr =	simm.s32 $0x1  }
0x2: {  	[smem:$0x3F8C] =	sst lr;
	_ =	strace $0xD0000000  }
0x3: {  	_ = 	snop  }
0x4: {  	_ = 	snop  }
0x5: {  	_ = 	snop  }
0x6: {  	_ = 	snop  }
0x7: {  	_ = 	snop  }
__scs_overlays_trampoline_lowered:
0x8: {  	[smem:$0x3F9B] =	sst s0  }
0x9: {  	[smem:$0x3F9C] =	sst s1  }
0xa: {  	[smem:$0x3F9D] =	sst s2  }
0xb: {  	[smem:$0x3F9E] =	sst s3  }
0xc: {  	[smem:$0x3F9F] =	sst s4  }
0xd: {  	[smem:$0x3FA0] =	sst s5  }
0xe: {  	[smem:$0x3FA1] =	sst s6  }
0xf: {  	[smem:$0x3FA2] =	sst s7  }
0x10: {  	[smem:$0x3FA3] =	sst s8  }
0x11: {  	[smem:$0x3FA4] =	sst s9;
	s0 =	simm.s32 @!p0 $0x0  }
0x12: {  	s1 =	sld [smem:$0x3F8A];
	s0 =	simm.s32 @p0 $0x1  }
0x13: {  	[smem:$0x3FA5] =	sst s0;
	s0 =	simm.s32 @!p1 $0x0  }
0x14: {  	s2 =	sld [smem:$0x3F89];
	s0 =	simm.s32 @p1 $0x1  }
0x15: {  	[smem:$0x3FA6] =	sst s0;
	s0 =	simm.s32 @!p2 $0x0  }
0x16: {  	s3 =	sld [smem:$0x3FDB];
	s0 =	simm.s32 @p2 $0x1  }
0x17: {  	s4 =	simm.s32 $0x1BF5;
	[smem:$0x3FA8] =	sst s0  }
0x18: {  	s0 =	sld [smem:$0x3F8B];
	_ =	swait.ge [sflag:s4], $0x0  }
0x19: {  	s7 =	sld [smem:$0x3F8C]  }
0x1a: {  	s8 =	sadd.s32 $0xFFFFE003, lr  }
0x1b: {  	s9 =	sadd.s32 $0xFFFFFEF7, lr;
	s5 =	simm.s32 $0xFFFFFFFF;
	p2 =	slt.u32 s8, $0xFFFFF086  }
0x1c: {  	p1 =	slt.u32 s9, $0xF7A;
	s5 =	simm.s32 @!p2 $0x0  }
0x1d: {  	s5 =	simm.s32 @p1 $0x1;
	p0 =	seq.s32 s7, s2  }
0x1e: {  	s7 =	smul.u32 @!p0 $0xF7A, s2;
	p2 =	seq.s32 @!p0 s5, $0x0  }
0x1f: {  	s9 =	smul.u32 $0xF7A, s1;
	s8 =	simm.s32 @!p0 $0x1BF5;
	p2 =	por !p2, p0  }
0x20: {  	[sflag:s8] =	ssyncset.s32 @!p0 $0xFFFFF086;
	s6 =	sadd.s32 @!p0 s3, s7;
	s7 =	simm.s32 @!p0 $0x108  }
0x21: {  	s3 =	sadd.s32 s3, s9;
	s6 =	sadd.s32 @!p0 $0x88, s6;
	s7 =	simm.s32 @p2 $0x1082  }
0x22: {  	[simem:s7], [sflag:s8] =	dma.local @!p0 [hbm:s6], $0xF7A  }
0x23: {  	s9 =	sor.u32 $0xD0000000, s2;
	s6 =	simm.s32 $0x108;
	_ =	swait.ge @!p0 [sflag:s8], $0x0  }
0x24: {  	s3 =	sadd.s32 $0x88, s3;
	s6 =	simm.s32 @!p1 $0x1082;
	[sflag:s4] =	ssyncset.s32 $0xFFFFF086  }
0x25: {  	[simem:s6], [sflag:s4] =	dma.local [hbm:s3], $0xF7A  }
0x26: {  	[smem:$0x3F8C] =	sst s1;
	(tag) =	ssettag s2;
	_ =	strace s9  }
0x27: {  	s1 =	sld [smem:$0x3F9C]  }
0x28: {  	s2 =	sld [smem:$0x3F9D]  }
0x29: {  	s4 =	sld [smem:$0x3F9F]  }
0x2a: {  	p0 =	seq.s32 s5, $0x0;
	s5 =	sld [smem:$0x3FA0]  }
0x2b: {  	s6 =	sld [smem:$0x3FA1]  }
0x2c: {  	s7 =	sld [smem:$0x3FA2]  }
0x2d: {  	s3 =	simm.s32 $0x108;
	s8 =	sld [smem:$0x3FA3]  }
0x2e: {  	s3 =	simm.s32 @!p0 $0x1082;
	s9 =	sld [smem:$0x3FA4]  }
0x2f: {  	lr =	sadd.s32 s0, s3;
	s0 =	sld [smem:$0x3F9B]  }
0x30: {  	s3 =	sld [smem:$0x3F9E]  }
0x31: {  	[smem:$0x3FA7] =	sst s10  }
0x32: {  	s10 =	sld [smem:$0x3FA5];
	_ =	sdelay $0x3  }
0x33: {  	p0 =	seq.s32 s10, $0x1;
	s10 =	sld [smem:$0x3FA7];
	_ =	sdelay $0x3  }
0x34: {  	[smem:$0x3FA7] =	sst s10  }
0x35: {  	s10 =	sld [smem:$0x3FA6];
	_ =	sdelay $0x3  }
0x36: {  	p1 =	seq.s32 s10, $0x1;
	s10 =	sld [smem:$0x3FA7];
	_ =	sdelay $0x3  }
0x37: {  	[smem:$0x3FA7] =	sst s10  }
0x38: {  	s10 =	sld [smem:$0x3FA8]  }
0x39: {  	_ = 	snop;
	(pc) =	sbr.ind lr, $3  }
0x3a: {  	_ = 	snop  }
0x3b: {  	_ = 	snop  }
0x3c: {  	p2 =	seq.s32 s10, $0x1;
	s10 =	sld [smem:$0x3FA7]  }
0x3d: {  	_ =	shalt  }
0x3e: {  	_ =	shalt  }
0x3f: {  	_ =	shalt  }
0x40: {  	_ =	shalt  }
0x41: {  	_ =	shalt  }
0x42: {  	_ =	shalt  }
0x43: {  	_ =	shalt  }
0x44: {  	_ =	shalt  }
0x45: {  	_ =	shalt  }
0x46: {  	_ =	shalt  }
0x47: {  	_ =	shalt  }
0x48: {  	_ =	shalt  }
0x49: {  	_ =	shalt  }
0x4a: {  	_ =	shalt  }
0x4b: {  	_ =	shalt  }
0x4c: {  	_ =	shalt  }
0x4d: {  	_ =	shalt  }
0x4e: {  	_ =	shalt  }
0x4f: {  	_ =	shalt  }
0x50: {  	_ =	shalt  }
0x51: {  	_ =	shalt  }
0x52: {  	_ =	shalt  }
0x53: {  	_ =	shalt  }
0x54: {  	_ =	shalt  }
0x55: {  	_ =	shalt  }
0x56: {  	_ =	shalt  }
0x57: {  	_ =	shalt  }
0x58: {  	_ =	shalt  }
0x59: {  	_ =	shalt  }
0x5a: {  	_ =	shalt  }
0x5b: {  	_ =	shalt  }
0x5c: {  	_ =	shalt  }
0x5d: {  	_ =	shalt  }
0x5e: {  	_ =	shalt  }
0x5f: {  	_ =	shalt  }
0x60: {  	_ =	shalt  }
0x61: {  	_ =	shalt  }
0x62: {  	_ =	shalt  }
0x63: {  	_ =	shalt  }
0x64: {  	_ =	shalt  }
0x65: {  	_ =	shalt  }
0x66: {  	_ =	shalt  }
0x67: {  	_ =	shalt  }
0x68: {  	_ =	shalt  }
0x69: {  	_ =	shalt  }
0x6a: {  	_ =	shalt  }
0x6b: {  	_ =	shalt  }
0x6c: {  	_ =	shalt  }
0x6d: {  	_ =	shalt  }
0x6e: {  	_ =	shalt  }
0x6f: {  	_ =	shalt  }
0x70: {  	_ =	shalt  }
0x71: {  	_ =	shalt  }
0x72: {  	_ =	shalt  }
0x73: {  	_ =	shalt  }
0x74: {  	_ =	shalt  }
0x75: {  	_ =	shalt  }
0x76: {  	_ =	shalt  }
0x77: {  	_ =	shalt  }
0x78: {  	_ =	shalt  }
0x79: {  	_ =	shalt  }
0x7a: {  	_ =	shalt  }
0x7b: {  	_ =	shalt  }
0x7c: {  	_ =	shalt  }
0x7d: {  	_ =	shalt  }
0x7e: {  	_ =	shalt  }
0x7f: {  	_ =	shalt  }
0x80: {  	_ =	shalt  }
0x81: {  	_ =	shalt  }
0x82: {  	_ =	shalt  }
0x83: {  	_ =	shalt  }
0x84: {  	_ =	shalt  }
0x85: {  	_ =	shalt  }
0x86: {  	_ =	shalt  }
0x87: {  	_ =	shalt  }
.Lfunc_end0:
.L_simem_size_0:
called_computation.2_lowered:
.L_overlay_start_0:
0x88: {  	s2 =	sld [smem:$0x3FD9]  }
0x89: {  	s3 =	sld [smem:$0x3FFE];
	_ =	sdelay $0x1  }
0x8a: {  	s1 =	srdreg.scid  }
0x8b: {  	s0 =	sand.u32 $0x1, s1  }
0x8c: {  	s14 =	sshll.u32 s0, $0xA;
	s2 =	sadd.s32 s3, s2  }
0x8d: {  	s2 =	sadd.s32 s2, s14  }
0x8e: {  	[smem:$0x3FB3] =	sst s2  }
0x8f: {  	_ = 	snop  }
0x90: {  	s2 =	sld [smem:$0x3FD0];
	_ =	sdelay $0x2  }
0x91: {  	s15 =	simm.s32 $0xB;
	s4 =	simm.s32 $0x10  }
0x92: {  	[smem:s4], [sflag:s15] =	dma.local [hbm:s2], $0x1  }
0x93: {  	_ =	swait.eq [sflag:s15], $0x1  }
0x94: {  	[sflag:s15] =	ssyncset.done $0x0  }
0x95: {  	[sflag:s15] =	ssyncadd.s32 $0xFFFFFFFF  }
0x96: {  	s16 =	sld [smem:$0x10];
	(tm) =	ssettm $0x1  }
0x97: {  	s17 =	sld [smem:$0x3FFB];
	_ =	sdelay $0x3  }
0x98: {  	_ =	strace s17  }
0x99: {  	s3 =	sld [smem:$0x3FFC];
	_ =	sdelay $0x3  }
0x9a: {  	_ =	strace s3  }
0x9b: {  	s3 =	sld [smem:$0x3FFD];
	_ =	sdelay $0x3  }
0x9c: {  	_ =	strace s3  }
0x9d: {  	_ =	strace $0x8FFFFFFF  }
0x9e: {  	s18 =	sld [smem:$0x3FDB];
	_ =	sdelay $0x1  }
0x9f: {  	s19 =	simm.s32 $_scs_section_size  }
0xa0: {  	s5 =	simm.s32 $_size__tile_overlayer_lowered;
	s6 =	simm.s32 $_tile_overlayer_lowered  }
0xa1: {  	s22 =	simm.s32 $0x1BFF;
	s21 =	sshll.u32 s6, $0x1;
	s3 =	sadd.s32 s19, s18  }
0xa2: {  	s7 =	simm.s32 $0x0;
	s20 =	sshll.u32 s5, $0x1;
	s5 =	sadd.s32 s21, s3  }
0xa3: {  	[timem:s7], [sflag:s22] =	dma.local [hbm:s5], s20  }
0xa4: {  	_ =	swait.ge [sflag:s22], s20  }
0xa5: {  	s4 =	ssub.s32 $0x0, s20;
	[sflag:s22] =	ssyncset.done $0x0  }
0xa6: {  	[sflag:s22] =	ssyncadd.s32 s4;
	_ =	sdelay $0x1  }
0xa7: {  	s23 =	simm.s32 $0x1B8B  }
0xa8: {  	_ =	swait.ge [sflag:s23], $0x1  }
0xa9: {  	[sflag:s23] =	ssyncset.done $0x0  }
0xaa: {  	s25 =	simm.s32 $0x1B8E;
	s24 =	sld [smem:$0x3FFE];
	[sflag:s23] =	ssyncadd.s32 $0xFFFFFFFF  }
0xab: {  	s26 =	simm.s32 $execute0_lowered;
	[smem:$0x3FD2] =	sst s25  }
0xac: {  	s5 =	sshll.u32 s26, $0x1;
	_ =	strace $0x8000004C;
	[dreg:$0x1] =	wrdreg $0xFFFFFFFF  }
0xad: {  	s28 =	simm.s32 $_size_execute0_lowered;
	s3 =	sadd.s32 s3, s5;
	[dreg:$0x0] =	wrdreg $0x0  }
0xae: {  	s5 =	sshll.u32 s28, $0x1;
	[dreg:$0x2] =	wrdreg s3  }
0xaf: {  	[dreg:$0x3] =	wrdreg s5  }
0xb0: {  	[dreg:$0x4] =	wrdreg $0xC0  }
0xb1: {  	_ =	task [dreg:s7], $0x5FFFF  }
0xb2: {  	[dreg:$0x1] =	wrdreg $0xFFFFFFFF  }
0xb3: {  	[dreg:$0x0] =	wrdreg $0x60  }
0xb4: {  	[dreg:$0x2] =	wrdreg s24  }
0xb5: {  	[dreg:$0x3] =	wrdreg s16  }
0xb6: {  	[dreg:$0x4] =	wrdreg $0x7C000  }
0xb7: {  	[dreg:$0x5] =	wrdreg $0x9  }
0xb8: {  	_ =	task.clear_ibuf [dreg:s7], $0x6FFFF;
	_ =	strace $0x9000004C  }
0xb9: {  	s29 =	simm.s32 $0x9;
	_ =	strace $0x8000004E  }
0xba: {  	_ =	swait.ge [sflag:s29], $0x1  }
0xbb: {  	[sflag:s29] =	ssyncadd.s32 $0xFFFFFFFF  }
0xbc: {  	_ =	strace $0x9000004E  }
0xbd: {  	_ =	sfence  }
0xbe: {  	s30 =	sld [smem:$0x0];
	_ =	sdelay $0x2  }
0xbf: {  	s31 =	sshll.u32 s1, $0xD;
	s1 =	sshrl.u32 s1, $0x2  }
0xc0: {  	s3 =	sand.u32 $0x4000, s31;
	s1 =	sadd.s32 s1, s30  }
0xc1: {  	s0 =	sor.u32 s3, s0;
	s1 =	sshll.u32 s1, $0x11  }
0xc2: {  	s0 =	sor.u32 s1, s0  }
0xc3: {  	s0 =	sadd.s32 $0x8F2B, s0  }
0xc4: {  	[sflag:s0] =	ssyncadd.remote.s32 $0x1  }
0xc5: {  	_ =	sfence.sel $0xFFFF  }
0xc6: {  	[dreg:$0x0] =	wrdreg $0xFFFFFFFF;
	(pc) =	sbr.abs _section_cstart, $3  }
0xc7: {  	[dreg:$0x1] =	wrdreg $0xFFFFFFFF  }
0xc8: {  	_ =	task.clear_ibuf [dreg:s7], $0x2FFFF;
	_ =	strace $0x9FFFFFFF  }
0xc9: {  	(tm) =	ssettm $0x7FFFFFFF  }
tec
execute0_lowered:
.L_overlay_start_1:
0x0: {  	(tag) =	ssettag $0x1  }
0x1: {  	s0 =	rddreg [dreg:$0x0]  }
0x2: {  	s2 =	rddreg [dreg:$0x1]  }
0x3: {  	s3 =	rddreg [dreg:$0x2];
	s4 =	simm.s32 $0x0;
	s14 =	stileid.u32  }
0x4: {  	s1 =	srdreg.scid;
	s20 =	simm.s32 $0x7;
	s21 =	simm.s32 $0x80  }
0x5: {  	s30 =	simm.s32 $0x280;
	s28 =	simm.s32 $0x2;
	s31 =	simm.s32 $0x200  }
0x6: {  	[smem:$0x7FF] =	sst s4;
	s22 =	smul.u32 $0x13C00, s14;
	s1 =	sand.u32 $0x1, s1  }
0x7: {  	s5 =	sadd.s32 $0x5E600, s0;
	s6 =	sadd.s32 $0xAC800, s0;
	s23 =	smul.u32 $0x4F000, s14  }
0x8: {  	s7 =	sadd.s32 $0x5800, s0;
	s8 =	sadd.s32 $0xB0CC00, s0;
	s11 =	smul.u32 $0x4E20, s14  }
0x9: {  	s26 =	sshll.u32 s14, $0x6;
	s14 =	simm.s32 $0x6;
	_ =	strace $0x8000004D  }
0xa: {  	s9 =	smul.u32 $0x13C000, s1;
	s24 =	ssub.s32 $0x2, s1;
	s17 =	sor.u32 $0x1C07, s26  }
0xb: {  	s19 =	smul.u32 $0x2710, s1;
	s10 =	sshrl.u32 s22, $0x3;
	s12 =	sshrl.u32 s24, $0x1  }
0xc: {  	s13 =	sshrl.u32 s23, $0x2;
	s29 =	sshrl.u32 s11, $0x3;
	s23 =	simm.s32 $0x5400  }
0xd: {  	[dreg:$0x5] =	wrdreg s17;
	s4 =	sadd.s32 s22, s9;
	s10 =	sadd.s32 s10, s0  }
0xe: {  	s9 =	smul.u32 $0x4E200, s1;
	s25 =	sadd.s32 s13, s3;
	s16 =	sadd.s32 s2, s29  }
0xf: {  	s13 =	sadd.s32 s7, s29;
	s22 =	simm.s32 $0x28;
	s1 =	simm.s32 $0x380  }
0x10: {  	s4 =	sshrl.u32 s4, $0x3;
	s10 =	sadd.s32 $0x14D0C00, s10;
	[dreg:$0x6] =	wrdreg s16  }
0x11: {  	[dreg:$0x7] =	wrdreg s13;
	s16 =	sadd.s32 $0x50, s11;
	s13 =	simm.s32 $0x5  }
0x12: {  	s0 =	sadd.s32 s4, s0;
	s4 =	ssub.s32 s24, s12;
	[dreg:$0x4] =	wrdreg s10  }
0x13: {  	s15 =	sadd.s32 s11, s9;
	s24 =	simm.s32 $0x400;
	s10 =	simm.s32 $0x3  }
0x14: {  	s12 =	simm.s32 $0x4;
	s18 =	sshll.u32 s15, $0x4;
	s0 =	sadd.s32 $0xFAA00, s0  }
0x15: {  	s15 =	sadd.s32 $0x28, s11;
	s29 =	smax.u32 s4, $0x1;
	[dreg:$0x9] =	wrdreg s0  }
0x16: {  	s11 =	sshrl.u32 s25, $0x3;
	s25 =	simm.s32 $0x6800;
	[dreg:$0xa] =	wrdreg s29  }
0x17: {  	s26 =	sadd.s32 s8, s18;
	s0 =	simm.s32 $0x4000;
	[dreg:$0xb] =	wrdreg s11  }
0x18: {  	v0 =	vmov s19;
	s18 =	simm.s32 $0x0;
	[dreg:$0x8] =	wrdreg s26;
	s26 =	simm.s32 $0x1  }
.LBB2_1:
0x19: {  	[dreg:$0xc] =	wrdreg s18  }
0x1a: {  	s4 =	rddreg [dreg:$0x4]  }
0x1b: {  	[spmem:s11], [sflag:s17] =	dma.local [hbm:s4], $0x2780  }
0x1c: {  	_ =	swait.ge [sflag:s20], $0x2780  }
0x1d: {  	[sflag:s20] =	ssyncset.done $0x0  }
0x1e: {  	[sflag:s20] =	ssyncadd.s32 $0xFFFFD880  }
0x1f: {  	[bflag:$0x0] =	sbarrier.arrive $0xFFFF  }
0x20: {  	s4 =	simm.s32 $0x0;
	s18 =	rddreg [dreg:$0x6]  }
0x21: {  	[tilespmem:s4], [sflag:$0x7] =	stream.linear.gather [hbm4b:s18+s4], $0x28, $0x38;
	[tilespmem:$0x1B800] =	vst v63  }
0x22: {  	_ =	swait.ge [sflag:s20], $0x28  }
0x23: {  	[sflag:s20] =	ssyncset.done $0x0  }
0x24: {  	s19 =	rddreg [dreg:$0x7];
	[sflag:s20] =	ssyncadd.s32 $0xFFFFFFD8  }
0x25: {  	[tilespmem:s21], [sflag:$0x7] =	stream.linear.gather [hbm4b:s19+s4], $0x28, $0x38;
	[tilespmem:$0x1B800] =	vst v63  }
0x26: {  	_ =	swait.ge [sflag:s20], $0x28  }
0x27: {  	[sflag:s20] =	ssyncset.done $0x0  }
0x28: {  	[sflag:s20] =	ssyncadd.s32 $0xFFFFFFD8  }
0x29: {  	v1 =	vld [tilespmem:$0x0]  }
0x2a: {  	v2 =	vld [tilespmem:$0x80]  }
0x2b: {  	v3 =	vld [tilespmem:$0x10]  }
0x2c: {  	v4 =	vld [tilespmem:$0x90]  }
0x2d: {  	v5 =	vld [tilespmem:$0x18]  }
0x2e: {  	v6 =	vld [tilespmem:$0x98];
	v1 =	vadd.s32 v0, v1  }
0x2f: {  	[tilespmem:$0x100] =	vst v1;
	v1 =	vadd.s32 v0, v2  }
0x30: {  	[tilespmem:$0x180] =	vst v1;
	v1 =	vadd.s32 v0, v3  }
0x31: {  	[tilespmem:$0x110] =	vst v1;
	v1 =	vadd.s32 v0, v4  }
0x32: {  	[tilespmem:$0x190] =	vst v1;
	v1 =	vadd.s32 v0, v5  }
0x33: {  	[tilespmem:$0x118] =	vst v1;
	v1 =	vadd.s32 v0, v6  }
0x34: {  	s29 =	simm.s32 $0x100;
	[tilespmem:$0x198] =	vst v1  }
0x35: {  	[tilespmem:s24], [sflag:$0x1] =	stream.indirect.gather [hbm4b:s5+s22], $0x80, s29, s22, $0xb8;
	[tilespmem:$0x1B800] =	vst v63  }
0x36: {  	s17 =	simm.s32 $0x180;
	s18 =	simm.s32 $0x1800  }
0x37: {  	[tilespmem:s18], [sflag:$0x2] =	stream.indirect.gather [hbm4b:s6+s22], $0x80, s17, s22, $0xb8;
	[tilespmem:$0x1B800] =	vst v63  }
0x38: {  	s19 =	rddreg [dreg:$0x8];
	s29 =	simm.s32 $0x2C00;
	s18 =	simm.s32 $0x0  }
0x39: {  	[tilespmem:s29], [sflag:$0x3] =	stream.linear.gather [hbm4b:s19+s4], $0x1400, $0x38;
	[tilespmem:$0x1B800] =	vst v63  }
.LBB2_2:
0x3a: {  	s4 =	smul.u32 $0x50, s18;
	_ =	sdelay $0x1  }
0x3b: {  	s11 =	sadd.s32 s4, s15  }
0x3c: {  	s19 =	sshrl.u32 s11, $0x3  }
0x3d: {  	s29 =	simm.s32 $0x0;
	s17 =	sadd.s32 s2, s19  }
0x3e: {  	[tilespmem:s31], [sflag:$0x7] =	stream.linear.gather [hbm4b:s17+s29], $0x28, $0x38;
	[tilespmem:$0x1B800] =	vst v63  }
0x3f: {  	_ =	swait.ge [sflag:s20], $0x28  }
0x40: {  	[sflag:s20] =	ssyncset.done $0x0  }
0x41: {  	s19 =	sadd.s32 s7, s19;
	[sflag:s20] =	ssyncadd.s32 $0xFFFFFFD8  }
0x42: {  	[tilespmem:s30], [sflag:$0x7] =	stream.linear.gather [hbm4b:s19+s29], $0x28, $0x38;
	[tilespmem:$0x1B800] =	vst v63  }
0x43: {  	_ =	swait.ge [sflag:s20], $0x28  }
0x44: {  	[sflag:s20] =	ssyncset.done $0x0  }
0x45: {  	[sflag:s20] =	ssyncadd.s32 $0xFFFFFFD8  }
0x46: {  	v1 =	vld [tilespmem:$0x200]  }
0x47: {  	v2 =	vld [tilespmem:$0x280]  }
0x48: {  	v3 =	vld [tilespmem:$0x210]  }
0x49: {  	v4 =	vld [tilespmem:$0x290]  }
0x4a: {  	v5 =	vld [tilespmem:$0x218]  }
0x4b: {  	v6 =	vld [tilespmem:$0x298];
	v1 =	vadd.s32 v0, v1  }
0x4c: {  	[tilespmem:$0x300] =	vst v1;
	v1 =	vadd.s32 v0, v2  }
0x4d: {  	[tilespmem:$0x380] =	vst v1;
	v1 =	vadd.s32 v0, v3  }
0x4e: {  	[tilespmem:$0x310] =	vst v1;
	v1 =	vadd.s32 v0, v4  }
0x4f: {  	[tilespmem:$0x390] =	vst v1;
	v1 =	vadd.s32 v0, v5  }
0x50: {  	[tilespmem:$0x318] =	vst v1;
	v1 =	vadd.s32 v0, v6  }
0x51: {  	s11 =	sadd.s32 s9, s11;
	s19 =	simm.s32 $0x300;
	[tilespmem:$0x398] =	vst v1  }
0x52: {  	[tilespmem:s0], [sflag:$0x4] =	stream.indirect.gather [hbm4b:s5+s22], $0x80, s19, s22, $0xb8;
	[tilespmem:$0x1B800] =	vst v63  }
0x53: {  	s11 =	sshll.u32 s11, $0x4  }
0x54: {  	[tilespmem:s23], [sflag:$0x5] =	stream.indirect.gather [hbm4b:s6+s22], $0x80, s1, s22, $0xb8;
	[tilespmem:$0x1B800] =	vst v63  }
0x55: {  	s11 =	sadd.s32 s8, s11  }
0x56: {  	[tilespmem:s25], [sflag:$0x6] =	stream.linear.gather [hbm4b:s11+s29], $0x1400, $0x38;
	[tilespmem:$0x1B800] =	vst v63  }
0x57: {  	_ =	swait.ge [sflag:s26], $0x1400  }
0x58: {  	[sflag:s26] =	ssyncset.done $0x0  }
0x59: {  	[sflag:s26] =	ssyncadd.s32 $0xFFFFEC00  }
0x5a: {  	_ =	swait.ge [sflag:s28], $0x1400  }
0x5b: {  	[sflag:s28] =	ssyncset.done $0x0  }
0x5c: {  	[sflag:s28] =	ssyncadd.s32 $0xFFFFEC00  }
0x5d: {  	_ =	swait.ge [sflag:s10], $0x1400  }
0x5e: {  	[sflag:s10] =	ssyncset.done $0x0  }
0x5f: {  	s11 =	simm.s32 $0x0;
	[sflag:s10] =	ssyncadd.s32 $0xFFFFEC00  }
0x60: {  	v5 =	vld [tilespmem:s11+$0x2C00]  }
0x61: {  	v6 =	vld [tilespmem:s11+$0x2C10]  }
0x62: {  	v4 =	vld [tilespmem:s11+$0x2C20]  }
0x63: {  	v3 =	vld [tilespmem:s11+$0x2C30]  }
0x64: {  	v2 =	vld [tilespmem:s11+$0x2C40]  }
0x65: {  	v1 =	vld [tilespmem:s11+$0x2C50]  }
0x66: {  	v13 =	vld [tilespmem:s11+$0x1800]  }
0x67: {  	v18 =	vld [tilespmem:s11+$0x1810]  }
0x68: {  	v12 =	vld [tilespmem:s11+$0x1820]  }
0x69: {  	v11 =	vld [tilespmem:s11+$0x1830]  }
0x6a: {  	v10 =	vld [tilespmem:s11+$0x1840]  }
0x6b: {  	v9 =	vld [tilespmem:s11+$0x1850]  }
0x6c: {  	v8 =	vld [tilespmem:s11+$0x1860]  }
0x6d: {  	v7 =	vld [tilespmem:s11+$0x1870]  }
0x6e: {  	v19 =	vld [tilespmem:s11+$0x400]  }
0x6f: {  	v20 =	vld [tilespmem:s11+$0x410]  }
0x70: {  	v17 =	vld [tilespmem:s11+$0x420]  }
0x71: {  	v16 =	vld [tilespmem:s11+$0x430]  }
0x72: {  	v15 =	vld [tilespmem:s11+$0x440]  }
0x73: {  	v14 =	vld [tilespmem:s11+$0x450];
	v19 =	vadd.f32 v13, v19  }
0x74: {  	s19 =	simm.s32 $0x200;
	v18 =	vadd.f32 v18, v20;
	v13 =	vld [tilespmem:s11+$0x460]  }
.LBB2_3:
0x75: {  	p0 =	sne.s32 s19, $0x4E00;
	v5 =	vadd.f32 v5, v19;
	v12 =	vadd.f32 v12, v17;
	v17 =	vld [tilespmem:s11+$0x470]  }
0x76: {  	v6 =	vadd.f32 v6, v18;
	v11 =	vadd.f32 v11, v16;
	v16 =	vld [tilespmem:s11+$0x2C60]  }
0x77: {  	s17 =	sshra.s32 s19, $0x2;
	v18 =	vmax.f32 v5, $0.0e+00;
	v4 =	vadd.f32 v4, v12;
	v10 =	vadd.f32 v10, v15;
	v12 =	vld [tilespmem:s11+$0x2C70]  }
0x78: {  	v5 =	vld [tilespmem:s17+$0x2C00];
	[tilespmem:s11+$0x400] =	vst v18;
	v15 =	vmax.f32 v6, $0.0e+00;
	v3 =	vadd.f32 v3, v11;
	v9 =	vadd.f32 v9, v14  }
0x79: {  	v6 =	vld [tilespmem:s17+$0x2C10];
	[tilespmem:s11+$0x410] =	vst v15;
	v11 =	vmax.f32 v4, $0.0e+00;
	v2 =	vadd.f32 v2, v10;
	v8 =	vadd.f32 v8, v13  }
0x7a: {  	v4 =	vld [tilespmem:s17+$0x2C20];
	[tilespmem:s11+$0x420] =	vst v11;
	v10 =	vmax.f32 v3, $0.0e+00;
	v1 =	vadd.f32 v1, v9;
	v7 =	vadd.f32 v7, v17  }
0x7b: {  	v3 =	vld [tilespmem:s17+$0x2C30];
	[tilespmem:s11+$0x430] =	vst v10;
	v9 =	vmax.f32 v2, $0.0e+00;
	v8 =	vadd.f32 v16, v8  }
0x7c: {  	v2 =	vld [tilespmem:s17+$0x2C40];
	[tilespmem:s11+$0x440] =	vst v9;
	v9 =	vmax.f32 v1, $0.0e+00;
	v7 =	vadd.f32 v12, v7  }
0x7d: {  	v1 =	vld [tilespmem:s17+$0x2C50];
	[tilespmem:s11+$0x450] =	vst v9;
	v8 =	vmax.f32 v8, $0.0e+00  }
0x7e: {  	v13 =	vld [tilespmem:s17+$0x1800];
	[tilespmem:s11+$0x460] =	vst v8;
	v7 =	vmax.f32 v7, $0.0e+00  }
0x7f: {  	v18 =	vld [tilespmem:s17+$0x1810];
	[tilespmem:s11+$0x470] =	vst v7;
	s11 =	smov.u32 s17  }
0x80: {  	v12 =	vld [tilespmem:s11+$0x1820]  }
0x81: {  	v11 =	vld [tilespmem:s11+$0x1830]  }
0x82: {  	v10 =	vld [tilespmem:s11+$0x1840]  }
0x83: {  	v9 =	vld [tilespmem:s11+$0x1850]  }
0x84: {  	v8 =	vld [tilespmem:s11+$0x1860]  }
0x85: {  	v7 =	vld [tilespmem:s11+$0x1870]  }
0x86: {  	v14 =	vld [tilespmem:s11+$0x400]  }
0x87: {  	v20 =	vld [tilespmem:s11+$0x410]  }
.Ltmp0:
0x88: {  	v17 =	vld [tilespmem:s11+$0x420];
	(pc) =	sbr.rel @p0 .LBB2_3-.Ltmp0, $4  }
0x89: {  	v16 =	vld [tilespmem:s11+$0x430]  }
0x8a: {  	v15 =	vld [tilespmem:s11+$0x440]  }
0x8b: {  	v19 =	vadd.f32 v13, v14;
	v14 =	vld [tilespmem:s11+$0x450]  }
0x8c: {  	s19 =	sadd.s32 $0x200, s19;
	v18 =	vadd.f32 v18, v20;
	v13 =	vld [tilespmem:s11+$0x460]  }
0x8d: {  	v5 =	vadd.f32 v5, v19;
	v12 =	vadd.f32 v12, v17;
	v17 =	vld [tilespmem:s11+$0x470]  }
0x8e: {  	v6 =	vadd.f32 v6, v18;
	v11 =	vadd.f32 v11, v16;
	v16 =	vld [tilespmem:s11+$0x2C60]  }
0x8f: {  	v5 =	vmax.f32 v5, $0.0e+00;
	v4 =	vadd.f32 v4, v12;
	v10 =	vadd.f32 v10, v15;
	v12 =	vld [tilespmem:s11+$0x2C70]  }
0x90: {  	[tilespmem:s11+$0x400] =	vst v5;
	v5 =	vmax.f32 v6, $0.0e+00;
	v3 =	vadd.f32 v3, v11;
	v6 =	vadd.f32 v9, v14  }
0x91: {  	[tilespmem:s11+$0x410] =	vst v5;
	v4 =	vmax.f32 v4, $0.0e+00;
	v2 =	vadd.f32 v2, v10;
	v5 =	vadd.f32 v8, v13  }
0x92: {  	[tilespmem:s11+$0x420] =	vst v4;
	v3 =	vmax.f32 v3, $0.0e+00;
	v1 =	vadd.f32 v1, v6;
	v4 =	vadd.f32 v7, v17  }
0x93: {  	[tilespmem:s11+$0x430] =	vst v3;
	v2 =	vmax.f32 v2, $0.0e+00;
	v3 =	vadd.f32 v16, v5  }
0x94: {  	[tilespmem:s11+$0x440] =	vst v2;
	v1 =	vmax.f32 v1, $0.0e+00;
	v2 =	vadd.f32 v12, v4  }
0x95: {  	[tilespmem:s11+$0x450] =	vst v1;
	v1 =	vmax.f32 v3, $0.0e+00  }
0x96: {  	[tilespmem:s11+$0x460] =	vst v1;
	v1 =	vmax.f32 v2, $0.0e+00  }
0x97: {  	p0 =	seq.s32 s18, $0xF9;
	[tilespmem:s11+$0x470] =	vst v1  }
0x98: {  	[spmem:s3] =	stream.indirect.scatter.add.f32 [tilespmem:s24], [sflag:$0x7], $0x80, s21, s22, $0xb8;
	[tilespmem:$0x1B800] =	vst v63  }
0x99: {  	s4 =	sadd.s32 @!p0 s4, s16;
	_ =	swait.ge [sflag:s20], $0x1400  }
0x9a: {  	s11 =	sshrl.u32 @!p0 s4, $0x3;
	[sflag:s20] =	ssyncset.done $0x0  }
0x9b: {  	s19 =	simm.s32 @!p0 $0x0;
	s17 =	sadd.s32 @!p0 s2, s11;
	[sflag:s20] =	ssyncadd.s32 $0xFFFFEC00  }
0x9c: {  	[tilespmem:s19], [sflag:$0x7] =	stream.linear.gather @!p0 [hbm4b:s17+s19], $0x28, $0x38;
	[tilespmem:$0x1B800] =	vst v63  }
0x9d: {  	s17 =	simm.s32 @!p0 $0x7  }
0x9e: {  	_ =	swait.ge @!p0 [sflag:s17], $0x28  }
0x9f: {  	[sflag:s17] =	ssyncset.done @!p0 $0x0  }
0xa0: {  	s29 =	simm.s32 @!p0 $0x80;
	s11 =	sadd.s32 @!p0 s7, s11;
	[sflag:s17] =	ssyncadd.s32 @!p0 $0xFFFFFFD8  }
0xa1: {  	[tilespmem:s29], [sflag:$0x7] =	stream.linear.gather @!p0 [hbm4b:s11+s19], $0x28, $0x38;
	[tilespmem:$0x1B800] =	vst v63  }
0xa2: {  	_ =	swait.ge @!p0 [sflag:s17], $0x28  }
0xa3: {  	[sflag:s17] =	ssyncset.done @!p0 $0x0  }
0xa4: {  	[sflag:s17] =	ssyncadd.s32 @!p0 $0xFFFFFFD8  }
0xa5: {  	v1 =	vld @!p0 [tilespmem:$0x0]  }
0xa6: {  	v2 =	vld @!p0 [tilespmem:$0x80]  }
0xa7: {  	v3 =	vld @!p0 [tilespmem:$0x10]  }
0xa8: {  	v4 =	vld @!p0 [tilespmem:$0x90]  }
0xa9: {  	v5 =	vld @!p0 [tilespmem:$0x18]  }
0xaa: {  	v6 =	vld @!p0 [tilespmem:$0x98];
	v1 =	vadd.s32 @!p0 v0, v1  }
0xab: {  	[tilespmem:$0x100] =	vst @!p0 v1;
	v1 =	vadd.s32 @!p0 v0, v2  }
0xac: {  	[tilespmem:$0x180] =	vst @!p0 v1;
	v1 =	vadd.s32 @!p0 v0, v3  }
0xad: {  	[tilespmem:$0x110] =	vst @!p0 v1;
	v1 =	vadd.s32 @!p0 v0, v4  }
0xae: {  	[tilespmem:$0x190] =	vst @!p0 v1;
	v1 =	vadd.s32 @!p0 v0, v5  }
0xaf: {  	s4 =	sadd.s32 @!p0 s9, s4;
	[tilespmem:$0x118] =	vst @!p0 v1;
	v1 =	vadd.s32 @!p0 v0, v6  }
0xb0: {  	s11 =	simm.s32 @!p0 $0x28;
	s29 =	simm.s32 @!p0 $0x400;
	s17 =	simm.s32 @!p0 $0x100;
	[tilespmem:$0x198] =	vst @!p0 v1  }
0xb1: {  	[tilespmem:s29], [sflag:$0x1] =	stream.indirect.gather @!p0 [hbm4b:s5+s11], $0x80, s17, s11, $0xb8;
	[tilespmem:$0x1B800] =	vst v63  }
0xb2: {  	s4 =	sshll.u32 @!p0 s4, $0x4;
	s17 =	simm.s32 @!p0 $0x180;
	s29 =	simm.s32 @!p0 $0x1800  }
0xb3: {  	[tilespmem:s29], [sflag:$0x2] =	stream.indirect.gather @!p0 [hbm4b:s6+s11], $0x80, s17, s11, $0xb8;
	[tilespmem:$0x1B800] =	vst v63  }
0xb4: {  	s4 =	sadd.s32 @!p0 s8, s4;
	s11 =	simm.s32 @!p0 $0x2C00  }
0xb5: {  	[tilespmem:s11], [sflag:$0x3] =	stream.linear.gather @!p0 [hbm4b:s4+s19], $0x1400, $0x38;
	[tilespmem:$0x1B800] =	vst v63  }
0xb6: {  	_ =	swait.ge [sflag:s12], $0x1400  }
0xb7: {  	[sflag:s12] =	ssyncset.done $0x0  }
0xb8: {  	[sflag:s12] =	ssyncadd.s32 $0xFFFFEC00  }
0xb9: {  	_ =	swait.ge [sflag:s13], $0x1400  }
0xba: {  	[sflag:s13] =	ssyncset.done $0x0  }
0xbb: {  	[sflag:s13] =	ssyncadd.s32 $0xFFFFEC00  }
0xbc: {  	_ =	swait.ge [sflag:s14], $0x1400  }
0xbd: {  	[sflag:s14] =	ssyncset.done $0x0  }
0xbe: {  	s4 =	simm.s32 $0x0;
	[sflag:s14] =	ssyncadd.s32 $0xFFFFEC00  }
0xbf: {  	v5 =	vld [tilespmem:s4+$0x6800]  }
0xc0: {  	v6 =	vld [tilespmem:s4+$0x6810]  }
0xc1: {  	v4 =	vld [tilespmem:s4+$0x6820]  }
0xc2: {  	v3 =	vld [tilespmem:s4+$0x6830]  }
0xc3: {  	v2 =	vld [tilespmem:s4+$0x6840]  }
0xc4: {  	v1 =	vld [tilespmem:s4+$0x6850]  }
0xc5: {  	v13 =	vld [tilespmem:s4+$0x5400]  }
0xc6: {  	v18 =	vld [tilespmem:s4+$0x5410]  }
0xc7: {  	v12 =	vld [tilespmem:s4+$0x5420]  }
0xc8: {  	v11 =	vld [tilespmem:s4+$0x5430]  }
0xc9: {  	v10 =	vld [tilespmem:s4+$0x5440]  }
0xca: {  	v9 =	vld [tilespmem:s4+$0x5450]  }
0xcb: {  	v8 =	vld [tilespmem:s4+$0x5460]  }
0xcc: {  	v7 =	vld [tilespmem:s4+$0x5470]  }
0xcd: {  	v19 =	vld [tilespmem:s4+$0x4000]  }
0xce: {  	v20 =	vld [tilespmem:s4+$0x4010]  }
0xcf: {  	v17 =	vld [tilespmem:s4+$0x4020]  }
0xd0: {  	v16 =	vld [tilespmem:s4+$0x4030]  }
0xd1: {  	v15 =	vld [tilespmem:s4+$0x4040]  }
0xd2: {  	v14 =	vld [tilespmem:s4+$0x4050];
	v19 =	vadd.f32 v13, v19  }
0xd3: {  	s11 =	simm.s32 $0x200;
	v18 =	vadd.f32 v18, v20;
	v13 =	vld [tilespmem:s4+$0x4060]  }
.LBB2_5:
0xd4: {  	p0 =	sne.s32 s11, $0x4E00;
	v5 =	vadd.f32 v5, v19;
	v12 =	vadd.f32 v12, v17;
	v17 =	vld [tilespmem:s4+$0x4070]  }
0xd5: {  	v6 =	vadd.f32 v6, v18;
	v11 =	vadd.f32 v11, v16;
	v16 =	vld [tilespmem:s4+$0x6860]  }
0xd6: {  	s17 =	sshra.s32 s11, $0x2;
	v18 =	vmax.f32 v5, $0.0e+00;
	v4 =	vadd.f32 v4, v12;
	v10 =	vadd.f32 v10, v15;
	v12 =	vld [tilespmem:s4+$0x6870]  }
0xd7: {  	v5 =	vld [tilespmem:s17+$0x6800];
	[tilespmem:s4+$0x4000] =	vst v18;
	v15 =	vmax.f32 v6, $0.0e+00;
	v3 =	vadd.f32 v3, v11;
	v9 =	vadd.f32 v9, v14  }
0xd8: {  	v6 =	vld [tilespmem:s17+$0x6810];
	[tilespmem:s4+$0x4010] =	vst v15;
	v11 =	vmax.f32 v4, $0.0e+00;
	v2 =	vadd.f32 v2, v10;
	v8 =	vadd.f32 v8, v13  }
0xd9: {  	v4 =	vld [tilespmem:s17+$0x6820];
	[tilespmem:s4+$0x4020] =	vst v11;
	v10 =	vmax.f32 v3, $0.0e+00;
	v1 =	vadd.f32 v1, v9;
	v7 =	vadd.f32 v7, v17  }
0xda: {  	v3 =	vld [tilespmem:s17+$0x6830];
	[tilespmem:s4+$0x4030] =	vst v10;
	v9 =	vmax.f32 v2, $0.0e+00;
	v8 =	vadd.f32 v16, v8  }
0xdb: {  	v2 =	vld [tilespmem:s17+$0x6840];
	[tilespmem:s4+$0x4040] =	vst v9;
	v9 =	vmax.f32 v1, $0.0e+00;
	v7 =	vadd.f32 v12, v7  }
0xdc: {  	v1 =	vld [tilespmem:s17+$0x6850];
	[tilespmem:s4+$0x4050] =	vst v9;
	v8 =	vmax.f32 v8, $0.0e+00  }
0xdd: {  	v13 =	vld [tilespmem:s17+$0x5400];
	[tilespmem:s4+$0x4060] =	vst v8;
	v7 =	vmax.f32 v7, $0.0e+00  }
0xde: {  	v18 =	vld [tilespmem:s17+$0x5410];
	[tilespmem:s4+$0x4070] =	vst v7;
	s4 =	smov.u32 s17  }
0xdf: {  	v12 =	vld [tilespmem:s4+$0x5420]  }
0xe0: {  	v11 =	vld [tilespmem:s4+$0x5430]  }
0xe1: {  	v10 =	vld [tilespmem:s4+$0x5440]  }
0xe2: {  	v9 =	vld [tilespmem:s4+$0x5450]  }
0xe3: {  	v8 =	vld [tilespmem:s4+$0x5460]  }
0xe4: {  	v7 =	vld [tilespmem:s4+$0x5470]  }
0xe5: {  	v14 =	vld [tilespmem:s4+$0x4000]  }
0xe6: {  	v20 =	vld [tilespmem:s4+$0x4010]  }
.Ltmp1:
0xe7: {  	v17 =	vld [tilespmem:s4+$0x4020];
	(pc) =	sbr.rel @p0 .LBB2_5-.Ltmp1, $4  }
0xe8: {  	v16 =	vld [tilespmem:s4+$0x4030]  }
0xe9: {  	v15 =	vld [tilespmem:s4+$0x4040]  }
0xea: {  	v19 =	vadd.f32 v13, v14;
	v14 =	vld [tilespmem:s4+$0x4050]  }
0xeb: {  	s11 =	sadd.s32 $0x200, s11;
	v18 =	vadd.f32 v18, v20;
	v13 =	vld [tilespmem:s4+$0x4060]  }
0xec: {  	v5 =	vadd.f32 v5, v19;
	v12 =	vadd.f32 v12, v17;
	v57 =	vld [tilespmem:s4+$0x4070]  }
0xed: {  	v58 =	vld [tilespmem:s4+$0x6860];
	v6 =	vadd.f32 v6, v18;
	v11 =	vadd.f32 v11, v16  }
0xee: {  	v59 =	vld [tilespmem:s4+$0x6870];
	v5 =	vmax.f32 v5, $0.0e+00;
	v4 =	vadd.f32 v4, v12;
	v10 =	vadd.f32 v10, v15  }
0xef: {  	[tilespmem:s4+$0x4000] =	vst v5;
	v60 =	vmax.f32 v6, $0.0e+00;
	v3 =	vadd.f32 v3, v11;
	v61 =	vadd.f32 v9, v14  }
0xf0: {  	[tilespmem:s4+$0x4010] =	vst v60;
	v4 =	vmax.f32 v4, $0.0e+00;
	v2 =	vadd.f32 v2, v10;
	v62 =	vadd.f32 v8, v13  }
0xf1: {  	[tilespmem:s4+$0x4020] =	vst v4;
	v3 =	vmax.f32 v3, $0.0e+00;
	v1 =	vadd.f32 v1, v61;
	v63 =	vadd.f32 v7, v57  }
0xf2: {  	[tilespmem:s4+$0x4030] =	vst v3;
	v2 =	vmax.f32 v2, $0.0e+00;
	v3 =	vadd.f32 v58, v62  }
0xf3: {  	[tilespmem:s4+$0x4040] =	vst v2;
	v1 =	vmax.f32 v1, $0.0e+00;
	v2 =	vadd.f32 v59, v63  }
0xf4: {  	s18 =	sadd.s32 $0x1, s18;
	[tilespmem:s4+$0x4050] =	vst v1;
	v1 =	vmax.f32 v3, $0.0e+00  }
0xf5: {  	p0 =	sne.s32 s18, $0xFA;
	[tilespmem:s4+$0x4060] =	vst v1;
	v1 =	vmax.f32 v2, $0.0e+00  }
.Ltmp2:
0xf6: {  	[tilespmem:s4+$0x4070] =	vst v1;
	(pc) =	sbr.rel @p0 .LBB2_2-.Ltmp2, $4  }
0xf7: {  	[spmem:s3] =	stream.indirect.scatter.add.f32 [tilespmem:s0], [sflag:$0x7], $0x80, s30, s22, $0xb8;
	[tilespmem:$0x1B800] =	vst v63  }
0xf8: {  	_ =	swait.ge [sflag:s20], $0x1400  }
0xf9: {  	[sflag:s20] =	ssyncset.done $0x0  }
0xfa: {  	[sflag:s20] =	ssyncadd.s32 $0xFFFFEC00  }
0xfb: {  	[bflag:$0x0] =	sbarrier.arrive $0xFFFF  }
0xfc: {  	s17 =	rddreg [dreg:$0x5]  }
0xfd: {  	s4 =	rddreg [dreg:$0x9]  }
0xfe: {  	s11 =	rddreg [dreg:$0xb]  }
0xff: {  	[hbm:s4], [sflag:s17] =	dma.local [spmem:s11], $0x2780  }
0x100: {  	_ =	swait.ge [sflag:s20], $0x2780  }
0x101: {  	s18 =	rddreg [dreg:$0xc]  }
0x102: {  	s29 =	rddreg [dreg:$0xa];
	s18 =	sadd.s32 $0x1, s18  }
0x103: {  	p0 =	sne.s32 s18, s29  }
.Ltmp3:
0x104: {  	_ = 	snop;
	(pc) =	sbr.rel @p0 .LBB2_1-.Ltmp3, $3  }
0x105: {  	_ =	sdelay $0x1  }
0x106: {  	[sflag:s20] =	ssyncset.done $0x0  }
0x107: {  	[sflag:s20] =	ssyncadd.s32 $0xFFFFD880  }
0x108: {  	_ =	sfence.sel $0x180000  }
0x109: {  	[bflag:$0x0] =	sbarrier.arrive $0xFFFF  }
0x10a: {  	_ =	strace $0x9000004D  }
0x10b: {  	s0 =	stileid.u32;
	[bflag:$0x2] =	sbarrier.arrive $0xFFFF  }
0x10c: {  	p0 =	sne.s32 s0, $0x0;
	s0 =	rddreg [dreg:$0x3]  }
0x10d: {  	s0 =	sadd.s32 @!p0 $0x100000, s0  }
0x10e: {  	[sflag:s0] =	ssyncadd.tile.s32 @!p0 $0x1;
	_ =	shalt  }
.Lfunc_end2:
_tile_overlayer_lowered:
.L_overlay_start_2:
0x10f: {  	(tag) =	ssettag $0x2  }
0x110: {  	s0 =	rddreg [dreg:$0x0];
	s2 =	stileid.u32  }
0x111: {  	s1 =	rddreg [dreg:$0x1];
	p0 =	sne.s32 s2, $0x0  }
0x112: {  	s3 =	rddreg [dreg:$0x2];
	[bflag:$0x3] =	sbarrier.arrive $0xFFFF;
	s2 =	simm.s32 @!p0 $0x1C07  }
0x113: {  	[timem:s3], [sflag:s2] =	dma.local @!p0 [hbm:s0], s1  }
0x114: {  	s0 =	simm.s32 @!p0 $0x7  }
0x115: {  	_ =	swait.ge @!p0 [sflag:s0], s1  }
0x116: {  	s1 =	ssub.s32 @!p0 $0x0, s1;
	[sflag:s0] =	ssyncset.done @!p0 $0x0  }
0x117: {  	[sflag:s0] =	ssyncadd.s32 @!p0 s1  }
0x118: {  	[bflag:$0x3] =	sbarrier.arrive $0xFFFF  }
0x119: {  	_ =	shalt  }

// kernel: kernel.9.cloned.1.call-start
scs
__scs_entry_jumppad:
0x0: {  	(pc) =	sbr.rel $0x88, $3  }
0x1: {  	(tag) =	ssettag $0x0;
	lr =	simm.s32 $0x1  }
0x2: {  	[smem:$0x3F8C] =	sst lr;
	_ =	strace $0xD0000000  }
0x3: {  	_ = 	snop  }
0x4: {  	_ = 	snop  }
0x5: {  	_ = 	snop  }
0x6: {  	_ = 	snop  }
0x7: {  	_ = 	snop  }
__scs_overlays_trampoline_lowered:
0x8: {  	[smem:$0x3F9B] =	sst s0  }
0x9: {  	[smem:$0x3F9C] =	sst s1  }
0xa: {  	[smem:$0x3F9D] =	sst s2  }
0xb: {  	[smem:$0x3F9E] =	sst s3  }
0xc: {  	[smem:$0x3F9F] =	sst s4  }
0xd: {  	[smem:$0x3FA0] =	sst s5  }
0xe: {  	[smem:$0x3FA1] =	sst s6  }
0xf: {  	[smem:$0x3FA2] =	sst s7  }
0x10: {  	[smem:$0x3FA3] =	sst s8  }
0x11: {  	[smem:$0x3FA4] =	sst s9;
	s0 =	simm.s32 @!p0 $0x0  }
0x12: {  	s1 =	sld [smem:$0x3F8A];
	s0 =	simm.s32 @p0 $0x1  }
0x13: {  	[smem:$0x3FA5] =	sst s0;
	s0 =	simm.s32 @!p1 $0x0  }
0x14: {  	s2 =	sld [smem:$0x3F89];
	s0 =	simm.s32 @p1 $0x1  }
0x15: {  	[smem:$0x3FA6] =	sst s0;
	s0 =	simm.s32 @!p2 $0x0  }
0x16: {  	s3 =	sld [smem:$0x3FDB];
	s0 =	simm.s32 @p2 $0x1  }
0x17: {  	s4 =	simm.s32 $0x1BF5;
	[smem:$0x3FA8] =	sst s0  }
0x18: {  	s0 =	sld [smem:$0x3F8B];
	_ =	swait.ge [sflag:s4], $0x0  }
0x19: {  	s7 =	sld [smem:$0x3F8C]  }
0x1a: {  	s8 =	sadd.s32 $0xFFFFE003, lr  }
0x1b: {  	s9 =	sadd.s32 $0xFFFFFEF7, lr;
	s5 =	simm.s32 $0xFFFFFFFF;
	p2 =	slt.u32 s8, $0xFFFFF086  }
0x1c: {  	p1 =	slt.u32 s9, $0xF7A;
	s5 =	simm.s32 @!p2 $0x0  }
0x1d: {  	s5 =	simm.s32 @p1 $0x1;
	p0 =	seq.s32 s7, s2  }
0x1e: {  	s7 =	smul.u32 @!p0 $0xF7A, s2;
	p2 =	seq.s32 @!p0 s5, $0x0  }
0x1f: {  	s9 =	smul.u32 $0xF7A, s1;
	s8 =	simm.s32 @!p0 $0x1BF5;
	p2 =	por !p2, p0  }
0x20: {  	[sflag:s8] =	ssyncset.s32 @!p0 $0xFFFFF086;
	s6 =	sadd.s32 @!p0 s3, s7;
	s7 =	simm.s32 @!p0 $0x108  }
0x21: {  	s3 =	sadd.s32 s3, s9;
	s6 =	sadd.s32 @!p0 $0x88, s6;
	s7 =	simm.s32 @p2 $0x1082  }
0x22: {  	[simem:s7], [sflag:s8] =	dma.local @!p0 [hbm:s6], $0xF7A  }
0x23: {  	s9 =	sor.u32 $0xD0000000, s2;
	s6 =	simm.s32 $0x108;
	_ =	swait.ge @!p0 [sflag:s8], $0x0  }
0x24: {  	s3 =	sadd.s32 $0x88, s3;
	s6 =	simm.s32 @!p1 $0x1082;
	[sflag:s4] =	ssyncset.s32 $0xFFFFF086  }
0x25: {  	[simem:s6], [sflag:s4] =	dma.local [hbm:s3], $0xF7A  }
0x26: {  	[smem:$0x3F8C] =	sst s1;
	(tag) =	ssettag s2;
	_ =	strace s9  }
0x27: {  	s1 =	sld [smem:$0x3F9C]  }
0x28: {  	s2 =	sld [smem:$0x3F9D]  }
0x29: {  	s4 =	sld [smem:$0x3F9F]  }
0x2a: {  	p0 =	seq.s32 s5, $0x0;
	s5 =	sld [smem:$0x3FA0]  }
0x2b: {  	s6 =	sld [smem:$0x3FA1]  }
0x2c: {  	s7 =	sld [smem:$0x3FA2]  }
0x2d: {  	s3 =	simm.s32 $0x108;
	s8 =	sld [smem:$0x3FA3]  }
0x2e: {  	s3 =	simm.s32 @!p0 $0x1082;
	s9 =	sld [smem:$0x3FA4]  }
0x2f: {  	lr =	sadd.s32 s0, s3;
	s0 =	sld [smem:$0x3F9B]  }
0x30: {  	s3 =	sld [smem:$0x3F9E]  }
0x31: {  	[smem:$0x3FA7] =	sst s10  }
0x32: {  	s10 =	sld [smem:$0x3FA5];
	_ =	sdelay $0x3  }
0x33: {  	p0 =	seq.s32 s10, $0x1;
	s10 =	sld [smem:$0x3FA7];
	_ =	sdelay $0x3  }
0x34: {  	[smem:$0x3FA7] =	sst s10  }
0x35: {  	s10 =	sld [smem:$0x3FA6];
	_ =	sdelay $0x3  }
0x36: {  	p1 =	seq.s32 s10, $0x1;
	s10 =	sld [smem:$0x3FA7];
	_ =	sdelay $0x3  }
0x37: {  	[smem:$0x3FA7] =	sst s10  }
0x38: {  	s10 =	sld [smem:$0x3FA8]  }
0x39: {  	_ = 	snop;
	(pc) =	sbr.ind lr, $3  }
0x3a: {  	_ = 	snop  }
0x3b: {  	_ = 	snop  }
0x3c: {  	p2 =	seq.s32 s10, $0x1;
	s10 =	sld [smem:$0x3FA7]  }
0x3d: {  	_ =	shalt  }
0x3e: {  	_ =	shalt  }
0x3f: {  	_ =	shalt  }
0x40: {  	_ =	shalt  }
0x41: {  	_ =	shalt  }
0x42: {  	_ =	shalt  }
0x43: {  	_ =	shalt  }
0x44: {  	_ =	shalt  }
0x45: {  	_ =	shalt  }
0x46: {  	_ =	shalt  }
0x47: {  	_ =	shalt  }
0x48: {  	_ =	shalt  }
0x49: {  	_ =	shalt  }
0x4a: {  	_ =	shalt  }
0x4b: {  	_ =	shalt  }
0x4c: {  	_ =	shalt  }
0x4d: {  	_ =	shalt  }
0x4e: {  	_ =	shalt  }
0x4f: {  	_ =	shalt  }
0x50: {  	_ =	shalt  }
0x51: {  	_ =	shalt  }
0x52: {  	_ =	shalt  }
0x53: {  	_ =	shalt  }
0x54: {  	_ =	shalt  }
0x55: {  	_ =	shalt  }
0x56: {  	_ =	shalt  }
0x57: {  	_ =	shalt  }
0x58: {  	_ =	shalt  }
0x59: {  	_ =	shalt  }
0x5a: {  	_ =	shalt  }
0x5b: {  	_ =	shalt  }
0x5c: {  	_ =	shalt  }
0x5d: {  	_ =	shalt  }
0x5e: {  	_ =	shalt  }
0x5f: {  	_ =	shalt  }
0x60: {  	_ =	shalt  }
0x61: {  	_ =	shalt  }
0x62: {  	_ =	shalt  }
0x63: {  	_ =	shalt  }
0x64: {  	_ =	shalt  }
0x65: {  	_ =	shalt  }
0x66: {  	_ =	shalt  }
0x67: {  	_ =	shalt  }
0x68: {  	_ =	shalt  }
0x69: {  	_ =	shalt  }
0x6a: {  	_ =	shalt  }
0x6b: {  	_ =	shalt  }
0x6c: {  	_ =	shalt  }
0x6d: {  	_ =	shalt  }
0x6e: {  	_ =	shalt  }
0x6f: {  	_ =	shalt  }
0x70: {  	_ =	shalt  }
0x71: {  	_ =	shalt  }
0x72: {  	_ =	shalt  }
0x73: {  	_ =	shalt  }
0x74: {  	_ =	shalt  }
0x75: {  	_ =	shalt  }
0x76: {  	_ =	shalt  }
0x77: {  	_ =	shalt  }
0x78: {  	_ =	shalt  }
0x79: {  	_ =	shalt  }
0x7a: {  	_ =	shalt  }
0x7b: {  	_ =	shalt  }
0x7c: {  	_ =	shalt  }
0x7d: {  	_ =	shalt  }
0x7e: {  	_ =	shalt  }
0x7f: {  	_ =	shalt  }
0x80: {  	_ =	shalt  }
0x81: {  	_ =	shalt  }
0x82: {  	_ =	shalt  }
0x83: {  	_ =	shalt  }
0x84: {  	_ =	shalt  }
0x85: {  	_ =	shalt  }
0x86: {  	_ =	shalt  }
0x87: {  	_ =	shalt  }
.Lfunc_end0:
.L_simem_size_0:
called_computation_lowered:
.L_overlay_start_0:
0x88: {  	s2 =	sld [smem:$0x3FD9]  }
0x89: {  	s3 =	sld [smem:$0x3FFE];
	_ =	sdelay $0x1  }
0x8a: {  	s1 =	srdreg.scid  }
0x8b: {  	s0 =	sand.u32 $0x1, s1  }
0x8c: {  	s14 =	sshll.u32 s0, $0xA;
	s2 =	sadd.s32 s3, s2  }
0x8d: {  	s2 =	sadd.s32 s2, s14  }
0x8e: {  	[smem:$0x3FB3] =	sst s2  }
0x8f: {  	_ = 	snop  }
0x90: {  	s2 =	sld [smem:$0x3FD0];
	_ =	sdelay $0x2  }
0x91: {  	s15 =	simm.s32 $0xB;
	s4 =	simm.s32 $0x10  }
0x92: {  	[smem:s4], [sflag:s15] =	dma.local [hbm:s2], $0x1  }
0x93: {  	_ =	swait.eq [sflag:s15], $0x1  }
0x94: {  	[sflag:s15] =	ssyncset.done $0x0  }
0x95: {  	[sflag:s15] =	ssyncadd.s32 $0xFFFFFFFF  }
0x96: {  	s16 =	sld [smem:$0x10];
	(tm) =	ssettm $0x1  }
0x97: {  	s17 =	sld [smem:$0x3FFB];
	_ =	sdelay $0x3  }
0x98: {  	_ =	strace s17  }
0x99: {  	s3 =	sld [smem:$0x3FFC];
	_ =	sdelay $0x3  }
0x9a: {  	_ =	strace s3  }
0x9b: {  	s3 =	sld [smem:$0x3FFD];
	_ =	sdelay $0x3  }
0x9c: {  	_ =	strace s3  }
0x9d: {  	_ =	strace $0x8FFFFFFF  }
0x9e: {  	s18 =	sld [smem:$0x3FDB];
	_ =	sdelay $0x1  }
0x9f: {  	s19 =	simm.s32 $_scs_section_size  }
0xa0: {  	s5 =	simm.s32 $_size__tile_overlayer_lowered;
	s6 =	simm.s32 $_tile_overlayer_lowered  }
0xa1: {  	s22 =	simm.s32 $0x1BFF;
	s21 =	sshll.u32 s6, $0x1;
	s3 =	sadd.s32 s19, s18  }
0xa2: {  	s7 =	simm.s32 $0x0;
	s20 =	sshll.u32 s5, $0x1;
	s5 =	sadd.s32 s21, s3  }
0xa3: {  	[timem:s7], [sflag:s22] =	dma.local [hbm:s5], s20  }
0xa4: {  	_ =	swait.ge [sflag:s22], s20  }
0xa5: {  	s4 =	ssub.s32 $0x0, s20;
	[sflag:s22] =	ssyncset.done $0x0  }
0xa6: {  	[sflag:s22] =	ssyncadd.s32 s4;
	_ =	sdelay $0x1  }
0xa7: {  	s23 =	simm.s32 $0x1B8B  }
0xa8: {  	_ =	swait.ge [sflag:s23], $0x1  }
0xa9: {  	[sflag:s23] =	ssyncset.done $0x0  }
0xaa: {  	s25 =	simm.s32 $0x1B8E;
	s24 =	sld [smem:$0x3FFE];
	[sflag:s23] =	ssyncadd.s32 $0xFFFFFFFF  }
0xab: {  	s26 =	simm.s32 $execute0_lowered;
	[smem:$0x3FD2] =	sst s25  }
0xac: {  	s5 =	sshll.u32 s26, $0x1;
	_ =	strace $0x80000046;
	[dreg:$0x1] =	wrdreg $0xFFFFFFFF  }
0xad: {  	s28 =	simm.s32 $_size_execute0_lowered;
	s3 =	sadd.s32 s3, s5;
	[dreg:$0x0] =	wrdreg $0x0  }
0xae: {  	s5 =	sshll.u32 s28, $0x1;
	[dreg:$0x2] =	wrdreg s3  }
0xaf: {  	[dreg:$0x3] =	wrdreg s5  }
0xb0: {  	[dreg:$0x4] =	wrdreg $0xC0  }
0xb1: {  	_ =	task [dreg:s7], $0x5FFFF  }
0xb2: {  	[dreg:$0x1] =	wrdreg $0xFFFFFFFF  }
0xb3: {  	[dreg:$0x0] =	wrdreg $0x60  }
0xb4: {  	[dreg:$0x2] =	wrdreg s24  }
0xb5: {  	[dreg:$0x3] =	wrdreg s16  }
0xb6: {  	[dreg:$0x4] =	wrdreg $0x51000  }
0xb7: {  	[dreg:$0x5] =	wrdreg $0x78800  }
0xb8: {  	[dreg:$0x6] =	wrdreg $0x9  }
0xb9: {  	_ =	task.clear_ibuf [dreg:s7], $0x7FFFF;
	_ =	strace $0x90000046  }
0xba: {  	s29 =	simm.s32 $0x9;
	_ =	strace $0x80000048  }
0xbb: {  	_ =	swait.ge [sflag:s29], $0x1  }
0xbc: {  	[sflag:s29] =	ssyncadd.s32 $0xFFFFFFFF  }
0xbd: {  	_ =	strace $0x90000048  }
0xbe: {  	_ =	sfence  }
0xbf: {  	s30 =	sld [smem:$0x0];
	_ =	sdelay $0x2  }
0xc0: {  	s31 =	sshll.u32 s1, $0xD;
	s1 =	sshrl.u32 s1, $0x2  }
0xc1: {  	s3 =	sand.u32 $0x4000, s31;
	s1 =	sadd.s32 s1, s30  }
0xc2: {  	s0 =	sor.u32 s3, s0;
	s1 =	sshll.u32 s1, $0x11  }
0xc3: {  	s0 =	sor.u32 s1, s0  }
0xc4: {  	s0 =	sadd.s32 $0x8F2B, s0  }
0xc5: {  	[sflag:s0] =	ssyncadd.remote.s32 $0x1  }
0xc6: {  	_ =	sfence.sel $0xFFFF  }
0xc7: {  	[dreg:$0x0] =	wrdreg $0xFFFFFFFF;
	(pc) =	sbr.abs _section_cstart, $3  }
0xc8: {  	[dreg:$0x1] =	wrdreg $0xFFFFFFFF  }
0xc9: {  	_ =	task.clear_ibuf [dreg:s7], $0x2FFFF;
	_ =	strace $0x9FFFFFFF  }
0xca: {  	(tm) =	ssettm $0x7FFFFFFF  }
0xcb: {  	_ =	shalt  }
tec
execute0_lowered:
.L_overlay_start_1:
0x0: {  	(tag) =	ssettag $0x1  }
0x1: {  	s0 =	rddreg [dreg:$0x0]  }
0x2: {  	s22 =	rddreg [dreg:$0x1]  }
0x3: {  	s2 =	rddreg [dreg:$0x2]  }
0x4: {  	s3 =	rddreg [dreg:$0x3]  }
0x5: {  	s1 =	stileid.u32;
	s4 =	simm.s32 $0x0;
	s5 =	srdreg.scid  }
0x6: {  	s28 =	simm.s32 $0x50;
	s29 =	simm.s32 $0x100;
	s23 =	smul.u32 $0x9C4, s1  }
0x7: {  	s30 =	simm.s32 $0x0;
	[smem:$0x7FF] =	sst s4;
	s6 =	smul.u32 $0x2780, s1  }
0x8: {  	s25 =	sand.u32 $0x1, s5;
	s16 =	smul.u32 $0x13C00, s1;
	_ =	strace $0x80000047  }
0x9: {  	s5 =	ssub.s32 $0x2, s25;
	p0 =	sne.s32 s25, $0x0;
	s25 =	simm.s32 $0x1  }
0xa: {  	s24 =	sadd.s32 s23, s0;
	s0 =	sadd.s32 s6, s0;
	s21 =	sshrl.u32 s5, $0x1  }
0xb: {  	s8 =	sadd.s32 $0x2800, s16;
	s6 =	sadd.s32 s16, s3;
	s10 =	sadd.s32 $0x5000, s16  }
0xc: {  	s12 =	sadd.s32 $0x7800, s16;
	s14 =	sadd.s32 $0xA000, s16;
	s17 =	sadd.s32 $0xC800, s16  }
0xd: {  	s18 =	sadd.s32 $0xF000, s16;
	s22 =	sadd.s32 s23, s22;
	s21 =	ssub.s32 s5, s21  }
0xe: {  	s5 =	sadd.s32 s16, s2;
	s26 =	sadd.s32 s8, s2;
	s31 =	sadd.s32 s8, s3  }
0xf: {  	s9 =	sadd.s32 s10, s2;
	s10 =	sadd.s32 s10, s3;
	s11 =	sadd.s32 s12, s2  }
0x10: {  	s12 =	sadd.s32 s12, s3;
	s13 =	sadd.s32 s14, s2;
	s14 =	sadd.s32 s14, s3  }
0x11: {  	s15 =	sadd.s32 s17, s2;
	s16 =	sadd.s32 s17, s3;
	s17 =	sadd.s32 s18, s2  }
0x12: {  	s18 =	sadd.s32 s18, s3;
	s19 =	sadd.s32 $0x36E00, s0;
	s20 =	sadd.s32 $0xF600, s0  }
0x13: {  	s23 =	sadd.s32 $0x5800, s24;
	s24 =	simm.s32 $0x2900;
	[dreg:$0x5] =	wrdreg s26  }
0x14: {  	v0 =	vimm.f32 $1.000000000e+00;
	v1 =	vimm.f32 $0.0e+00;
	[dreg:$0x6] =	wrdreg s31;
	s21 =	smax.u32 s21, $0x1;
	s26 =	simm.s32 $0x80  }
.LBB2_1:
0x15: {  	s31 =	simm.s32 $0x200;
	s0 =	simm.s32 $0x0  }
.LBB2_2:
0x16: {  	p1 =	sne.s32 s31, $0x9E00;
	[tilespmem:s0+$0x100] =	vst v0;
	s1 =	smov.u32 s31;
	s31 =	sadd.s32 $0x200, s31  }
.Ltmp0:
0x17: {  	[tilespmem:s0+$0x2900] =	vst v1;
	(pc) =	sbr.rel @p1 .LBB2_2-.Ltmp0, $2  }
0x18: {  	_ =	sdelay $0x2  }
0x19: {  	s0 =	sshra.s32 s1, $0x2  }
0x1a: {  	[tilespmem:s0+$0x100] =	vst v0  }
0x1b: {  	[tilespmem:s0+$0x2900] =	vst v1  }
0x1c: {  	[spmem:s5] =	stream.linear.scatter [tilespmem:s24], [sflag:$0x1], $0x2800, $0x38;
	[tilespmem:$0xA000] =	vst v63  }
0x1d: {  	_ =	swait.ge [sflag:s25], $0x2800  }
0x1e: {  	[sflag:s25] =	ssyncset.done $0x0  }
0x1f: {  	[sflag:s25] =	ssyncadd.s32 $0xFFFFD800  }
0x20: {  	[spmem:s6] =	stream.linear.scatter [tilespmem:s24], [sflag:$0x1], $0x2800, $0x38;
	[tilespmem:$0xA000] =	vst v63  }
0x21: {  	_ =	swait.ge [sflag:s25], $0x2800  }
0x22: {  	[sflag:s25] =	ssyncset.done $0x0  }
0x23: {  	s8 =	rddreg [dreg:$0x5];
	[sflag:s25] =	ssyncadd.s32 $0xFFFFD800  }
0x24: {  	[spmem:s8] =	stream.linear.scatter [tilespmem:s24], [sflag:$0x1], $0x2800, $0x38;
	[tilespmem:$0xA000] =	vst v63  }
0x25: {  	_ =	swait.ge [sflag:s25], $0x2800  }
0x26: {  	[sflag:s25] =	ssyncset.done $0x0  }
0x27: {  	s1 =	rddreg [dreg:$0x6];
	[sflag:s25] =	ssyncadd.s32 $0xFFFFD800  }
0x28: {  	[spmem:s1] =	stream.linear.scatter [tilespmem:s24], [sflag:$0x1], $0x2800, $0x38;
	[tilespmem:$0xA000] =	vst v63  }
0x29: {  	_ =	swait.ge [sflag:s25], $0x2800  }
0x2a: {  	[sflag:s25] =	ssyncset.done $0x0  }
0x2b: {  	[sflag:s25] =	ssyncadd.s32 $0xFFFFD800  }
0x2c: {  	[spmem:s9] =	stream.linear.scatter [tilespmem:s24], [sflag:$0x1], $0x2800, $0x38;
	[tilespmem:$0xA000] =	vst v63  }
0x2d: {  	_ =	swait.ge [sflag:s25], $0x2800  }
0x2e: {  	[sflag:s25] =	ssyncset.done $0x0  }
0x2f: {  	[sflag:s25] =	ssyncadd.s32 $0xFFFFD800  }
0x30: {  	[spmem:s10] =	stream.linear.scatter [tilespmem:s24], [sflag:$0x1], $0x2800, $0x38;
	[tilespmem:$0xA000] =	vst v63  }
0x31: {  	_ =	swait.ge [sflag:s25], $0x2800  }
0x32: {  	[sflag:s25] =	ssyncset.done $0x0  }
0x33: {  	[sflag:s25] =	ssyncadd.s32 $0xFFFFD800  }
0x34: {  	[spmem:s11] =	stream.linear.scatter [tilespmem:s24], [sflag:$0x1], $0x2800, $0x38;
	[tilespmem:$0xA000] =	vst v63  }
0x35: {  	_ =	swait.ge [sflag:s25], $0x2800  }
0x36: {  	[sflag:s25] =	ssyncset.done $0x0  }
0x37: {  	[sflag:s25] =	ssyncadd.s32 $0xFFFFD800  }
0x38: {  	[spmem:s12] =	stream.linear.scatter [tilespmem:s24], [sflag:$0x1], $0x2800, $0x38;
	[tilespmem:$0xA000] =	vst v63  }
0x39: {  	_ =	swait.ge [sflag:s25], $0x2800  }
0x3a: {  	[sflag:s25] =	ssyncset.done $0x0  }
0x3b: {  	[sflag:s25] =	ssyncadd.s32 $0xFFFFD800  }
0x3c: {  	[spmem:s13] =	stream.linear.scatter [tilespmem:s24], [sflag:$0x1], $0x2800, $0x38;
	[tilespmem:$0xA000] =	vst v63  }
0x3d: {  	_ =	swait.ge [sflag:s25], $0x2800  }
0x3e: {  	[sflag:s25] =	ssyncset.done $0x0  }
0x3f: {  	[sflag:s25] =	ssyncadd.s32 $0xFFFFD800  }
0x40: {  	[spmem:s14] =	stream.linear.scatter [tilespmem:s24], [sflag:$0x1], $0x2800, $0x38;
	[tilespmem:$0xA000] =	vst v63  }
0x41: {  	_ =	swait.ge [sflag:s25], $0x2800  }
0x42: {  	[sflag:s25] =	ssyncset.done $0x0  }
0x43: {  	[sflag:s25] =	ssyncadd.s32 $0xFFFFD800  }
0x44: {  	[spmem:s15] =	stream.linear.scatter [tilespmem:s24], [sflag:$0x1], $0x2800, $0x38;
	[tilespmem:$0xA000] =	vst v63  }
0x45: {  	_ =	swait.ge [sflag:s25], $0x2800  }
0x46: {  	[sflag:s25] =	ssyncset.done $0x0  }
0x47: {  	[sflag:s25] =	ssyncadd.s32 $0xFFFFD800  }
0x48: {  	[spmem:s16] =	stream.linear.scatter [tilespmem:s24], [sflag:$0x1], $0x2800, $0x38;
	[tilespmem:$0xA000] =	vst v63  }
0x49: {  	_ =	swait.ge [sflag:s25], $0x2800  }
0x4a: {  	[sflag:s25] =	ssyncset.done $0x0  }
0x4b: {  	[sflag:s25] =	ssyncadd.s32 $0xFFFFD800  }
0x4c: {  	[spmem:s17] =	stream.linear.scatter [tilespmem:s24], [sflag:$0x1], $0x2800, $0x38;
	[tilespmem:$0xA000] =	vst v63  }
0x4d: {  	_ =	swait.ge [sflag:s25], $0x2800  }
0x4e: {  	[sflag:s25] =	ssyncset.done $0x0  }
0x4f: {  	[sflag:s25] =	ssyncadd.s32 $0xFFFFD800  }
0x50: {  	[spmem:s18] =	stream.linear.scatter [tilespmem:s24], [sflag:$0x1], $0x2800, $0x38;
	[tilespmem:$0xA000] =	vst v63  }
0x51: {  	_ =	swait.ge [sflag:s25], $0x2800  }
0x52: {  	[sflag:s25] =	ssyncset.done $0x0  }
0x53: {  	[sflag:s25] =	ssyncadd.s32 $0xFFFFD800  }
0x54: {  	s7 =	sadd.s32 $0x0, s23;
	[bflag:$0x0] =	sbarrier.arrive $0xFFFF  }
0x55: {  	[tilespmem:s4], [sflag:$0x1] =	stream.linear.gather [hbm4b:s7+s4], $0x50, $0x38;
	[tilespmem:$0xA000] =	vst v63  }
0x56: {  	_ =	swait.ge [sflag:s25], $0x50  }
0x57: {  	[sflag:s25] =	ssyncset.done $0x0  }
0x58: {  	s8 =	sadd.s32 $0x0, s22;
	[sflag:s25] =	ssyncadd.s32 $0xFFFFFFB0  }
0x59: {  	[tilespmem:s26], [sflag:$0x1] =	stream.linear.gather [hbm4b:s8+s4], $0x50, $0x38;
	[tilespmem:$0xA000] =	vst v63  }
0x5a: {  	_ =	swait.ge [sflag:s25], $0x50  }
0x5b: {  	[sflag:s25] =	ssyncset.done $0x0  }
0x5c: {  	[sflag:s25] =	ssyncadd.s32 $0xFFFFFFB0  }
0x5d: {  	[spmem:s2] =	stream.indirect.scatter.add.f32 [tilespmem:s29], [sflag:$0x1], $0x10, s4, s28, $0xb8;
	[tilespmem:$0xA000] =	vst v63  }
0x5e: {  	_ =	swait.ge [sflag:s25], $0x500  }
0x5f: {  	[sflag:s25] =	ssyncset.done $0x0  }
0x60: {  	[sflag:s25] =	ssyncadd.s32 $0xFFFFFB00  }
0x61: {  	[spmem:s3] =	stream.indirect.scatter.add.f32 [tilespmem:s29], [sflag:$0x1], $0x10, s26, s28, $0xb8;
	[tilespmem:$0xA000] =	vst v63  }
0x62: {  	_ =	swait.ge [sflag:s25], $0x500  }
0x63: {  	s31 =	simm.s32 $0xA;
	s0 =	simm.s32 $0x14;
	[sflag:s25] =	ssyncset.done $0x0  }
.LBB2_4:
0x64: {  	s1 =	sadd.s32 s31, s23  }
0x65: {  	[sflag:s25] =	ssyncadd.s32 $0xFFFFFB00;
	s7 =	smov.u32 s0;
	s8 =	sadd.s32 $0xA, s0  }
0x66: {  	[tilespmem:s4], [sflag:$0x1] =	stream.linear.gather [hbm4b:s1+s4], $0x50, $0x38;
	[tilespmem:$0xA000] =	vst v63  }
0x67: {  	p1 =	sne.s32 s0, $0x9BA;
	_ =	swait.ge [sflag:s25], $0x50  }
0x68: {  	[sflag:s25] =	ssyncset.done $0x0  }
0x69: {  	s0 =	sadd.s32 s31, s22;
	s31 =	smov.u32 s7;
	[sflag:s25] =	ssyncadd.s32 $0xFFFFFFB0  }
0x6a: {  	[tilespmem:s26], [sflag:$0x1] =	stream.linear.gather [hbm4b:s0+s4], $0x50, $0x38;
	[tilespmem:$0xA000] =	vst v63  }
0x6b: {  	_ =	swait.ge [sflag:s25], $0x50  }
0x6c: {  	[sflag:s25] =	ssyncset.done $0x0  }
0x6d: {  	[sflag:s25] =	ssyncadd.s32 $0xFFFFFFB0  }
0x6e: {  	[spmem:s2] =	stream.indirect.scatter.add.f32 [tilespmem:s29], [sflag:$0x1], $0x10, s4, s28, $0xb8;
	[tilespmem:$0xA000] =	vst v63  }
0x6f: {  	_ =	swait.ge [sflag:s25], $0x500  }
.Ltmp1:
0x70: {  	[sflag:s25] =	ssyncset.done $0x0;
	(pc) =	sbr.rel @p1 .LBB2_4-.Ltmp1, $4  }
0x71: {  	[sflag:s25] =	ssyncadd.s32 $0xFFFFFB00  }
0x72: {  	[spmem:s3] =	stream.indirect.scatter.add.f32 [tilespmem:s29], [sflag:$0x1], $0x10, s26, s28, $0xb8;
	[tilespmem:$0xA000] =	vst v63  }
0x73: {  	_ =	swait.ge [sflag:s25], $0x500  }
0x74: {  	s0 =	smov.u32 s8;
	[sflag:s25] =	ssyncset.done $0x0  }
0x75: {  	s0 =	sadd.s32 s31, s23;
	[sflag:s25] =	ssyncadd.s32 $0xFFFFFB00  }
0x76: {  	[tilespmem:s4], [sflag:$0x1] =	stream.linear.gather [hbm4b:s0+s4], $0x50, $0x38;
	[tilespmem:$0xA000] =	vst v63  }
0x77: {  	_ =	swait.ge [sflag:s25], $0x50  }
0x78: {  	[sflag:s25] =	ssyncset.done $0x0  }
0x79: {  	s31 =	sadd.s32 s31, s22;
	[sflag:s25] =	ssyncadd.s32 $0xFFFFFFB0  }
0x7a: {  	[tilespmem:s26], [sflag:$0x1] =	stream.linear.gather [hbm4b:s31+s4], $0x50, $0x38;
	[tilespmem:$0xA000] =	vst v63  }
0x7b: {  	_ =	swait.ge [sflag:s25], $0x50  }
0x7c: {  	[sflag:s25] =	ssyncset.done $0x0  }
0x7d: {  	[sflag:s25] =	ssyncadd.s32 $0xFFFFFFB0  }
0x7e: {  	[spmem:s2] =	stream.indirect.scatter.add.f32 [tilespmem:s29], [sflag:$0x1], $0x10, s4, s28, $0xb8;
	[tilespmem:$0xA000] =	vst v63  }
0x7f: {  	_ =	swait.ge [sflag:s25], $0x500  }
0x80: {  	[sflag:s25] =	ssyncset.done $0x0  }
0x81: {  	[sflag:s25] =	ssyncadd.s32 $0xFFFFFB00  }
0x82: {  	[spmem:s3] =	stream.indirect.scatter.add.f32 [tilespmem:s29], [sflag:$0x1], $0x10, s26, s28, $0xb8;
	[tilespmem:$0xA000] =	vst v63  }
0x83: {  	_ =	swait.ge [sflag:s25], $0x500  }
0x84: {  	s0 =	stileid.u32;
	[sflag:s25] =	ssyncset.done $0x0  }
0x85: {  	s0 =	sshll.u32 @!p0 s0, $0x6;
	[sflag:s25] =	ssyncadd.s32 $0xFFFFFB00  }
0x86: {  	s1 =	sshrl.u32 @!p0 s5, $0x3;
	s0 =	sor.u32 @!p0 $0x1C01, s0;
	[bflag:$0x0] =	sbarrier.arrive $0xFFFF  }
0x87: {  	[hbm:s19], [sflag:s0] =	dma.local @!p0 [spmem:s1], $0x2780  }
0x88: {  	s1 =	simm.s32 @!p0 $0x1  }
0x89: {  	s30 =	sadd.s32 $0x1, s30;
	_ =	swait.ge @!p0 [sflag:s1], $0x2780  }
0x8a: {  	p1 =	sne.s32 s30, s21;
	[sflag:s1] =	ssyncset.done @!p0 $0x0  }
.Ltmp2:
0x8b: {  	s7 =	sshrl.u32 @!p0 s6, $0x3;
	[sflag:s1] =	ssyncadd.s32 @!p0 $0xFFFFD880;
	(pc) =	sbr.rel @p1 .LBB2_1-.Ltmp2, $4  }
0x8c: {  	[hbm:s20], [sflag:s0] =	dma.local @!p0 [spmem:s7], $0x2780  }
0x8d: {  	_ =	swait.ge @!p0 [sflag:s1], $0x2780  }
0x8e: {  	[sflag:s1] =	ssyncset.done @!p0 $0x0  }
0x8f: {  	[sflag:s1] =	ssyncadd.s32 @!p0 $0xFFFFD880  }
0x90: {  	_ =	sfence.sel $0x180000  }
0x91: {  	[bflag:$0x0] =	sbarrier.arrive $0xFFFF  }
0x92: {  	_ =	strace $0x90000047  }
0x93: {  	s0 =	stileid.u32;
	[bflag:$0x2] =	sbarrier.arrive $0xFFFF  }
0x94: {  	p0 =	sne.s32 s0, $0x0;
	s0 =	rddreg [dreg:$0x4]  }
0x95: {  	s0 =	sadd.s32 @!p0 $0x100000, s0  }
0x96: {  	[sflag:s0] =	ssyncadd.tile.s32 @!p0 $0x1;
	_ =	shalt  }
.Lfunc_end2:
_tile_overlayer_lowered:
.L_overlay_start_2:
0x97: {  	(tag) =	ssettag $0x2  }
0x98: {  	s0 =	rddreg [dreg:$0x0];
	s2 =	stileid.u32  }
0x99: {  	s1 =	rddreg [dreg:$0x1];
	p0 =	sne.s32 s2, $0x0  }
0x9a: {  	s3 =	rddreg [dreg:$0x2];
	[bflag:$0x3] =	sbarrier.arrive $0xFFFF;
	s2 =	simm.s32 @!p0 $0x1C01  }
0x9b: {  	[timem:s3], [sflag:s2] =	dma.local @!p0 [hbm:s0], s1  }
0x9c: {  	s0 =	simm.s32 @!p0 $0x1  }
0x9d: {  	_ =	swait.ge @!p0 [sflag:s0], s1  }
0x9e: {  	s1 =	ssub.s32 @!p0 $0x0, s1;
	[sflag:s0] =	ssyncset.done @!p0 $0x0  }
0x9f: {  	[sflag:s0] =	ssyncadd.s32 @!p0 s1  }
0xa0: {  	[bflag:$0x3] =	sbarrier.arrive $0xFFFF  }
0xa1: {  	_ =	shalt  }

</sc_bundles>
